<compile_context>
chip_gen: v7x
topology: tpu7x:2x2x1
jax: 0.10.2.dev20260603
libtpu: 0.0.44.dev20260713+nightly
codegen_flags: <defaults>
</compile_context>

<pallas_src>
import jax
import jax.numpy as jnp
import numpy as np
from jax import lax
from jax.experimental import pallas as pl

_B = 4
_CAT = 80
_K = 100
_NUM_DETS = 1000
_DIST_T = 0.2
_NL = 5
_SIZES = [(128, 128), (64, 64), (32, 32), (16, 16), (8, 8)]
_LAYERS_RANGE = [[0.0, 96.0, 0.0, 96.0] for _ in range(_NL)]
_NEG = -jnp.inf


def _nms_body(x_ref, o_ref):
    x = x_ref[0]
    cat, h, w = x.shape
    neg_col = jnp.full((cat, h, 1), _NEG, dtype=x.dtype)
    xl = jnp.concatenate([x[:, :, 1:], neg_col], axis=2)
    xr = jnp.concatenate([neg_col, x[:, :, :-1]], axis=2)
    mw = jnp.maximum(jnp.maximum(xl, xr), x)
    neg_row = jnp.full((cat, 1, w), _NEG, dtype=x.dtype)
    mu = jnp.concatenate([mw[:, 1:, :], neg_row], axis=1)
    md = jnp.concatenate([neg_row, mw[:, :-1, :]], axis=1)
    hmax = jnp.maximum(jnp.maximum(mu, md), mw)
    o_ref[0] = jnp.where(hmax == x, x, 0.0)


def _nms_pallas(heat):
    n, cat, h, w = heat.shape
    return pl.pallas_call(
        _nms_body,
        grid=(n,),
        in_specs=[pl.BlockSpec((1, cat, h, w), lambda i: (i, 0, 0, 0))],
        out_specs=pl.BlockSpec((1, cat, h, w), lambda i: (i, 0, 0, 0)),
        out_shape=jax.ShapeDtypeStruct((n, cat, h, w), heat.dtype),
    )(heat)


def _topk_stage(scores, k):
    b, c, h, w = scores.shape
    topk_scores, topk_inds = lax.top_k(scores.reshape(b, -1), k)
    topk_clses = topk_inds // (h * w)
    topk_inds = topk_inds % (h * w)
    topk_ys = (topk_inds // w).astype(jnp.float32)
    topk_xs = (topk_inds % w).astype(jnp.float32)
    return topk_scores, topk_inds, topk_clses, topk_ys, topk_xs


def _gather_rows(feat, ind):
    b, n, d = feat.shape
    idx = jnp.broadcast_to(ind[:, :, None], (b, ind.shape[1], d))
    return jnp.take_along_axis(feat, idx, axis=1)


def _gather_chw(feat, ind):
    b, c, h, w = feat.shape
    f = jnp.transpose(feat, (0, 2, 3, 1)).reshape(b, h * w, c)
    return _gather_rows(f, ind)


def _decode_all(tl_heats, br_heats, tl_regrs, br_regrs, tl_c_regrs, br_c_regrs):
    batch, cat, h0, w0 = tl_heats[0].shape
    dets = []
    for i in range(_NL):
        b, c, h, w = tl_heats[i].shape
        hs = h0 / h
        ws = w0 / w
        both = jnp.concatenate([tl_heats[i], br_heats[i]], axis=0)
        both = _nms_pallas(both)
        tl_heat, br_heat = both[:b], both[b:]
        tl_s, tl_inds, tl_cls, tl_ys, tl_xs = _topk_stage(tl_heat, _K)
        br_s, br_inds, br_cls, br_ys, br_xs = _topk_stage(br_heat, _K)
        tl_ys = jnp.broadcast_to(tl_ys[:, :, None], (b, _K, _K))
        tl_xs = jnp.broadcast_to(tl_xs[:, :, None], (b, _K, _K))
        br_ys = jnp.broadcast_to(br_ys[:, None, :], (b, _K, _K))
        br_xs = jnp.broadcast_to(br_xs[:, None, :], (b, _K, _K))
        tl_r = _gather_chw(tl_regrs[i], tl_inds).reshape(b, _K, 1, 2)
        br_r = _gather_chw(br_regrs[i], br_inds).reshape(b, 1, _K, 2)
        tl_cr = _gather_chw(tl_c_regrs[i], tl_inds).reshape(b, _K, 1, 2)
        br_cr = _gather_chw(br_c_regrs[i], br_inds).reshape(b, 1, _K, 2)
        tl_xs = tl_xs + tl_r[..., 0]
        tl_ys = tl_ys + tl_r[..., 1]
        br_xs = br_xs + br_r[..., 0]
        br_ys = br_ys + br_r[..., 1]
        bboxes = jnp.stack((tl_xs, tl_ys, br_xs, br_ys), axis=3)
        bw = br_xs - tl_xs
        bh = br_ys - tl_ys
        distsx = jnp.abs(1.0 - _SIZES[-1][1] * (tl_cr[..., 0] + br_cr[..., 0]) / bw)
        distsy = jnp.abs(1.0 - _SIZES[-1][0] * (tl_cr[..., 1] + br_cr[..., 1]) / bh)
        dd = jnp.abs(br_cr - tl_cr)
        dists = dd[..., 1] + dd[..., 0]
        tl_se = jnp.broadcast_to(tl_s[:, :, None], (b, _K, _K))
        br_se = jnp.broadcast_to(br_s[:, None, :], (b, _K, _K))
        scores = (tl_se + br_se) / 2.0
        tl_ce = jnp.broadcast_to(tl_cls[:, :, None], (b, _K, _K))
        br_ce = jnp.broadcast_to(br_cls[:, None, :], (b, _K, _K))
        cls_inds = tl_ce != br_ce
        lr = _LAYERS_RANGE[i]
        wrange_ind = (bw < 0.8 * lr[2]) | (bw > 1.3 * lr[3])
        hrange_ind = (bh < 0.8 * lr[0]) | (bh > 1.3 * lr[1])
        scores = jnp.where(wrange_ind, -1.0, scores)
        scores = jnp.where(hrange_ind, -1.0, scores)
        dist_inds = (distsx > _DIST_T) | (distsy > _DIST_T) | (dists > 0.25)
        width_inds = br_xs < tl_xs
        height_inds = br_ys < tl_ys
        scores = jnp.where(cls_inds, -1.0, scores)
        scores = jnp.where(dist_inds, -1.0, scores)
        scores = jnp.where(width_inds, -1.0, scores)
        scores = jnp.where(height_inds, -1.0, scores)
        scores = scores.reshape(b, -1)
        scores, inds = lax.top_k(scores, min(_NUM_DETS, scores.shape[1]))
        scores = scores[:, :, None]
        bb = _gather_rows(bboxes.reshape(b, -1, 4), inds)
        clses = _gather_rows(tl_ce.reshape(b, -1, 1), inds).astype(jnp.float32)
        tl_sg = _gather_rows(tl_se.reshape(b, -1, 1), inds).astype(jnp.float32)
        br_sg = _gather_rows(br_se.reshape(b, -1, 1), inds).astype(jnp.float32)
        bb = bb * jnp.array([ws, hs, ws, hs], dtype=jnp.float32)
        dets.append(jnp.concatenate([bb, scores, tl_sg, br_sg, clses], axis=2))
    detections = jnp.concatenate(dets, axis=1)
    top_scores, top_inds = lax.top_k(detections[:, :, 4], 5 * _NUM_DETS)
    detections = _gather_rows(detections, top_inds)
    return detections


def kernel(tl_heat_0, br_heat_0, tl_regr_0, br_regr_0, tl_c_regr_0, br_c_regr_0,
           tl_heat_1, br_heat_1, tl_regr_1, br_regr_1, tl_c_regr_1, br_c_regr_1,
           tl_heat_2, br_heat_2, tl_regr_2, br_regr_2, tl_c_regr_2, br_c_regr_2,
           tl_heat_3, br_heat_3, tl_regr_3, br_regr_3, tl_c_regr_3, br_c_regr_3,
           tl_heat_4, br_heat_4, tl_regr_4, br_regr_4, tl_c_regr_4, br_c_regr_4):
    tl_heats = [tl_heat_0, tl_heat_1, tl_heat_2, tl_heat_3, tl_heat_4]
    br_heats = [br_heat_0, br_heat_1, br_heat_2, br_heat_3, br_heat_4]
    tl_regrs = [tl_regr_0, tl_regr_1, tl_regr_2, tl_regr_3, tl_regr_4]
    br_regrs = [br_regr_0, br_regr_1, br_regr_2, br_regr_3, br_regr_4]
    tl_c_regrs = [tl_c_regr_0, tl_c_regr_1, tl_c_regr_2, tl_c_regr_3, tl_c_regr_4]
    br_c_regrs = [br_c_regr_0, br_c_regr_1, br_c_regr_2, br_c_regr_3, br_c_regr_4]
    return _decode_all(tl_heats, br_heats, tl_regrs, br_regrs, tl_c_regrs, br_c_regrs)

# --- scband reference (transcript-rebuilt; emitter-appended) ---
"""Pipeline reference for scband-model-18975165513872 (READ-ONLY COPY).

The authoritative reference and input builder live on the scoring server;
editing this copy changes nothing except your own understanding.
"""

import jax
import jax.numpy as jnp
import numpy as np
from jax import lax

B = 4
CAT = 80
K = 100
NUM_DETS = 1000
KERNEL = 3
DIST_T = 0.2
NL = 5
SIZES = [(128, 128), (64, 64), (32, 32), (16, 16), (8, 8)]
LAYERS_RANGE = [[0.0, 96.0, 0.0, 96.0] for _ in range(NL)]
PARTS = ['tl_heat', 'br_heat', 'tl_regr', 'br_regr', 'tl_c_regr', 'br_c_regr']
NAMES = [p + '_' + str(i) for i in range(NL) for p in PARTS]


def setup_inputs(seed: int = 0):
    key = jax.random.key(seed)
    inp = {}
    idx = 0
    for i in range(NL):
        h, w = SIZES[i]
        specs = [('tl_heat', (B, CAT, h, w), 'rand'), ('br_heat', (B, CAT, h, w), 'rand'),
                 ('tl_regr', (B, 2, h, w), 'randn'), ('br_regr', (B, 2, h, w), 'randn'),
                 ('tl_c_regr', (B, 2, h, w), 'rand'), ('br_c_regr', (B, 2, h, w), 'rand')]
        for name, shape, fill in specs:
            k = jax.random.fold_in(key, idx)
            idx += 1
            if fill == 'rand':
                inp[name + '_' + str(i)] = jax.random.uniform(k, shape, dtype=jnp.float32)
            else:
                inp[name + '_' + str(i)] = jax.random.normal(k, shape, dtype=jnp.float32)
    return inp


def _nms(heat, kernel):
    pad = (kernel - 1) // 2
    hmax = lax.reduce_window(heat, -jnp.inf, lax.max, (1, 1, kernel, kernel), (1, 1, 1, 1),
                             [(0, 0), (0, 0), (pad, pad), (pad, pad)])
    keep = (hmax == heat).astype(heat.dtype)
    return heat * keep


def _topk(scores, K):
    b, c, h, w = scores.shape
    topk_scores, topk_inds = lax.top_k(scores.reshape(b, -1), K)
    topk_clses = topk_inds // (h * w)
    topk_inds = topk_inds % (h * w)
    topk_ys = (topk_inds // w).astype(jnp.float32)
    topk_xs = (topk_inds % w).astype(jnp.float32)
    return topk_scores, topk_inds, topk_clses, topk_ys, topk_xs


def _gather_feat(feat, ind):
    b, n, d = feat.shape
    idx = jnp.broadcast_to(ind[:, :, None], (b, ind.shape[1], d))
    return jnp.take_along_axis(feat, idx, axis=1)


def _tng(feat, ind):
    b, c, h, w = feat.shape
    f = jnp.transpose(feat, (0, 2, 3, 1)).reshape(b, h * w, c)
    return _gather_feat(f, ind)


def _decode(tl_heats, br_heats, tl_regrs, br_regrs, tl_c_regrs, br_c_regrs):
    batch, cat, h0, w0 = tl_heats[0].shape
    dets = []
    for i in range(len(tl_heats)):
        b, c, h, w = tl_heats[i].shape
        hs = h0 / h
        ws = w0 / w
        tl_heat = _nms(tl_heats[i], KERNEL)
        br_heat = _nms(br_heats[i], KERNEL)
        tl_s, tl_inds, tl_cls, tl_ys, tl_xs = _topk(tl_heat, K)
        br_s, br_inds, br_cls, br_ys, br_xs = _topk(br_heat, K)
        tl_ys = jnp.broadcast_to(tl_ys[:, :, None], (b, K, K))
        tl_xs = jnp.broadcast_to(tl_xs[:, :, None], (b, K, K))
        br_ys = jnp.broadcast_to(br_ys[:, None, :], (b, K, K))
        br_xs = jnp.broadcast_to(br_xs[:, None, :], (b, K, K))
        tl_r = _tng(tl_regrs[i], tl_inds).reshape(b, K, 1, 2)
        br_r = _tng(br_regrs[i], br_inds).reshape(b, 1, K, 2)
        tl_cr = _tng(tl_c_regrs[i], tl_inds).reshape(b, K, 1, 2)
        br_cr = _tng(br_c_regrs[i], br_inds).reshape(b, 1, K, 2)
        tl_xs = tl_xs + tl_r[..., 0]
        tl_ys = tl_ys + tl_r[..., 1]
        br_xs = br_xs + br_r[..., 0]
        br_ys = br_ys + br_r[..., 1]
        bboxes = jnp.stack((tl_xs, tl_ys, br_xs, br_ys), axis=3)
        bw = br_xs - tl_xs
        bh = br_ys - tl_ys
        distsx = jnp.abs(1.0 - SIZES[-1][1] * (tl_cr[..., 0] + br_cr[..., 0]) / bw)
        distsy = jnp.abs(1.0 - SIZES[-1][0] * (tl_cr[..., 1] + br_cr[..., 1]) / bh)
        dd = jnp.abs(br_cr - tl_cr)
        dists = dd[..., 1] + dd[..., 0]
        tl_se = jnp.broadcast_to(tl_s[:, :, None], (b, K, K))
        br_se = jnp.broadcast_to(br_s[:, None, :], (b, K, K))
        scores = (tl_se + br_se) / 2.0
        tl_ce = jnp.broadcast_to(tl_cls[:, :, None], (b, K, K))
        br_ce = jnp.broadcast_to(br_cls[:, None, :], (b, K, K))
        cls_inds = tl_ce != br_ce
        lr = LAYERS_RANGE[i]
        wrange_ind = (bw < 0.8 * lr[2]) | (bw > 1.3 * lr[3])
        hrange_ind = (bh < 0.8 * lr[0]) | (bh > 1.3 * lr[1])
        scores = jnp.where(wrange_ind, -1.0, scores)
        scores = jnp.where(hrange_ind, -1.0, scores)
        dist_inds = (distsx > DIST_T) | (distsy > DIST_T) | (dists > 0.25)
        width_inds = br_xs < tl_xs
        height_inds = br_ys < tl_ys
        scores = jnp.where(cls_inds, -1.0, scores)
        scores = jnp.where(dist_inds, -1.0, scores)
        scores = jnp.where(width_inds, -1.0, scores)
        scores = jnp.where(height_inds, -1.0, scores)
        scores = scores.reshape(b, -1)
        scores, inds = lax.top_k(scores, min(NUM_DETS, scores.shape[1]))
        scores = scores[:, :, None]
        bb = _gather_feat(bboxes.reshape(b, -1, 4), inds)
        clses = _gather_feat(tl_ce.reshape(b, -1, 1), inds).astype(jnp.float32)
        tl_sg = _gather_feat(tl_se.reshape(b, -1, 1), inds).astype(jnp.float32)
        br_sg = _gather_feat(br_se.reshape(b, -1, 1), inds).astype(jnp.float32)
        bb = bb * jnp.array([ws, hs, ws, hs], dtype=jnp.float32)
        dets.append(jnp.concatenate([bb, scores, tl_sg, br_sg, clses], axis=2))
    detections = jnp.concatenate(dets, axis=1)
    top_scores, top_inds = lax.top_k(detections[:, :, 4], 5 * NUM_DETS)
    detections = _gather_feat(detections, top_inds)
    return detections


def reference(tl_heat_0, br_heat_0, tl_regr_0, br_regr_0, tl_c_regr_0, br_c_regr_0,
              tl_heat_1, br_heat_1, tl_regr_1, br_regr_1, tl_c_regr_1, br_c_regr_1,
              tl_heat_2, br_heat_2, tl_regr_2, br_regr_2, tl_c_regr_2, br_c_regr_2,
              tl_heat_3, br_heat_3, tl_regr_3, br_regr_3, tl_c_regr_3, br_c_regr_3,
              tl_heat_4, br_heat_4, tl_regr_4, br_regr_4, tl_c_regr_4, br_c_regr_4):
    tl_heats = [tl_heat_0, tl_heat_1, tl_heat_2, tl_heat_3, tl_heat_4]
    br_heats = [br_heat_0, br_heat_1, br_heat_2, br_heat_3, br_heat_4]
    tl_regrs = [tl_regr_0, tl_regr_1, tl_regr_2, tl_regr_3, tl_regr_4]
    br_regrs = [br_regr_0, br_regr_1, br_regr_2, br_regr_3, br_regr_4]
    tl_c_regrs = [tl_c_regr_0, tl_c_regr_1, tl_c_regr_2, tl_c_regr_3, tl_c_regr_4]
    br_c_regrs = [br_c_regr_0, br_c_regr_1, br_c_regr_2, br_c_regr_3, br_c_regr_4]
    return _decode(tl_heats, br_heats, tl_regrs, br_regrs, tl_c_regrs, br_c_regrs)

if __name__ == "__main__":
    import jax
    _d = setup_inputs()
    print(jax.jit(kernel)(*tuple(_d.values())))

</pallas_src>

<mosaic_0001>
module attributes {stable_mosaic.version = 14 : i64} {
  func.func @_nms_body(%arg0: i32, %arg1: memref<1x80x8x8xf32, #tpu.memory_space<vmem>>, %arg2: memref<1x80x8x8xf32, #tpu.memory_space<vmem>>) attributes {dimension_semantics = [#tpu.dimension_semantics<arbitrary>], iteration_bounds = array<i64: 8>, scalar_prefetch = 0 : i64, scratch_operands = 0 : i64, tpu.core_type = #tpu.core_type<tc>, window_params = [{transform_indices = @transform_0, window_bounds = array<i64: 1, 80, 8, 8>}, {transform_indices = @transform_1, window_bounds = array<i64: 1, 80, 8, 8>}]} {
    %get3A = arith.constant 0 : index
    %get3A_0 = arith.constant 0 : index
    %get3A_1 = arith.constant 0 : index
    %get3A_2 = arith.constant 0 : index
    %get3A_3 = vector.load %arg1[%get3A, %get3A_0, %get3A_1, %get3A_2] : memref<1x80x8x8xf32, #tpu.memory_space<vmem>>, vector<1x80x8x8xf32>
    %get3A_4 = vector.shape_cast %get3A_3 : vector<1x80x8x8xf32> to vector<80x8x8xf32>
    %broadcast_in_dim3A = arith.constant 0xFF800000 : f32
    %broadcast_in_dim3A_5 = vector.broadcast %broadcast_in_dim3A : f32 to vector<80x8x1xf32>
    %slice3A = vector.extract_strided_slice %get3A_4 {offsets = [0, 0, 1], sizes = [80, 8, 7], strides = [1, 1, 1]} : vector<80x8x8xf32> to vector<80x8x7xf32>
    %concatenate3A = tpu.concatenate %slice3A, %broadcast_in_dim3A_5 in 2 : vector<80x8x7xf32>, vector<80x8x1xf32> -> vector<80x8x8xf32>
    %slice3A_6 = vector.extract_strided_slice %get3A_4 {offsets = [0, 0, 0], sizes = [80, 8, 7], strides = [1, 1, 1]} : vector<80x8x8xf32> to vector<80x8x7xf32>
    %concatenate3A_7 = tpu.concatenate %broadcast_in_dim3A_5, %slice3A_6 in 2 : vector<80x8x1xf32>, vector<80x8x7xf32> -> vector<80x8x8xf32>
    %max3A = arith.maximumf %concatenate3A, %concatenate3A_7 : vector<80x8x8xf32>
    %max3A_8 = arith.maximumf %max3A, %get3A_4 : vector<80x8x8xf32>
    %broadcast_in_dim3A_9 = arith.constant 0xFF800000 : f32
    %broadcast_in_dim3A_10 = vector.broadcast %broadcast_in_dim3A_9 : f32 to vector<80x1x8xf32>
    %slice3A_11 = vector.extract_strided_slice %max3A_8 {offsets = [0, 1, 0], sizes = [80, 7, 8], strides = [1, 1, 1]} : vector<80x8x8xf32> to vector<80x7x8xf32>
    %concatenate3A_12 = tpu.concatenate %slice3A_11, %broadcast_in_dim3A_10 in 1 : vector<80x7x8xf32>, vector<80x1x8xf32> -> vector<80x8x8xf32>
    %slice3A_13 = vector.extract_strided_slice %max3A_8 {offsets = [0, 0, 0], sizes = [80, 7, 8], strides = [1, 1, 1]} : vector<80x8x8xf32> to vector<80x7x8xf32>
    %concatenate3A_14 = tpu.concatenate %broadcast_in_dim3A_10, %slice3A_13 in 1 : vector<80x1x8xf32>, vector<80x7x8xf32> -> vector<80x8x8xf32>
    %max3A_15 = arith.maximumf %concatenate3A_12, %concatenate3A_14 : vector<80x8x8xf32>
    %max3A_16 = arith.maximumf %max3A_15, %max3A_8 : vector<80x8x8xf32>
    %eq3A = arith.cmpf oeq, %max3A_16, %get3A_4 : vector<80x8x8xf32>
    %jit3A = arith.constant 0.000000e+00 : f32
    %broadcast_in_dim3A_17 = vector.broadcast %jit3A : f32 to vector<80x8x8xf32>
    %select_n3A = arith.select %eq3A, %get3A_4, %broadcast_in_dim3A_17 : vector<80x8x8xi1>, vector<80x8x8xf32>
    %swap3A = arith.constant 0 : index
    %swap3A_18 = arith.constant 0 : index
    %swap3A_19 = arith.constant 0 : index
    %swap3A_20 = arith.constant 0 : index
    %swap3A_21 = vector.load %arg2[%swap3A, %swap3A_18, %swap3A_19, %swap3A_20] : memref<1x80x8x8xf32, #tpu.memory_space<vmem>>, vector<1x80x8x8xf32>
    %swap3A_22 = vector.shape_cast %swap3A_21 : vector<1x80x8x8xf32> to vector<80x8x8xf32>
    %swap3A_23 = vector.shape_cast %select_n3A : vector<80x8x8xf32> to vector<1x80x8x8xf32>
    tpu.vector_store %arg2[%swap3A, %swap3A_18, %swap3A_19, %swap3A_20], %swap3A_23 {strides = array<i32>} : memref<1x80x8x8xf32, #tpu.memory_space<vmem>>, vector<1x80x8x8xf32>,
    return
  }
  func.func @transform_0(%arg0: i32) -> (i32, i32, i32, i32) {
    %c0_i32 = arith.constant 0 : i32
    %c0_i32_0 = arith.constant 0 : i32
    %c0_i32_1 = arith.constant 0 : i32
    %c0_i32_2 = arith.constant 0 : i32
    return %arg0, %c0_i32, %c0_i32_0, %c0_i32_1 : i32, i32, i32, i32
  }
  func.func @transform_1(%arg0: i32) -> (i32, i32, i32, i32) {
    %c0_i32 = arith.constant 0 : i32
    %c0_i32_0 = arith.constant 0 : i32
    %c0_i32_1 = arith.constant 0 : i32
    %c0_i32_2 = arith.constant 0 : i32
    return %arg0, %c0_i32, %c0_i32_0, %c0_i32_1 : i32, i32, i32, i32
  }
}

module attributes {stable_mosaic.version = 14 : i64} {
  func.func @_nms_body(%arg0: i32, %arg1: memref<1x80x16x16xf32, #tpu.memory_space<vmem>>, %arg2: memref<1x80x16x16xf32, #tpu.memory_space<vmem>>) attributes {dimension_semantics = [#tpu.dimension_semantics<arbitrary>], iteration_bounds = array<i64: 8>, scalar_prefetch = 0 : i64, scratch_operands = 0 : i64, tpu.core_type = #tpu.core_type<tc>, window_params = [{transform_indices = @transform_0, window_bounds = array<i64: 1, 80, 16, 16>}, {transform_indices = @transform_1, window_bounds = array<i64: 1, 80, 16, 16>}]} {
    %get3A = arith.constant 0 : index
    %get3A_0 = arith.constant 0 : index
    %get3A_1 = arith.constant 0 : index
    %get3A_2 = arith.constant 0 : index
    %get3A_3 = vector.load %arg1[%get3A, %get3A_0, %get3A_1, %get3A_2] : memref<1x80x16x16xf32, #tpu.memory_space<vmem>>, vector<1x80x16x16xf32>
    %get3A_4 = vector.shape_cast %get3A_3 : vector<1x80x16x16xf32> to vector<80x16x16xf32>
    %broadcast_in_dim3A = arith.constant 0xFF800000 : f32
    %broadcast_in_dim3A_5 = vector.broadcast %broadcast_in_dim3A : f32 to vector<80x16x1xf32>
    %slice3A = vector.extract_strided_slice %get3A_4 {offsets = [0, 0, 1], sizes = [80, 16, 15], strides = [1, 1, 1]} : vector<80x16x16xf32> to vector<80x16x15xf32>
    %concatenate3A = tpu.concatenate %slice3A, %broadcast_in_dim3A_5 in 2 : vector<80x16x15xf32>, vector<80x16x1xf32> -> vector<80x16x16xf32>
    %slice3A_6 = vector.extract_strided_slice %get3A_4 {offsets = [0, 0, 0], sizes = [80, 16, 15], strides = [1, 1, 1]} : vector<80x16x16xf32> to vector<80x16x15xf32>
    %concatenate3A_7 = tpu.concatenate %broadcast_in_dim3A_5, %slice3A_6 in 2 : vector<80x16x1xf32>, vector<80x16x15xf32> -> vector<80x16x16xf32>
    %max3A = arith.maximumf %concatenate3A, %concatenate3A_7 : vector<80x16x16xf32>
    %max3A_8 = arith.maximumf %max3A, %get3A_4 : vector<80x16x16xf32>
    %broadcast_in_dim3A_9 = arith.constant 0xFF800000 : f32
    %broadcast_in_dim3A_10 = vector.broadcast %broadcast_in_dim3A_9 : f32 to vector<80x1x16xf32>
    %slice3A_11 = vector.extract_strided_slice %max3A_8 {offsets = [0, 1, 0], sizes = [80, 15, 16], strides = [1, 1, 1]} : vector<80x16x16xf32> to vector<80x15x16xf32>
    %concatenate3A_12 = tpu.concatenate %slice3A_11, %broadcast_in_dim3A_10 in 1 : vector<80x15x16xf32>, vector<80x1x16xf32> -> vector<80x16x16xf32>
    %slice3A_13 = vector.extract_strided_slice %max3A_8 {offsets = [0, 0, 0], sizes = [80, 15, 16], strides = [1, 1, 1]} : vector<80x16x16xf32> to vector<80x15x16xf32>
    %concatenate3A_14 = tpu.concatenate %broadcast_in_dim3A_10, %slice3A_13 in 1 : vector<80x1x16xf32>, vector<80x15x16xf32> -> vector<80x16x16xf32>
    %max3A_15 = arith.maximumf %concatenate3A_12, %concatenate3A_14 : vector<80x16x16xf32>
    %max3A_16 = arith.maximumf %max3A_15, %max3A_8 : vector<80x16x16xf32>
    %eq3A = arith.cmpf oeq, %max3A_16, %get3A_4 : vector<80x16x16xf32>
    %jit3A = arith.constant 0.000000e+00 : f32
    %broadcast_in_dim3A_17 = vector.broadcast %jit3A : f32 to vector<80x16x16xf32>
    %select_n3A = arith.select %eq3A, %get3A_4, %broadcast_in_dim3A_17 : vector<80x16x16xi1>, vector<80x16x16xf32>
    %swap3A = arith.constant 0 : index
    %swap3A_18 = arith.constant 0 : index
    %swap3A_19 = arith.constant 0 : index
    %swap3A_20 = arith.constant 0 : index
    %swap3A_21 = vector.load %arg2[%swap3A, %swap3A_18, %swap3A_19, %swap3A_20] : memref<1x80x16x16xf32, #tpu.memory_space<vmem>>, vector<1x80x16x16xf32>
    %swap3A_22 = vector.shape_cast %swap3A_21 : vector<1x80x16x16xf32> to vector<80x16x16xf32>
    %swap3A_23 = vector.shape_cast %select_n3A : vector<80x16x16xf32> to vector<1x80x16x16xf32>
    tpu.vector_store %arg2[%swap3A, %swap3A_18, %swap3A_19, %swap3A_20], %swap3A_23 {strides = array<i32>} : memref<1x80x16x16xf32, #tpu.memory_space<vmem>>, vector<1x80x16x16xf32>,
    return
  }
  func.func @transform_0(%arg0: i32) -> (i32, i32, i32, i32) {
    %c0_i32 = arith.constant 0 : i32
    %c0_i32_0 = arith.constant 0 : i32
    %c0_i32_1 = arith.constant 0 : i32
    %c0_i32_2 = arith.constant 0 : i32
    return %arg0, %c0_i32, %c0_i32_0, %c0_i32_1 : i32, i32, i32, i32
  }
  func.func @transform_1(%arg0: i32) -> (i32, i32, i32, i32) {
    %c0_i32 = arith.constant 0 : i32
    %c0_i32_0 = arith.constant 0 : i32
    %c0_i32_1 = arith.constant 0 : i32
    %c0_i32_2 = arith.constant 0 : i32
    return %arg0, %c0_i32, %c0_i32_0, %c0_i32_1 : i32, i32, i32, i32
  }
}

module attributes {stable_mosaic.version = 14 : i64} {
  func.func @_nms_body(%arg0: i32, %arg1: memref<1x80x32x32xf32, #tpu.memory_space<vmem>>, %arg2: memref<1x80x32x32xf32, #tpu.memory_space<vmem>>) attributes {dimension_semantics = [#tpu.dimension_semantics<arbitrary>], iteration_bounds = array<i64: 8>, scalar_prefetch = 0 : i64, scratch_operands = 0 : i64, tpu.core_type = #tpu.core_type<tc>, window_params = [{transform_indices = @transform_0, window_bounds = array<i64: 1, 80, 32, 32>}, {transform_indices = @transform_1, window_bounds = array<i64: 1, 80, 32, 32>}]} {
    %get3A = arith.constant 0 : index
    %get3A_0 = arith.constant 0 : index
    %get3A_1 = arith.constant 0 : index
    %get3A_2 = arith.constant 0 : index
    %get3A_3 = vector.load %arg1[%get3A, %get3A_0, %get3A_1, %get3A_2] : memref<1x80x32x32xf32, #tpu.memory_space<vmem>>, vector<1x80x32x32xf32>
    %get3A_4 = vector.shape_cast %get3A_3 : vector<1x80x32x32xf32> to vector<80x32x32xf32>
    %broadcast_in_dim3A = arith.constant 0xFF800000 : f32
    %broadcast_in_dim3A_5 = vector.broadcast %broadcast_in_dim3A : f32 to vector<80x32x1xf32>
    %slice3A = vector.extract_strided_slice %get3A_4 {offsets = [0, 0, 1], sizes = [80, 32, 31], strides = [1, 1, 1]} : vector<80x32x32xf32> to vector<80x32x31xf32>
    %concatenate3A = tpu.concatenate %slice3A, %broadcast_in_dim3A_5 in 2 : vector<80x32x31xf32>, vector<80x32x1xf32> -> vector<80x32x32xf32>
    %slice3A_6 = vector.extract_strided_slice %get3A_4 {offsets = [0, 0, 0], sizes = [80, 32, 31], strides = [1, 1, 1]} : vector<80x32x32xf32> to vector<80x32x31xf32>
    %concatenate3A_7 = tpu.concatenate %broadcast_in_dim3A_5, %slice3A_6 in 2 : vector<80x32x1xf32>, vector<80x32x31xf32> -> vector<80x32x32xf32>
    %max3A = arith.maximumf %concatenate3A, %concatenate3A_7 : vector<80x32x32xf32>
    %max3A_8 = arith.maximumf %max3A, %get3A_4 : vector<80x32x32xf32>
    %broadcast_in_dim3A_9 = arith.constant 0xFF800000 : f32
    %broadcast_in_dim3A_10 = vector.broadcast %broadcast_in_dim3A_9 : f32 to vector<80x1x32xf32>
    %slice3A_11 = vector.extract_strided_slice %max3A_8 {offsets = [0, 1, 0], sizes = [80, 31, 32], strides = [1, 1, 1]} : vector<80x32x32xf32> to vector<80x31x32xf32>
    %concatenate3A_12 = tpu.concatenate %slice3A_11, %broadcast_in_dim3A_10 in 1 : vector<80x31x32xf32>, vector<80x1x32xf32> -> vector<80x32x32xf32>
    %slice3A_13 = vector.extract_strided_slice %max3A_8 {offsets = [0, 0, 0], sizes = [80, 31, 32], strides = [1, 1, 1]} : vector<80x32x32xf32> to vector<80x31x32xf32>
    %concatenate3A_14 = tpu.concatenate %broadcast_in_dim3A_10, %slice3A_13 in 1 : vector<80x1x32xf32>, vector<80x31x32xf32> -> vector<80x32x32xf32>
    %max3A_15 = arith.maximumf %concatenate3A_12, %concatenate3A_14 : vector<80x32x32xf32>
    %max3A_16 = arith.maximumf %max3A_15, %max3A_8 : vector<80x32x32xf32>
    %eq3A = arith.cmpf oeq, %max3A_16, %get3A_4 : vector<80x32x32xf32>
    %jit3A = arith.constant 0.000000e+00 : f32
    %broadcast_in_dim3A_17 = vector.broadcast %jit3A : f32 to vector<80x32x32xf32>
    %select_n3A = arith.select %eq3A, %get3A_4, %broadcast_in_dim3A_17 : vector<80x32x32xi1>, vector<80x32x32xf32>
    %swap3A = arith.constant 0 : index
    %swap3A_18 = arith.constant 0 : index
    %swap3A_19 = arith.constant 0 : index
    %swap3A_20 = arith.constant 0 : index
    %swap3A_21 = vector.load %arg2[%swap3A, %swap3A_18, %swap3A_19, %swap3A_20] : memref<1x80x32x32xf32, #tpu.memory_space<vmem>>, vector<1x80x32x32xf32>
    %swap3A_22 = vector.shape_cast %swap3A_21 : vector<1x80x32x32xf32> to vector<80x32x32xf32>
    %swap3A_23 = vector.shape_cast %select_n3A : vector<80x32x32xf32> to vector<1x80x32x32xf32>
    tpu.vector_store %arg2[%swap3A, %swap3A_18, %swap3A_19, %swap3A_20], %swap3A_23 {strides = array<i32>} : memref<1x80x32x32xf32, #tpu.memory_space<vmem>>, vector<1x80x32x32xf32>,
    return
  }
  func.func @transform_0(%arg0: i32) -> (i32, i32, i32, i32) {
    %c0_i32 = arith.constant 0 : i32
    %c0_i32_0 = arith.constant 0 : i32
    %c0_i32_1 = arith.constant 0 : i32
    %c0_i32_2 = arith.constant 0 : i32
    return %arg0, %c0_i32, %c0_i32_0, %c0_i32_1 : i32, i32, i32, i32
  }
  func.func @transform_1(%arg0: i32) -> (i32, i32, i32, i32) {
    %c0_i32 = arith.constant 0 : i32
    %c0_i32_0 = arith.constant 0 : i32
    %c0_i32_1 = arith.constant 0 : i32
    %c0_i32_2 = arith.constant 0 : i32
    return %arg0, %c0_i32, %c0_i32_0, %c0_i32_1 : i32, i32, i32, i32
  }
}

module attributes {stable_mosaic.version = 14 : i64} {
  func.func @_nms_body(%arg0: i32, %arg1: memref<1x80x64x64xf32, #tpu.memory_space<vmem>>, %arg2: memref<1x80x64x64xf32, #tpu.memory_space<vmem>>) attributes {dimension_semantics = [#tpu.dimension_semantics<arbitrary>], iteration_bounds = array<i64: 8>, scalar_prefetch = 0 : i64, scratch_operands = 0 : i64, tpu.core_type = #tpu.core_type<tc>, window_params = [{transform_indices = @transform_0, window_bounds = array<i64: 1, 80, 64, 64>}, {transform_indices = @transform_1, window_bounds = array<i64: 1, 80, 64, 64>}]} {
    %get3A = arith.constant 0 : index
    %get3A_0 = arith.constant 0 : index
    %get3A_1 = arith.constant 0 : index
    %get3A_2 = arith.constant 0 : index
    %get3A_3 = vector.load %arg1[%get3A, %get3A_0, %get3A_1, %get3A_2] : memref<1x80x64x64xf32, #tpu.memory_space<vmem>>, vector<1x80x64x64xf32>
    %get3A_4 = vector.shape_cast %get3A_3 : vector<1x80x64x64xf32> to vector<80x64x64xf32>
    %broadcast_in_dim3A = arith.constant 0xFF800000 : f32
    %broadcast_in_dim3A_5 = vector.broadcast %broadcast_in_dim3A : f32 to vector<80x64x1xf32>
    %slice3A = vector.extract_strided_slice %get3A_4 {offsets = [0, 0, 1], sizes = [80, 64, 63], strides = [1, 1, 1]} : vector<80x64x64xf32> to vector<80x64x63xf32>
    %concatenate3A = tpu.concatenate %slice3A, %broadcast_in_dim3A_5 in 2 : vector<80x64x63xf32>, vector<80x64x1xf32> -> vector<80x64x64xf32>
    %slice3A_6 = vector.extract_strided_slice %get3A_4 {offsets = [0, 0, 0], sizes = [80, 64, 63], strides = [1, 1, 1]} : vector<80x64x64xf32> to vector<80x64x63xf32>
    %concatenate3A_7 = tpu.concatenate %broadcast_in_dim3A_5, %slice3A_6 in 2 : vector<80x64x1xf32>, vector<80x64x63xf32> -> vector<80x64x64xf32>
    %max3A = arith.maximumf %concatenate3A, %concatenate3A_7 : vector<80x64x64xf32>
    %max3A_8 = arith.maximumf %max3A, %get3A_4 : vector<80x64x64xf32>
    %broadcast_in_dim3A_9 = arith.constant 0xFF800000 : f32
    %broadcast_in_dim3A_10 = vector.broadcast %broadcast_in_dim3A_9 : f32 to vector<80x1x64xf32>
    %slice3A_11 = vector.extract_strided_slice %max3A_8 {offsets = [0, 1, 0], sizes = [80, 63, 64], strides = [1, 1, 1]} : vector<80x64x64xf32> to vector<80x63x64xf32>
    %concatenate3A_12 = tpu.concatenate %slice3A_11, %broadcast_in_dim3A_10 in 1 : vector<80x63x64xf32>, vector<80x1x64xf32> -> vector<80x64x64xf32>
    %slice3A_13 = vector.extract_strided_slice %max3A_8 {offsets = [0, 0, 0], sizes = [80, 63, 64], strides = [1, 1, 1]} : vector<80x64x64xf32> to vector<80x63x64xf32>
    %concatenate3A_14 = tpu.concatenate %broadcast_in_dim3A_10, %slice3A_13 in 1 : vector<80x1x64xf32>, vector<80x63x64xf32> -> vector<80x64x64xf32>
    %max3A_15 = arith.maximumf %concatenate3A_12, %concatenate3A_14 : vector<80x64x64xf32>
    %max3A_16 = arith.maximumf %max3A_15, %max3A_8 : vector<80x64x64xf32>
    %eq3A = arith.cmpf oeq, %max3A_16, %get3A_4 : vector<80x64x64xf32>
    %jit3A = arith.constant 0.000000e+00 : f32
    %broadcast_in_dim3A_17 = vector.broadcast %jit3A : f32 to vector<80x64x64xf32>
    %select_n3A = arith.select %eq3A, %get3A_4, %broadcast_in_dim3A_17 : vector<80x64x64xi1>, vector<80x64x64xf32>
    %swap3A = arith.constant 0 : index
    %swap3A_18 = arith.constant 0 : index
    %swap3A_19 = arith.constant 0 : index
    %swap3A_20 = arith.constant 0 : index
    %swap3A_21 = vector.load %arg2[%swap3A, %swap3A_18, %swap3A_19, %swap3A_20] : memref<1x80x64x64xf32, #tpu.memory_space<vmem>>, vector<1x80x64x64xf32>
    %swap3A_22 = vector.shape_cast %swap3A_21 : vector<1x80x64x64xf32> to vector<80x64x64xf32>
    %swap3A_23 = vector.shape_cast %select_n3A : vector<80x64x64xf32> to vector<1x80x64x64xf32>
    tpu.vector_store %arg2[%swap3A, %swap3A_18, %swap3A_19, %swap3A_20], %swap3A_23 {strides = array<i32>} : memref<1x80x64x64xf32, #tpu.memory_space<vmem>>, vector<1x80x64x64xf32>,
    return
  }
  func.func @transform_0(%arg0: i32) -> (i32, i32, i32, i32) {
    %c0_i32 = arith.constant 0 : i32
    %c0_i32_0 = arith.constant 0 : i32
    %c0_i32_1 = arith.constant 0 : i32
    %c0_i32_2 = arith.constant 0 : i32
    return %arg0, %c0_i32, %c0_i32_0, %c0_i32_1 : i32, i32, i32, i32
  }
  func.func @transform_1(%arg0: i32) -> (i32, i32, i32, i32) {
    %c0_i32 = arith.constant 0 : i32
    %c0_i32_0 = arith.constant 0 : i32
    %c0_i32_1 = arith.constant 0 : i32
    %c0_i32_2 = arith.constant 0 : i32
    return %arg0, %c0_i32, %c0_i32_0, %c0_i32_1 : i32, i32, i32, i32
  }
}

module attributes {stable_mosaic.version = 14 : i64} {
  func.func @_nms_body(%arg0: i32, %arg1: memref<1x80x128x128xf32, #tpu.memory_space<vmem>>, %arg2: memref<1x80x128x128xf32, #tpu.memory_space<vmem>>) attributes {dimension_semantics = [#tpu.dimension_semantics<arbitrary>], iteration_bounds = array<i64: 8>, scalar_prefetch = 0 : i64, scratch_operands = 0 : i64, tpu.core_type = #tpu.core_type<tc>, window_params = [{transform_indices = @transform_0, window_bounds = array<i64: 1, 80, 128, 128>}, {transform_indices = @transform_1, window_bounds = array<i64: 1, 80, 128, 128>}]} {
    %get3A = arith.constant 0 : index
    %get3A_0 = arith.constant 0 : index
    %get3A_1 = arith.constant 0 : index
    %get3A_2 = arith.constant 0 : index
    %get3A_3 = vector.load %arg1[%get3A, %get3A_0, %get3A_1, %get3A_2] : memref<1x80x128x128xf32, #tpu.memory_space<vmem>>, vector<1x80x128x128xf32>
    %get3A_4 = vector.shape_cast %get3A_3 : vector<1x80x128x128xf32> to vector<80x128x128xf32>
    %broadcast_in_dim3A = arith.constant 0xFF800000 : f32
    %broadcast_in_dim3A_5 = vector.broadcast %broadcast_in_dim3A : f32 to vector<80x128x1xf32>
    %slice3A = vector.extract_strided_slice %get3A_4 {offsets = [0, 0, 1], sizes = [80, 128, 127], strides = [1, 1, 1]} : vector<80x128x128xf32> to vector<80x128x127xf32>
    %concatenate3A = tpu.concatenate %slice3A, %broadcast_in_dim3A_5 in 2 : vector<80x128x127xf32>, vector<80x128x1xf32> -> vector<80x128x128xf32>
    %slice3A_6 = vector.extract_strided_slice %get3A_4 {offsets = [0, 0, 0], sizes = [80, 128, 127], strides = [1, 1, 1]} : vector<80x128x128xf32> to vector<80x128x127xf32>
    %concatenate3A_7 = tpu.concatenate %broadcast_in_dim3A_5, %slice3A_6 in 2 : vector<80x128x1xf32>, vector<80x128x127xf32> -> vector<80x128x128xf32>
    %max3A = arith.maximumf %concatenate3A, %concatenate3A_7 : vector<80x128x128xf32>
    %max3A_8 = arith.maximumf %max3A, %get3A_4 : vector<80x128x128xf32>
    %broadcast_in_dim3A_9 = arith.constant 0xFF800000 : f32
    %broadcast_in_dim3A_10 = vector.broadcast %broadcast_in_dim3A_9 : f32 to vector<80x1x128xf32>
    %slice3A_11 = vector.extract_strided_slice %max3A_8 {offsets = [0, 1, 0], sizes = [80, 127, 128], strides = [1, 1, 1]} : vector<80x128x128xf32> to vector<80x127x128xf32>
    %concatenate3A_12 = tpu.concatenate %slice3A_11, %broadcast_in_dim3A_10 in 1 : vector<80x127x128xf32>, vector<80x1x128xf32> -> vector<80x128x128xf32>
    %slice3A_13 = vector.extract_strided_slice %max3A_8 {offsets = [0, 0, 0], sizes = [80, 127, 128], strides = [1, 1, 1]} : vector<80x128x128xf32> to vector<80x127x128xf32>
    %concatenate3A_14 = tpu.concatenate %broadcast_in_dim3A_10, %slice3A_13 in 1 : vector<80x1x128xf32>, vector<80x127x128xf32> -> vector<80x128x128xf32>
    %max3A_15 = arith.maximumf %concatenate3A_12, %concatenate3A_14 : vector<80x128x128xf32>
    %max3A_16 = arith.maximumf %max3A_15, %max3A_8 : vector<80x128x128xf32>
    %eq3A = arith.cmpf oeq, %max3A_16, %get3A_4 : vector<80x128x128xf32>
    %jit3A = arith.constant 0.000000e+00 : f32
    %broadcast_in_dim3A_17 = vector.broadcast %jit3A : f32 to vector<80x128x128xf32>
    %select_n3A = arith.select %eq3A, %get3A_4, %broadcast_in_dim3A_17 : vector<80x128x128xi1>, vector<80x128x128xf32>
    %swap3A = arith.constant 0 : index
    %swap3A_18 = arith.constant 0 : index
    %swap3A_19 = arith.constant 0 : index
    %swap3A_20 = arith.constant 0 : index
    %swap3A_21 = vector.load %arg2[%swap3A, %swap3A_18, %swap3A_19, %swap3A_20] : memref<1x80x128x128xf32, #tpu.memory_space<vmem>>, vector<1x80x128x128xf32>
    %swap3A_22 = vector.shape_cast %swap3A_21 : vector<1x80x128x128xf32> to vector<80x128x128xf32>
    %swap3A_23 = vector.shape_cast %select_n3A : vector<80x128x128xf32> to vector<1x80x128x128xf32>
    tpu.vector_store %arg2[%swap3A, %swap3A_18, %swap3A_19, %swap3A_20], %swap3A_23 {strides = array<i32>} : memref<1x80x128x128xf32, #tpu.memory_space<vmem>>, vector<1x80x128x128xf32>,
    return
  }
  func.func @transform_0(%arg0: i32) -> (i32, i32, i32, i32) {
    %c0_i32 = arith.constant 0 : i32
    %c0_i32_0 = arith.constant 0 : i32
    %c0_i32_1 = arith.constant 0 : i32
    %c0_i32_2 = arith.constant 0 : i32
    return %arg0, %c0_i32, %c0_i32_0, %c0_i32_1 : i32, i32, i32, i32
  }
  func.func @transform_1(%arg0: i32) -> (i32, i32, i32, i32) {
    %c0_i32 = arith.constant 0 : i32
    %c0_i32_0 = arith.constant 0 : i32
    %c0_i32_1 = arith.constant 0 : i32
    %c0_i32_2 = arith.constant 0 : i32
    return %arg0, %c0_i32, %c0_i32_0, %c0_i32_1 : i32, i32, i32, i32
  }
}

</mosaic_0001>

<sc_bundles>
// kernel: gather_offload_async_start.10
scs
__scs_entry_jumppad:
0x0: {  	(pc) =	sbr.rel $0x88, $3  }
0x1: {  	(tag) =	ssettag $0x0;
	lr =	simm.s32 $0x1  }
0x2: {  	[smem:$0x3F83] =	sst lr;
	_ =	strace $0xD0000000  }
0x3: {  	_ = 	snop  }
0x4: {  	_ = 	snop  }
0x5: {  	_ = 	snop  }
0x6: {  	_ = 	snop  }
0x7: {  	_ = 	snop  }
__scs_overlays_trampoline_lowered:
0x8: {  	[smem:$0x3F92] =	sst s0  }
0x9: {  	[smem:$0x3F93] =	sst s1  }
0xa: {  	[smem:$0x3F94] =	sst s2  }
0xb: {  	[smem:$0x3F95] =	sst s3  }
0xc: {  	[smem:$0x3F96] =	sst s4  }
0xd: {  	[smem:$0x3F97] =	sst s5  }
0xe: {  	[smem:$0x3F98] =	sst s6  }
0xf: {  	[smem:$0x3F99] =	sst s7  }
0x10: {  	[smem:$0x3F9A] =	sst s8  }
0x11: {  	[smem:$0x3F9B] =	sst s9;
	s0 =	simm.s32 @!p0 $0x0  }
0x12: {  	s1 =	sld [smem:$0x3F81];
	s0 =	simm.s32 @p0 $0x1  }
0x13: {  	[smem:$0x3F9C] =	sst s0;
	s0 =	simm.s32 @!p1 $0x0  }
0x14: {  	s2 =	sld [smem:$0x3F80];
	s0 =	simm.s32 @p1 $0x1  }
0x15: {  	[smem:$0x3F9D] =	sst s0;
	s0 =	simm.s32 @!p2 $0x0  }
0x16: {  	s3 =	sld [smem:$0x3FDB];
	s0 =	simm.s32 @p2 $0x1  }
0x17: {  	s4 =	simm.s32 $0x1BF5;
	[smem:$0x3F9F] =	sst s0  }
0x18: {  	s0 =	sld [smem:$0x3F82];
	_ =	swait.ge [sflag:s4], $0x0  }
0x19: {  	s7 =	sld [smem:$0x3F83]  }
0x1a: {  	s8 =	sadd.s32 $0xFFFFE003, lr  }
0x1b: {  	s9 =	sadd.s32 $0xFFFFFEF7, lr;
	s5 =	simm.s32 $0xFFFFFFFF;
	p2 =	slt.u32 s8, $0xFFFFF086  }
0x1c: {  	p1 =	slt.u32 s9, $0xF7A;
	s5 =	simm.s32 @!p2 $0x0  }
0x1d: {  	s5 =	simm.s32 @p1 $0x1;
	p0 =	seq.s32 s7, s2  }
0x1e: {  	s7 =	smul.u32 @!p0 $0xF7A, s2;
	p2 =	seq.s32 @!p0 s5, $0x0  }
0x1f: {  	s9 =	smul.u32 $0xF7A, s1;
	s8 =	simm.s32 @!p0 $0x1BF5;
	p2 =	por !p2, p0  }
0x20: {  	[sflag:s8] =	ssyncset.s32 @!p0 $0xFFFFF086;
	s6 =	sadd.s32 @!p0 s3, s7;
	s7 =	simm.s32 @!p0 $0x108  }
0x21: {  	s3 =	sadd.s32 s3, s9;
	s6 =	sadd.s32 @!p0 $0x88, s6;
	s7 =	simm.s32 @p2 $0x1082  }
0x22: {  	[simem:s7], [sflag:s8] =	dma.local @!p0 [hbm:s6], $0xF7A  }
0x23: {  	s9 =	sor.u32 $0xD0000000, s2;
	s6 =	simm.s32 $0x108;
	_ =	swait.ge @!p0 [sflag:s8], $0x0  }
0x24: {  	s3 =	sadd.s32 $0x88, s3;
	s6 =	simm.s32 @!p1 $0x1082;
	[sflag:s4] =	ssyncset.s32 $0xFFFFF086  }
0x25: {  	[simem:s6], [sflag:s4] =	dma.local [hbm:s3], $0xF7A  }
0x26: {  	[smem:$0x3F83] =	sst s1;
	(tag) =	ssettag s2;
	_ =	strace s9  }
0x27: {  	s1 =	sld [smem:$0x3F93]  }
0x28: {  	s2 =	sld [smem:$0x3F94]  }
0x29: {  	s4 =	sld [smem:$0x3F96]  }
0x2a: {  	p0 =	seq.s32 s5, $0x0;
	s5 =	sld [smem:$0x3F97]  }
0x2b: {  	s6 =	sld [smem:$0x3F98]  }
0x2c: {  	s7 =	sld [smem:$0x3F99]  }
0x2d: {  	s3 =	simm.s32 $0x108;
	s8 =	sld [smem:$0x3F9A]  }
0x2e: {  	s3 =	simm.s32 @!p0 $0x1082;
	s9 =	sld [smem:$0x3F9B]  }
0x2f: {  	lr =	sadd.s32 s0, s3;
	s0 =	sld [smem:$0x3F92]  }
0x30: {  	s3 =	sld [smem:$0x3F95]  }
0x31: {  	[smem:$0x3F9E] =	sst s10  }
0x32: {  	s10 =	sld [smem:$0x3F9C];
	_ =	sdelay $0x3  }
0x33: {  	p0 =	seq.s32 s10, $0x1;
	s10 =	sld [smem:$0x3F9E];
	_ =	sdelay $0x3  }
0x34: {  	[smem:$0x3F9E] =	sst s10  }
0x35: {  	s10 =	sld [smem:$0x3F9D];
	_ =	sdelay $0x3  }
0x36: {  	p1 =	seq.s32 s10, $0x1;
	s10 =	sld [smem:$0x3F9E];
	_ =	sdelay $0x3  }
0x37: {  	[smem:$0x3F9E] =	sst s10  }
0x38: {  	s10 =	sld [smem:$0x3F9F]  }
0x39: {  	_ = 	snop;
	(pc) =	sbr.ind lr, $3  }
0x3a: {  	_ = 	snop  }
0x3b: {  	_ = 	snop  }
0x3c: {  	p2 =	seq.s32 s10, $0x1;
	s10 =	sld [smem:$0x3F9E]  }
0x3d: {  	_ =	shalt  }
0x3e: {  	_ =	shalt  }
0x3f: {  	_ =	shalt  }
0x40: {  	_ =	shalt  }
0x41: {  	_ =	shalt  }
0x42: {  	_ =	shalt  }
0x43: {  	_ =	shalt  }
0x44: {  	_ =	shalt  }
0x45: {  	_ =	shalt  }
0x46: {  	_ =	shalt  }
0x47: {  	_ =	shalt  }
0x48: {  	_ =	shalt  }
0x49: {  	_ =	shalt  }
0x4a: {  	_ =	shalt  }
0x4b: {  	_ =	shalt  }
0x4c: {  	_ =	shalt  }
0x4d: {  	_ =	shalt  }
0x4e: {  	_ =	shalt  }
0x4f: {  	_ =	shalt  }
0x50: {  	_ =	shalt  }
0x51: {  	_ =	shalt  }
0x52: {  	_ =	shalt  }
0x53: {  	_ =	shalt  }
0x54: {  	_ =	shalt  }
0x55: {  	_ =	shalt  }
0x56: {  	_ =	shalt  }
0x57: {  	_ =	shalt  }
0x58: {  	_ =	shalt  }
0x59: {  	_ =	shalt  }
0x5a: {  	_ =	shalt  }
0x5b: {  	_ =	shalt  }
0x5c: {  	_ =	shalt  }
0x5d: {  	_ =	shalt  }
0x5e: {  	_ =	shalt  }
0x5f: {  	_ =	shalt  }
0x60: {  	_ =	shalt  }
0x61: {  	_ =	shalt  }
0x62: {  	_ =	shalt  }
0x63: {  	_ =	shalt  }
0x64: {  	_ =	shalt  }
0x65: {  	_ =	shalt  }
0x66: {  	_ =	shalt  }
0x67: {  	_ =	shalt  }
0x68: {  	_ =	shalt  }
0x69: {  	_ =	shalt  }
0x6a: {  	_ =	shalt  }
0x6b: {  	_ =	shalt  }
0x6c: {  	_ =	shalt  }
0x6d: {  	_ =	shalt  }
0x6e: {  	_ =	shalt  }
0x6f: {  	_ =	shalt  }
0x70: {  	_ =	shalt  }
0x71: {  	_ =	shalt  }
0x72: {  	_ =	shalt  }
0x73: {  	_ =	shalt  }
0x74: {  	_ =	shalt  }
0x75: {  	_ =	shalt  }
0x76: {  	_ =	shalt  }
0x77: {  	_ =	shalt  }
0x78: {  	_ =	shalt  }
0x79: {  	_ =	shalt  }
0x7a: {  	_ =	shalt  }
0x7b: {  	_ =	shalt  }
0x7c: {  	_ =	shalt  }
0x7d: {  	_ =	shalt  }
0x7e: {  	_ =	shalt  }
0x7f: {  	_ =	shalt  }
0x80: {  	_ =	shalt  }
0x81: {  	_ =	shalt  }
0x82: {  	_ =	shalt  }
0x83: {  	_ =	shalt  }
0x84: {  	_ =	shalt  }
0x85: {  	_ =	shalt  }
0x86: {  	_ =	shalt  }
0x87: {  	_ =	shalt  }
.Lfunc_end0:
.L_simem_size_0:
called_computation.10_lowered:
.L_overlay_start_0:
0x88: {  	s2 =	sld [smem:$0x3FD9]  }
0x89: {  	s3 =	sld [smem:$0x3FFE];
	_ =	sdelay $0x1  }
0x8a: {  	s1 =	srdreg.scid  }
0x8b: {  	s0 =	sand.u32 $0x1, s1  }
0x8c: {  	s16 =	sshll.u32 s0, $0xA;
	s2 =	sadd.s32 s3, s2  }
0x8d: {  	s2 =	sadd.s32 s2, s16  }
0x8e: {  	[smem:$0x3FAA] =	sst s2  }
0x8f: {  	_ = 	snop  }
0x90: {  	(tm) =	ssettm $0x1  }
0x91: {  	s17 =	sld [smem:$0x3FFB];
	_ =	sdelay $0x3  }
0x92: {  	_ =	strace s17  }
0x93: {  	s2 =	sld [smem:$0x3FFC];
	_ =	sdelay $0x3  }
0x94: {  	_ =	strace s2  }
0x95: {  	s2 =	sld [smem:$0x3FFD];
	_ =	sdelay $0x3  }
0x96: {  	_ =	strace s2  }
0x97: {  	_ =	strace $0x8FFFFFFF  }
0x98: {  	s18 =	sld [smem:$0x3FDB];
	_ =	sdelay $0x1  }
0x99: {  	s19 =	simm.s32 $_scs_section_size  }
0x9a: {  	s4 =	simm.s32 $_size__tile_overlayer_lowered;
	s5 =	simm.s32 $_tile_overlayer_lowered  }
0x9b: {  	s22 =	simm.s32 $0x1BFF;
	s21 =	sshll.u32 s5, $0x1;
	s2 =	sadd.s32 s19, s18  }
0x9c: {  	s6 =	simm.s32 $0x0;
	s20 =	sshll.u32 s4, $0x1;
	s4 =	sadd.s32 s21, s2  }
0x9d: {  	[timem:s6], [sflag:s22] =	dma.local [hbm:s4], s20  }
0x9e: {  	_ =	swait.ge [sflag:s22], s20  }
0x9f: {  	s3 =	ssub.s32 $0x0, s20;
	[sflag:s22] =	ssyncset.done $0x0  }
0xa0: {  	[sflag:s22] =	ssyncadd.s32 s3;
	_ =	sdelay $0x1  }
0xa1: {  	s23 =	simm.s32 $0x1B8B  }
0xa2: {  	_ =	swait.ge [sflag:s23], $0x1  }
0xa3: {  	[sflag:s23] =	ssyncset.done $0x0  }
0xa4: {  	s25 =	simm.s32 $0x1B8E;
	s24 =	sld [smem:$0x3FFE];
	[sflag:s23] =	ssyncadd.s32 $0xFFFFFFFF  }
0xa5: {  	s26 =	simm.s32 $execute0_lowered;
	[smem:$0x3FD2] =	sst s25  }
0xa6: {  	s4 =	sshll.u32 s26, $0x1;
	_ =	strace $0x80000061;
	[dreg:$0x1] =	wrdreg $0xFFFFFFFF  }
0xa7: {  	s28 =	simm.s32 $_size_execute0_lowered;
	s2 =	sadd.s32 s2, s4;
	[dreg:$0x0] =	wrdreg $0x0  }
0xa8: {  	s4 =	sshll.u32 s28, $0x1;
	[dreg:$0x2] =	wrdreg s2  }
0xa9: {  	[dreg:$0x3] =	wrdreg s4  }
0xaa: {  	[dreg:$0x4] =	wrdreg $0xC0  }
0xab: {  	_ =	task [dreg:s6], $0x5FFFF  }
0xac: {  	[dreg:$0x1] =	wrdreg $0xFFFFFFFF  }
0xad: {  	[dreg:$0x0] =	wrdreg $0x60  }
0xae: {  	[dreg:$0x2] =	wrdreg s24  }
0xaf: {  	[dreg:$0x3] =	wrdreg $0x9  }
0xb0: {  	_ =	task.clear_ibuf [dreg:s6], $0x4FFFF;
	_ =	strace $0x90000061  }
0xb1: {  	s29 =	simm.s32 $0x9;
	_ =	strace $0x80000063  }
0xb2: {  	_ =	swait.ge [sflag:s29], $0x1  }
0xb3: {  	[sflag:s29] =	ssyncadd.s32 $0xFFFFFFFF  }
0xb4: {  	_ =	strace $0x90000063  }
0xb5: {  	_ =	sfence  }
0xb6: {  	s30 =	sld [smem:$0x0];
	_ =	sdelay $0x2  }
0xb7: {  	s31 =	sshll.u32 s1, $0xD;
	s1 =	sshrl.u32 s1, $0x2  }
0xb8: {  	s3 =	sand.u32 $0x4000, s31;
	s1 =	sadd.s32 s1, s30  }
0xb9: {  	s0 =	sor.u32 s3, s0;
	s1 =	sshll.u32 s1, $0x11  }
0xba: {  	s0 =	sor.u32 s1, s0  }
0xbb: {  	s0 =	sadd.s32 $0x8F2B, s0  }
0xbc: {  	[sflag:s0] =	ssyncadd.remote.s32 $0x1  }
0xbd: {  	_ =	sfence.sel $0xFFFF  }
0xbe: {  	[dreg:$0x0] =	wrdreg $0xFFFFFFFF;
	(pc) =	sbr.abs _section_cstart, $3  }
0xbf: {  	[dreg:$0x1] =	wrdreg $0xFFFFFFFF  }
0xc0: {  	_ =	task.clear_ibuf [dreg:s6], $0x2FFFF;
	_ =	strace $0x9FFFFFFF  }
0xc1: {  	(tm) =	ssettm $0x7FFFFFFF  }
tec
execute0_lowered:
.L_overlay_start_1:
0x0: {  	(tag) =	ssettag $0x1  }
0x1: {  	s8 =	rddreg [dreg:$0x0];
	s1 =	stileid.u32  }
0x2: {  	s2 =	srdreg.scid;
	s0 =	rddreg [dreg:$0x1]  }
0x3: {  	_ =	strace $0x80000062;
	s5 =	simm.s32 $0x1;
	s9 =	simm.s32 $0x1  }
0x4: {  	s10 =	simm.s32 $0x3;
	s2 =	sand.u32 $0x1, s2;
	s3 =	sshll.u32 s1, $0x1  }
0x5: {  	s13 =	simm.s32 $0x0;
	s12 =	simm.s32 $0x0;
	s6 =	sor.u32 s3, s2  }
0x6: {  	[sflag:s5] =	ssyncpa.u1 $0x0;
	s2 =	sadd.s32 $0x9200, s8;
	s4 =	smul.u32 $0x50, s6  }
0x7: {  	s3 =	sadd.s32 $0x10000, s8;
	p0 =	slt.u32 s6, $0x13;
	s6 =	simm.s32 $0xA00  }
.Ltmp0:
0x8: {  	s6 =	simm.s32 @!p0 $0x0;
	s7 =	ssub.s32 $0xFA0, s4;
	(pc) =	sbr.rel .LBB2_1-.Ltmp0, $4  }
0x9: {  	s9 =	simm.s32 @!p0 $0x0;
	p0 =	sne.s32 s7, s6;
	s7 =	simm.s32 $0x1  }
0xa: {  	s8 =	sadd.s32 $0xE800, s8;
	s6 =	simm.s32 $0x2;
	s7 =	simm.s32 @!p0 $0x0  }
0xb: {  	s11 =	smov.u32 s4;
	[sflag:s6] =	ssyncpa.u1 $0x0;
	s7 =	sadd.s32 s9, s7  }
0xc: {  	vm0 =	vmmov $0xffff;
	[sflag:s10] =	ssyncpa.u1 $0x0;
	s10 =	simm.s32 $0x0;
	s9 =	sadd.s32 $0x1, s7  }
.LBB2_4:
0xd: {  	vm1 =	veq.s32 v4, $0x80000000;
	v56 =	vand.u32 $0x3, v4;
	v6 =	vand.u32 $0x3FFF, v6  }
0xe: {  	v2 =	vor.u32 v2, v5;
	v59 =	vshrl.u32 v1, $0x2;
	v60 =	vand.u32 $0x3, v1  }
0xf: {  	v4 =	vsel vm1, $0xFFFFFFFF, v56;
	v6 =	vsel vm1, $0xFFFFFFFF, v6;
	v2 =	vor.u32 v3, v2  }
0x10: {  	vm1 =	veq.s32 v1, $0x80000000;
	v5 =	vand.u32 $0x3FFF, v59;
	v7 =	vshrl.u32 v4, $0x2  }
0x11: {  	v57 =	vshll.u32 v6, $0x2;
	v4 =	vshll.u32 v4, $0x7;
	v1 =	vsel vm1, $0xFFFFFFFF, v60  }
0x12: {  	v5 =	vsel vm1, $0xFFFFFFFF, v5;
	v6 =	vand.u32 $0x7F, v6;
	v7 =	vmul.u32 $0x9E00, v7  }
0x13: {  	v58 =	vand.u32 $0xFFFFFE00, v57;
	v4 =	vand.u32 $0x180, v4;
	v61 =	vshrl.u32 v1, $0x2  }
0x14: {  	v62 =	vshll.u32 v5, $0x2;
	v3 =	vadd.s32 v7, v58;
	v7 =	vmul.u32 $0x9E00, v61  }
0x15: {  	v1 =	vshll.u32 v1, $0x7;
	v3 =	vor.u32 v4, v3;
	v4 =	vand.u32 $0xFFFFFE00, v62  }
0x16: {  	v1 =	vand.u32 $0x180, v1;
	v3 =	vor.u32 v6, v3;
	v4 =	vadd.s32 v7, v4  }
0x17: {  	[tilespmem:s16], [sflag:$0x1] =	stream.indirect_vreg.gather [hbm4b:s2+s10], $0x1, v0, vm0, $0x4038;
	v63 =	vand.u32 $0x7F, v5;
	v1 =	vor.u32 v1, v4;
	[tilespmem:$0x140] =	vst v63  }
0x18: {  	s15 =	sadd.s32 $0x10, s15;
	(ifvalue) =	ssetifvalue $0x7FFFFFFF;
	v0 =	vor.u32 v63, v1  }
0x19: {  	[tilespmem:s15], [sflag:$0x1] =	stream.indirect_vreg.gather [hbm4b:s2+s10], $0x1, v2, vm0, $0x4038;
	[tilespmem:$0x140] =	vst v63  }
0x1a: {  	s15 =	sadd.s32 $0x10, s15;
	(ifvalue) =	ssetifvalue $0x7FFFFFFF  }
0x1b: {  	[tilespmem:s15], [sflag:$0x1] =	stream.indirect_vreg.gather [hbm4b:s2+s10], $0x1, v3, vm0, $0x4038;
	[tilespmem:$0x140] =	vst v63  }
0x1c: {  	s15 =	sadd.s32 $0x10, s15;
	(ifvalue) =	ssetifvalue $0x7FFFFFFF  }
0x1d: {  	[tilespmem:s15], [sflag:$0x1] =	stream.indirect_vreg.gather [hbm4b:s2+s10], $0x1, v0, vm0, $0x4038;
	[tilespmem:$0x140] =	vst v63  }
0x1e: {  	_ =	swait.ge [sflag:s5], $0x50  }
0x1f: {  	s30 =	sshrl.u32 s13, $0x3;
	[sflag:s5] =	ssyncset.done $0x0  }
0x20: {  	s31 =	sand.u32 $0x7, s13;
	s15 =	sadd.s32 s8, s30;
	[sflag:s5] =	ssyncadd.s32 $0xFFFFFFB0  }
0x21: {  	[hbm4b:s15+s31] =	stream.linear.scatter [tilespmem:s14], [sflag:$0x3], $0x50, $0x38;
	[tilespmem:$0x140] =	vst v63  }
.LBB2_5:
0x22: {  	s15 =	sadd.s32 $0xA00, s11  }
0x23: {  	p1 =	sgt.s32 s15, $0xF9F  }
0x24: {  	s15 =	smov.u32 @p1 s4;
	p1 =	sne.s32 s12, s9  }
.Ltmp1:
0x25: {  	p0 =	slt.u32 s12, $0x2;
	(pc) =	sbr.rel @!p1 .LBB2_6-.Ltmp1, $4  }
0x26: {  	s14 =	simm.s32 @!p0 $0x3  }
0x27: {  	_ =	swait.ge @!p0 [sflag:s14], $0x50  }
0x28: {  	s16 =	sadd.s32 $0x1, s12;
	s13 =	smov.u32 s11;
	[sflag:s14] =	ssyncset.done @!p0 $0x0  }
0x29: {  	s12 =	smov.u32 s16;
	s11 =	smov.u32 s15;
	[sflag:s14] =	ssyncadd.s32 @!p0 $0xFFFFFFB0  }
.LBB2_1:
0x2a: {  	p0 =	sge.u32 s12, s7  }
0x2b: {  	s14 =	sxor.u32 @!p0 $0x1, s12  }
0x2c: {  	s14 =	smul.u32 @!p0 $0x140, s14  }
0x2d: {  	s31 =	sadd.s32 $0xFFFFFFFF, s12;
	s15 =	sshrl.u32 @!p0 s11, $0x3  }
0x2e: {  	s16 =	sand.u32 @!p0 $0x7, s11;
	s15 =	sadd.s32 @!p0 s3, s15;
	s14 =	sshra.s32 @!p0 s14, $0x2  }
0x2f: {  	[tilespmem:s14], [sflag:$0x2] =	stream.linear.gather @!p0 [hbm4b:s15+s16], $0x50, $0x38;
	[tilespmem:$0x140] =	vst v63  }
0x30: {  	p0 =	sge.u32 s31, s7  }
.Ltmp2:
0x31: {  	_ = 	snop;
	(pc) =	sbr.rel @p0 .LBB2_5-.Ltmp2, $1  }
0x32: {  	_ =	sdelay $0x3  }
0x33: {  	s14 =	sand.u32 $0x1, s12  }
0x34: {  	_ =	swait.ge [sflag:s6], $0x50;
	p0 =	seq.s32 s14, $0x1;
	s14 =	simm.s32 $0x50  }
0x35: {  	[sflag:s6] =	ssyncset.done $0x0;
	s14 =	simm.s32 @!p0 $0x0  }
0x36: {  	[sflag:s6] =	ssyncadd.s32 $0xFFFFFFB0;
	(ifvalue) =	ssetifvalue $0x7FFFFFFF;
	v0 =	vld.msk [tilespmem:s14+$0x0 ss:$0x1], $0xffff  }
0x37: {  	s15 =	sadd.s32 $0x10, s14  }
0x38: {  	v1 =	vld.msk [tilespmem:s15+$0x0 ss:$0x1], $0xffff;
	_ =	sdelay $0x2  }
0x39: {  	v2 =	vshrl.u32 v0, $0x2  }
0x3a: {  	vm1 =	veq.s32 v0, $0x80000000;
	v0 =	vand.u32 $0x3, v0;
	v2 =	vand.u32 $0x3FFF, v2  }
0x3b: {  	v0 =	vsel vm1, $0xFFFFFFFF, v0;
	v6 =	vshrl.u32 v1, $0x2;
	v2 =	vsel vm1, $0xFFFFFFFF, v2  }
0x3c: {  	v3 =	vshrl.u32 v0, $0x2;
	v0 =	vshll.u32 v0, $0x7;
	vm1 =	veq.s32 v1, $0x80000000  }
0x3d: {  	s15 =	sadd.s32 $0x10, s15;
	v1 =	vand.u32 $0x3, v1;
	v4 =	vshll.u32 v2, $0x2;
	v3 =	vmul.u32 $0x9E00, v3  }
0x3e: {  	v0 =	vand.u32 $0x180, v0;
	v7 =	vand.u32 $0x7F, v2;
	v5 =	vand.u32 $0xFFFFFE00, v4;
	v4 =	vld.msk [tilespmem:s15+$0x0 ss:$0x1], $0xffff  }
0x3f: {  	v1 =	vsel vm1, $0xFFFFFFFF, v1;
	v2 =	vadd.s32 v3, v5;
	v3 =	vand.u32 $0x3FFF, v6  }
0x40: {  	v3 =	vsel vm1, $0xFFFFFFFF, v3;
	v0 =	vor.u32 v0, v2;
	v2 =	vshrl.u32 v1, $0x2  }
0x41: {  	v1 =	vshll.u32 v1, $0x7;
	v5 =	vshll.u32 v3, $0x2;
	v8 =	vmul.u32 $0x9E00, v2  }
0x42: {  	s18 =	simm.s32 $0x30;
	s14 =	sor.u32 $0xA0, s14;
	s17 =	sadd.s32 $0x10, s15;
	v2 =	vand.u32 $0x180, v1;
	v0 =	vor.u32 v7, v0;
	v5 =	vand.u32 $0xFFFFFE00, v5  }
0x43: {  	s16 =	smov.u32 s14;
	s15 =	smov.u32 s14;
	v1 =	vld.msk [tilespmem:s17+$0x0 ss:$0x1], $0xffff;
	v3 =	vand.u32 $0x7F, v3;
	(ifvalue) =	ssetifvalue $0x7FFFFFFF;
	v6 =	vshrl.u32 v4, $0x2;
	v5 =	vadd.s32 v8, v5  }
.LBB2_3:
0x44: {  	s18 =	sadd.s32 $0x10, s18  }
0x45: {  	vm1 =	veq.s32 v4, $0x80000000;
	v4 =	vand.u32 $0x3, v4;
	v6 =	vand.u32 $0x3FFF, v6;
	s15 =	sadd.s32 $0x10, s15;
	p0 =	slt.u32 s18, $0x40  }
.Ltmp3:
0x46: {  	v5 =	vor.u32 v2, v5;
	v4 =	vsel vm1, $0xFFFFFFFF, v4;
	v7 =	vsel vm1, $0xFFFFFFFF, v6;
	(pc) =	sbr.rel @p0 .LBB2_3-.Ltmp3, $4  }
0x47: {  	v2 =	vshrl.u32 v4, $0x2;
	v6 =	vshll.u32 v7, $0x2;
	v4 =	vshll.u32 v4, $0x7;
	[tilespmem:s16], [sflag:$0x1] =	stream.indirect_vreg.gather [hbm4b:s2+s10], $0x1, v0, vm0, $0x4038;
	[tilespmem:$0x140] =	vst v63  }
0x48: {  	v0 =	vor.u32 v3, v5;
	s16 =	smov.u32 s15;
	v8 =	vmul.u32 $0x9E00, v2;
	v2 =	vand.u32 $0x180, v4  }
0x49: {  	s17 =	sadd.s32 $0x10, s17;
	v9 =	vand.u32 $0xFFFFFE00, v6  }
0x4a: {  	v3 =	vand.u32 $0x7F, v7;
	v6 =	vshrl.u32 v1, $0x2;
	v5 =	vadd.s32 v8, v9;
	(ifvalue) =	ssetifvalue $0x7FFFFFFF;
	v4 =	vmovc v1;
	v1 =	vld.msk [tilespmem:s17+$0x0 ss:$0x1], $0xffff  }
.Ltmp4:
0x4b: {  	_ = 	snop;
	(pc) =	sbr.rel .LBB2_4-.Ltmp4, $1  }
0x4c: {  	_ =	sdelay $0x3  }
.LBB2_6:
0x4d: {  	_ =	sfence.sel $0x180000  }
0x4e: {  	s2 =	simm.s32 $0x2;
	[bflag:$0x0] =	sbarrier.arrive $0xFFFF  }
0x4f: {  	s30 =	simm.s32 $0x3;
	[sflag:s2] =	ssyncpa.u1 $0x1  }
0x50: {  	s31 =	simm.s32 $0x1;
	[sflag:s30] =	ssyncpa.u1 $0x1  }
0x51: {  	[sflag:s31] =	ssyncpa.u1 $0x1  }
0x52: {  	p0 =	sne.s32 s1, $0x0;
	_ =	strace $0x90000062  }
0x53: {  	s0 =	sadd.s32 @!p0 $0x100000, s0;
	[bflag:$0x2] =	sbarrier.arrive $0xFFFF  }
0x54: {  	[sflag:s0] =	ssyncadd.tile.s32 @!p0 $0x1;
	_ =	shalt  }
.Lfunc_end2:
_tile_overlayer_lowered:
.L_overlay_start_2:
0x55: {  	(tag) =	ssettag $0x2  }
0x56: {  	s0 =	rddreg [dreg:$0x0];
	s2 =	stileid.u32  }
0x57: {  	s1 =	rddreg [dreg:$0x1];
	p0 =	sne.s32 s2, $0x0  }
0x58: {  	s3 =	rddreg [dreg:$0x2];
	[bflag:$0x3] =	sbarrier.arrive $0xFFFF;
	s2 =	simm.s32 @!p0 $0x1C01  }
0x59: {  	[timem:s3], [sflag:s2] =	dma.local @!p0 [hbm:s0], s1  }
0x5a: {  	s0 =	simm.s32 @!p0 $0x1  }
0x5b: {  	_ =	swait.ge @!p0 [sflag:s0], s1  }
0x5c: {  	s1 =	ssub.s32 @!p0 $0x0, s1;
	[sflag:s0] =	ssyncset.done @!p0 $0x0  }
0x5d: {  	[sflag:s0] =	ssyncadd.s32 @!p0 s1  }
0x5e: {  	[bflag:$0x3] =	sbarrier.arrive $0xFFFF  }
0x5f: {  	_ =	shalt  }

// kernel: gather_offload_async_start.11
scs
__scs_entry_jumppad:
0x0: {  	(pc) =	sbr.rel $0x88, $3  }
0x1: {  	(tag) =	ssettag $0x0;
	lr =	simm.s32 $0x1  }
0x2: {  	[smem:$0x3F83] =	sst lr;
	_ =	strace $0xD0000000  }
0x3: {  	_ = 	snop  }
0x4: {  	_ = 	snop  }
0x5: {  	_ = 	snop  }
0x6: {  	_ = 	snop  }
0x7: {  	_ = 	snop  }
__scs_overlays_trampoline_lowered:
0x8: {  	[smem:$0x3F92] =	sst s0  }
0x9: {  	[smem:$0x3F93] =	sst s1  }
0xa: {  	[smem:$0x3F94] =	sst s2  }
0xb: {  	[smem:$0x3F95] =	sst s3  }
0xc: {  	[smem:$0x3F96] =	sst s4  }
0xd: {  	[smem:$0x3F97] =	sst s5  }
0xe: {  	[smem:$0x3F98] =	sst s6  }
0xf: {  	[smem:$0x3F99] =	sst s7  }
0x10: {  	[smem:$0x3F9A] =	sst s8  }
0x11: {  	[smem:$0x3F9B] =	sst s9;
	s0 =	simm.s32 @!p0 $0x0  }
0x12: {  	s1 =	sld [smem:$0x3F81];
	s0 =	simm.s32 @p0 $0x1  }
0x13: {  	[smem:$0x3F9C] =	sst s0;
	s0 =	simm.s32 @!p1 $0x0  }
0x14: {  	s2 =	sld [smem:$0x3F80];
	s0 =	simm.s32 @p1 $0x1  }
0x15: {  	[smem:$0x3F9D] =	sst s0;
	s0 =	simm.s32 @!p2 $0x0  }
0x16: {  	s3 =	sld [smem:$0x3FDB];
	s0 =	simm.s32 @p2 $0x1  }
0x17: {  	s4 =	simm.s32 $0x1BF5;
	[smem:$0x3F9F] =	sst s0  }
0x18: {  	s0 =	sld [smem:$0x3F82];
	_ =	swait.ge [sflag:s4], $0x0  }
0x19: {  	s7 =	sld [smem:$0x3F83]  }
0x1a: {  	s8 =	sadd.s32 $0xFFFFE003, lr  }
0x1b: {  	s9 =	sadd.s32 $0xFFFFFEF7, lr;
	s5 =	simm.s32 $0xFFFFFFFF;
	p2 =	slt.u32 s8, $0xFFFFF086  }
0x1c: {  	p1 =	slt.u32 s9, $0xF7A;
	s5 =	simm.s32 @!p2 $0x0  }
0x1d: {  	s5 =	simm.s32 @p1 $0x1;
	p0 =	seq.s32 s7, s2  }
0x1e: {  	s7 =	smul.u32 @!p0 $0xF7A, s2;
	p2 =	seq.s32 @!p0 s5, $0x0  }
0x1f: {  	s9 =	smul.u32 $0xF7A, s1;
	s8 =	simm.s32 @!p0 $0x1BF5;
	p2 =	por !p2, p0  }
0x20: {  	[sflag:s8] =	ssyncset.s32 @!p0 $0xFFFFF086;
	s6 =	sadd.s32 @!p0 s3, s7;
	s7 =	simm.s32 @!p0 $0x108  }
0x21: {  	s3 =	sadd.s32 s3, s9;
	s6 =	sadd.s32 @!p0 $0x88, s6;
	s7 =	simm.s32 @p2 $0x1082  }
0x22: {  	[simem:s7], [sflag:s8] =	dma.local @!p0 [hbm:s6], $0xF7A  }
0x23: {  	s9 =	sor.u32 $0xD0000000, s2;
	s6 =	simm.s32 $0x108;
	_ =	swait.ge @!p0 [sflag:s8], $0x0  }
0x24: {  	s3 =	sadd.s32 $0x88, s3;
	s6 =	simm.s32 @!p1 $0x1082;
	[sflag:s4] =	ssyncset.s32 $0xFFFFF086  }
0x25: {  	[simem:s6], [sflag:s4] =	dma.local [hbm:s3], $0xF7A  }
0x26: {  	[smem:$0x3F83] =	sst s1;
	(tag) =	ssettag s2;
	_ =	strace s9  }
0x27: {  	s1 =	sld [smem:$0x3F93]  }
0x28: {  	s2 =	sld [smem:$0x3F94]  }
0x29: {  	s4 =	sld [smem:$0x3F96]  }
0x2a: {  	p0 =	seq.s32 s5, $0x0;
	s5 =	sld [smem:$0x3F97]  }
0x2b: {  	s6 =	sld [smem:$0x3F98]  }
0x2c: {  	s7 =	sld [smem:$0x3F99]  }
0x2d: {  	s3 =	simm.s32 $0x108;
	s8 =	sld [smem:$0x3F9A]  }
0x2e: {  	s3 =	simm.s32 @!p0 $0x1082;
	s9 =	sld [smem:$0x3F9B]  }
0x2f: {  	lr =	sadd.s32 s0, s3;
	s0 =	sld [smem:$0x3F92]  }
0x30: {  	s3 =	sld [smem:$0x3F95]  }
0x31: {  	[smem:$0x3F9E] =	sst s10  }
0x32: {  	s10 =	sld [smem:$0x3F9C];
	_ =	sdelay $0x3  }
0x33: {  	p0 =	seq.s32 s10, $0x1;
	s10 =	sld [smem:$0x3F9E];
	_ =	sdelay $0x3  }
0x34: {  	[smem:$0x3F9E] =	sst s10  }
0x35: {  	s10 =	sld [smem:$0x3F9D];
	_ =	sdelay $0x3  }
0x36: {  	p1 =	seq.s32 s10, $0x1;
	s10 =	sld [smem:$0x3F9E];
	_ =	sdelay $0x3  }
0x37: {  	[smem:$0x3F9E] =	sst s10  }
0x38: {  	s10 =	sld [smem:$0x3F9F]  }
0x39: {  	_ = 	snop;
	(pc) =	sbr.ind lr, $3  }
0x3a: {  	_ = 	snop  }
0x3b: {  	_ = 	snop  }
0x3c: {  	p2 =	seq.s32 s10, $0x1;
	s10 =	sld [smem:$0x3F9E]  }
0x3d: {  	_ =	shalt  }
0x3e: {  	_ =	shalt  }
0x3f: {  	_ =	shalt  }
0x40: {  	_ =	shalt  }
0x41: {  	_ =	shalt  }
0x42: {  	_ =	shalt  }
0x43: {  	_ =	shalt  }
0x44: {  	_ =	shalt  }
0x45: {  	_ =	shalt  }
0x46: {  	_ =	shalt  }
0x47: {  	_ =	shalt  }
0x48: {  	_ =	shalt  }
0x49: {  	_ =	shalt  }
0x4a: {  	_ =	shalt  }
0x4b: {  	_ =	shalt  }
0x4c: {  	_ =	shalt  }
0x4d: {  	_ =	shalt  }
0x4e: {  	_ =	shalt  }
0x4f: {  	_ =	shalt  }
0x50: {  	_ =	shalt  }
0x51: {  	_ =	shalt  }
0x52: {  	_ =	shalt  }
0x53: {  	_ =	shalt  }
0x54: {  	_ =	shalt  }
0x55: {  	_ =	shalt  }
0x56: {  	_ =	shalt  }
0x57: {  	_ =	shalt  }
0x58: {  	_ =	shalt  }
0x59: {  	_ =	shalt  }
0x5a: {  	_ =	shalt  }
0x5b: {  	_ =	shalt  }
0x5c: {  	_ =	shalt  }
0x5d: {  	_ =	shalt  }
0x5e: {  	_ =	shalt  }
0x5f: {  	_ =	shalt  }
0x60: {  	_ =	shalt  }
0x61: {  	_ =	shalt  }
0x62: {  	_ =	shalt  }
0x63: {  	_ =	shalt  }
0x64: {  	_ =	shalt  }
0x65: {  	_ =	shalt  }
0x66: {  	_ =	shalt  }
0x67: {  	_ =	shalt  }
0x68: {  	_ =	shalt  }
0x69: {  	_ =	shalt  }
0x6a: {  	_ =	shalt  }
0x6b: {  	_ =	shalt  }
0x6c: {  	_ =	shalt  }
0x6d: {  	_ =	shalt  }
0x6e: {  	_ =	shalt  }
0x6f: {  	_ =	shalt  }
0x70: {  	_ =	shalt  }
0x71: {  	_ =	shalt  }
0x72: {  	_ =	shalt  }
0x73: {  	_ =	shalt  }
0x74: {  	_ =	shalt  }
0x75: {  	_ =	shalt  }
0x76: {  	_ =	shalt  }
0x77: {  	_ =	shalt  }
0x78: {  	_ =	shalt  }
0x79: {  	_ =	shalt  }
0x7a: {  	_ =	shalt  }
0x7b: {  	_ =	shalt  }
0x7c: {  	_ =	shalt  }
0x7d: {  	_ =	shalt  }
0x7e: {  	_ =	shalt  }
0x7f: {  	_ =	shalt  }
0x80: {  	_ =	shalt  }
0x81: {  	_ =	shalt  }
0x82: {  	_ =	shalt  }
0x83: {  	_ =	shalt  }
0x84: {  	_ =	shalt  }
0x85: {  	_ =	shalt  }
0x86: {  	_ =	shalt  }
0x87: {  	_ =	shalt  }
.Lfunc_end0:
.L_simem_size_0:
called_computation.11_lowered:
.L_overlay_start_0:
0x88: {  	s2 =	sld [smem:$0x3FD9]  }
0x89: {  	s3 =	sld [smem:$0x3FFE];
	_ =	sdelay $0x1  }
0x8a: {  	s1 =	srdreg.scid  }
0x8b: {  	s0 =	sand.u32 $0x1, s1  }
0x8c: {  	s17 =	sshll.u32 s0, $0xA;
	s2 =	sadd.s32 s3, s2  }
0x8d: {  	s2 =	sadd.s32 s2, s17  }
0x8e: {  	[smem:$0x3FAA] =	sst s2  }
0x8f: {  	_ = 	snop  }
0x90: {  	(tm) =	ssettm $0x1  }
0x91: {  	s18 =	sld [smem:$0x3FFB];
	_ =	sdelay $0x3  }
0x92: {  	_ =	strace s18  }
0x93: {  	s2 =	sld [smem:$0x3FFC];
	_ =	sdelay $0x3  }
0x94: {  	_ =	strace s2  }
0x95: {  	s2 =	sld [smem:$0x3FFD];
	_ =	sdelay $0x3  }
0x96: {  	_ =	strace s2  }
0x97: {  	_ =	strace $0x8FFFFFFF  }
0x98: {  	s19 =	sld [smem:$0x3FDB];
	_ =	sdelay $0x1  }
0x99: {  	s20 =	simm.s32 $_scs_section_size  }
0x9a: {  	s4 =	simm.s32 $_size__tile_overlayer_lowered;
	s5 =	simm.s32 $_tile_overlayer_lowered  }
0x9b: {  	s6 =	simm.s32 $0x1BFF;
	s21 =	sshll.u32 s5, $0x1;
	s3 =	sadd.s32 s20, s19  }
0x9c: {  	s22 =	simm.s32 $0x0;
	s4 =	sshll.u32 s4, $0x1;
	s5 =	sadd.s32 s21, s3  }
0x9d: {  	[timem:s22], [sflag:s6] =	dma.local [hbm:s5], s4  }
0x9e: {  	_ =	swait.ge [sflag:s6], s4  }
0x9f: {  	s4 =	ssub.s32 $0x0, s4;
	[sflag:s6] =	ssyncset.done $0x0  }
0xa0: {  	[sflag:s6] =	ssyncadd.s32 s4;
	_ =	sdelay $0x1  }
0xa1: {  	s23 =	simm.s32 $0x1B8B  }
0xa2: {  	_ =	swait.ge [sflag:s23], $0x1  }
0xa3: {  	[sflag:s23] =	ssyncset.done $0x0  }
0xa4: {  	[sflag:s23] =	ssyncadd.s32 $0xFFFFFFFF  }
0xa5: {  	s4 =	sld [smem:$0x0]  }
0xa6: {  	s5 =	sand.u32 $0xFFFFFFFE, s1  }
0xa7: {  	p0 =	sne.s32 s1, s5  }
0xa8: {  	s5 =	sshll.u32 @p0 s5, $0xE  }
0xa9: {  	s5 =	sadd.s32 @p0 $0x11B8D, s5;
	s6 =	sshll.u32 @p0 s4, $0x11  }
0xaa: {  	s5 =	sor.u32 @p0 s6, s5  }
0xab: {  	[sflag:s5] =	ssyncadd.remote.s32 @p0 $0x1;
	_ =	sdelay $0x1  }
0xac: {  	s5 =	simm.s32 @p0 $0x1B8D  }
0xad: {  	_ =	swait.eq @p0 [sflag:s5], $0x1  }
0xae: {  	[sflag:s5] =	ssyncadd.s32 @p0 $0xFFFFFFFF  }
0xaf: {  	s6 =	sshll.u32 @!p0 s1, $0xE  }
0xb0: {  	s6 =	sor.u32 @!p0 $0x4000, s6;
	s5 =	simm.s32 @!p0 $0x1B8D  }
0xb1: {  	s4 =	sshll.u32 @!p0 s4, $0x11;
	s6 =	sadd.s32 @!p0 $0x11B8D, s6;
	_ =	swait.eq @!p0 [sflag:s5], $0x1  }
0xb2: {  	s4 =	sor.u32 @!p0 s4, s6;
	[sflag:s5] =	ssyncadd.s32 @!p0 $0xFFFFFFFF  }
0xb3: {  	s25 =	simm.s32 $0x1B8E;
	s24 =	sld [smem:$0x3FFE];
	[sflag:s4] =	ssyncadd.remote.s32 @!p0 $0x1  }
0xb4: {  	s26 =	simm.s32 $execute0_lowered;
	[smem:$0x3FD2] =	sst s25  }
0xb5: {  	s5 =	sshll.u32 s26, $0x1;
	_ =	strace $0x80000064;
	[dreg:$0x1] =	wrdreg $0xFFFFFFFF  }
0xb6: {  	s28 =	simm.s32 $_size_execute0_lowered;
	s3 =	sadd.s32 s3, s5;
	[dreg:$0x0] =	wrdreg $0x0  }
0xb7: {  	s5 =	sshll.u32 s28, $0x1;
	[dreg:$0x2] =	wrdreg s3  }
0xb8: {  	[dreg:$0x3] =	wrdreg s5  }
0xb9: {  	[dreg:$0x4] =	wrdreg $0xC0  }
0xba: {  	_ =	task [dreg:s22], $0x5FFFF  }
0xbb: {  	[dreg:$0x1] =	wrdreg $0xFFFFFFFF  }
0xbc: {  	[dreg:$0x0] =	wrdreg $0x60  }
0xbd: {  	[dreg:$0x2] =	wrdreg s24  }
0xbe: {  	[dreg:$0x3] =	wrdreg $0xA  }
0xbf: {  	_ =	task.clear_ibuf [dreg:s22], $0x4FFFF;
	_ =	strace $0x90000064  }
0xc0: {  	s29 =	simm.s32 $0xA;
	_ =	strace $0x80000066  }
0xc1: {  	_ =	swait.ge [sflag:s29], $0x1  }
0xc2: {  	[sflag:s29] =	ssyncadd.s32 $0xFFFFFFFF  }
0xc3: {  	_ =	strace $0x90000066  }
0xc4: {  	_ =	sfence  }
0xc5: {  	s30 =	sld [smem:$0x0];
	_ =	sdelay $0x2  }
0xc6: {  	s31 =	sshll.u32 s1, $0xD;
	s1 =	sshrl.u32 s1, $0x2  }
0xc7: {  	s4 =	sand.u32 $0x4000, s31;
	s1 =	sadd.s32 s1, s30  }
0xc8: {  	s0 =	sor.u32 s4, s0;
	s1 =	sshll.u32 s1, $0x11  }
0xc9: {  	s0 =	sor.u32 s1, s0  }
0xca: {  	s0 =	sadd.s32 $0x8F2B, s0  }
0xcb: {  	[sflag:s0] =	ssyncadd.remote.s32 $0x1  }
0xcc: {  	_ =	sfence.sel $0xFFFF  }
0xcd: {  	[dreg:$0x0] =	wrdreg $0xFFFFFFFF;
	(pc) =	sbr.abs _section_cstart, $3  }
0xce: {  	[dreg:$0x1] =	wrdreg $0xFFFFFFFF  }
0xcf: {  	_ =	task.clear_ibuf [dreg:s22], $0x2FFFF;
	_ =	strace $0x9FFFFFFF  }
0xd0: {  	(tm) =	ssettm $0x7FFFFFFF  }
0xd1: {  	_ =	shalt  }
tec
execute0_lowered:
.L_overlay_start_1:
0x0: {  	(tag) =	ssettag $0x1  }
0x1: {  	s8 =	rddreg [dreg:$0x0];
	s1 =	stileid.u32  }
0x2: {  	s2 =	srdreg.scid;
	s0 =	rddreg [dreg:$0x1]  }
0x3: {  	_ =	strace $0x80000065;
	s5 =	simm.s32 $0x1;
	s9 =	simm.s32 $0x1  }
0x4: {  	s10 =	simm.s32 $0x3;
	s2 =	sand.u32 $0x1, s2;
	s3 =	sshll.u32 s1, $0x1  }
0x5: {  	s13 =	simm.s32 $0x0;
	s12 =	simm.s32 $0x0;
	s6 =	sor.u32 s3, s2  }
0x6: {  	[sflag:s5] =	ssyncpa.u1 $0x0;
	s2 =	sadd.s32 $0x25800, s8;
	s4 =	smul.u32 $0x50, s6  }
0x7: {  	s3 =	sadd.s32 $0x10000, s8;
	p0 =	slt.u32 s6, $0x13;
	s6 =	simm.s32 $0xA00  }
.Ltmp0:
0x8: {  	s6 =	simm.s32 @!p0 $0x0;
	s7 =	ssub.s32 $0xFA0, s4;
	(pc) =	sbr.rel .LBB2_1-.Ltmp0, $4  }
0x9: {  	s9 =	simm.s32 @!p0 $0x0;
	p0 =	sne.s32 s7, s6;
	s7 =	simm.s32 $0x1  }
0xa: {  	s8 =	sadd.s32 $0x8400, s8;
	s6 =	simm.s32 $0x2;
	s7 =	simm.s32 @!p0 $0x0  }
0xb: {  	s11 =	smov.u32 s4;
	[sflag:s6] =	ssyncpa.u1 $0x0;
	s7 =	sadd.s32 s9, s7  }
0xc: {  	vm0 =	vmmov $0xffff;
	[sflag:s10] =	ssyncpa.u1 $0x0;
	s10 =	simm.s32 $0x0;
	s9 =	sadd.s32 $0x1, s7  }
.LBB2_4:
0xd: {  	vm1 =	veq.s32 v4, $0x80000000;
	v56 =	vand.u32 $0x3, v4;
	v6 =	vand.u32 $0x3FFF, v6  }
0xe: {  	v2 =	vor.u32 v2, v5;
	v59 =	vshrl.u32 v1, $0x2;
	v60 =	vand.u32 $0x3, v1  }
0xf: {  	v4 =	vsel vm1, $0xFFFFFFFF, v56;
	v6 =	vsel vm1, $0xFFFFFFFF, v6;
	v2 =	vor.u32 v3, v2  }
0x10: {  	vm1 =	veq.s32 v1, $0x80000000;
	v5 =	vand.u32 $0x3FFF, v59;
	v7 =	vshrl.u32 v4, $0x2  }
0x11: {  	v57 =	vshll.u32 v6, $0x2;
	v4 =	vshll.u32 v4, $0x7;
	v1 =	vsel vm1, $0xFFFFFFFF, v60  }
0x12: {  	v5 =	vsel vm1, $0xFFFFFFFF, v5;
	v6 =	vand.u32 $0x7F, v6;
	v7 =	vmul.u32 $0x9E00, v7  }
0x13: {  	v58 =	vand.u32 $0xFFFFFE00, v57;
	v4 =	vand.u32 $0x180, v4;
	v61 =	vshrl.u32 v1, $0x2  }
0x14: {  	v62 =	vshll.u32 v5, $0x2;
	v3 =	vadd.s32 v7, v58;
	v7 =	vmul.u32 $0x9E00, v61  }
0x15: {  	v1 =	vshll.u32 v1, $0x7;
	v3 =	vor.u32 v4, v3;
	v4 =	vand.u32 $0xFFFFFE00, v62  }
0x16: {  	v1 =	vand.u32 $0x180, v1;
	v3 =	vor.u32 v6, v3;
	v4 =	vadd.s32 v7, v4  }
0x17: {  	[tilespmem:s16], [sflag:$0x1] =	stream.indirect_vreg.gather [hbm4b:s2+s10], $0x1, v0, vm0, $0x4038;
	v63 =	vand.u32 $0x7F, v5;
	v1 =	vor.u32 v1, v4;
	[tilespmem:$0x140] =	vst v63  }
0x18: {  	s15 =	sadd.s32 $0x10, s15;
	(ifvalue) =	ssetifvalue $0x7FFFFFFF;
	v0 =	vor.u32 v63, v1  }
0x19: {  	[tilespmem:s15], [sflag:$0x1] =	stream.indirect_vreg.gather [hbm4b:s2+s10], $0x1, v2, vm0, $0x4038;
	[tilespmem:$0x140] =	vst v63  }
0x1a: {  	s15 =	sadd.s32 $0x10, s15;
	(ifvalue) =	ssetifvalue $0x7FFFFFFF  }
0x1b: {  	[tilespmem:s15], [sflag:$0x1] =	stream.indirect_vreg.gather [hbm4b:s2+s10], $0x1, v3, vm0, $0x4038;
	[tilespmem:$0x140] =	vst v63  }
0x1c: {  	s15 =	sadd.s32 $0x10, s15;
	(ifvalue) =	ssetifvalue $0x7FFFFFFF  }
0x1d: {  	[tilespmem:s15], [sflag:$0x1] =	stream.indirect_vreg.gather [hbm4b:s2+s10], $0x1, v0, vm0, $0x4038;
	[tilespmem:$0x140] =	vst v63  }
0x1e: {  	_ =	swait.ge [sflag:s5], $0x50  }
0x1f: {  	s30 =	sshrl.u32 s13, $0x3;
	[sflag:s5] =	ssyncset.done $0x0  }
0x20: {  	s31 =	sand.u32 $0x7, s13;
	s15 =	sadd.s32 s8, s30;
	[sflag:s5] =	ssyncadd.s32 $0xFFFFFFB0  }
0x21: {  	[hbm4b:s15+s31] =	stream.linear.scatter [tilespmem:s14], [sflag:$0x3], $0x50, $0x38;
	[tilespmem:$0x140] =	vst v63  }
.LBB2_5:
0x22: {  	s15 =	sadd.s32 $0xA00, s11  }
0x23: {  	p1 =	sgt.s32 s15, $0xF9F  }
0x24: {  	s15 =	smov.u32 @p1 s4;
	p1 =	sne.s32 s12, s9  }
.Ltmp1:
0x25: {  	p0 =	slt.u32 s12, $0x2;
	(pc) =	sbr.rel @!p1 .LBB2_6-.Ltmp1, $4  }
0x26: {  	s14 =	simm.s32 @!p0 $0x3  }
0x27: {  	_ =	swait.ge @!p0 [sflag:s14], $0x50  }
0x28: {  	s16 =	sadd.s32 $0x1, s12;
	s13 =	smov.u32 s11;
	[sflag:s14] =	ssyncset.done @!p0 $0x0  }
0x29: {  	s12 =	smov.u32 s16;
	s11 =	smov.u32 s15;
	[sflag:s14] =	ssyncadd.s32 @!p0 $0xFFFFFFB0  }
.LBB2_1:
0x2a: {  	p0 =	sge.u32 s12, s7  }
0x2b: {  	s14 =	sxor.u32 @!p0 $0x1, s12  }
0x2c: {  	s14 =	smul.u32 @!p0 $0x140, s14  }
0x2d: {  	s31 =	sadd.s32 $0xFFFFFFFF, s12;
	s15 =	sshrl.u32 @!p0 s11, $0x3  }
0x2e: {  	s16 =	sand.u32 @!p0 $0x7, s11;
	s15 =	sadd.s32 @!p0 s3, s15;
	s14 =	sshra.s32 @!p0 s14, $0x2  }
0x2f: {  	[tilespmem:s14], [sflag:$0x2] =	stream.linear.gather @!p0 [hbm4b:s15+s16], $0x50, $0x38;
	[tilespmem:$0x140] =	vst v63  }
0x30: {  	p0 =	sge.u32 s31, s7  }
.Ltmp2:
0x31: {  	_ = 	snop;
	(pc) =	sbr.rel @p0 .LBB2_5-.Ltmp2, $1  }
0x32: {  	_ =	sdelay $0x3  }
0x33: {  	s14 =	sand.u32 $0x1, s12  }
0x34: {  	_ =	swait.ge [sflag:s6], $0x50;
	p0 =	seq.s32 s14, $0x1;
	s14 =	simm.s32 $0x50  }
0x35: {  	[sflag:s6] =	ssyncset.done $0x0;
	s14 =	simm.s32 @!p0 $0x0  }
0x36: {  	[sflag:s6] =	ssyncadd.s32 $0xFFFFFFB0;
	(ifvalue) =	ssetifvalue $0x7FFFFFFF;
	v0 =	vld.msk [tilespmem:s14+$0x0 ss:$0x1], $0xffff  }
0x37: {  	s15 =	sadd.s32 $0x10, s14  }
0x38: {  	v1 =	vld.msk [tilespmem:s15+$0x0 ss:$0x1], $0xffff;
	_ =	sdelay $0x2  }
0x39: {  	v2 =	vshrl.u32 v0, $0x2  }
0x3a: {  	vm1 =	veq.s32 v0, $0x80000000;
	v0 =	vand.u32 $0x3, v0;
	v2 =	vand.u32 $0x3FFF, v2  }
0x3b: {  	v0 =	vsel vm1, $0xFFFFFFFF, v0;
	v6 =	vshrl.u32 v1, $0x2;
	v2 =	vsel vm1, $0xFFFFFFFF, v2  }
0x3c: {  	v3 =	vshrl.u32 v0, $0x2;
	v0 =	vshll.u32 v0, $0x7;
	vm1 =	veq.s32 v1, $0x80000000  }
0x3d: {  	s15 =	sadd.s32 $0x10, s15;
	v1 =	vand.u32 $0x3, v1;
	v4 =	vshll.u32 v2, $0x2;
	v3 =	vmul.u32 $0x9E00, v3  }
0x3e: {  	v0 =	vand.u32 $0x180, v0;
	v7 =	vand.u32 $0x7F, v2;
	v5 =	vand.u32 $0xFFFFFE00, v4;
	v4 =	vld.msk [tilespmem:s15+$0x0 ss:$0x1], $0xffff  }
0x3f: {  	v1 =	vsel vm1, $0xFFFFFFFF, v1;
	v2 =	vadd.s32 v3, v5;
	v3 =	vand.u32 $0x3FFF, v6  }
0x40: {  	v3 =	vsel vm1, $0xFFFFFFFF, v3;
	v0 =	vor.u32 v0, v2;
	v2 =	vshrl.u32 v1, $0x2  }
0x41: {  	v1 =	vshll.u32 v1, $0x7;
	v5 =	vshll.u32 v3, $0x2;
	v8 =	vmul.u32 $0x9E00, v2  }
0x42: {  	s18 =	simm.s32 $0x30;
	s14 =	sor.u32 $0xA0, s14;
	s17 =	sadd.s32 $0x10, s15;
	v2 =	vand.u32 $0x180, v1;
	v0 =	vor.u32 v7, v0;
	v5 =	vand.u32 $0xFFFFFE00, v5  }
0x43: {  	s16 =	smov.u32 s14;
	s15 =	smov.u32 s14;
	v1 =	vld.msk [tilespmem:s17+$0x0 ss:$0x1], $0xffff;
	v3 =	vand.u32 $0x7F, v3;
	(ifvalue) =	ssetifvalue $0x7FFFFFFF;
	v6 =	vshrl.u32 v4, $0x2;
	v5 =	vadd.s32 v8, v5  }
.LBB2_3:
0x44: {  	s18 =	sadd.s32 $0x10, s18  }
0x45: {  	vm1 =	veq.s32 v4, $0x80000000;
	v4 =	vand.u32 $0x3, v4;
	v6 =	vand.u32 $0x3FFF, v6;
	s15 =	sadd.s32 $0x10, s15;
	p0 =	slt.u32 s18, $0x40  }
.Ltmp3:
0x46: {  	v5 =	vor.u32 v2, v5;
	v4 =	vsel vm1, $0xFFFFFFFF, v4;
	v7 =	vsel vm1, $0xFFFFFFFF, v6;
	(pc) =	sbr.rel @p0 .LBB2_3-.Ltmp3, $4  }
0x47: {  	v2 =	vshrl.u32 v4, $0x2;
	v6 =	vshll.u32 v7, $0x2;
	v4 =	vshll.u32 v4, $0x7;
	[tilespmem:s16], [sflag:$0x1] =	stream.indirect_vreg.gather [hbm4b:s2+s10], $0x1, v0, vm0, $0x4038;
	[tilespmem:$0x140] =	vst v63  }
0x48: {  	v0 =	vor.u32 v3, v5;
	s16 =	smov.u32 s15;
	v8 =	vmul.u32 $0x9E00, v2;
	v2 =	vand.u32 $0x180, v4  }
0x49: {  	s17 =	sadd.s32 $0x10, s17;
	v9 =	vand.u32 $0xFFFFFE00, v6  }
0x4a: {  	v3 =	vand.u32 $0x7F, v7;
	v6 =	vshrl.u32 v1, $0x2;
	v5 =	vadd.s32 v8, v9;
	(ifvalue) =	ssetifvalue $0x7FFFFFFF;
	v4 =	vmovc v1;
	v1 =	vld.msk [tilespmem:s17+$0x0 ss:$0x1], $0xffff  }
.Ltmp4:
0x4b: {  	_ = 	snop;
	(pc) =	sbr.rel .LBB2_4-.Ltmp4, $1  }
0x4c: {  	_ =	sdelay $0x3  }
.LBB2_6:
0x4d: {  	_ =	sfence.sel $0x180000  }
0x4e: {  	s2 =	simm.s32 $0x2;
	[bflag:$0x0] =	sbarrier.arrive $0xFFFF  }
0x4f: {  	s30 =	simm.s32 $0x3;
	[sflag:s2] =	ssyncpa.u1 $0x1  }
0x50: {  	s31 =	simm.s32 $0x1;
	[sflag:s30] =	ssyncpa.u1 $0x1  }
0x51: {  	[sflag:s31] =	ssyncpa.u1 $0x1  }
0x52: {  	p0 =	sne.s32 s1, $0x0;
	_ =	strace $0x90000065  }
0x53: {  	s0 =	sadd.s32 @!p0 $0x100000, s0;
	[bflag:$0x2] =	sbarrier.arrive $0xFFFF  }
0x54: {  	[sflag:s0] =	ssyncadd.tile.s32 @!p0 $0x1;
	_ =	shalt  }
.Lfunc_end2:
_tile_overlayer_lowered:
.L_overlay_start_2:
0x55: {  	(tag) =	ssettag $0x2  }
0x56: {  	s0 =	rddreg [dreg:$0x0];
	s2 =	stileid.u32  }
0x57: {  	s1 =	rddreg [dreg:$0x1];
	p0 =	sne.s32 s2, $0x0  }
0x58: {  	s3 =	rddreg [dreg:$0x2];
	[bflag:$0x3] =	sbarrier.arrive $0xFFFF;
	s2 =	simm.s32 @!p0 $0x1C01  }
0x59: {  	[timem:s3], [sflag:s2] =	dma.local @!p0 [hbm:s0], s1  }
0x5a: {  	s0 =	simm.s32 @!p0 $0x1  }
0x5b: {  	_ =	swait.ge @!p0 [sflag:s0], s1  }
0x5c: {  	s1 =	ssub.s32 @!p0 $0x0, s1;
	[sflag:s0] =	ssyncset.done @!p0 $0x0  }
0x5d: {  	[sflag:s0] =	ssyncadd.s32 @!p0 s1  }
0x5e: {  	[bflag:$0x3] =	sbarrier.arrive $0xFFFF  }
0x5f: {  	_ =	shalt  }

// kernel: gather_offload_async_start.12
scs
__scs_entry_jumppad:
0x0: {  	(pc) =	sbr.rel $0x88, $3  }
0x1: {  	(tag) =	ssettag $0x0;
	lr =	simm.s32 $0x1  }
0x2: {  	[smem:$0x3F83] =	sst lr;
	_ =	strace $0xD0000000  }
0x3: {  	_ = 	snop  }
0x4: {  	_ = 	snop  }
0x5: {  	_ = 	snop  }
0x6: {  	_ = 	snop  }
0x7: {  	_ = 	snop  }
__scs_overlays_trampoline_lowered:
0x8: {  	[smem:$0x3F92] =	sst s0  }
0x9: {  	[smem:$0x3F93] =	sst s1  }
0xa: {  	[smem:$0x3F94] =	sst s2  }
0xb: {  	[smem:$0x3F95] =	sst s3  }
0xc: {  	[smem:$0x3F96] =	sst s4  }
0xd: {  	[smem:$0x3F97] =	sst s5  }
0xe: {  	[smem:$0x3F98] =	sst s6  }
0xf: {  	[smem:$0x3F99] =	sst s7  }
0x10: {  	[smem:$0x3F9A] =	sst s8  }
0x11: {  	[smem:$0x3F9B] =	sst s9;
	s0 =	simm.s32 @!p0 $0x0  }
0x12: {  	s1 =	sld [smem:$0x3F81];
	s0 =	simm.s32 @p0 $0x1  }
0x13: {  	[smem:$0x3F9C] =	sst s0;
	s0 =	simm.s32 @!p1 $0x0  }
0x14: {  	s2 =	sld [smem:$0x3F80];
	s0 =	simm.s32 @p1 $0x1  }
0x15: {  	[smem:$0x3F9D] =	sst s0;
	s0 =	simm.s32 @!p2 $0x0  }
0x16: {  	s3 =	sld [smem:$0x3FDB];
	s0 =	simm.s32 @p2 $0x1  }
0x17: {  	s4 =	simm.s32 $0x1BF5;
	[smem:$0x3F9F] =	sst s0  }
0x18: {  	s0 =	sld [smem:$0x3F82];
	_ =	swait.ge [sflag:s4], $0x0  }
0x19: {  	s7 =	sld [smem:$0x3F83]  }
0x1a: {  	s8 =	sadd.s32 $0xFFFFE003, lr  }
0x1b: {  	s9 =	sadd.s32 $0xFFFFFEF7, lr;
	s5 =	simm.s32 $0xFFFFFFFF;
	p2 =	slt.u32 s8, $0xFFFFF086  }
0x1c: {  	p1 =	slt.u32 s9, $0xF7A;
	s5 =	simm.s32 @!p2 $0x0  }
0x1d: {  	s5 =	simm.s32 @p1 $0x1;
	p0 =	seq.s32 s7, s2  }
0x1e: {  	s7 =	smul.u32 @!p0 $0xF7A, s2;
	p2 =	seq.s32 @!p0 s5, $0x0  }
0x1f: {  	s9 =	smul.u32 $0xF7A, s1;
	s8 =	simm.s32 @!p0 $0x1BF5;
	p2 =	por !p2, p0  }
0x20: {  	[sflag:s8] =	ssyncset.s32 @!p0 $0xFFFFF086;
	s6 =	sadd.s32 @!p0 s3, s7;
	s7 =	simm.s32 @!p0 $0x108  }
0x21: {  	s3 =	sadd.s32 s3, s9;
	s6 =	sadd.s32 @!p0 $0x88, s6;
	s7 =	simm.s32 @p2 $0x1082  }
0x22: {  	[simem:s7], [sflag:s8] =	dma.local @!p0 [hbm:s6], $0xF7A  }
0x23: {  	s9 =	sor.u32 $0xD0000000, s2;
	s6 =	simm.s32 $0x108;
	_ =	swait.ge @!p0 [sflag:s8], $0x0  }
0x24: {  	s3 =	sadd.s32 $0x88, s3;
	s6 =	simm.s32 @!p1 $0x1082;
	[sflag:s4] =	ssyncset.s32 $0xFFFFF086  }
0x25: {  	[simem:s6], [sflag:s4] =	dma.local [hbm:s3], $0xF7A  }
0x26: {  	[smem:$0x3F83] =	sst s1;
	(tag) =	ssettag s2;
	_ =	strace s9  }
0x27: {  	s1 =	sld [smem:$0x3F93]  }
0x28: {  	s2 =	sld [smem:$0x3F94]  }
0x29: {  	s4 =	sld [smem:$0x3F96]  }
0x2a: {  	p0 =	seq.s32 s5, $0x0;
	s5 =	sld [smem:$0x3F97]  }
0x2b: {  	s6 =	sld [smem:$0x3F98]  }
0x2c: {  	s7 =	sld [smem:$0x3F99]  }
0x2d: {  	s3 =	simm.s32 $0x108;
	s8 =	sld [smem:$0x3F9A]  }
0x2e: {  	s3 =	simm.s32 @!p0 $0x1082;
	s9 =	sld [smem:$0x3F9B]  }
0x2f: {  	lr =	sadd.s32 s0, s3;
	s0 =	sld [smem:$0x3F92]  }
0x30: {  	s3 =	sld [smem:$0x3F95]  }
0x31: {  	[smem:$0x3F9E] =	sst s10  }
0x32: {  	s10 =	sld [smem:$0x3F9C];
	_ =	sdelay $0x3  }
0x33: {  	p0 =	seq.s32 s10, $0x1;
	s10 =	sld [smem:$0x3F9E];
	_ =	sdelay $0x3  }
0x34: {  	[smem:$0x3F9E] =	sst s10  }
0x35: {  	s10 =	sld [smem:$0x3F9D];
	_ =	sdelay $0x3  }
0x36: {  	p1 =	seq.s32 s10, $0x1;
	s10 =	sld [smem:$0x3F9E];
	_ =	sdelay $0x3  }
0x37: {  	[smem:$0x3F9E] =	sst s10  }
0x38: {  	s10 =	sld [smem:$0x3F9F]  }
0x39: {  	_ = 	snop;
	(pc) =	sbr.ind lr, $3  }
0x3a: {  	_ = 	snop  }
0x3b: {  	_ = 	snop  }
0x3c: {  	p2 =	seq.s32 s10, $0x1;
	s10 =	sld [smem:$0x3F9E]  }
0x3d: {  	_ =	shalt  }
0x3e: {  	_ =	shalt  }
0x3f: {  	_ =	shalt  }
0x40: {  	_ =	shalt  }
0x41: {  	_ =	shalt  }
0x42: {  	_ =	shalt  }
0x43: {  	_ =	shalt  }
0x44: {  	_ =	shalt  }
0x45: {  	_ =	shalt  }
0x46: {  	_ =	shalt  }
0x47: {  	_ =	shalt  }
0x48: {  	_ =	shalt  }
0x49: {  	_ =	shalt  }
0x4a: {  	_ =	shalt  }
0x4b: {  	_ =	shalt  }
0x4c: {  	_ =	shalt  }
0x4d: {  	_ =	shalt  }
0x4e: {  	_ =	shalt  }
0x4f: {  	_ =	shalt  }
0x50: {  	_ =	shalt  }
0x51: {  	_ =	shalt  }
0x52: {  	_ =	shalt  }
0x53: {  	_ =	shalt  }
0x54: {  	_ =	shalt  }
0x55: {  	_ =	shalt  }
0x56: {  	_ =	shalt  }
0x57: {  	_ =	shalt  }
0x58: {  	_ =	shalt  }
0x59: {  	_ =	shalt  }
0x5a: {  	_ =	shalt  }
0x5b: {  	_ =	shalt  }
0x5c: {  	_ =	shalt  }
0x5d: {  	_ =	shalt  }
0x5e: {  	_ =	shalt  }
0x5f: {  	_ =	shalt  }
0x60: {  	_ =	shalt  }
0x61: {  	_ =	shalt  }
0x62: {  	_ =	shalt  }
0x63: {  	_ =	shalt  }
0x64: {  	_ =	shalt  }
0x65: {  	_ =	shalt  }
0x66: {  	_ =	shalt  }
0x67: {  	_ =	shalt  }
0x68: {  	_ =	shalt  }
0x69: {  	_ =	shalt  }
0x6a: {  	_ =	shalt  }
0x6b: {  	_ =	shalt  }
0x6c: {  	_ =	shalt  }
0x6d: {  	_ =	shalt  }
0x6e: {  	_ =	shalt  }
0x6f: {  	_ =	shalt  }
0x70: {  	_ =	shalt  }
0x71: {  	_ =	shalt  }
0x72: {  	_ =	shalt  }
0x73: {  	_ =	shalt  }
0x74: {  	_ =	shalt  }
0x75: {  	_ =	shalt  }
0x76: {  	_ =	shalt  }
0x77: {  	_ =	shalt  }
0x78: {  	_ =	shalt  }
0x79: {  	_ =	shalt  }
0x7a: {  	_ =	shalt  }
0x7b: {  	_ =	shalt  }
0x7c: {  	_ =	shalt  }
0x7d: {  	_ =	shalt  }
0x7e: {  	_ =	shalt  }
0x7f: {  	_ =	shalt  }
0x80: {  	_ =	shalt  }
0x81: {  	_ =	shalt  }
0x82: {  	_ =	shalt  }
0x83: {  	_ =	shalt  }
0x84: {  	_ =	shalt  }
0x85: {  	_ =	shalt  }
0x86: {  	_ =	shalt  }
0x87: {  	_ =	shalt  }
.Lfunc_end0:
.L_simem_size_0:
called_computation.12_lowered:
.L_overlay_start_0:
0x88: {  	s2 =	sld [smem:$0x3FD9]  }
0x89: {  	s3 =	sld [smem:$0x3FFE];
	_ =	sdelay $0x1  }
0x8a: {  	s1 =	srdreg.scid  }
0x8b: {  	s0 =	sand.u32 $0x1, s1  }
0x8c: {  	s16 =	sshll.u32 s0, $0xA;
	s2 =	sadd.s32 s3, s2  }
0x8d: {  	s2 =	sadd.s32 s2, s16  }
0x8e: {  	[smem:$0x3FAA] =	sst s2  }
0x8f: {  	_ = 	snop  }
0x90: {  	(tm) =	ssettm $0x1  }
0x91: {  	s17 =	sld [smem:$0x3FFB];
	_ =	sdelay $0x3  }
0x92: {  	_ =	strace s17  }
0x93: {  	s2 =	sld [smem:$0x3FFC];
	_ =	sdelay $0x3  }
0x94: {  	_ =	strace s2  }
0x95: {  	s2 =	sld [smem:$0x3FFD];
	_ =	sdelay $0x3  }
0x96: {  	_ =	strace s2  }
0x97: {  	_ =	strace $0x8FFFFFFF  }
0x98: {  	s18 =	sld [smem:$0x3FDB];
	_ =	sdelay $0x1  }
0x99: {  	s19 =	simm.s32 $_scs_section_size  }
0x9a: {  	s4 =	simm.s32 $_size__tile_overlayer_lowered;
	s5 =	simm.s32 $_tile_overlayer_lowered  }
0x9b: {  	s22 =	simm.s32 $0x1BFF;
	s21 =	sshll.u32 s5, $0x1;
	s2 =	sadd.s32 s19, s18  }
0x9c: {  	s6 =	simm.s32 $0x0;
	s20 =	sshll.u32 s4, $0x1;
	s4 =	sadd.s32 s21, s2  }
0x9d: {  	[timem:s6], [sflag:s22] =	dma.local [hbm:s4], s20  }
0x9e: {  	_ =	swait.ge [sflag:s22], s20  }
0x9f: {  	s3 =	ssub.s32 $0x0, s20;
	[sflag:s22] =	ssyncset.done $0x0  }
0xa0: {  	[sflag:s22] =	ssyncadd.s32 s3;
	_ =	sdelay $0x1  }
0xa1: {  	s23 =	simm.s32 $0x1B8B  }
0xa2: {  	_ =	swait.ge [sflag:s23], $0x1  }
0xa3: {  	[sflag:s23] =	ssyncset.done $0x0  }
0xa4: {  	s25 =	simm.s32 $0x1B8E;
	s24 =	sld [smem:$0x3FFE];
	[sflag:s23] =	ssyncadd.s32 $0xFFFFFFFF  }
0xa5: {  	s26 =	simm.s32 $execute0_lowered;
	[smem:$0x3FD2] =	sst s25  }
0xa6: {  	s4 =	sshll.u32 s26, $0x1;
	_ =	strace $0x8000005E;
	[dreg:$0x1] =	wrdreg $0xFFFFFFFF  }
0xa7: {  	s28 =	simm.s32 $_size_execute0_lowered;
	s2 =	sadd.s32 s2, s4;
	[dreg:$0x0] =	wrdreg $0x0  }
0xa8: {  	s4 =	sshll.u32 s28, $0x1;
	[dreg:$0x2] =	wrdreg s2  }
0xa9: {  	[dreg:$0x3] =	wrdreg s4  }
0xaa: {  	[dreg:$0x4] =	wrdreg $0xC0  }
0xab: {  	_ =	task [dreg:s6], $0x5FFFF  }
0xac: {  	[dreg:$0x1] =	wrdreg $0xFFFFFFFF  }
0xad: {  	[dreg:$0x0] =	wrdreg $0x60  }
0xae: {  	[dreg:$0x2] =	wrdreg s24  }
0xaf: {  	[dreg:$0x3] =	wrdreg $0x9  }
0xb0: {  	_ =	task.clear_ibuf [dreg:s6], $0x4FFFF;
	_ =	strace $0x9000005E  }
0xb1: {  	s29 =	simm.s32 $0x9;
	_ =	strace $0x80000060  }
0xb2: {  	_ =	swait.ge [sflag:s29], $0x1  }
0xb3: {  	[sflag:s29] =	ssyncadd.s32 $0xFFFFFFFF  }
0xb4: {  	_ =	strace $0x90000060  }
0xb5: {  	_ =	sfence  }
0xb6: {  	s30 =	sld [smem:$0x0];
	_ =	sdelay $0x2  }
0xb7: {  	s31 =	sshll.u32 s1, $0xD;
	s1 =	sshrl.u32 s1, $0x2  }
0xb8: {  	s3 =	sand.u32 $0x4000, s31;
	s1 =	sadd.s32 s1, s30  }
0xb9: {  	s0 =	sor.u32 s3, s0;
	s1 =	sshll.u32 s1, $0x11  }
0xba: {  	s0 =	sor.u32 s1, s0  }
0xbb: {  	s0 =	sadd.s32 $0x8F2B, s0  }
0xbc: {  	[sflag:s0] =	ssyncadd.remote.s32 $0x1  }
0xbd: {  	_ =	sfence.sel $0xFFFF  }
0xbe: {  	[dreg:$0x0] =	wrdreg $0xFFFFFFFF;
	(pc) =	sbr.abs _section_cstart, $3  }
0xbf: {  	[dreg:$0x1] =	wrdreg $0xFFFFFFFF  }
0xc0: {  	_ =	task.clear_ibuf [dreg:s6], $0x2FFFF;
	_ =	strace $0x9FFFFFFF  }
0xc1: {  	(tm) =	ssettm $0x7FFFFFFF  }
tec
execute0_lowered:
.L_overlay_start_1:
0x0: {  	(tag) =	ssettag $0x1  }
0x1: {  	s8 =	rddreg [dreg:$0x0];
	s1 =	stileid.u32  }
0x2: {  	s2 =	srdreg.scid;
	s0 =	rddreg [dreg:$0x1]  }
0x3: {  	_ =	strace $0x8000005F;
	s5 =	simm.s32 $0x1;
	s9 =	simm.s32 $0x1  }
0x4: {  	s10 =	simm.s32 $0x3;
	s2 =	sand.u32 $0x1, s2;
	s3 =	sshll.u32 s1, $0x1  }
0x5: {  	s13 =	simm.s32 $0x0;
	s12 =	simm.s32 $0x0;
	s6 =	sor.u32 s3, s2  }
0x6: {  	[sflag:s5] =	ssyncpa.u1 $0x0;
	s2 =	sadd.s32 $0x26C00, s8;
	s4 =	smul.u32 $0x50, s6  }
0x7: {  	s3 =	sadd.s32 $0x10000, s8;
	p0 =	slt.u32 s6, $0x13;
	s6 =	simm.s32 $0xA00  }
.Ltmp0:
0x8: {  	s6 =	simm.s32 @!p0 $0x0;
	s7 =	ssub.s32 $0xFA0, s4;
	(pc) =	sbr.rel .LBB2_1-.Ltmp0, $4  }
0x9: {  	s9 =	simm.s32 @!p0 $0x0;
	p0 =	sne.s32 s7, s6;
	s7 =	simm.s32 $0x1  }
0xa: {  	s8 =	sadd.s32 $0xE800, s8;
	s6 =	simm.s32 $0x2;
	s7 =	simm.s32 @!p0 $0x0  }
0xb: {  	s11 =	smov.u32 s4;
	[sflag:s6] =	ssyncpa.u1 $0x0;
	s7 =	sadd.s32 s9, s7  }
0xc: {  	vm0 =	vmmov $0xffff;
	[sflag:s10] =	ssyncpa.u1 $0x0;
	s10 =	simm.s32 $0x0;
	s9 =	sadd.s32 $0x1, s7  }
.LBB2_4:
0xd: {  	vm1 =	veq.s32 v4, $0x80000000;
	v56 =	vand.u32 $0x3, v4;
	v6 =	vand.u32 $0x3FFF, v6  }
0xe: {  	v2 =	vor.u32 v2, v5;
	v59 =	vshrl.u32 v1, $0x2;
	v60 =	vand.u32 $0x3, v1  }
0xf: {  	v4 =	vsel vm1, $0xFFFFFFFF, v56;
	v6 =	vsel vm1, $0xFFFFFFFF, v6;
	v2 =	vor.u32 v3, v2  }
0x10: {  	vm1 =	veq.s32 v1, $0x80000000;
	v5 =	vand.u32 $0x3FFF, v59;
	v7 =	vshrl.u32 v4, $0x2  }
0x11: {  	v57 =	vshll.u32 v6, $0x2;
	v4 =	vshll.u32 v4, $0x7;
	v1 =	vsel vm1, $0xFFFFFFFF, v60  }
0x12: {  	v5 =	vsel vm1, $0xFFFFFFFF, v5;
	v6 =	vand.u32 $0x7F, v6;
	v7 =	vmul.u32 $0x9E00, v7  }
0x13: {  	v58 =	vand.u32 $0xFFFFFE00, v57;
	v4 =	vand.u32 $0x180, v4;
	v61 =	vshrl.u32 v1, $0x2  }
0x14: {  	v62 =	vshll.u32 v5, $0x2;
	v3 =	vadd.s32 v7, v58;
	v7 =	vmul.u32 $0x9E00, v61  }
0x15: {  	v1 =	vshll.u32 v1, $0x7;
	v3 =	vor.u32 v4, v3;
	v4 =	vand.u32 $0xFFFFFE00, v62  }
0x16: {  	v1 =	vand.u32 $0x180, v1;
	v3 =	vor.u32 v6, v3;
	v4 =	vadd.s32 v7, v4  }
0x17: {  	[tilespmem:s16], [sflag:$0x1] =	stream.indirect_vreg.gather [hbm4b:s2+s10], $0x1, v0, vm0, $0x4038;
	v63 =	vand.u32 $0x7F, v5;
	v1 =	vor.u32 v1, v4;
	[tilespmem:$0x140] =	vst v63  }
0x18: {  	s15 =	sadd.s32 $0x10, s15;
	(ifvalue) =	ssetifvalue $0x7FFFFFFF;
	v0 =	vor.u32 v63, v1  }
0x19: {  	[tilespmem:s15], [sflag:$0x1] =	stream.indirect_vreg.gather [hbm4b:s2+s10], $0x1, v2, vm0, $0x4038;
	[tilespmem:$0x140] =	vst v63  }
0x1a: {  	s15 =	sadd.s32 $0x10, s15;
	(ifvalue) =	ssetifvalue $0x7FFFFFFF  }
0x1b: {  	[tilespmem:s15], [sflag:$0x1] =	stream.indirect_vreg.gather [hbm4b:s2+s10], $0x1, v3, vm0, $0x4038;
	[tilespmem:$0x140] =	vst v63  }
0x1c: {  	s15 =	sadd.s32 $0x10, s15;
	(ifvalue) =	ssetifvalue $0x7FFFFFFF  }
0x1d: {  	[tilespmem:s15], [sflag:$0x1] =	stream.indirect_vreg.gather [hbm4b:s2+s10], $0x1, v0, vm0, $0x4038;
	[tilespmem:$0x140] =	vst v63  }
0x1e: {  	_ =	swait.ge [sflag:s5], $0x50  }
0x1f: {  	s30 =	sshrl.u32 s13, $0x3;
	[sflag:s5] =	ssyncset.done $0x0  }
0x20: {  	s31 =	sand.u32 $0x7, s13;
	s15 =	sadd.s32 s8, s30;
	[sflag:s5] =	ssyncadd.s32 $0xFFFFFFB0  }
0x21: {  	[hbm4b:s15+s31] =	stream.linear.scatter [tilespmem:s14], [sflag:$0x3], $0x50, $0x38;
	[tilespmem:$0x140] =	vst v63  }
.LBB2_5:
0x22: {  	s15 =	sadd.s32 $0xA00, s11  }
0x23: {  	p1 =	sgt.s32 s15, $0xF9F  }
0x24: {  	s15 =	smov.u32 @p1 s4;
	p1 =	sne.s32 s12, s9  }
.Ltmp1:
0x25: {  	p0 =	slt.u32 s12, $0x2;
	(pc) =	sbr.rel @!p1 .LBB2_6-.Ltmp1, $4  }
0x26: {  	s14 =	simm.s32 @!p0 $0x3  }
0x27: {  	_ =	swait.ge @!p0 [sflag:s14], $0x50  }
0x28: {  	s16 =	sadd.s32 $0x1, s12;
	s13 =	smov.u32 s11;
	[sflag:s14] =	ssyncset.done @!p0 $0x0  }
0x29: {  	s12 =	smov.u32 s16;
	s11 =	smov.u32 s15;
	[sflag:s14] =	ssyncadd.s32 @!p0 $0xFFFFFFB0  }
.LBB2_1:
0x2a: {  	p0 =	sge.u32 s12, s7  }
0x2b: {  	s14 =	sxor.u32 @!p0 $0x1, s12  }
0x2c: {  	s14 =	smul.u32 @!p0 $0x140, s14  }
0x2d: {  	s31 =	sadd.s32 $0xFFFFFFFF, s12;
	s15 =	sshrl.u32 @!p0 s11, $0x3  }
0x2e: {  	s16 =	sand.u32 @!p0 $0x7, s11;
	s15 =	sadd.s32 @!p0 s3, s15;
	s14 =	sshra.s32 @!p0 s14, $0x2  }
0x2f: {  	[tilespmem:s14], [sflag:$0x2] =	stream.linear.gather @!p0 [hbm4b:s15+s16], $0x50, $0x38;
	[tilespmem:$0x140] =	vst v63  }
0x30: {  	p0 =	sge.u32 s31, s7  }
.Ltmp2:
0x31: {  	_ = 	snop;
	(pc) =	sbr.rel @p0 .LBB2_5-.Ltmp2, $1  }
0x32: {  	_ =	sdelay $0x3  }
0x33: {  	s14 =	sand.u32 $0x1, s12  }
0x34: {  	_ =	swait.ge [sflag:s6], $0x50;
	p0 =	seq.s32 s14, $0x1;
	s14 =	simm.s32 $0x50  }
0x35: {  	[sflag:s6] =	ssyncset.done $0x0;
	s14 =	simm.s32 @!p0 $0x0  }
0x36: {  	[sflag:s6] =	ssyncadd.s32 $0xFFFFFFB0;
	(ifvalue) =	ssetifvalue $0x7FFFFFFF;
	v0 =	vld.msk [tilespmem:s14+$0x0 ss:$0x1], $0xffff  }
0x37: {  	s15 =	sadd.s32 $0x10, s14  }
0x38: {  	v1 =	vld.msk [tilespmem:s15+$0x0 ss:$0x1], $0xffff;
	_ =	sdelay $0x2  }
0x39: {  	v2 =	vshrl.u32 v0, $0x2  }
0x3a: {  	vm1 =	veq.s32 v0, $0x80000000;
	v0 =	vand.u32 $0x3, v0;
	v2 =	vand.u32 $0x3FFF, v2  }
0x3b: {  	v0 =	vsel vm1, $0xFFFFFFFF, v0;
	v6 =	vshrl.u32 v1, $0x2;
	v2 =	vsel vm1, $0xFFFFFFFF, v2  }
0x3c: {  	v3 =	vshrl.u32 v0, $0x2;
	v0 =	vshll.u32 v0, $0x7;
	vm1 =	veq.s32 v1, $0x80000000  }
0x3d: {  	s15 =	sadd.s32 $0x10, s15;
	v1 =	vand.u32 $0x3, v1;
	v4 =	vshll.u32 v2, $0x2;
	v3 =	vmul.u32 $0x9E00, v3  }
0x3e: {  	v0 =	vand.u32 $0x180, v0;
	v7 =	vand.u32 $0x7F, v2;
	v5 =	vand.u32 $0xFFFFFE00, v4;
	v4 =	vld.msk [tilespmem:s15+$0x0 ss:$0x1], $0xffff  }
0x3f: {  	v1 =	vsel vm1, $0xFFFFFFFF, v1;
	v2 =	vadd.s32 v3, v5;
	v3 =	vand.u32 $0x3FFF, v6  }
0x40: {  	v3 =	vsel vm1, $0xFFFFFFFF, v3;
	v0 =	vor.u32 v0, v2;
	v2 =	vshrl.u32 v1, $0x2  }
0x41: {  	v1 =	vshll.u32 v1, $0x7;
	v5 =	vshll.u32 v3, $0x2;
	v8 =	vmul.u32 $0x9E00, v2  }
0x42: {  	s18 =	simm.s32 $0x30;
	s14 =	sor.u32 $0xA0, s14;
	s17 =	sadd.s32 $0x10, s15;
	v2 =	vand.u32 $0x180, v1;
	v0 =	vor.u32 v7, v0;
	v5 =	vand.u32 $0xFFFFFE00, v5  }
0x43: {  	s16 =	smov.u32 s14;
	s15 =	smov.u32 s14;
	v1 =	vld.msk [tilespmem:s17+$0x0 ss:$0x1], $0xffff;
	v3 =	vand.u32 $0x7F, v3;
	(ifvalue) =	ssetifvalue $0x7FFFFFFF;
	v6 =	vshrl.u32 v4, $0x2;
	v5 =	vadd.s32 v8, v5  }
.LBB2_3:
0x44: {  	s18 =	sadd.s32 $0x10, s18  }
0x45: {  	vm1 =	veq.s32 v4, $0x80000000;
	v4 =	vand.u32 $0x3, v4;
	v6 =	vand.u32 $0x3FFF, v6;
	s15 =	sadd.s32 $0x10, s15;
	p0 =	slt.u32 s18, $0x40  }
.Ltmp3:
0x46: {  	v5 =	vor.u32 v2, v5;
	v4 =	vsel vm1, $0xFFFFFFFF, v4;
	v7 =	vsel vm1, $0xFFFFFFFF, v6;
	(pc) =	sbr.rel @p0 .LBB2_3-.Ltmp3, $4  }
0x47: {  	v2 =	vshrl.u32 v4, $0x2;
	v6 =	vshll.u32 v7, $0x2;
	v4 =	vshll.u32 v4, $0x7;
	[tilespmem:s16], [sflag:$0x1] =	stream.indirect_vreg.gather [hbm4b:s2+s10], $0x1, v0, vm0, $0x4038;
	[tilespmem:$0x140] =	vst v63  }
0x48: {  	v0 =	vor.u32 v3, v5;
	s16 =	smov.u32 s15;
	v8 =	vmul.u32 $0x9E00, v2;
	v2 =	vand.u32 $0x180, v4  }
0x49: {  	s17 =	sadd.s32 $0x10, s17;
	v9 =	vand.u32 $0xFFFFFE00, v6  }
0x4a: {  	v3 =	vand.u32 $0x7F, v7;
	v6 =	vshrl.u32 v1, $0x2;
	v5 =	vadd.s32 v8, v9;
	(ifvalue) =	ssetifvalue $0x7FFFFFFF;
	v4 =	vmovc v1;
	v1 =	vld.msk [tilespmem:s17+$0x0 ss:$0x1], $0xffff  }
.Ltmp4:
0x4b: {  	_ = 	snop;
	(pc) =	sbr.rel .LBB2_4-.Ltmp4, $1  }
0x4c: {  	_ =	sdelay $0x3  }
.LBB2_6:
0x4d: {  	_ =	sfence.sel $0x180000  }
0x4e: {  	s2 =	simm.s32 $0x2;
	[bflag:$0x0] =	sbarrier.arrive $0xFFFF  }
0x4f: {  	s30 =	simm.s32 $0x3;
	[sflag:s2] =	ssyncpa.u1 $0x1  }
0x50: {  	s31 =	simm.s32 $0x1;
	[sflag:s30] =	ssyncpa.u1 $0x1  }
0x51: {  	[sflag:s31] =	ssyncpa.u1 $0x1  }
0x52: {  	p0 =	sne.s32 s1, $0x0;
	_ =	strace $0x9000005F  }
0x53: {  	s0 =	sadd.s32 @!p0 $0x100000, s0;
	[bflag:$0x2] =	sbarrier.arrive $0xFFFF  }
0x54: {  	[sflag:s0] =	ssyncadd.tile.s32 @!p0 $0x1;
	_ =	shalt  }
.Lfunc_end2:
_tile_overlayer_lowered:
.L_overlay_start_2:
0x55: {  	(tag) =	ssettag $0x2  }
0x56: {  	s0 =	rddreg [dreg:$0x0];
	s2 =	stileid.u32  }
0x57: {  	s1 =	rddreg [dreg:$0x1];
	p0 =	sne.s32 s2, $0x0  }
0x58: {  	s3 =	rddreg [dreg:$0x2];
	[bflag:$0x3] =	sbarrier.arrive $0xFFFF;
	s2 =	simm.s32 @!p0 $0x1C01  }
0x59: {  	[timem:s3], [sflag:s2] =	dma.local @!p0 [hbm:s0], s1  }
0x5a: {  	s0 =	simm.s32 @!p0 $0x1  }
0x5b: {  	_ =	swait.ge @!p0 [sflag:s0], s1  }
0x5c: {  	s1 =	ssub.s32 @!p0 $0x0, s1;
	[sflag:s0] =	ssyncset.done @!p0 $0x0  }
0x5d: {  	[sflag:s0] =	ssyncadd.s32 @!p0 s1  }
0x5e: {  	[bflag:$0x3] =	sbarrier.arrive $0xFFFF  }
0x5f: {  	_ =	shalt  }

// kernel: gather_offload_async_start.13
scs
__scs_entry_jumppad:
0x0: {  	(pc) =	sbr.rel $0x88, $3  }
0x1: {  	(tag) =	ssettag $0x0;
	lr =	simm.s32 $0x1  }
0x2: {  	[smem:$0x3F83] =	sst lr;
	_ =	strace $0xD0000000  }
0x3: {  	_ = 	snop  }
0x4: {  	_ = 	snop  }
0x5: {  	_ = 	snop  }
0x6: {  	_ = 	snop  }
0x7: {  	_ = 	snop  }
__scs_overlays_trampoline_lowered:
0x8: {  	[smem:$0x3F92] =	sst s0  }
0x9: {  	[smem:$0x3F93] =	sst s1  }
0xa: {  	[smem:$0x3F94] =	sst s2  }
0xb: {  	[smem:$0x3F95] =	sst s3  }
0xc: {  	[smem:$0x3F96] =	sst s4  }
0xd: {  	[smem:$0x3F97] =	sst s5  }
0xe: {  	[smem:$0x3F98] =	sst s6  }
0xf: {  	[smem:$0x3F99] =	sst s7  }
0x10: {  	[smem:$0x3F9A] =	sst s8  }
0x11: {  	[smem:$0x3F9B] =	sst s9;
	s0 =	simm.s32 @!p0 $0x0  }
0x12: {  	s1 =	sld [smem:$0x3F81];
	s0 =	simm.s32 @p0 $0x1  }
0x13: {  	[smem:$0x3F9C] =	sst s0;
	s0 =	simm.s32 @!p1 $0x0  }
0x14: {  	s2 =	sld [smem:$0x3F80];
	s0 =	simm.s32 @p1 $0x1  }
0x15: {  	[smem:$0x3F9D] =	sst s0;
	s0 =	simm.s32 @!p2 $0x0  }
0x16: {  	s3 =	sld [smem:$0x3FDB];
	s0 =	simm.s32 @p2 $0x1  }
0x17: {  	s4 =	simm.s32 $0x1BF5;
	[smem:$0x3F9F] =	sst s0  }
0x18: {  	s0 =	sld [smem:$0x3F82];
	_ =	swait.ge [sflag:s4], $0x0  }
0x19: {  	s7 =	sld [smem:$0x3F83]  }
0x1a: {  	s8 =	sadd.s32 $0xFFFFE003, lr  }
0x1b: {  	s9 =	sadd.s32 $0xFFFFFEF7, lr;
	s5 =	simm.s32 $0xFFFFFFFF;
	p2 =	slt.u32 s8, $0xFFFFF086  }
0x1c: {  	p1 =	slt.u32 s9, $0xF7A;
	s5 =	simm.s32 @!p2 $0x0  }
0x1d: {  	s5 =	simm.s32 @p1 $0x1;
	p0 =	seq.s32 s7, s2  }
0x1e: {  	s7 =	smul.u32 @!p0 $0xF7A, s2;
	p2 =	seq.s32 @!p0 s5, $0x0  }
0x1f: {  	s9 =	smul.u32 $0xF7A, s1;
	s8 =	simm.s32 @!p0 $0x1BF5;
	p2 =	por !p2, p0  }
0x20: {  	[sflag:s8] =	ssyncset.s32 @!p0 $0xFFFFF086;
	s6 =	sadd.s32 @!p0 s3, s7;
	s7 =	simm.s32 @!p0 $0x108  }
0x21: {  	s3 =	sadd.s32 s3, s9;
	s6 =	sadd.s32 @!p0 $0x88, s6;
	s7 =	simm.s32 @p2 $0x1082  }
0x22: {  	[simem:s7], [sflag:s8] =	dma.local @!p0 [hbm:s6], $0xF7A  }
0x23: {  	s9 =	sor.u32 $0xD0000000, s2;
	s6 =	simm.s32 $0x108;
	_ =	swait.ge @!p0 [sflag:s8], $0x0  }
0x24: {  	s3 =	sadd.s32 $0x88, s3;
	s6 =	simm.s32 @!p1 $0x1082;
	[sflag:s4] =	ssyncset.s32 $0xFFFFF086  }
0x25: {  	[simem:s6], [sflag:s4] =	dma.local [hbm:s3], $0xF7A  }
0x26: {  	[smem:$0x3F83] =	sst s1;
	(tag) =	ssettag s2;
	_ =	strace s9  }
0x27: {  	s1 =	sld [smem:$0x3F93]  }
0x28: {  	s2 =	sld [smem:$0x3F94]  }
0x29: {  	s4 =	sld [smem:$0x3F96]  }
0x2a: {  	p0 =	seq.s32 s5, $0x0;
	s5 =	sld [smem:$0x3F97]  }
0x2b: {  	s6 =	sld [smem:$0x3F98]  }
0x2c: {  	s7 =	sld [smem:$0x3F99]  }
0x2d: {  	s3 =	simm.s32 $0x108;
	s8 =	sld [smem:$0x3F9A]  }
0x2e: {  	s3 =	simm.s32 @!p0 $0x1082;
	s9 =	sld [smem:$0x3F9B]  }
0x2f: {  	lr =	sadd.s32 s0, s3;
	s0 =	sld [smem:$0x3F92]  }
0x30: {  	s3 =	sld [smem:$0x3F95]  }
0x31: {  	[smem:$0x3F9E] =	sst s10  }
0x32: {  	s10 =	sld [smem:$0x3F9C];
	_ =	sdelay $0x3  }
0x33: {  	p0 =	seq.s32 s10, $0x1;
	s10 =	sld [smem:$0x3F9E];
	_ =	sdelay $0x3  }
0x34: {  	[smem:$0x3F9E] =	sst s10  }
0x35: {  	s10 =	sld [smem:$0x3F9D];
	_ =	sdelay $0x3  }
0x36: {  	p1 =	seq.s32 s10, $0x1;
	s10 =	sld [smem:$0x3F9E];
	_ =	sdelay $0x3  }
0x37: {  	[smem:$0x3F9E] =	sst s10  }
0x38: {  	s10 =	sld [smem:$0x3F9F]  }
0x39: {  	_ = 	snop;
	(pc) =	sbr.ind lr, $3  }
0x3a: {  	_ = 	snop  }
0x3b: {  	_ = 	snop  }
0x3c: {  	p2 =	seq.s32 s10, $0x1;
	s10 =	sld [smem:$0x3F9E]  }
0x3d: {  	_ =	shalt  }
0x3e: {  	_ =	shalt  }
0x3f: {  	_ =	shalt  }
0x40: {  	_ =	shalt  }
0x41: {  	_ =	shalt  }
0x42: {  	_ =	shalt  }
0x43: {  	_ =	shalt  }
0x44: {  	_ =	shalt  }
0x45: {  	_ =	shalt  }
0x46: {  	_ =	shalt  }
0x47: {  	_ =	shalt  }
0x48: {  	_ =	shalt  }
0x49: {  	_ =	shalt  }
0x4a: {  	_ =	shalt  }
0x4b: {  	_ =	shalt  }
0x4c: {  	_ =	shalt  }
0x4d: {  	_ =	shalt  }
0x4e: {  	_ =	shalt  }
0x4f: {  	_ =	shalt  }
0x50: {  	_ =	shalt  }
0x51: {  	_ =	shalt  }
0x52: {  	_ =	shalt  }
0x53: {  	_ =	shalt  }
0x54: {  	_ =	shalt  }
0x55: {  	_ =	shalt  }
0x56: {  	_ =	shalt  }
0x57: {  	_ =	shalt  }
0x58: {  	_ =	shalt  }
0x59: {  	_ =	shalt  }
0x5a: {  	_ =	shalt  }
0x5b: {  	_ =	shalt  }
0x5c: {  	_ =	shalt  }
0x5d: {  	_ =	shalt  }
0x5e: {  	_ =	shalt  }
0x5f: {  	_ =	shalt  }
0x60: {  	_ =	shalt  }
0x61: {  	_ =	shalt  }
0x62: {  	_ =	shalt  }
0x63: {  	_ =	shalt  }
0x64: {  	_ =	shalt  }
0x65: {  	_ =	shalt  }
0x66: {  	_ =	shalt  }
0x67: {  	_ =	shalt  }
0x68: {  	_ =	shalt  }
0x69: {  	_ =	shalt  }
0x6a: {  	_ =	shalt  }
0x6b: {  	_ =	shalt  }
0x6c: {  	_ =	shalt  }
0x6d: {  	_ =	shalt  }
0x6e: {  	_ =	shalt  }
0x6f: {  	_ =	shalt  }
0x70: {  	_ =	shalt  }
0x71: {  	_ =	shalt  }
0x72: {  	_ =	shalt  }
0x73: {  	_ =	shalt  }
0x74: {  	_ =	shalt  }
0x75: {  	_ =	shalt  }
0x76: {  	_ =	shalt  }
0x77: {  	_ =	shalt  }
0x78: {  	_ =	shalt  }
0x79: {  	_ =	shalt  }
0x7a: {  	_ =	shalt  }
0x7b: {  	_ =	shalt  }
0x7c: {  	_ =	shalt  }
0x7d: {  	_ =	shalt  }
0x7e: {  	_ =	shalt  }
0x7f: {  	_ =	shalt  }
0x80: {  	_ =	shalt  }
0x81: {  	_ =	shalt  }
0x82: {  	_ =	shalt  }
0x83: {  	_ =	shalt  }
0x84: {  	_ =	shalt  }
0x85: {  	_ =	shalt  }
0x86: {  	_ =	shalt  }
0x87: {  	_ =	shalt  }
.Lfunc_end0:
.L_simem_size_0:
called_computation.13_lowered:
.L_overlay_start_0:
0x88: {  	s2 =	sld [smem:$0x3FD9]  }
0x89: {  	s3 =	sld [smem:$0x3FFE];
	_ =	sdelay $0x1  }
0x8a: {  	s1 =	srdreg.scid  }
0x8b: {  	s0 =	sand.u32 $0x1, s1  }
0x8c: {  	s16 =	sshll.u32 s0, $0xA;
	s2 =	sadd.s32 s3, s2  }
0x8d: {  	s2 =	sadd.s32 s2, s16  }
0x8e: {  	[smem:$0x3FAA] =	sst s2  }
0x8f: {  	_ = 	snop  }
0x90: {  	(tm) =	ssettm $0x1  }
0x91: {  	s17 =	sld [smem:$0x3FFB];
	_ =	sdelay $0x3  }
0x92: {  	_ =	strace s17  }
0x93: {  	s2 =	sld [smem:$0x3FFC];
	_ =	sdelay $0x3  }
0x94: {  	_ =	strace s2  }
0x95: {  	s2 =	sld [smem:$0x3FFD];
	_ =	sdelay $0x3  }
0x96: {  	_ =	strace s2  }
0x97: {  	_ =	strace $0x8FFFFFFF  }
0x98: {  	s18 =	sld [smem:$0x3FDB];
	_ =	sdelay $0x1  }
0x99: {  	s19 =	simm.s32 $_scs_section_size  }
0x9a: {  	s4 =	simm.s32 $_size__tile_overlayer_lowered;
	s5 =	simm.s32 $_tile_overlayer_lowered  }
0x9b: {  	s22 =	simm.s32 $0x1BFF;
	s21 =	sshll.u32 s5, $0x1;
	s2 =	sadd.s32 s19, s18  }
0x9c: {  	s6 =	simm.s32 $0x0;
	s20 =	sshll.u32 s4, $0x1;
	s4 =	sadd.s32 s21, s2  }
0x9d: {  	[timem:s6], [sflag:s22] =	dma.local [hbm:s4], s20  }
0x9e: {  	_ =	swait.ge [sflag:s22], s20  }
0x9f: {  	s3 =	ssub.s32 $0x0, s20;
	[sflag:s22] =	ssyncset.done $0x0  }
0xa0: {  	[sflag:s22] =	ssyncadd.s32 s3;
	_ =	sdelay $0x1  }
0xa1: {  	s23 =	simm.s32 $0x1B8B  }
0xa2: {  	_ =	swait.ge [sflag:s23], $0x1  }
0xa3: {  	[sflag:s23] =	ssyncset.done $0x0  }
0xa4: {  	s25 =	simm.s32 $0x1B8E;
	s24 =	sld [smem:$0x3FFE];
	[sflag:s23] =	ssyncadd.s32 $0xFFFFFFFF  }
0xa5: {  	s26 =	simm.s32 $execute0_lowered;
	[smem:$0x3FD2] =	sst s25  }
0xa6: {  	s4 =	sshll.u32 s26, $0x1;
	_ =	strace $0x8000005B;
	[dreg:$0x1] =	wrdreg $0xFFFFFFFF  }
0xa7: {  	s28 =	simm.s32 $_size_execute0_lowered;
	s2 =	sadd.s32 s2, s4;
	[dreg:$0x0] =	wrdreg $0x0  }
0xa8: {  	s4 =	sshll.u32 s28, $0x1;
	[dreg:$0x2] =	wrdreg s2  }
0xa9: {  	[dreg:$0x3] =	wrdreg s4  }
0xaa: {  	[dreg:$0x4] =	wrdreg $0xC0  }
0xab: {  	_ =	task [dreg:s6], $0x5FFFF  }
0xac: {  	[dreg:$0x1] =	wrdreg $0xFFFFFFFF  }
0xad: {  	[dreg:$0x0] =	wrdreg $0x60  }
0xae: {  	[dreg:$0x2] =	wrdreg s24  }
0xaf: {  	[dreg:$0x3] =	wrdreg $0x9  }
0xb0: {  	_ =	task.clear_ibuf [dreg:s6], $0x4FFFF;
	_ =	strace $0x9000005B  }
0xb1: {  	s29 =	simm.s32 $0x9;
	_ =	strace $0x8000005D  }
0xb2: {  	_ =	swait.ge [sflag:s29], $0x1  }
0xb3: {  	[sflag:s29] =	ssyncadd.s32 $0xFFFFFFFF  }
0xb4: {  	_ =	strace $0x9000005D  }
0xb5: {  	_ =	sfence  }
0xb6: {  	s30 =	sld [smem:$0x0];
	_ =	sdelay $0x2  }
0xb7: {  	s31 =	sshll.u32 s1, $0xD;
	s1 =	sshrl.u32 s1, $0x2  }
0xb8: {  	s3 =	sand.u32 $0x4000, s31;
	s1 =	sadd.s32 s1, s30  }
0xb9: {  	s0 =	sor.u32 s3, s0;
	s1 =	sshll.u32 s1, $0x11  }
0xba: {  	s0 =	sor.u32 s1, s0  }
0xbb: {  	s0 =	sadd.s32 $0x8F2B, s0  }
0xbc: {  	[sflag:s0] =	ssyncadd.remote.s32 $0x1  }
0xbd: {  	_ =	sfence.sel $0xFFFF  }
0xbe: {  	[dreg:$0x0] =	wrdreg $0xFFFFFFFF;
	(pc) =	sbr.abs _section_cstart, $3  }
0xbf: {  	[dreg:$0x1] =	wrdreg $0xFFFFFFFF  }
0xc0: {  	_ =	task.clear_ibuf [dreg:s6], $0x2FFFF;
	_ =	strace $0x9FFFFFFF  }
0xc1: {  	(tm) =	ssettm $0x7FFFFFFF  }
tec
execute0_lowered:
.L_overlay_start_1:
0x0: {  	(tag) =	ssettag $0x1  }
0x1: {  	s8 =	rddreg [dreg:$0x0];
	s1 =	stileid.u32  }
0x2: {  	s2 =	srdreg.scid;
	s0 =	rddreg [dreg:$0x1]  }
0x3: {  	_ =	strace $0x8000005C;
	s5 =	simm.s32 $0x1;
	s9 =	simm.s32 $0x1  }
0x4: {  	s10 =	simm.s32 $0x3;
	s2 =	sand.u32 $0x1, s2;
	s3 =	sshll.u32 s1, $0x1  }
0x5: {  	s13 =	simm.s32 $0x0;
	s12 =	simm.s32 $0x0;
	s6 =	sor.u32 s3, s2  }
0x6: {  	[sflag:s5] =	ssyncpa.u1 $0x0;
	s2 =	sadd.s32 $0x20800, s8;
	s4 =	smul.u32 $0x190, s6  }
0x7: {  	s3 =	sadd.s32 $0x6A00, s8;
	p0 =	slt.u32 s6, $0x9;
	s6 =	simm.s32 $0x3200  }
.Ltmp0:
0x8: {  	s6 =	simm.s32 @!p0 $0x0;
	s7 =	ssub.s32 $0x3E80, s4;
	(pc) =	sbr.rel .LBB2_1-.Ltmp0, $4  }
0x9: {  	s9 =	simm.s32 @!p0 $0x0;
	p0 =	sne.s32 s7, s6;
	s7 =	simm.s32 $0x1  }
0xa: {  	s8 =	sadd.s32 $0x7A00, s8;
	s6 =	simm.s32 $0x2;
	s7 =	simm.s32 @!p0 $0x0  }
0xb: {  	s11 =	smov.u32 s4;
	[sflag:s6] =	ssyncpa.u1 $0x0;
	s7 =	sadd.s32 s9, s7  }
0xc: {  	vm0 =	vmmov $0xffff;
	[sflag:s10] =	ssyncpa.u1 $0x0;
	s10 =	simm.s32 $0x0;
	s9 =	sadd.s32 $0x1, s7  }
.LBB2_4:
0xd: {  	v6 =	vand.u32 $0x7F, v3;
	v4 =	vsel vm1, $0xFFFF6200, v4  }
0xe: {  	v5 =	vmul.u32 $0x9E00, v5;
	vm1 =	vmmov vm2;
	v56 =	vshll.u32 v3, $0x2  }
0xf: {  	v7 =	vand.u32 $0x3, v1;
	v2 =	vshll.u32 v2, $0x7;
	v57 =	vshrl.u32 v1, $0x2  }
0x10: {  	v58 =	vshrl.u32 v1, $0x4;
	v4 =	vor.u32 v4, v6;
	v3 =	vand.u32 $0xFFFFFE00, v56  }
0x11: {  	v2 =	vand.u32 $0x180, v2;
	v4 =	vadd.s32 v5, v4;
	v5 =	vand.u32 $0x3, v57  }
0x12: {  	v1 =	vand.u32 $0x3FFF, v58;
	v59 =	vmul.u32 $0x9E00, v7;
	v5 =	vsel vm1, $0xFFFFFFFF, v5  }
0x13: {  	v1 =	vsel vm1, $0xFFFFFFFF, v1;
	v3 =	vadd.s32 v3, v4;
	v60 =	vshrl.u32 v5, $0x2  }
0x14: {  	v61 =	vand.u32 $0x7F, v1;
	v6 =	vsel vm1, $0xFFFF6200, v59;
	v4 =	vmul.u32 $0x9E00, v60  }
0x15: {  	v1 =	vshll.u32 v1, $0x2;
	v2 =	vor.u32 v2, v3;
	v62 =	vor.u32 v6, v61  }
0x16: {  	v1 =	vand.u32 $0xFFFFFE00, v1;
	v5 =	vshll.u32 v5, $0x7;
	v3 =	vadd.s32 v4, v62  }
0x17: {  	v63 =	vand.u32 $0x180, v5;
	v1 =	vadd.s32 v1, v3  }
0x18: {  	(ifvalue) =	ssetifvalue $0x7FFFFFFF;
	s15 =	sadd.s32 $0x10, s15;
	v1 =	vor.u32 v63, v1  }
0x19: {  	[tilespmem:s15], [sflag:$0x1] =	stream.indirect_vreg.gather [hbm4b:s2+s10], $0x1, v0, vm0, $0x4038;
	[tilespmem:$0x640] =	vst v63  }
0x1a: {  	(ifvalue) =	ssetifvalue $0x7FFFFFFF;
	s15 =	sadd.s32 $0x10, s15  }
0x1b: {  	[tilespmem:s15], [sflag:$0x1] =	stream.indirect_vreg.gather [hbm4b:s2+s10], $0x1, v2, vm0, $0x4038;
	[tilespmem:$0x640] =	vst v63  }
0x1c: {  	(ifvalue) =	ssetifvalue $0x7FFFFFFF;
	s15 =	sadd.s32 $0x10, s15  }
0x1d: {  	[tilespmem:s15], [sflag:$0x1] =	stream.indirect_vreg.gather [hbm4b:s2+s10], $0x1, v1, vm0, $0x4038;
	[tilespmem:$0x640] =	vst v63  }
0x1e: {  	_ =	swait.ge [sflag:s5], $0x190  }
0x1f: {  	s30 =	sshrl.u32 s13, $0x3;
	[sflag:s5] =	ssyncset.done $0x0  }
0x20: {  	s31 =	sand.u32 $0x7, s13;
	s15 =	sadd.s32 s8, s30;
	[sflag:s5] =	ssyncadd.s32 $0xFFFFFE70  }
0x21: {  	[hbm4b:s15+s31] =	stream.linear.scatter [tilespmem:s14], [sflag:$0x3], $0x190, $0x38;
	[tilespmem:$0x640] =	vst v63  }
.LBB2_5:
0x22: {  	s15 =	sadd.s32 $0x3200, s11  }
0x23: {  	p1 =	sgt.s32 s15, $0x3E7F  }
0x24: {  	s15 =	smov.u32 @p1 s4;
	p1 =	sne.s32 s12, s9  }
.Ltmp1:
0x25: {  	p0 =	slt.u32 s12, $0x2;
	(pc) =	sbr.rel @!p1 .LBB2_6-.Ltmp1, $4  }
0x26: {  	s14 =	simm.s32 @!p0 $0x3  }
0x27: {  	_ =	swait.ge @!p0 [sflag:s14], $0x190  }
0x28: {  	s16 =	sadd.s32 $0x1, s12;
	s13 =	smov.u32 s11;
	[sflag:s14] =	ssyncset.done @!p0 $0x0  }
0x29: {  	s12 =	smov.u32 s16;
	s11 =	smov.u32 s15;
	[sflag:s14] =	ssyncadd.s32 @!p0 $0xFFFFFE70  }
.LBB2_1:
0x2a: {  	p0 =	sge.u32 s12, s7  }
0x2b: {  	s14 =	sxor.u32 @!p0 $0x1, s12  }
0x2c: {  	s14 =	smul.u32 @!p0 $0x640, s14  }
0x2d: {  	s31 =	sadd.s32 $0xFFFFFFFF, s12;
	s15 =	sshrl.u32 @!p0 s11, $0x3  }
0x2e: {  	s16 =	sand.u32 @!p0 $0x7, s11;
	s15 =	sadd.s32 @!p0 s3, s15;
	s14 =	sshra.s32 @!p0 s14, $0x2  }
0x2f: {  	[tilespmem:s14], [sflag:$0x2] =	stream.linear.gather @!p0 [hbm4b:s15+s16], $0x190, $0x38;
	[tilespmem:$0x640] =	vst v63  }
0x30: {  	p0 =	sge.u32 s31, s7  }
.Ltmp2:
0x31: {  	_ = 	snop;
	(pc) =	sbr.rel @p0 .LBB2_5-.Ltmp2, $1  }
0x32: {  	_ =	sdelay $0x3  }
0x33: {  	s14 =	sand.u32 $0x1, s12  }
0x34: {  	_ =	swait.ge [sflag:s6], $0x190;
	p0 =	seq.s32 s14, $0x1;
	s14 =	simm.s32 $0x190  }
0x35: {  	[sflag:s6] =	ssyncset.done $0x0;
	s14 =	simm.s32 @!p0 $0x0  }
0x36: {  	[sflag:s6] =	ssyncadd.s32 $0xFFFFFE70;
	(ifvalue) =	ssetifvalue $0x7FFFFFFF;
	v0 =	vld.msk [tilespmem:s14+$0x0 ss:$0x1], $0xffff;
	_ =	sdelay $0x1  }
0x37: {  	s15 =	sadd.s32 $0x10, s14  }
0x38: {  	v1 =	vld.msk [tilespmem:s15+$0x0 ss:$0x1], $0xffff;
	s15 =	sadd.s32 $0x10, s15  }
0x39: {  	v6 =	vld.msk [tilespmem:s15+$0x0 ss:$0x1], $0xffff  }
0x3a: {  	vm1 =	veq.s32 v0, $0x80000000;
	v2 =	vand.u32 $0x3, v0  }
0x3b: {  	v3 =	vshrl.u32 v0, $0x2;
	v0 =	vshrl.u32 v0, $0x4;
	vm1 =	vmmov vm1  }
0x3c: {  	v3 =	vand.u32 $0x3, v3;
	v0 =	vand.u32 $0x3FFF, v0;
	v2 =	vmul.u32 $0x9E00, v2  }
0x3d: {  	vm2 =	veq.s32 v1, $0x80000000;
	v7 =	vand.u32 $0x3, v1;
	v3 =	vsel vm1, $0xFFFFFFFF, v3  }
0x3e: {  	v0 =	vsel vm1, $0xFFFFFFFF, v0;
	v8 =	vand.u32 $0x3, v6;
	v4 =	vshrl.u32 v3, $0x2  }
0x3f: {  	v5 =	vand.u32 $0x7F, v0;
	v2 =	vsel vm1, $0xFFFF6200, v2;
	vm1 =	vmmov vm2  }
0x40: {  	v0 =	vshll.u32 v0, $0x2;
	v3 =	vshll.u32 v3, $0x7;
	v4 =	vmul.u32 $0x9E00, v4  }
0x41: {  	v2 =	vor.u32 v2, v5;
	v0 =	vand.u32 $0xFFFFFE00, v0;
	v3 =	vand.u32 $0x180, v3  }
0x42: {  	v2 =	vadd.s32 v4, v2;
	v4 =	vshrl.u32 v1, $0x2;
	v1 =	vshrl.u32 v1, $0x4  }
0x43: {  	v0 =	vadd.s32 v0, v2;
	v2 =	vand.u32 $0x3, v4;
	v1 =	vand.u32 $0x3FFF, v1  }
0x44: {  	v0 =	vor.u32 v3, v0;
	v2 =	vsel vm1, $0xFFFFFFFF, v2;
	v3 =	vmul.u32 $0x9E00, v7  }
0x45: {  	vm2 =	veq.s32 v6, $0x80000000;
	v4 =	vsel vm1, $0xFFFFFFFF, v1;
	v1 =	vshrl.u32 v2, $0x2  }
0x46: {  	s15 =	sadd.s32 $0x10, s15;
	v5 =	vand.u32 $0x7F, v4;
	v3 =	vsel vm1, $0xFFFF6200, v3;
	v7 =	vmul.u32 $0x9E00, v1  }
0x47: {  	v4 =	vshll.u32 v4, $0x2;
	v2 =	vshll.u32 v2, $0x7;
	v1 =	vld.msk [tilespmem:s15+$0x0 ss:$0x1], $0xffff;
	v3 =	vor.u32 v3, v5  }
0x48: {  	vm1 =	vmmov vm2;
	v4 =	vand.u32 $0xFFFFFE00, v4;
	v3 =	vadd.s32 v7, v3  }
0x49: {  	s14 =	sadd.s32 $0x320, s14;
	(ifvalue) =	ssetifvalue $0x7FFFFFFF;
	v2 =	vand.u32 $0x180, v2;
	v5 =	vshrl.u32 v6, $0x2;
	v3 =	vadd.s32 v4, v3  }
0x4a: {  	[tilespmem:s14], [sflag:$0x1] =	stream.indirect_vreg.gather [hbm4b:s2+s10], $0x1, v0, vm0, $0x4038;
	v4 =	vand.u32 $0x3, v5;
	v5 =	vshrl.u32 v6, $0x4;
	v0 =	vor.u32 v2, v3;
	[tilespmem:$0x640] =	vst v63  }
0x4b: {  	v2 =	vsel vm1, $0xFFFFFFFF, v4;
	v3 =	vand.u32 $0x3FFF, v5;
	v4 =	vmul.u32 $0x9E00, v8  }
0x4c: {  	s16 =	simm.s32 $0x30;
	s17 =	sadd.s32 $0x10, s15;
	s15 =	smov.u32 s14;
	vm2 =	veq.s32 v1, $0x80000000;
	v3 =	vsel vm1, $0xFFFFFFFF, v3;
	v5 =	vshrl.u32 v2, $0x2  }
.LBB2_3:
0x4d: {  	v7 =	vand.u32 $0x7F, v3  }
0x4e: {  	v6 =	vld.msk [tilespmem:s17+$0x0 ss:$0x1], $0xffff;
	v4 =	vsel vm1, $0xFFFF6200, v4;
	v5 =	vmul.u32 $0x9E00, v5;
	vm1 =	vmmov vm2;
	s16 =	sadd.s32 $0x10, s16  }
0x4f: {  	v8 =	vand.u32 $0x3, v1;
	v3 =	vshll.u32 v3, $0x2;
	s15 =	sadd.s32 $0x10, s15;
	v4 =	vor.u32 v4, v7;
	(ifvalue) =	ssetifvalue $0x7FFFFFFF;
	p0 =	slt.u32 s16, $0x180  }
0x50: {  	[tilespmem:s15], [sflag:$0x1] =	stream.indirect_vreg.gather [hbm4b:s2+s10], $0x1, v0, vm0, $0x4038;
	[tilespmem:$0x640] =	vst v63  }
.Ltmp3:
0x51: {  	v2 =	vshll.u32 v2, $0x7;
	v3 =	vand.u32 $0xFFFFFE00, v3;
	v4 =	vadd.s32 v5, v4;
	(pc) =	sbr.rel @p0 .LBB2_3-.Ltmp3, $4  }
0x52: {  	v2 =	vand.u32 $0x180, v2;
	v0 =	vshrl.u32 v1, $0x2;
	v3 =	vadd.s32 v3, v4  }
0x53: {  	v9 =	vshrl.u32 v1, $0x4;
	v4 =	vand.u32 $0x3, v0;
	v0 =	vor.u32 v2, v3  }
0x54: {  	v7 =	vand.u32 $0x3FFF, v9;
	v2 =	vsel vm1, $0xFFFFFFFF, v4;
	v4 =	vmul.u32 $0x9E00, v8  }
0x55: {  	s17 =	sadd.s32 $0x10, s17;
	v3 =	vsel vm1, $0xFFFFFFFF, v7;
	vm2 =	veq.s32 v6, $0x80000000;
	v5 =	vshrl.u32 v2, $0x2;
	v1 =	vmovc v6  }
.Ltmp4:
0x56: {  	_ = 	snop;
	(pc) =	sbr.rel .LBB2_4-.Ltmp4, $1  }
0x57: {  	_ =	sdelay $0x3  }
.LBB2_6:
0x58: {  	_ =	sfence.sel $0x180000  }
0x59: {  	s2 =	simm.s32 $0x2;
	[bflag:$0x0] =	sbarrier.arrive $0xFFFF  }
0x5a: {  	s30 =	simm.s32 $0x3;
	[sflag:s2] =	ssyncpa.u1 $0x1  }
0x5b: {  	s31 =	simm.s32 $0x1;
	[sflag:s30] =	ssyncpa.u1 $0x1  }
0x5c: {  	[sflag:s31] =	ssyncpa.u1 $0x1  }
0x5d: {  	p0 =	sne.s32 s1, $0x0;
	_ =	strace $0x9000005C  }
0x5e: {  	s0 =	sadd.s32 @!p0 $0x100000, s0;
	[bflag:$0x2] =	sbarrier.arrive $0xFFFF  }
0x5f: {  	[sflag:s0] =	ssyncadd.tile.s32 @!p0 $0x1;
	_ =	shalt  }
.Lfunc_end2:
_tile_overlayer_lowered:
.L_overlay_start_2:
0x60: {  	(tag) =	ssettag $0x2  }
0x61: {  	s0 =	rddreg [dreg:$0x0];
	s2 =	stileid.u32  }
0x62: {  	s1 =	rddreg [dreg:$0x1];
	p0 =	sne.s32 s2, $0x0  }
0x63: {  	s3 =	rddreg [dreg:$0x2];
	[bflag:$0x3] =	sbarrier.arrive $0xFFFF;
	s2 =	simm.s32 @!p0 $0x1C01  }
0x64: {  	[timem:s3], [sflag:s2] =	dma.local @!p0 [hbm:s0], s1  }
0x65: {  	s0 =	simm.s32 @!p0 $0x1  }
0x66: {  	_ =	swait.ge @!p0 [sflag:s0], s1  }
0x67: {  	s1 =	ssub.s32 @!p0 $0x0, s1;
	[sflag:s0] =	ssyncset.done @!p0 $0x0  }
0x68: {  	[sflag:s0] =	ssyncadd.s32 @!p0 s1  }
0x69: {  	[bflag:$0x3] =	sbarrier.arrive $0xFFFF  }
0x6a: {  	_ =	shalt  }

// kernel: gather_offload_async_start.14
scs
__scs_entry_jumppad:
0x0: {  	(pc) =	sbr.rel $0x88, $3  }
0x1: {  	(tag) =	ssettag $0x0;
	lr =	simm.s32 $0x1  }
0x2: {  	[smem:$0x3F83] =	sst lr;
	_ =	strace $0xD0000000  }
0x3: {  	_ = 	snop  }
0x4: {  	_ = 	snop  }
0x5: {  	_ = 	snop  }
0x6: {  	_ = 	snop  }
0x7: {  	_ = 	snop  }
__scs_overlays_trampoline_lowered:
0x8: {  	[smem:$0x3F92] =	sst s0  }
0x9: {  	[smem:$0x3F93] =	sst s1  }
0xa: {  	[smem:$0x3F94] =	sst s2  }
0xb: {  	[smem:$0x3F95] =	sst s3  }
0xc: {  	[smem:$0x3F96] =	sst s4  }
0xd: {  	[smem:$0x3F97] =	sst s5  }
0xe: {  	[smem:$0x3F98] =	sst s6  }
0xf: {  	[smem:$0x3F99] =	sst s7  }
0x10: {  	[smem:$0x3F9A] =	sst s8  }
0x11: {  	[smem:$0x3F9B] =	sst s9;
	s0 =	simm.s32 @!p0 $0x0  }
0x12: {  	s1 =	sld [smem:$0x3F81];
	s0 =	simm.s32 @p0 $0x1  }
0x13: {  	[smem:$0x3F9C] =	sst s0;
	s0 =	simm.s32 @!p1 $0x0  }
0x14: {  	s2 =	sld [smem:$0x3F80];
	s0 =	simm.s32 @p1 $0x1  }
0x15: {  	[smem:$0x3F9D] =	sst s0;
	s0 =	simm.s32 @!p2 $0x0  }
0x16: {  	s3 =	sld [smem:$0x3FDB];
	s0 =	simm.s32 @p2 $0x1  }
0x17: {  	s4 =	simm.s32 $0x1BF5;
	[smem:$0x3F9F] =	sst s0  }
0x18: {  	s0 =	sld [smem:$0x3F82];
	_ =	swait.ge [sflag:s4], $0x0  }
0x19: {  	s7 =	sld [smem:$0x3F83]  }
0x1a: {  	s8 =	sadd.s32 $0xFFFFE003, lr  }
0x1b: {  	s9 =	sadd.s32 $0xFFFFFEF7, lr;
	s5 =	simm.s32 $0xFFFFFFFF;
	p2 =	slt.u32 s8, $0xFFFFF086  }
0x1c: {  	p1 =	slt.u32 s9, $0xF7A;
	s5 =	simm.s32 @!p2 $0x0  }
0x1d: {  	s5 =	simm.s32 @p1 $0x1;
	p0 =	seq.s32 s7, s2  }
0x1e: {  	s7 =	smul.u32 @!p0 $0xF7A, s2;
	p2 =	seq.s32 @!p0 s5, $0x0  }
0x1f: {  	s9 =	smul.u32 $0xF7A, s1;
	s8 =	simm.s32 @!p0 $0x1BF5;
	p2 =	por !p2, p0  }
0x20: {  	[sflag:s8] =	ssyncset.s32 @!p0 $0xFFFFF086;
	s6 =	sadd.s32 @!p0 s3, s7;
	s7 =	simm.s32 @!p0 $0x108  }
0x21: {  	s3 =	sadd.s32 s3, s9;
	s6 =	sadd.s32 @!p0 $0x88, s6;
	s7 =	simm.s32 @p2 $0x1082  }
0x22: {  	[simem:s7], [sflag:s8] =	dma.local @!p0 [hbm:s6], $0xF7A  }
0x23: {  	s9 =	sor.u32 $0xD0000000, s2;
	s6 =	simm.s32 $0x108;
	_ =	swait.ge @!p0 [sflag:s8], $0x0  }
0x24: {  	s3 =	sadd.s32 $0x88, s3;
	s6 =	simm.s32 @!p1 $0x1082;
	[sflag:s4] =	ssyncset.s32 $0xFFFFF086  }
0x25: {  	[simem:s6], [sflag:s4] =	dma.local [hbm:s3], $0xF7A  }
0x26: {  	[smem:$0x3F83] =	sst s1;
	(tag) =	ssettag s2;
	_ =	strace s9  }
0x27: {  	s1 =	sld [smem:$0x3F93]  }
0x28: {  	s2 =	sld [smem:$0x3F94]  }
0x29: {  	s4 =	sld [smem:$0x3F96]  }
0x2a: {  	p0 =	seq.s32 s5, $0x0;
	s5 =	sld [smem:$0x3F97]  }
0x2b: {  	s6 =	sld [smem:$0x3F98]  }
0x2c: {  	s7 =	sld [smem:$0x3F99]  }
0x2d: {  	s3 =	simm.s32 $0x108;
	s8 =	sld [smem:$0x3F9A]  }
0x2e: {  	s3 =	simm.s32 @!p0 $0x1082;
	s9 =	sld [smem:$0x3F9B]  }
0x2f: {  	lr =	sadd.s32 s0, s3;
	s0 =	sld [smem:$0x3F92]  }
0x30: {  	s3 =	sld [smem:$0x3F95]  }
0x31: {  	[smem:$0x3F9E] =	sst s10  }
0x32: {  	s10 =	sld [smem:$0x3F9C];
	_ =	sdelay $0x3  }
0x33: {  	p0 =	seq.s32 s10, $0x1;
	s10 =	sld [smem:$0x3F9E];
	_ =	sdelay $0x3  }
0x34: {  	[smem:$0x3F9E] =	sst s10  }
0x35: {  	s10 =	sld [smem:$0x3F9D];
	_ =	sdelay $0x3  }
0x36: {  	p1 =	seq.s32 s10, $0x1;
	s10 =	sld [smem:$0x3F9E];
	_ =	sdelay $0x3  }
0x37: {  	[smem:$0x3F9E] =	sst s10  }
0x38: {  	s10 =	sld [smem:$0x3F9F]  }
0x39: {  	_ = 	snop;
	(pc) =	sbr.ind lr, $3  }
0x3a: {  	_ = 	snop  }
0x3b: {  	_ = 	snop  }
0x3c: {  	p2 =	seq.s32 s10, $0x1;
	s10 =	sld [smem:$0x3F9E]  }
0x3d: {  	_ =	shalt  }
0x3e: {  	_ =	shalt  }
0x3f: {  	_ =	shalt  }
0x40: {  	_ =	shalt  }
0x41: {  	_ =	shalt  }
0x42: {  	_ =	shalt  }
0x43: {  	_ =	shalt  }
0x44: {  	_ =	shalt  }
0x45: {  	_ =	shalt  }
0x46: {  	_ =	shalt  }
0x47: {  	_ =	shalt  }
0x48: {  	_ =	shalt  }
0x49: {  	_ =	shalt  }
0x4a: {  	_ =	shalt  }
0x4b: {  	_ =	shalt  }
0x4c: {  	_ =	shalt  }
0x4d: {  	_ =	shalt  }
0x4e: {  	_ =	shalt  }
0x4f: {  	_ =	shalt  }
0x50: {  	_ =	shalt  }
0x51: {  	_ =	shalt  }
0x52: {  	_ =	shalt  }
0x53: {  	_ =	shalt  }
0x54: {  	_ =	shalt  }
0x55: {  	_ =	shalt  }
0x56: {  	_ =	shalt  }
0x57: {  	_ =	shalt  }
0x58: {  	_ =	shalt  }
0x59: {  	_ =	shalt  }
0x5a: {  	_ =	shalt  }
0x5b: {  	_ =	shalt  }
0x5c: {  	_ =	shalt  }
0x5d: {  	_ =	shalt  }
0x5e: {  	_ =	shalt  }
0x5f: {  	_ =	shalt  }
0x60: {  	_ =	shalt  }
0x61: {  	_ =	shalt  }
0x62: {  	_ =	shalt  }
0x63: {  	_ =	shalt  }
0x64: {  	_ =	shalt  }
0x65: {  	_ =	shalt  }
0x66: {  	_ =	shalt  }
0x67: {  	_ =	shalt  }
0x68: {  	_ =	shalt  }
0x69: {  	_ =	shalt  }
0x6a: {  	_ =	shalt  }
0x6b: {  	_ =	shalt  }
0x6c: {  	_ =	shalt  }
0x6d: {  	_ =	shalt  }
0x6e: {  	_ =	shalt  }
0x6f: {  	_ =	shalt  }
0x70: {  	_ =	shalt  }
0x71: {  	_ =	shalt  }
0x72: {  	_ =	shalt  }
0x73: {  	_ =	shalt  }
0x74: {  	_ =	shalt  }
0x75: {  	_ =	shalt  }
0x76: {  	_ =	shalt  }
0x77: {  	_ =	shalt  }
0x78: {  	_ =	shalt  }
0x79: {  	_ =	shalt  }
0x7a: {  	_ =	shalt  }
0x7b: {  	_ =	shalt  }
0x7c: {  	_ =	shalt  }
0x7d: {  	_ =	shalt  }
0x7e: {  	_ =	shalt  }
0x7f: {  	_ =	shalt  }
0x80: {  	_ =	shalt  }
0x81: {  	_ =	shalt  }
0x82: {  	_ =	shalt  }
0x83: {  	_ =	shalt  }
0x84: {  	_ =	shalt  }
0x85: {  	_ =	shalt  }
0x86: {  	_ =	shalt  }
0x87: {  	_ =	shalt  }
.Lfunc_end0:
.L_simem_size_0:
called_computation.14_lowered:
.L_overlay_start_0:
0x88: {  	s2 =	sld [smem:$0x3FD9]  }
0x89: {  	s3 =	sld [smem:$0x3FFE];
	_ =	sdelay $0x1  }
0x8a: {  	s1 =	srdreg.scid  }
0x8b: {  	s0 =	sand.u32 $0x1, s1  }
0x8c: {  	s16 =	sshll.u32 s0, $0xA;
	s2 =	sadd.s32 s3, s2  }
0x8d: {  	s2 =	sadd.s32 s2, s16  }
0x8e: {  	[smem:$0x3FAA] =	sst s2  }
0x8f: {  	_ = 	snop  }
0x90: {  	(tm) =	ssettm $0x1  }
0x91: {  	s17 =	sld [smem:$0x3FFB];
	_ =	sdelay $0x3  }
0x92: {  	_ =	strace s17  }
0x93: {  	s2 =	sld [smem:$0x3FFC];
	_ =	sdelay $0x3  }
0x94: {  	_ =	strace s2  }
0x95: {  	s2 =	sld [smem:$0x3FFD];
	_ =	sdelay $0x3  }
0x96: {  	_ =	strace s2  }
0x97: {  	_ =	strace $0x8FFFFFFF  }
0x98: {  	s18 =	sld [smem:$0x3FDB];
	_ =	sdelay $0x1  }
0x99: {  	s19 =	simm.s32 $_scs_section_size  }
0x9a: {  	s4 =	simm.s32 $_size__tile_overlayer_lowered;
	s5 =	simm.s32 $_tile_overlayer_lowered  }
0x9b: {  	s22 =	simm.s32 $0x1BFF;
	s21 =	sshll.u32 s5, $0x1;
	s2 =	sadd.s32 s19, s18  }
0x9c: {  	s6 =	simm.s32 $0x0;
	s20 =	sshll.u32 s4, $0x1;
	s4 =	sadd.s32 s21, s2  }
0x9d: {  	[timem:s6], [sflag:s22] =	dma.local [hbm:s4], s20  }
0x9e: {  	_ =	swait.ge [sflag:s22], s20  }
0x9f: {  	s3 =	ssub.s32 $0x0, s20;
	[sflag:s22] =	ssyncset.done $0x0  }
0xa0: {  	[sflag:s22] =	ssyncadd.s32 s3;
	_ =	sdelay $0x1  }
0xa1: {  	s23 =	simm.s32 $0x1B8B  }
0xa2: {  	_ =	swait.ge [sflag:s23], $0x1  }
0xa3: {  	[sflag:s23] =	ssyncset.done $0x0  }
0xa4: {  	s25 =	simm.s32 $0x1B8E;
	s24 =	sld [smem:$0x3FFE];
	[sflag:s23] =	ssyncadd.s32 $0xFFFFFFFF  }
0xa5: {  	s26 =	simm.s32 $execute0_lowered;
	[smem:$0x3FD2] =	sst s25  }
0xa6: {  	s4 =	sshll.u32 s26, $0x1;
	_ =	strace $0x80000055;
	[dreg:$0x1] =	wrdreg $0xFFFFFFFF  }
0xa7: {  	s28 =	simm.s32 $_size_execute0_lowered;
	s2 =	sadd.s32 s2, s4;
	[dreg:$0x0] =	wrdreg $0x0  }
0xa8: {  	s4 =	sshll.u32 s28, $0x1;
	[dreg:$0x2] =	wrdreg s2  }
0xa9: {  	[dreg:$0x3] =	wrdreg s4  }
0xaa: {  	[dreg:$0x4] =	wrdreg $0xC0  }
0xab: {  	_ =	task [dreg:s6], $0x5FFFF  }
0xac: {  	[dreg:$0x1] =	wrdreg $0xFFFFFFFF  }
0xad: {  	[dreg:$0x0] =	wrdreg $0x60  }
0xae: {  	[dreg:$0x2] =	wrdreg s24  }
0xaf: {  	[dreg:$0x3] =	wrdreg $0x9  }
0xb0: {  	_ =	task.clear_ibuf [dreg:s6], $0x4FFFF;
	_ =	strace $0x90000055  }
0xb1: {  	s29 =	simm.s32 $0x9;
	_ =	strace $0x80000057  }
0xb2: {  	_ =	swait.ge [sflag:s29], $0x1  }
0xb3: {  	[sflag:s29] =	ssyncadd.s32 $0xFFFFFFFF  }
0xb4: {  	_ =	strace $0x90000057  }
0xb5: {  	_ =	sfence  }
0xb6: {  	s30 =	sld [smem:$0x0];
	_ =	sdelay $0x2  }
0xb7: {  	s31 =	sshll.u32 s1, $0xD;
	s1 =	sshrl.u32 s1, $0x2  }
0xb8: {  	s3 =	sand.u32 $0x4000, s31;
	s1 =	sadd.s32 s1, s30  }
0xb9: {  	s0 =	sor.u32 s3, s0;
	s1 =	sshll.u32 s1, $0x11  }
0xba: {  	s0 =	sor.u32 s1, s0  }
0xbb: {  	s0 =	sadd.s32 $0x8F2B, s0  }
0xbc: {  	[sflag:s0] =	ssyncadd.remote.s32 $0x1  }
0xbd: {  	_ =	sfence.sel $0xFFFF  }
0xbe: {  	[dreg:$0x0] =	wrdreg $0xFFFFFFFF;
	(pc) =	sbr.abs _section_cstart, $3  }
0xbf: {  	[dreg:$0x1] =	wrdreg $0xFFFFFFFF  }
0xc0: {  	_ =	task.clear_ibuf [dreg:s6], $0x2FFFF;
	_ =	strace $0x9FFFFFFF  }
0xc1: {  	(tm) =	ssettm $0x7FFFFFFF  }
tec
execute0_lowered:
.L_overlay_start_1:
0x0: {  	(tag) =	ssettag $0x1  }
0x1: {  	s8 =	rddreg [dreg:$0x0];
	s1 =	stileid.u32  }
0x2: {  	s2 =	srdreg.scid;
	s0 =	rddreg [dreg:$0x1]  }
0x3: {  	_ =	strace $0x80000056;
	s5 =	simm.s32 $0x1;
	s9 =	simm.s32 $0x1  }
0x4: {  	s10 =	simm.s32 $0x3;
	s2 =	sand.u32 $0x1, s2;
	s3 =	sshll.u32 s1, $0x1  }
0x5: {  	s13 =	simm.s32 $0x0;
	s12 =	simm.s32 $0x0;
	s6 =	sor.u32 s3, s2  }
0x6: {  	[sflag:s5] =	ssyncpa.u1 $0x0;
	s2 =	sadd.s32 $0x5600, s8;
	s4 =	smul.u32 $0x50, s6  }
0x7: {  	s3 =	sadd.s32 $0xC200, s8;
	p0 =	slt.u32 s6, $0x13;
	s6 =	simm.s32 $0xA00  }
.Ltmp0:
0x8: {  	s6 =	simm.s32 @!p0 $0x0;
	s7 =	ssub.s32 $0xFA0, s4;
	(pc) =	sbr.rel .LBB2_1-.Ltmp0, $4  }
0x9: {  	s9 =	simm.s32 @!p0 $0x0;
	p0 =	sne.s32 s7, s6;
	s7 =	simm.s32 $0x1  }
0xa: {  	s8 =	sadd.s32 $0xA800, s8;
	s6 =	simm.s32 $0x2;
	s7 =	simm.s32 @!p0 $0x0  }
0xb: {  	s11 =	smov.u32 s4;
	[sflag:s6] =	ssyncpa.u1 $0x0;
	s7 =	sadd.s32 s9, s7  }
0xc: {  	vm0 =	vmmov $0xffff;
	[sflag:s10] =	ssyncpa.u1 $0x0;
	s10 =	simm.s32 $0x0;
	s9 =	sadd.s32 $0x1, s7  }
.LBB2_4:
0xd: {  	vm1 =	veq.s32 v4, $0x80000000;
	v56 =	vand.u32 $0x3, v4;
	v6 =	vand.u32 $0x3FFF, v6  }
0xe: {  	v2 =	vor.u32 v2, v5;
	v59 =	vshrl.u32 v1, $0x2;
	v60 =	vand.u32 $0x3, v1  }
0xf: {  	v4 =	vsel vm1, $0xFFFFFFFF, v56;
	v6 =	vsel vm1, $0xFFFFFFFF, v6;
	v2 =	vor.u32 v3, v2  }
0x10: {  	vm1 =	veq.s32 v1, $0x80000000;
	v5 =	vand.u32 $0x3FFF, v59;
	v7 =	vshrl.u32 v4, $0x2  }
0x11: {  	v57 =	vshll.u32 v6, $0x2;
	v4 =	vshll.u32 v4, $0x7;
	v1 =	vsel vm1, $0xFFFFFFFF, v60  }
0x12: {  	v5 =	vsel vm1, $0xFFFFFFFF, v5;
	v6 =	vand.u32 $0x7F, v6;
	v7 =	vmul.u32 $0x9E00, v7  }
0x13: {  	v58 =	vand.u32 $0xFFFFFE00, v57;
	v4 =	vand.u32 $0x180, v4;
	v61 =	vshrl.u32 v1, $0x2  }
0x14: {  	v62 =	vshll.u32 v5, $0x2;
	v3 =	vadd.s32 v7, v58;
	v7 =	vmul.u32 $0x9E00, v61  }
0x15: {  	v1 =	vshll.u32 v1, $0x7;
	v3 =	vor.u32 v4, v3;
	v4 =	vand.u32 $0xFFFFFE00, v62  }
0x16: {  	v1 =	vand.u32 $0x180, v1;
	v3 =	vor.u32 v6, v3;
	v4 =	vadd.s32 v7, v4  }
0x17: {  	[tilespmem:s16], [sflag:$0x1] =	stream.indirect_vreg.gather [hbm4b:s2+s10], $0x1, v0, vm0, $0x4038;
	v63 =	vand.u32 $0x7F, v5;
	v1 =	vor.u32 v1, v4;
	[tilespmem:$0x140] =	vst v63  }
0x18: {  	s15 =	sadd.s32 $0x10, s15;
	(ifvalue) =	ssetifvalue $0x7FFFFFFF;
	v0 =	vor.u32 v63, v1  }
0x19: {  	[tilespmem:s15], [sflag:$0x1] =	stream.indirect_vreg.gather [hbm4b:s2+s10], $0x1, v2, vm0, $0x4038;
	[tilespmem:$0x140] =	vst v63  }
0x1a: {  	s15 =	sadd.s32 $0x10, s15;
	(ifvalue) =	ssetifvalue $0x7FFFFFFF  }
0x1b: {  	[tilespmem:s15], [sflag:$0x1] =	stream.indirect_vreg.gather [hbm4b:s2+s10], $0x1, v3, vm0, $0x4038;
	[tilespmem:$0x140] =	vst v63  }
0x1c: {  	s15 =	sadd.s32 $0x10, s15;
	(ifvalue) =	ssetifvalue $0x7FFFFFFF  }
0x1d: {  	[tilespmem:s15], [sflag:$0x1] =	stream.indirect_vreg.gather [hbm4b:s2+s10], $0x1, v0, vm0, $0x4038;
	[tilespmem:$0x140] =	vst v63  }
0x1e: {  	_ =	swait.ge [sflag:s5], $0x50  }
0x1f: {  	s30 =	sshrl.u32 s13, $0x3;
	[sflag:s5] =	ssyncset.done $0x0  }
0x20: {  	s31 =	sand.u32 $0x7, s13;
	s15 =	sadd.s32 s8, s30;
	[sflag:s5] =	ssyncadd.s32 $0xFFFFFFB0  }
0x21: {  	[hbm4b:s15+s31] =	stream.linear.scatter [tilespmem:s14], [sflag:$0x3], $0x50, $0x38;
	[tilespmem:$0x140] =	vst v63  }
.LBB2_5:
0x22: {  	s15 =	sadd.s32 $0xA00, s11  }
0x23: {  	p1 =	sgt.s32 s15, $0xF9F  }
0x24: {  	s15 =	smov.u32 @p1 s4;
	p1 =	sne.s32 s12, s9  }
.Ltmp1:
0x25: {  	p0 =	slt.u32 s12, $0x2;
	(pc) =	sbr.rel @!p1 .LBB2_6-.Ltmp1, $4  }
0x26: {  	s14 =	simm.s32 @!p0 $0x3  }
0x27: {  	_ =	swait.ge @!p0 [sflag:s14], $0x50  }
0x28: {  	s16 =	sadd.s32 $0x1, s12;
	s13 =	smov.u32 s11;
	[sflag:s14] =	ssyncset.done @!p0 $0x0  }
0x29: {  	s12 =	smov.u32 s16;
	s11 =	smov.u32 s15;
	[sflag:s14] =	ssyncadd.s32 @!p0 $0xFFFFFFB0  }
.LBB2_1:
0x2a: {  	p0 =	sge.u32 s12, s7  }
0x2b: {  	s14 =	sxor.u32 @!p0 $0x1, s12  }
0x2c: {  	s14 =	smul.u32 @!p0 $0x140, s14  }
0x2d: {  	s31 =	sadd.s32 $0xFFFFFFFF, s12;
	s15 =	sshrl.u32 @!p0 s11, $0x3  }
0x2e: {  	s16 =	sand.u32 @!p0 $0x7, s11;
	s15 =	sadd.s32 @!p0 s3, s15;
	s14 =	sshra.s32 @!p0 s14, $0x2  }
0x2f: {  	[tilespmem:s14], [sflag:$0x2] =	stream.linear.gather @!p0 [hbm4b:s15+s16], $0x50, $0x38;
	[tilespmem:$0x140] =	vst v63  }
0x30: {  	p0 =	sge.u32 s31, s7  }
.Ltmp2:
0x31: {  	_ = 	snop;
	(pc) =	sbr.rel @p0 .LBB2_5-.Ltmp2, $1  }
0x32: {  	_ =	sdelay $0x3  }
0x33: {  	s14 =	sand.u32 $0x1, s12  }
0x34: {  	_ =	swait.ge [sflag:s6], $0x50;
	p0 =	seq.s32 s14, $0x1;
	s14 =	simm.s32 $0x50  }
0x35: {  	[sflag:s6] =	ssyncset.done $0x0;
	s14 =	simm.s32 @!p0 $0x0  }
0x36: {  	[sflag:s6] =	ssyncadd.s32 $0xFFFFFFB0;
	(ifvalue) =	ssetifvalue $0x7FFFFFFF;
	v0 =	vld.msk [tilespmem:s14+$0x0 ss:$0x1], $0xffff  }
0x37: {  	s15 =	sadd.s32 $0x10, s14  }
0x38: {  	v1 =	vld.msk [tilespmem:s15+$0x0 ss:$0x1], $0xffff;
	_ =	sdelay $0x2  }
0x39: {  	v2 =	vshrl.u32 v0, $0x2  }
0x3a: {  	vm1 =	veq.s32 v0, $0x80000000;
	v0 =	vand.u32 $0x3, v0;
	v2 =	vand.u32 $0x3FFF, v2  }
0x3b: {  	v0 =	vsel vm1, $0xFFFFFFFF, v0;
	v6 =	vshrl.u32 v1, $0x2;
	v2 =	vsel vm1, $0xFFFFFFFF, v2  }
0x3c: {  	v3 =	vshrl.u32 v0, $0x2;
	v0 =	vshll.u32 v0, $0x7;
	vm1 =	veq.s32 v1, $0x80000000  }
0x3d: {  	s15 =	sadd.s32 $0x10, s15;
	v1 =	vand.u32 $0x3, v1;
	v4 =	vshll.u32 v2, $0x2;
	v3 =	vmul.u32 $0x9E00, v3  }
0x3e: {  	v0 =	vand.u32 $0x180, v0;
	v7 =	vand.u32 $0x7F, v2;
	v5 =	vand.u32 $0xFFFFFE00, v4;
	v4 =	vld.msk [tilespmem:s15+$0x0 ss:$0x1], $0xffff  }
0x3f: {  	v1 =	vsel vm1, $0xFFFFFFFF, v1;
	v2 =	vadd.s32 v3, v5;
	v3 =	vand.u32 $0x3FFF, v6  }
0x40: {  	v3 =	vsel vm1, $0xFFFFFFFF, v3;
	v0 =	vor.u32 v0, v2;
	v2 =	vshrl.u32 v1, $0x2  }
0x41: {  	v1 =	vshll.u32 v1, $0x7;
	v5 =	vshll.u32 v3, $0x2;
	v8 =	vmul.u32 $0x9E00, v2  }
0x42: {  	s18 =	simm.s32 $0x30;
	s14 =	sor.u32 $0xA0, s14;
	s17 =	sadd.s32 $0x10, s15;
	v2 =	vand.u32 $0x180, v1;
	v0 =	vor.u32 v7, v0;
	v5 =	vand.u32 $0xFFFFFE00, v5  }
0x43: {  	s16 =	smov.u32 s14;
	s15 =	smov.u32 s14;
	v1 =	vld.msk [tilespmem:s17+$0x0 ss:$0x1], $0xffff;
	v3 =	vand.u32 $0x7F, v3;
	(ifvalue) =	ssetifvalue $0x7FFFFFFF;
	v6 =	vshrl.u32 v4, $0x2;
	v5 =	vadd.s32 v8, v5  }
.LBB2_3:
0x44: {  	s18 =	sadd.s32 $0x10, s18  }
0x45: {  	vm1 =	veq.s32 v4, $0x80000000;
	v4 =	vand.u32 $0x3, v4;
	v6 =	vand.u32 $0x3FFF, v6;
	s15 =	sadd.s32 $0x10, s15;
	p0 =	slt.u32 s18, $0x40  }
.Ltmp3:
0x46: {  	v5 =	vor.u32 v2, v5;
	v4 =	vsel vm1, $0xFFFFFFFF, v4;
	v7 =	vsel vm1, $0xFFFFFFFF, v6;
	(pc) =	sbr.rel @p0 .LBB2_3-.Ltmp3, $4  }
0x47: {  	v2 =	vshrl.u32 v4, $0x2;
	v6 =	vshll.u32 v7, $0x2;
	v4 =	vshll.u32 v4, $0x7;
	[tilespmem:s16], [sflag:$0x1] =	stream.indirect_vreg.gather [hbm4b:s2+s10], $0x1, v0, vm0, $0x4038;
	[tilespmem:$0x140] =	vst v63  }
0x48: {  	v0 =	vor.u32 v3, v5;
	s16 =	smov.u32 s15;
	v8 =	vmul.u32 $0x9E00, v2;
	v2 =	vand.u32 $0x180, v4  }
0x49: {  	s17 =	sadd.s32 $0x10, s17;
	v9 =	vand.u32 $0xFFFFFE00, v6  }
0x4a: {  	v3 =	vand.u32 $0x7F, v7;
	v6 =	vshrl.u32 v1, $0x2;
	v5 =	vadd.s32 v8, v9;
	(ifvalue) =	ssetifvalue $0x7FFFFFFF;
	v4 =	vmovc v1;
	v1 =	vld.msk [tilespmem:s17+$0x0 ss:$0x1], $0xffff  }
.Ltmp4:
0x4b: {  	_ = 	snop;
	(pc) =	sbr.rel .LBB2_4-.Ltmp4, $1  }
0x4c: {  	_ =	sdelay $0x3  }
.LBB2_6:
0x4d: {  	_ =	sfence.sel $0x180000  }
0x4e: {  	s2 =	simm.s32 $0x2;
	[bflag:$0x0] =	sbarrier.arrive $0xFFFF  }
0x4f: {  	s30 =	simm.s32 $0x3;
	[sflag:s2] =	ssyncpa.u1 $0x1  }
0x50: {  	s31 =	simm.s32 $0x1;
	[sflag:s30] =	ssyncpa.u1 $0x1  }
0x51: {  	[sflag:s31] =	ssyncpa.u1 $0x1  }
0x52: {  	p0 =	sne.s32 s1, $0x0;
	_ =	strace $0x90000056  }
0x53: {  	s0 =	sadd.s32 @!p0 $0x100000, s0;
	[bflag:$0x2] =	sbarrier.arrive $0xFFFF  }
0x54: {  	[sflag:s0] =	ssyncadd.tile.s32 @!p0 $0x1;
	_ =	shalt  }
.Lfunc_end2:
_tile_overlayer_lowered:
.L_overlay_start_2:
0x55: {  	(tag) =	ssettag $0x2  }
0x56: {  	s0 =	rddreg [dreg:$0x0];
	s2 =	stileid.u32  }
0x57: {  	s1 =	rddreg [dreg:$0x1];
	p0 =	sne.s32 s2, $0x0  }
0x58: {  	s3 =	rddreg [dreg:$0x2];
	[bflag:$0x3] =	sbarrier.arrive $0xFFFF;
	s2 =	simm.s32 @!p0 $0x1C01  }
0x59: {  	[timem:s3], [sflag:s2] =	dma.local @!p0 [hbm:s0], s1  }
0x5a: {  	s0 =	simm.s32 @!p0 $0x1  }
0x5b: {  	_ =	swait.ge @!p0 [sflag:s0], s1  }
0x5c: {  	s1 =	ssub.s32 @!p0 $0x0, s1;
	[sflag:s0] =	ssyncset.done @!p0 $0x0  }
0x5d: {  	[sflag:s0] =	ssyncadd.s32 @!p0 s1  }
0x5e: {  	[bflag:$0x3] =	sbarrier.arrive $0xFFFF  }
0x5f: {  	_ =	shalt  }

// kernel: gather_offload_async_start.15
scs
__scs_entry_jumppad:
0x0: {  	(pc) =	sbr.rel $0x88, $3  }
0x1: {  	(tag) =	ssettag $0x0;
	lr =	simm.s32 $0x1  }
0x2: {  	[smem:$0x3F83] =	sst lr;
	_ =	strace $0xD0000000  }
0x3: {  	_ = 	snop  }
0x4: {  	_ = 	snop  }
0x5: {  	_ = 	snop  }
0x6: {  	_ = 	snop  }
0x7: {  	_ = 	snop  }
__scs_overlays_trampoline_lowered:
0x8: {  	[smem:$0x3F92] =	sst s0  }
0x9: {  	[smem:$0x3F93] =	sst s1  }
0xa: {  	[smem:$0x3F94] =	sst s2  }
0xb: {  	[smem:$0x3F95] =	sst s3  }
0xc: {  	[smem:$0x3F96] =	sst s4  }
0xd: {  	[smem:$0x3F97] =	sst s5  }
0xe: {  	[smem:$0x3F98] =	sst s6  }
0xf: {  	[smem:$0x3F99] =	sst s7  }
0x10: {  	[smem:$0x3F9A] =	sst s8  }
0x11: {  	[smem:$0x3F9B] =	sst s9;
	s0 =	simm.s32 @!p0 $0x0  }
0x12: {  	s1 =	sld [smem:$0x3F81];
	s0 =	simm.s32 @p0 $0x1  }
0x13: {  	[smem:$0x3F9C] =	sst s0;
	s0 =	simm.s32 @!p1 $0x0  }
0x14: {  	s2 =	sld [smem:$0x3F80];
	s0 =	simm.s32 @p1 $0x1  }
0x15: {  	[smem:$0x3F9D] =	sst s0;
	s0 =	simm.s32 @!p2 $0x0  }
0x16: {  	s3 =	sld [smem:$0x3FDB];
	s0 =	simm.s32 @p2 $0x1  }
0x17: {  	s4 =	simm.s32 $0x1BF5;
	[smem:$0x3F9F] =	sst s0  }
0x18: {  	s0 =	sld [smem:$0x3F82];
	_ =	swait.ge [sflag:s4], $0x0  }
0x19: {  	s7 =	sld [smem:$0x3F83]  }
0x1a: {  	s8 =	sadd.s32 $0xFFFFE003, lr  }
0x1b: {  	s9 =	sadd.s32 $0xFFFFFEF7, lr;
	s5 =	simm.s32 $0xFFFFFFFF;
	p2 =	slt.u32 s8, $0xFFFFF086  }
0x1c: {  	p1 =	slt.u32 s9, $0xF7A;
	s5 =	simm.s32 @!p2 $0x0  }
0x1d: {  	s5 =	simm.s32 @p1 $0x1;
	p0 =	seq.s32 s7, s2  }
0x1e: {  	s7 =	smul.u32 @!p0 $0xF7A, s2;
	p2 =	seq.s32 @!p0 s5, $0x0  }
0x1f: {  	s9 =	smul.u32 $0xF7A, s1;
	s8 =	simm.s32 @!p0 $0x1BF5;
	p2 =	por !p2, p0  }
0x20: {  	[sflag:s8] =	ssyncset.s32 @!p0 $0xFFFFF086;
	s6 =	sadd.s32 @!p0 s3, s7;
	s7 =	simm.s32 @!p0 $0x108  }
0x21: {  	s3 =	sadd.s32 s3, s9;
	s6 =	sadd.s32 @!p0 $0x88, s6;
	s7 =	simm.s32 @p2 $0x1082  }
0x22: {  	[simem:s7], [sflag:s8] =	dma.local @!p0 [hbm:s6], $0xF7A  }
0x23: {  	s9 =	sor.u32 $0xD0000000, s2;
	s6 =	simm.s32 $0x108;
	_ =	swait.ge @!p0 [sflag:s8], $0x0  }
0x24: {  	s3 =	sadd.s32 $0x88, s3;
	s6 =	simm.s32 @!p1 $0x1082;
	[sflag:s4] =	ssyncset.s32 $0xFFFFF086  }
0x25: {  	[simem:s6], [sflag:s4] =	dma.local [hbm:s3], $0xF7A  }
0x26: {  	[smem:$0x3F83] =	sst s1;
	(tag) =	ssettag s2;
	_ =	strace s9  }
0x27: {  	s1 =	sld [smem:$0x3F93]  }
0x28: {  	s2 =	sld [smem:$0x3F94]  }
0x29: {  	s4 =	sld [smem:$0x3F96]  }
0x2a: {  	p0 =	seq.s32 s5, $0x0;
	s5 =	sld [smem:$0x3F97]  }
0x2b: {  	s6 =	sld [smem:$0x3F98]  }
0x2c: {  	s7 =	sld [smem:$0x3F99]  }
0x2d: {  	s3 =	simm.s32 $0x108;
	s8 =	sld [smem:$0x3F9A]  }
0x2e: {  	s3 =	simm.s32 @!p0 $0x1082;
	s9 =	sld [smem:$0x3F9B]  }
0x2f: {  	lr =	sadd.s32 s0, s3;
	s0 =	sld [smem:$0x3F92]  }
0x30: {  	s3 =	sld [smem:$0x3F95]  }
0x31: {  	[smem:$0x3F9E] =	sst s10  }
0x32: {  	s10 =	sld [smem:$0x3F9C];
	_ =	sdelay $0x3  }
0x33: {  	p0 =	seq.s32 s10, $0x1;
	s10 =	sld [smem:$0x3F9E];
	_ =	sdelay $0x3  }
0x34: {  	[smem:$0x3F9E] =	sst s10  }
0x35: {  	s10 =	sld [smem:$0x3F9D];
	_ =	sdelay $0x3  }
0x36: {  	p1 =	seq.s32 s10, $0x1;
	s10 =	sld [smem:$0x3F9E];
	_ =	sdelay $0x3  }
0x37: {  	[smem:$0x3F9E] =	sst s10  }
0x38: {  	s10 =	sld [smem:$0x3F9F]  }
0x39: {  	_ = 	snop;
	(pc) =	sbr.ind lr, $3  }
0x3a: {  	_ = 	snop  }
0x3b: {  	_ = 	snop  }
0x3c: {  	p2 =	seq.s32 s10, $0x1;
	s10 =	sld [smem:$0x3F9E]  }
0x3d: {  	_ =	shalt  }
0x3e: {  	_ =	shalt  }
0x3f: {  	_ =	shalt  }
0x40: {  	_ =	shalt  }
0x41: {  	_ =	shalt  }
0x42: {  	_ =	shalt  }
0x43: {  	_ =	shalt  }
0x44: {  	_ =	shalt  }
0x45: {  	_ =	shalt  }
0x46: {  	_ =	shalt  }
0x47: {  	_ =	shalt  }
0x48: {  	_ =	shalt  }
0x49: {  	_ =	shalt  }
0x4a: {  	_ =	shalt  }
0x4b: {  	_ =	shalt  }
0x4c: {  	_ =	shalt  }
0x4d: {  	_ =	shalt  }
0x4e: {  	_ =	shalt  }
0x4f: {  	_ =	shalt  }
0x50: {  	_ =	shalt  }
0x51: {  	_ =	shalt  }
0x52: {  	_ =	shalt  }
0x53: {  	_ =	shalt  }
0x54: {  	_ =	shalt  }
0x55: {  	_ =	shalt  }
0x56: {  	_ =	shalt  }
0x57: {  	_ =	shalt  }
0x58: {  	_ =	shalt  }
0x59: {  	_ =	shalt  }
0x5a: {  	_ =	shalt  }
0x5b: {  	_ =	shalt  }
0x5c: {  	_ =	shalt  }
0x5d: {  	_ =	shalt  }
0x5e: {  	_ =	shalt  }
0x5f: {  	_ =	shalt  }
0x60: {  	_ =	shalt  }
0x61: {  	_ =	shalt  }
0x62: {  	_ =	shalt  }
0x63: {  	_ =	shalt  }
0x64: {  	_ =	shalt  }
0x65: {  	_ =	shalt  }
0x66: {  	_ =	shalt  }
0x67: {  	_ =	shalt  }
0x68: {  	_ =	shalt  }
0x69: {  	_ =	shalt  }
0x6a: {  	_ =	shalt  }
0x6b: {  	_ =	shalt  }
0x6c: {  	_ =	shalt  }
0x6d: {  	_ =	shalt  }
0x6e: {  	_ =	shalt  }
0x6f: {  	_ =	shalt  }
0x70: {  	_ =	shalt  }
0x71: {  	_ =	shalt  }
0x72: {  	_ =	shalt  }
0x73: {  	_ =	shalt  }
0x74: {  	_ =	shalt  }
0x75: {  	_ =	shalt  }
0x76: {  	_ =	shalt  }
0x77: {  	_ =	shalt  }
0x78: {  	_ =	shalt  }
0x79: {  	_ =	shalt  }
0x7a: {  	_ =	shalt  }
0x7b: {  	_ =	shalt  }
0x7c: {  	_ =	shalt  }
0x7d: {  	_ =	shalt  }
0x7e: {  	_ =	shalt  }
0x7f: {  	_ =	shalt  }
0x80: {  	_ =	shalt  }
0x81: {  	_ =	shalt  }
0x82: {  	_ =	shalt  }
0x83: {  	_ =	shalt  }
0x84: {  	_ =	shalt  }
0x85: {  	_ =	shalt  }
0x86: {  	_ =	shalt  }
0x87: {  	_ =	shalt  }
.Lfunc_end0:
.L_simem_size_0:
called_computation.15_lowered:
.L_overlay_start_0:
0x88: {  	s2 =	sld [smem:$0x3FD9]  }
0x89: {  	s3 =	sld [smem:$0x3FFE];
	_ =	sdelay $0x1  }
0x8a: {  	s1 =	srdreg.scid  }
0x8b: {  	s0 =	sand.u32 $0x1, s1  }
0x8c: {  	s17 =	sshll.u32 s0, $0xA;
	s2 =	sadd.s32 s3, s2  }
0x8d: {  	s2 =	sadd.s32 s2, s17  }
0x8e: {  	[smem:$0x3FAA] =	sst s2  }
0x8f: {  	_ = 	snop  }
0x90: {  	(tm) =	ssettm $0x1  }
0x91: {  	s18 =	sld [smem:$0x3FFB];
	_ =	sdelay $0x3  }
0x92: {  	_ =	strace s18  }
0x93: {  	s2 =	sld [smem:$0x3FFC];
	_ =	sdelay $0x3  }
0x94: {  	_ =	strace s2  }
0x95: {  	s2 =	sld [smem:$0x3FFD];
	_ =	sdelay $0x3  }
0x96: {  	_ =	strace s2  }
0x97: {  	_ =	strace $0x8FFFFFFF  }
0x98: {  	s19 =	sld [smem:$0x3FDB];
	_ =	sdelay $0x1  }
0x99: {  	s20 =	simm.s32 $_scs_section_size  }
0x9a: {  	s4 =	simm.s32 $_size__tile_overlayer_lowered;
	s5 =	simm.s32 $_tile_overlayer_lowered  }
0x9b: {  	s6 =	simm.s32 $0x1BFF;
	s21 =	sshll.u32 s5, $0x1;
	s3 =	sadd.s32 s20, s19  }
0x9c: {  	s22 =	simm.s32 $0x0;
	s4 =	sshll.u32 s4, $0x1;
	s5 =	sadd.s32 s21, s3  }
0x9d: {  	[timem:s22], [sflag:s6] =	dma.local [hbm:s5], s4  }
0x9e: {  	_ =	swait.ge [sflag:s6], s4  }
0x9f: {  	s4 =	ssub.s32 $0x0, s4;
	[sflag:s6] =	ssyncset.done $0x0  }
0xa0: {  	[sflag:s6] =	ssyncadd.s32 s4;
	_ =	sdelay $0x1  }
0xa1: {  	s23 =	simm.s32 $0x1B8B  }
0xa2: {  	_ =	swait.ge [sflag:s23], $0x1  }
0xa3: {  	[sflag:s23] =	ssyncset.done $0x0  }
0xa4: {  	[sflag:s23] =	ssyncadd.s32 $0xFFFFFFFF  }
0xa5: {  	s4 =	sld [smem:$0x0]  }
0xa6: {  	s5 =	sand.u32 $0xFFFFFFFE, s1  }
0xa7: {  	p0 =	sne.s32 s1, s5  }
0xa8: {  	s5 =	sshll.u32 @p0 s5, $0xE  }
0xa9: {  	s5 =	sadd.s32 @p0 $0x11B8D, s5;
	s6 =	sshll.u32 @p0 s4, $0x11  }
0xaa: {  	s5 =	sor.u32 @p0 s6, s5  }
0xab: {  	[sflag:s5] =	ssyncadd.remote.s32 @p0 $0x1;
	_ =	sdelay $0x1  }
0xac: {  	s5 =	simm.s32 @p0 $0x1B8D  }
0xad: {  	_ =	swait.eq @p0 [sflag:s5], $0x1  }
0xae: {  	[sflag:s5] =	ssyncadd.s32 @p0 $0xFFFFFFFF  }
0xaf: {  	s6 =	sshll.u32 @!p0 s1, $0xE  }
0xb0: {  	s6 =	sor.u32 @!p0 $0x4000, s6;
	s5 =	simm.s32 @!p0 $0x1B8D  }
0xb1: {  	s4 =	sshll.u32 @!p0 s4, $0x11;
	s6 =	sadd.s32 @!p0 $0x11B8D, s6;
	_ =	swait.eq @!p0 [sflag:s5], $0x1  }
0xb2: {  	s4 =	sor.u32 @!p0 s4, s6;
	[sflag:s5] =	ssyncadd.s32 @!p0 $0xFFFFFFFF  }
0xb3: {  	s25 =	simm.s32 $0x1B8E;
	s24 =	sld [smem:$0x3FFE];
	[sflag:s4] =	ssyncadd.remote.s32 @!p0 $0x1  }
0xb4: {  	s26 =	simm.s32 $execute0_lowered;
	[smem:$0x3FD2] =	sst s25  }
0xb5: {  	s5 =	sshll.u32 s26, $0x1;
	_ =	strace $0x80000058;
	[dreg:$0x1] =	wrdreg $0xFFFFFFFF  }
0xb6: {  	s28 =	simm.s32 $_size_execute0_lowered;
	s3 =	sadd.s32 s3, s5;
	[dreg:$0x0] =	wrdreg $0x0  }
0xb7: {  	s5 =	sshll.u32 s28, $0x1;
	[dreg:$0x2] =	wrdreg s3  }
0xb8: {  	[dreg:$0x3] =	wrdreg s5  }
0xb9: {  	[dreg:$0x4] =	wrdreg $0xC0  }
0xba: {  	_ =	task [dreg:s22], $0x5FFFF  }
0xbb: {  	[dreg:$0x1] =	wrdreg $0xFFFFFFFF  }
0xbc: {  	[dreg:$0x0] =	wrdreg $0x60  }
0xbd: {  	[dreg:$0x2] =	wrdreg s24  }
0xbe: {  	[dreg:$0x3] =	wrdreg $0xA  }
0xbf: {  	_ =	task.clear_ibuf [dreg:s22], $0x4FFFF;
	_ =	strace $0x90000058  }
0xc0: {  	s29 =	simm.s32 $0xA;
	_ =	strace $0x8000005A  }
0xc1: {  	_ =	swait.ge [sflag:s29], $0x1  }
0xc2: {  	[sflag:s29] =	ssyncadd.s32 $0xFFFFFFFF  }
0xc3: {  	_ =	strace $0x9000005A  }
0xc4: {  	_ =	sfence  }
0xc5: {  	s30 =	sld [smem:$0x0];
	_ =	sdelay $0x2  }
0xc6: {  	s31 =	sshll.u32 s1, $0xD;
	s1 =	sshrl.u32 s1, $0x2  }
0xc7: {  	s4 =	sand.u32 $0x4000, s31;
	s1 =	sadd.s32 s1, s30  }
0xc8: {  	s0 =	sor.u32 s4, s0;
	s1 =	sshll.u32 s1, $0x11  }
0xc9: {  	s0 =	sor.u32 s1, s0  }
0xca: {  	s0 =	sadd.s32 $0x8F2B, s0  }
0xcb: {  	[sflag:s0] =	ssyncadd.remote.s32 $0x1  }
0xcc: {  	_ =	sfence.sel $0xFFFF  }
0xcd: {  	[dreg:$0x0] =	wrdreg $0xFFFFFFFF;
	(pc) =	sbr.abs _section_cstart, $3  }
0xce: {  	[dreg:$0x1] =	wrdreg $0xFFFFFFFF  }
0xcf: {  	_ =	task.clear_ibuf [dreg:s22], $0x2FFFF;
	_ =	strace $0x9FFFFFFF  }
0xd0: {  	(tm) =	ssettm $0x7FFFFFFF  }
0xd1: {  	_ =	shalt  }
tec
execute0_lowered:
.L_overlay_start_1:
0x0: {  	(tag) =	ssettag $0x1  }
0x1: {  	s8 =	rddreg [dreg:$0x0];
	s1 =	stileid.u32  }
0x2: {  	s2 =	srdreg.scid;
	s0 =	rddreg [dreg:$0x1]  }
0x3: {  	_ =	strace $0x80000059;
	s5 =	simm.s32 $0x1;
	s9 =	simm.s32 $0x1  }
0x4: {  	s10 =	simm.s32 $0x3;
	s2 =	sand.u32 $0x1, s2;
	s3 =	sshll.u32 s1, $0x1  }
0x5: {  	s13 =	simm.s32 $0x0;
	s12 =	simm.s32 $0x0;
	s6 =	sor.u32 s3, s2  }
0x6: {  	[sflag:s5] =	ssyncpa.u1 $0x0;
	s2 =	sadd.s32 $0x1E000, s8;
	s4 =	smul.u32 $0x50, s6  }
0x7: {  	s3 =	sadd.s32 $0xC200, s8;
	p0 =	slt.u32 s6, $0x13;
	s6 =	simm.s32 $0xA00  }
.Ltmp0:
0x8: {  	s6 =	simm.s32 @!p0 $0x0;
	s7 =	ssub.s32 $0xFA0, s4;
	(pc) =	sbr.rel .LBB2_1-.Ltmp0, $4  }
0x9: {  	s9 =	simm.s32 @!p0 $0x0;
	p0 =	sne.s32 s7, s6;
	s7 =	simm.s32 $0x1  }
0xa: {  	s8 =	sadd.s32 $0xE400, s8;
	s6 =	simm.s32 $0x2;
	s7 =	simm.s32 @!p0 $0x0  }
0xb: {  	s11 =	smov.u32 s4;
	[sflag:s6] =	ssyncpa.u1 $0x0;
	s7 =	sadd.s32 s9, s7  }
0xc: {  	vm0 =	vmmov $0xffff;
	[sflag:s10] =	ssyncpa.u1 $0x0;
	s10 =	simm.s32 $0x0;
	s9 =	sadd.s32 $0x1, s7  }
.LBB2_4:
0xd: {  	vm1 =	veq.s32 v4, $0x80000000;
	v56 =	vand.u32 $0x3, v4;
	v6 =	vand.u32 $0x3FFF, v6  }
0xe: {  	v2 =	vor.u32 v2, v5;
	v59 =	vshrl.u32 v1, $0x2;
	v60 =	vand.u32 $0x3, v1  }
0xf: {  	v4 =	vsel vm1, $0xFFFFFFFF, v56;
	v6 =	vsel vm1, $0xFFFFFFFF, v6;
	v2 =	vor.u32 v3, v2  }
0x10: {  	vm1 =	veq.s32 v1, $0x80000000;
	v5 =	vand.u32 $0x3FFF, v59;
	v7 =	vshrl.u32 v4, $0x2  }
0x11: {  	v57 =	vshll.u32 v6, $0x2;
	v4 =	vshll.u32 v4, $0x7;
	v1 =	vsel vm1, $0xFFFFFFFF, v60  }
0x12: {  	v5 =	vsel vm1, $0xFFFFFFFF, v5;
	v6 =	vand.u32 $0x7F, v6;
	v7 =	vmul.u32 $0x9E00, v7  }
0x13: {  	v58 =	vand.u32 $0xFFFFFE00, v57;
	v4 =	vand.u32 $0x180, v4;
	v61 =	vshrl.u32 v1, $0x2  }
0x14: {  	v62 =	vshll.u32 v5, $0x2;
	v3 =	vadd.s32 v7, v58;
	v7 =	vmul.u32 $0x9E00, v61  }
0x15: {  	v1 =	vshll.u32 v1, $0x7;
	v3 =	vor.u32 v4, v3;
	v4 =	vand.u32 $0xFFFFFE00, v62  }
0x16: {  	v1 =	vand.u32 $0x180, v1;
	v3 =	vor.u32 v6, v3;
	v4 =	vadd.s32 v7, v4  }
0x17: {  	[tilespmem:s16], [sflag:$0x1] =	stream.indirect_vreg.gather [hbm4b:s2+s10], $0x1, v0, vm0, $0x4038;
	v63 =	vand.u32 $0x7F, v5;
	v1 =	vor.u32 v1, v4;
	[tilespmem:$0x140] =	vst v63  }
0x18: {  	s15 =	sadd.s32 $0x10, s15;
	(ifvalue) =	ssetifvalue $0x7FFFFFFF;
	v0 =	vor.u32 v63, v1  }
0x19: {  	[tilespmem:s15], [sflag:$0x1] =	stream.indirect_vreg.gather [hbm4b:s2+s10], $0x1, v2, vm0, $0x4038;
	[tilespmem:$0x140] =	vst v63  }
0x1a: {  	s15 =	sadd.s32 $0x10, s15;
	(ifvalue) =	ssetifvalue $0x7FFFFFFF  }
0x1b: {  	[tilespmem:s15], [sflag:$0x1] =	stream.indirect_vreg.gather [hbm4b:s2+s10], $0x1, v3, vm0, $0x4038;
	[tilespmem:$0x140] =	vst v63  }
0x1c: {  	s15 =	sadd.s32 $0x10, s15;
	(ifvalue) =	ssetifvalue $0x7FFFFFFF  }
0x1d: {  	[tilespmem:s15], [sflag:$0x1] =	stream.indirect_vreg.gather [hbm4b:s2+s10], $0x1, v0, vm0, $0x4038;
	[tilespmem:$0x140] =	vst v63  }
0x1e: {  	_ =	swait.ge [sflag:s5], $0x50  }
0x1f: {  	s30 =	sshrl.u32 s13, $0x3;
	[sflag:s5] =	ssyncset.done $0x0  }
0x20: {  	s31 =	sand.u32 $0x7, s13;
	s15 =	sadd.s32 s8, s30;
	[sflag:s5] =	ssyncadd.s32 $0xFFFFFFB0  }
0x21: {  	[hbm4b:s15+s31] =	stream.linear.scatter [tilespmem:s14], [sflag:$0x3], $0x50, $0x38;
	[tilespmem:$0x140] =	vst v63  }
.LBB2_5:
0x22: {  	s15 =	sadd.s32 $0xA00, s11  }
0x23: {  	p1 =	sgt.s32 s15, $0xF9F  }
0x24: {  	s15 =	smov.u32 @p1 s4;
	p1 =	sne.s32 s12, s9  }
.Ltmp1:
0x25: {  	p0 =	slt.u32 s12, $0x2;
	(pc) =	sbr.rel @!p1 .LBB2_6-.Ltmp1, $4  }
0x26: {  	s14 =	simm.s32 @!p0 $0x3  }
0x27: {  	_ =	swait.ge @!p0 [sflag:s14], $0x50  }
0x28: {  	s16 =	sadd.s32 $0x1, s12;
	s13 =	smov.u32 s11;
	[sflag:s14] =	ssyncset.done @!p0 $0x0  }
0x29: {  	s12 =	smov.u32 s16;
	s11 =	smov.u32 s15;
	[sflag:s14] =	ssyncadd.s32 @!p0 $0xFFFFFFB0  }
.LBB2_1:
0x2a: {  	p0 =	sge.u32 s12, s7  }
0x2b: {  	s14 =	sxor.u32 @!p0 $0x1, s12  }
0x2c: {  	s14 =	smul.u32 @!p0 $0x140, s14  }
0x2d: {  	s31 =	sadd.s32 $0xFFFFFFFF, s12;
	s15 =	sshrl.u32 @!p0 s11, $0x3  }
0x2e: {  	s16 =	sand.u32 @!p0 $0x7, s11;
	s15 =	sadd.s32 @!p0 s3, s15;
	s14 =	sshra.s32 @!p0 s14, $0x2  }
0x2f: {  	[tilespmem:s14], [sflag:$0x2] =	stream.linear.gather @!p0 [hbm4b:s15+s16], $0x50, $0x38;
	[tilespmem:$0x140] =	vst v63  }
0x30: {  	p0 =	sge.u32 s31, s7  }
.Ltmp2:
0x31: {  	_ = 	snop;
	(pc) =	sbr.rel @p0 .LBB2_5-.Ltmp2, $1  }
0x32: {  	_ =	sdelay $0x3  }
0x33: {  	s14 =	sand.u32 $0x1, s12  }
0x34: {  	_ =	swait.ge [sflag:s6], $0x50;
	p0 =	seq.s32 s14, $0x1;
	s14 =	simm.s32 $0x50  }
0x35: {  	[sflag:s6] =	ssyncset.done $0x0;
	s14 =	simm.s32 @!p0 $0x0  }
0x36: {  	[sflag:s6] =	ssyncadd.s32 $0xFFFFFFB0;
	(ifvalue) =	ssetifvalue $0x7FFFFFFF;
	v0 =	vld.msk [tilespmem:s14+$0x0 ss:$0x1], $0xffff  }
0x37: {  	s15 =	sadd.s32 $0x10, s14  }
0x38: {  	v1 =	vld.msk [tilespmem:s15+$0x0 ss:$0x1], $0xffff;
	_ =	sdelay $0x2  }
0x39: {  	v2 =	vshrl.u32 v0, $0x2  }
0x3a: {  	vm1 =	veq.s32 v0, $0x80000000;
	v0 =	vand.u32 $0x3, v0;
	v2 =	vand.u32 $0x3FFF, v2  }
0x3b: {  	v0 =	vsel vm1, $0xFFFFFFFF, v0;
	v6 =	vshrl.u32 v1, $0x2;
	v2 =	vsel vm1, $0xFFFFFFFF, v2  }
0x3c: {  	v3 =	vshrl.u32 v0, $0x2;
	v0 =	vshll.u32 v0, $0x7;
	vm1 =	veq.s32 v1, $0x80000000  }
0x3d: {  	s15 =	sadd.s32 $0x10, s15;
	v1 =	vand.u32 $0x3, v1;
	v4 =	vshll.u32 v2, $0x2;
	v3 =	vmul.u32 $0x9E00, v3  }
0x3e: {  	v0 =	vand.u32 $0x180, v0;
	v7 =	vand.u32 $0x7F, v2;
	v5 =	vand.u32 $0xFFFFFE00, v4;
	v4 =	vld.msk [tilespmem:s15+$0x0 ss:$0x1], $0xffff  }
0x3f: {  	v1 =	vsel vm1, $0xFFFFFFFF, v1;
	v2 =	vadd.s32 v3, v5;
	v3 =	vand.u32 $0x3FFF, v6  }
0x40: {  	v3 =	vsel vm1, $0xFFFFFFFF, v3;
	v0 =	vor.u32 v0, v2;
	v2 =	vshrl.u32 v1, $0x2  }
0x41: {  	v1 =	vshll.u32 v1, $0x7;
	v5 =	vshll.u32 v3, $0x2;
	v8 =	vmul.u32 $0x9E00, v2  }
0x42: {  	s18 =	simm.s32 $0x30;
	s14 =	sor.u32 $0xA0, s14;
	s17 =	sadd.s32 $0x10, s15;
	v2 =	vand.u32 $0x180, v1;
	v0 =	vor.u32 v7, v0;
	v5 =	vand.u32 $0xFFFFFE00, v5  }
0x43: {  	s16 =	smov.u32 s14;
	s15 =	smov.u32 s14;
	v1 =	vld.msk [tilespmem:s17+$0x0 ss:$0x1], $0xffff;
	v3 =	vand.u32 $0x7F, v3;
	(ifvalue) =	ssetifvalue $0x7FFFFFFF;
	v6 =	vshrl.u32 v4, $0x2;
	v5 =	vadd.s32 v8, v5  }
.LBB2_3:
0x44: {  	s18 =	sadd.s32 $0x10, s18  }
0x45: {  	vm1 =	veq.s32 v4, $0x80000000;
	v4 =	vand.u32 $0x3, v4;
	v6 =	vand.u32 $0x3FFF, v6;
	s15 =	sadd.s32 $0x10, s15;
	p0 =	slt.u32 s18, $0x40  }
.Ltmp3:
0x46: {  	v5 =	vor.u32 v2, v5;
	v4 =	vsel vm1, $0xFFFFFFFF, v4;
	v7 =	vsel vm1, $0xFFFFFFFF, v6;
	(pc) =	sbr.rel @p0 .LBB2_3-.Ltmp3, $4  }
0x47: {  	v2 =	vshrl.u32 v4, $0x2;
	v6 =	vshll.u32 v7, $0x2;
	v4 =	vshll.u32 v4, $0x7;
	[tilespmem:s16], [sflag:$0x1] =	stream.indirect_vreg.gather [hbm4b:s2+s10], $0x1, v0, vm0, $0x4038;
	[tilespmem:$0x140] =	vst v63  }
0x48: {  	v0 =	vor.u32 v3, v5;
	s16 =	smov.u32 s15;
	v8 =	vmul.u32 $0x9E00, v2;
	v2 =	vand.u32 $0x180, v4  }
0x49: {  	s17 =	sadd.s32 $0x10, s17;
	v9 =	vand.u32 $0xFFFFFE00, v6  }
0x4a: {  	v3 =	vand.u32 $0x7F, v7;
	v6 =	vshrl.u32 v1, $0x2;
	v5 =	vadd.s32 v8, v9;
	(ifvalue) =	ssetifvalue $0x7FFFFFFF;
	v4 =	vmovc v1;
	v1 =	vld.msk [tilespmem:s17+$0x0 ss:$0x1], $0xffff  }
.Ltmp4:
0x4b: {  	_ = 	snop;
	(pc) =	sbr.rel .LBB2_4-.Ltmp4, $1  }
0x4c: {  	_ =	sdelay $0x3  }
.LBB2_6:
0x4d: {  	_ =	sfence.sel $0x180000  }
0x4e: {  	s2 =	simm.s32 $0x2;
	[bflag:$0x0] =	sbarrier.arrive $0xFFFF  }
0x4f: {  	s30 =	simm.s32 $0x3;
	[sflag:s2] =	ssyncpa.u1 $0x1  }
0x50: {  	s31 =	simm.s32 $0x1;
	[sflag:s30] =	ssyncpa.u1 $0x1  }
0x51: {  	[sflag:s31] =	ssyncpa.u1 $0x1  }
0x52: {  	p0 =	sne.s32 s1, $0x0;
	_ =	strace $0x90000059  }
0x53: {  	s0 =	sadd.s32 @!p0 $0x100000, s0;
	[bflag:$0x2] =	sbarrier.arrive $0xFFFF  }
0x54: {  	[sflag:s0] =	ssyncadd.tile.s32 @!p0 $0x1;
	_ =	shalt  }
.Lfunc_end2:
_tile_overlayer_lowered:
.L_overlay_start_2:
0x55: {  	(tag) =	ssettag $0x2  }
0x56: {  	s0 =	rddreg [dreg:$0x0];
	s2 =	stileid.u32  }
0x57: {  	s1 =	rddreg [dreg:$0x1];
	p0 =	sne.s32 s2, $0x0  }
0x58: {  	s3 =	rddreg [dreg:$0x2];
	[bflag:$0x3] =	sbarrier.arrive $0xFFFF;
	s2 =	simm.s32 @!p0 $0x1C01  }
0x59: {  	[timem:s3], [sflag:s2] =	dma.local @!p0 [hbm:s0], s1  }
0x5a: {  	s0 =	simm.s32 @!p0 $0x1  }
0x5b: {  	_ =	swait.ge @!p0 [sflag:s0], s1  }
0x5c: {  	s1 =	ssub.s32 @!p0 $0x0, s1;
	[sflag:s0] =	ssyncset.done @!p0 $0x0  }
0x5d: {  	[sflag:s0] =	ssyncadd.s32 @!p0 s1  }
0x5e: {  	[bflag:$0x3] =	sbarrier.arrive $0xFFFF  }
0x5f: {  	_ =	shalt  }

// kernel: gather_offload_async_start.16
scs
__scs_entry_jumppad:
0x0: {  	(pc) =	sbr.rel $0x88, $3  }
0x1: {  	(tag) =	ssettag $0x0;
	lr =	simm.s32 $0x1  }
0x2: {  	[smem:$0x3F83] =	sst lr;
	_ =	strace $0xD0000000  }
0x3: {  	_ = 	snop  }
0x4: {  	_ = 	snop  }
0x5: {  	_ = 	snop  }
0x6: {  	_ = 	snop  }
0x7: {  	_ = 	snop  }
__scs_overlays_trampoline_lowered:
0x8: {  	[smem:$0x3F92] =	sst s0  }
0x9: {  	[smem:$0x3F93] =	sst s1  }
0xa: {  	[smem:$0x3F94] =	sst s2  }
0xb: {  	[smem:$0x3F95] =	sst s3  }
0xc: {  	[smem:$0x3F96] =	sst s4  }
0xd: {  	[smem:$0x3F97] =	sst s5  }
0xe: {  	[smem:$0x3F98] =	sst s6  }
0xf: {  	[smem:$0x3F99] =	sst s7  }
0x10: {  	[smem:$0x3F9A] =	sst s8  }
0x11: {  	[smem:$0x3F9B] =	sst s9;
	s0 =	simm.s32 @!p0 $0x0  }
0x12: {  	s1 =	sld [smem:$0x3F81];
	s0 =	simm.s32 @p0 $0x1  }
0x13: {  	[smem:$0x3F9C] =	sst s0;
	s0 =	simm.s32 @!p1 $0x0  }
0x14: {  	s2 =	sld [smem:$0x3F80];
	s0 =	simm.s32 @p1 $0x1  }
0x15: {  	[smem:$0x3F9D] =	sst s0;
	s0 =	simm.s32 @!p2 $0x0  }
0x16: {  	s3 =	sld [smem:$0x3FDB];
	s0 =	simm.s32 @p2 $0x1  }
0x17: {  	s4 =	simm.s32 $0x1BF5;
	[smem:$0x3F9F] =	sst s0  }
0x18: {  	s0 =	sld [smem:$0x3F82];
	_ =	swait.ge [sflag:s4], $0x0  }
0x19: {  	s7 =	sld [smem:$0x3F83]  }
0x1a: {  	s8 =	sadd.s32 $0xFFFFE003, lr  }
0x1b: {  	s9 =	sadd.s32 $0xFFFFFEF7, lr;
	s5 =	simm.s32 $0xFFFFFFFF;
	p2 =	slt.u32 s8, $0xFFFFF086  }
0x1c: {  	p1 =	slt.u32 s9, $0xF7A;
	s5 =	simm.s32 @!p2 $0x0  }
0x1d: {  	s5 =	simm.s32 @p1 $0x1;
	p0 =	seq.s32 s7, s2  }
0x1e: {  	s7 =	smul.u32 @!p0 $0xF7A, s2;
	p2 =	seq.s32 @!p0 s5, $0x0  }
0x1f: {  	s9 =	smul.u32 $0xF7A, s1;
	s8 =	simm.s32 @!p0 $0x1BF5;
	p2 =	por !p2, p0  }
0x20: {  	[sflag:s8] =	ssyncset.s32 @!p0 $0xFFFFF086;
	s6 =	sadd.s32 @!p0 s3, s7;
	s7 =	simm.s32 @!p0 $0x108  }
0x21: {  	s3 =	sadd.s32 s3, s9;
	s6 =	sadd.s32 @!p0 $0x88, s6;
	s7 =	simm.s32 @p2 $0x1082  }
0x22: {  	[simem:s7], [sflag:s8] =	dma.local @!p0 [hbm:s6], $0xF7A  }
0x23: {  	s9 =	sor.u32 $0xD0000000, s2;
	s6 =	simm.s32 $0x108;
	_ =	swait.ge @!p0 [sflag:s8], $0x0  }
0x24: {  	s3 =	sadd.s32 $0x88, s3;
	s6 =	simm.s32 @!p1 $0x1082;
	[sflag:s4] =	ssyncset.s32 $0xFFFFF086  }
0x25: {  	[simem:s6], [sflag:s4] =	dma.local [hbm:s3], $0xF7A  }
0x26: {  	[smem:$0x3F83] =	sst s1;
	(tag) =	ssettag s2;
	_ =	strace s9  }
0x27: {  	s1 =	sld [smem:$0x3F93]  }
0x28: {  	s2 =	sld [smem:$0x3F94]  }
0x29: {  	s4 =	sld [smem:$0x3F96]  }
0x2a: {  	p0 =	seq.s32 s5, $0x0;
	s5 =	sld [smem:$0x3F97]  }
0x2b: {  	s6 =	sld [smem:$0x3F98]  }
0x2c: {  	s7 =	sld [smem:$0x3F99]  }
0x2d: {  	s3 =	simm.s32 $0x108;
	s8 =	sld [smem:$0x3F9A]  }
0x2e: {  	s3 =	simm.s32 @!p0 $0x1082;
	s9 =	sld [smem:$0x3F9B]  }
0x2f: {  	lr =	sadd.s32 s0, s3;
	s0 =	sld [smem:$0x3F92]  }
0x30: {  	s3 =	sld [smem:$0x3F95]  }
0x31: {  	[smem:$0x3F9E] =	sst s10  }
0x32: {  	s10 =	sld [smem:$0x3F9C];
	_ =	sdelay $0x3  }
0x33: {  	p0 =	seq.s32 s10, $0x1;
	s10 =	sld [smem:$0x3F9E];
	_ =	sdelay $0x3  }
0x34: {  	[smem:$0x3F9E] =	sst s10  }
0x35: {  	s10 =	sld [smem:$0x3F9D];
	_ =	sdelay $0x3  }
0x36: {  	p1 =	seq.s32 s10, $0x1;
	s10 =	sld [smem:$0x3F9E];
	_ =	sdelay $0x3  }
0x37: {  	[smem:$0x3F9E] =	sst s10  }
0x38: {  	s10 =	sld [smem:$0x3F9F]  }
0x39: {  	_ = 	snop;
	(pc) =	sbr.ind lr, $3  }
0x3a: {  	_ = 	snop  }
0x3b: {  	_ = 	snop  }
0x3c: {  	p2 =	seq.s32 s10, $0x1;
	s10 =	sld [smem:$0x3F9E]  }
0x3d: {  	_ =	shalt  }
0x3e: {  	_ =	shalt  }
0x3f: {  	_ =	shalt  }
0x40: {  	_ =	shalt  }
0x41: {  	_ =	shalt  }
0x42: {  	_ =	shalt  }
0x43: {  	_ =	shalt  }
0x44: {  	_ =	shalt  }
0x45: {  	_ =	shalt  }
0x46: {  	_ =	shalt  }
0x47: {  	_ =	shalt  }
0x48: {  	_ =	shalt  }
0x49: {  	_ =	shalt  }
0x4a: {  	_ =	shalt  }
0x4b: {  	_ =	shalt  }
0x4c: {  	_ =	shalt  }
0x4d: {  	_ =	shalt  }
0x4e: {  	_ =	shalt  }
0x4f: {  	_ =	shalt  }
0x50: {  	_ =	shalt  }
0x51: {  	_ =	shalt  }
0x52: {  	_ =	shalt  }
0x53: {  	_ =	shalt  }
0x54: {  	_ =	shalt  }
0x55: {  	_ =	shalt  }
0x56: {  	_ =	shalt  }
0x57: {  	_ =	shalt  }
0x58: {  	_ =	shalt  }
0x59: {  	_ =	shalt  }
0x5a: {  	_ =	shalt  }
0x5b: {  	_ =	shalt  }
0x5c: {  	_ =	shalt  }
0x5d: {  	_ =	shalt  }
0x5e: {  	_ =	shalt  }
0x5f: {  	_ =	shalt  }
0x60: {  	_ =	shalt  }
0x61: {  	_ =	shalt  }
0x62: {  	_ =	shalt  }
0x63: {  	_ =	shalt  }
0x64: {  	_ =	shalt  }
0x65: {  	_ =	shalt  }
0x66: {  	_ =	shalt  }
0x67: {  	_ =	shalt  }
0x68: {  	_ =	shalt  }
0x69: {  	_ =	shalt  }
0x6a: {  	_ =	shalt  }
0x6b: {  	_ =	shalt  }
0x6c: {  	_ =	shalt  }
0x6d: {  	_ =	shalt  }
0x6e: {  	_ =	shalt  }
0x6f: {  	_ =	shalt  }
0x70: {  	_ =	shalt  }
0x71: {  	_ =	shalt  }
0x72: {  	_ =	shalt  }
0x73: {  	_ =	shalt  }
0x74: {  	_ =	shalt  }
0x75: {  	_ =	shalt  }
0x76: {  	_ =	shalt  }
0x77: {  	_ =	shalt  }
0x78: {  	_ =	shalt  }
0x79: {  	_ =	shalt  }
0x7a: {  	_ =	shalt  }
0x7b: {  	_ =	shalt  }
0x7c: {  	_ =	shalt  }
0x7d: {  	_ =	shalt  }
0x7e: {  	_ =	shalt  }
0x7f: {  	_ =	shalt  }
0x80: {  	_ =	shalt  }
0x81: {  	_ =	shalt  }
0x82: {  	_ =	shalt  }
0x83: {  	_ =	shalt  }
0x84: {  	_ =	shalt  }
0x85: {  	_ =	shalt  }
0x86: {  	_ =	shalt  }
0x87: {  	_ =	shalt  }
.Lfunc_end0:
.L_simem_size_0:
called_computation.16_lowered:
.L_overlay_start_0:
0x88: {  	s2 =	sld [smem:$0x3FD9]  }
0x89: {  	s3 =	sld [smem:$0x3FFE];
	_ =	sdelay $0x1  }
0x8a: {  	s1 =	srdreg.scid  }
0x8b: {  	s0 =	sand.u32 $0x1, s1  }
0x8c: {  	s16 =	sshll.u32 s0, $0xA;
	s2 =	sadd.s32 s3, s2  }
0x8d: {  	s2 =	sadd.s32 s2, s16  }
0x8e: {  	[smem:$0x3FAA] =	sst s2  }
0x8f: {  	_ = 	snop  }
0x90: {  	(tm) =	ssettm $0x1  }
0x91: {  	s17 =	sld [smem:$0x3FFB];
	_ =	sdelay $0x3  }
0x92: {  	_ =	strace s17  }
0x93: {  	s2 =	sld [smem:$0x3FFC];
	_ =	sdelay $0x3  }
0x94: {  	_ =	strace s2  }
0x95: {  	s2 =	sld [smem:$0x3FFD];
	_ =	sdelay $0x3  }
0x96: {  	_ =	strace s2  }
0x97: {  	_ =	strace $0x8FFFFFFF  }
0x98: {  	s18 =	sld [smem:$0x3FDB];
	_ =	sdelay $0x1  }
0x99: {  	s19 =	simm.s32 $_scs_section_size  }
0x9a: {  	s4 =	simm.s32 $_size__tile_overlayer_lowered;
	s5 =	simm.s32 $_tile_overlayer_lowered  }
0x9b: {  	s22 =	simm.s32 $0x1BFF;
	s21 =	sshll.u32 s5, $0x1;
	s2 =	sadd.s32 s19, s18  }
0x9c: {  	s6 =	simm.s32 $0x0;
	s20 =	sshll.u32 s4, $0x1;
	s4 =	sadd.s32 s21, s2  }
0x9d: {  	[timem:s6], [sflag:s22] =	dma.local [hbm:s4], s20  }
0x9e: {  	_ =	swait.ge [sflag:s22], s20  }
0x9f: {  	s3 =	ssub.s32 $0x0, s20;
	[sflag:s22] =	ssyncset.done $0x0  }
0xa0: {  	[sflag:s22] =	ssyncadd.s32 s3;
	_ =	sdelay $0x1  }
0xa1: {  	s23 =	simm.s32 $0x1B8B  }
0xa2: {  	_ =	swait.ge [sflag:s23], $0x1  }
0xa3: {  	[sflag:s23] =	ssyncset.done $0x0  }
0xa4: {  	s25 =	simm.s32 $0x1B8E;
	s24 =	sld [smem:$0x3FFE];
	[sflag:s23] =	ssyncadd.s32 $0xFFFFFFFF  }
0xa5: {  	s26 =	simm.s32 $execute0_lowered;
	[smem:$0x3FD2] =	sst s25  }
0xa6: {  	s4 =	sshll.u32 s26, $0x1;
	_ =	strace $0x80000052;
	[dreg:$0x1] =	wrdreg $0xFFFFFFFF  }
0xa7: {  	s28 =	simm.s32 $_size_execute0_lowered;
	s2 =	sadd.s32 s2, s4;
	[dreg:$0x0] =	wrdreg $0x0  }
0xa8: {  	s4 =	sshll.u32 s28, $0x1;
	[dreg:$0x2] =	wrdreg s2  }
0xa9: {  	[dreg:$0x3] =	wrdreg s4  }
0xaa: {  	[dreg:$0x4] =	wrdreg $0xC0  }
0xab: {  	_ =	task [dreg:s6], $0x5FFFF  }
0xac: {  	[dreg:$0x1] =	wrdreg $0xFFFFFFFF  }
0xad: {  	[dreg:$0x0] =	wrdreg $0x60  }
0xae: {  	[dreg:$0x2] =	wrdreg s24  }
0xaf: {  	[dreg:$0x3] =	wrdreg $0x9  }
0xb0: {  	_ =	task.clear_ibuf [dreg:s6], $0x4FFFF;
	_ =	strace $0x90000052  }
0xb1: {  	s29 =	simm.s32 $0x9;
	_ =	strace $0x80000054  }
0xb2: {  	_ =	swait.ge [sflag:s29], $0x1  }
0xb3: {  	[sflag:s29] =	ssyncadd.s32 $0xFFFFFFFF  }
0xb4: {  	_ =	strace $0x90000054  }
0xb5: {  	_ =	sfence  }
0xb6: {  	s30 =	sld [smem:$0x0];
	_ =	sdelay $0x2  }
0xb7: {  	s31 =	sshll.u32 s1, $0xD;
	s1 =	sshrl.u32 s1, $0x2  }
0xb8: {  	s3 =	sand.u32 $0x4000, s31;
	s1 =	sadd.s32 s1, s30  }
0xb9: {  	s0 =	sor.u32 s3, s0;
	s1 =	sshll.u32 s1, $0x11  }
0xba: {  	s0 =	sor.u32 s1, s0  }
0xbb: {  	s0 =	sadd.s32 $0x8F2B, s0  }
0xbc: {  	[sflag:s0] =	ssyncadd.remote.s32 $0x1  }
0xbd: {  	_ =	sfence.sel $0xFFFF  }
0xbe: {  	[dreg:$0x0] =	wrdreg $0xFFFFFFFF;
	(pc) =	sbr.abs _section_cstart, $3  }
0xbf: {  	[dreg:$0x1] =	wrdreg $0xFFFFFFFF  }
0xc0: {  	_ =	task.clear_ibuf [dreg:s6], $0x2FFFF;
	_ =	strace $0x9FFFFFFF  }
0xc1: {  	(tm) =	ssettm $0x7FFFFFFF  }
tec
execute0_lowered:
.L_overlay_start_1:
0x0: {  	(tag) =	ssettag $0x1  }
0x1: {  	s8 =	rddreg [dreg:$0x0];
	s1 =	stileid.u32  }
0x2: {  	s2 =	srdreg.scid;
	s0 =	rddreg [dreg:$0x1]  }
0x3: {  	_ =	strace $0x80000053;
	s5 =	simm.s32 $0x1;
	s9 =	simm.s32 $0x1  }
0x4: {  	s10 =	simm.s32 $0x3;
	s2 =	sand.u32 $0x1, s2;
	s3 =	sshll.u32 s1, $0x1  }
0x5: {  	s13 =	simm.s32 $0x0;
	s12 =	simm.s32 $0x0;
	s6 =	sor.u32 s3, s2  }
0x6: {  	[sflag:s5] =	ssyncpa.u1 $0x0;
	s2 =	sadd.s32 $0x1F400, s8;
	s4 =	smul.u32 $0x50, s6  }
0x7: {  	s3 =	sadd.s32 $0xC200, s8;
	p0 =	slt.u32 s6, $0x13;
	s6 =	simm.s32 $0xA00  }
.Ltmp0:
0x8: {  	s6 =	simm.s32 @!p0 $0x0;
	s7 =	ssub.s32 $0xFA0, s4;
	(pc) =	sbr.rel .LBB2_1-.Ltmp0, $4  }
0x9: {  	s9 =	simm.s32 @!p0 $0x0;
	p0 =	sne.s32 s7, s6;
	s7 =	simm.s32 $0x1  }
0xa: {  	s8 =	sadd.s32 $0xA800, s8;
	s6 =	simm.s32 $0x2;
	s7 =	simm.s32 @!p0 $0x0  }
0xb: {  	s11 =	smov.u32 s4;
	[sflag:s6] =	ssyncpa.u1 $0x0;
	s7 =	sadd.s32 s9, s7  }
0xc: {  	vm0 =	vmmov $0xffff;
	[sflag:s10] =	ssyncpa.u1 $0x0;
	s10 =	simm.s32 $0x0;
	s9 =	sadd.s32 $0x1, s7  }
.LBB2_4:
0xd: {  	vm1 =	veq.s32 v4, $0x80000000;
	v56 =	vand.u32 $0x3, v4;
	v6 =	vand.u32 $0x3FFF, v6  }
0xe: {  	v2 =	vor.u32 v2, v5;
	v59 =	vshrl.u32 v1, $0x2;
	v60 =	vand.u32 $0x3, v1  }
0xf: {  	v4 =	vsel vm1, $0xFFFFFFFF, v56;
	v6 =	vsel vm1, $0xFFFFFFFF, v6;
	v2 =	vor.u32 v3, v2  }
0x10: {  	vm1 =	veq.s32 v1, $0x80000000;
	v5 =	vand.u32 $0x3FFF, v59;
	v7 =	vshrl.u32 v4, $0x2  }
0x11: {  	v57 =	vshll.u32 v6, $0x2;
	v4 =	vshll.u32 v4, $0x7;
	v1 =	vsel vm1, $0xFFFFFFFF, v60  }
0x12: {  	v5 =	vsel vm1, $0xFFFFFFFF, v5;
	v6 =	vand.u32 $0x7F, v6;
	v7 =	vmul.u32 $0x9E00, v7  }
0x13: {  	v58 =	vand.u32 $0xFFFFFE00, v57;
	v4 =	vand.u32 $0x180, v4;
	v61 =	vshrl.u32 v1, $0x2  }
0x14: {  	v62 =	vshll.u32 v5, $0x2;
	v3 =	vadd.s32 v7, v58;
	v7 =	vmul.u32 $0x9E00, v61  }
0x15: {  	v1 =	vshll.u32 v1, $0x7;
	v3 =	vor.u32 v4, v3;
	v4 =	vand.u32 $0xFFFFFE00, v62  }
0x16: {  	v1 =	vand.u32 $0x180, v1;
	v3 =	vor.u32 v6, v3;
	v4 =	vadd.s32 v7, v4  }
0x17: {  	[tilespmem:s16], [sflag:$0x1] =	stream.indirect_vreg.gather [hbm4b:s2+s10], $0x1, v0, vm0, $0x4038;
	v63 =	vand.u32 $0x7F, v5;
	v1 =	vor.u32 v1, v4;
	[tilespmem:$0x140] =	vst v63  }
0x18: {  	s15 =	sadd.s32 $0x10, s15;
	(ifvalue) =	ssetifvalue $0x7FFFFFFF;
	v0 =	vor.u32 v63, v1  }
0x19: {  	[tilespmem:s15], [sflag:$0x1] =	stream.indirect_vreg.gather [hbm4b:s2+s10], $0x1, v2, vm0, $0x4038;
	[tilespmem:$0x140] =	vst v63  }
0x1a: {  	s15 =	sadd.s32 $0x10, s15;
	(ifvalue) =	ssetifvalue $0x7FFFFFFF  }
0x1b: {  	[tilespmem:s15], [sflag:$0x1] =	stream.indirect_vreg.gather [hbm4b:s2+s10], $0x1, v3, vm0, $0x4038;
	[tilespmem:$0x140] =	vst v63  }
0x1c: {  	s15 =	sadd.s32 $0x10, s15;
	(ifvalue) =	ssetifvalue $0x7FFFFFFF  }
0x1d: {  	[tilespmem:s15], [sflag:$0x1] =	stream.indirect_vreg.gather [hbm4b:s2+s10], $0x1, v0, vm0, $0x4038;
	[tilespmem:$0x140] =	vst v63  }
0x1e: {  	_ =	swait.ge [sflag:s5], $0x50  }
0x1f: {  	s30 =	sshrl.u32 s13, $0x3;
	[sflag:s5] =	ssyncset.done $0x0  }
0x20: {  	s31 =	sand.u32 $0x7, s13;
	s15 =	sadd.s32 s8, s30;
	[sflag:s5] =	ssyncadd.s32 $0xFFFFFFB0  }
0x21: {  	[hbm4b:s15+s31] =	stream.linear.scatter [tilespmem:s14], [sflag:$0x3], $0x50, $0x38;
	[tilespmem:$0x140] =	vst v63  }
.LBB2_5:
0x22: {  	s15 =	sadd.s32 $0xA00, s11  }
0x23: {  	p1 =	sgt.s32 s15, $0xF9F  }
0x24: {  	s15 =	smov.u32 @p1 s4;
	p1 =	sne.s32 s12, s9  }
.Ltmp1:
0x25: {  	p0 =	slt.u32 s12, $0x2;
	(pc) =	sbr.rel @!p1 .LBB2_6-.Ltmp1, $4  }
0x26: {  	s14 =	simm.s32 @!p0 $0x3  }
0x27: {  	_ =	swait.ge @!p0 [sflag:s14], $0x50  }
0x28: {  	s16 =	sadd.s32 $0x1, s12;
	s13 =	smov.u32 s11;
	[sflag:s14] =	ssyncset.done @!p0 $0x0  }
0x29: {  	s12 =	smov.u32 s16;
	s11 =	smov.u32 s15;
	[sflag:s14] =	ssyncadd.s32 @!p0 $0xFFFFFFB0  }
.LBB2_1:
0x2a: {  	p0 =	sge.u32 s12, s7  }
0x2b: {  	s14 =	sxor.u32 @!p0 $0x1, s12  }
0x2c: {  	s14 =	smul.u32 @!p0 $0x140, s14  }
0x2d: {  	s31 =	sadd.s32 $0xFFFFFFFF, s12;
	s15 =	sshrl.u32 @!p0 s11, $0x3  }
0x2e: {  	s16 =	sand.u32 @!p0 $0x7, s11;
	s15 =	sadd.s32 @!p0 s3, s15;
	s14 =	sshra.s32 @!p0 s14, $0x2  }
0x2f: {  	[tilespmem:s14], [sflag:$0x2] =	stream.linear.gather @!p0 [hbm4b:s15+s16], $0x50, $0x38;
	[tilespmem:$0x140] =	vst v63  }
0x30: {  	p0 =	sge.u32 s31, s7  }
.Ltmp2:
0x31: {  	_ = 	snop;
	(pc) =	sbr.rel @p0 .LBB2_5-.Ltmp2, $1  }
0x32: {  	_ =	sdelay $0x3  }
0x33: {  	s14 =	sand.u32 $0x1, s12  }
0x34: {  	_ =	swait.ge [sflag:s6], $0x50;
	p0 =	seq.s32 s14, $0x1;
	s14 =	simm.s32 $0x50  }
0x35: {  	[sflag:s6] =	ssyncset.done $0x0;
	s14 =	simm.s32 @!p0 $0x0  }
0x36: {  	[sflag:s6] =	ssyncadd.s32 $0xFFFFFFB0;
	(ifvalue) =	ssetifvalue $0x7FFFFFFF;
	v0 =	vld.msk [tilespmem:s14+$0x0 ss:$0x1], $0xffff  }
0x37: {  	s15 =	sadd.s32 $0x10, s14  }
0x38: {  	v1 =	vld.msk [tilespmem:s15+$0x0 ss:$0x1], $0xffff;
	_ =	sdelay $0x2  }
0x39: {  	v2 =	vshrl.u32 v0, $0x2  }
0x3a: {  	vm1 =	veq.s32 v0, $0x80000000;
	v0 =	vand.u32 $0x3, v0;
	v2 =	vand.u32 $0x3FFF, v2  }
0x3b: {  	v0 =	vsel vm1, $0xFFFFFFFF, v0;
	v6 =	vshrl.u32 v1, $0x2;
	v2 =	vsel vm1, $0xFFFFFFFF, v2  }
0x3c: {  	v3 =	vshrl.u32 v0, $0x2;
	v0 =	vshll.u32 v0, $0x7;
	vm1 =	veq.s32 v1, $0x80000000  }
0x3d: {  	s15 =	sadd.s32 $0x10, s15;
	v1 =	vand.u32 $0x3, v1;
	v4 =	vshll.u32 v2, $0x2;
	v3 =	vmul.u32 $0x9E00, v3  }
0x3e: {  	v0 =	vand.u32 $0x180, v0;
	v7 =	vand.u32 $0x7F, v2;
	v5 =	vand.u32 $0xFFFFFE00, v4;
	v4 =	vld.msk [tilespmem:s15+$0x0 ss:$0x1], $0xffff  }
0x3f: {  	v1 =	vsel vm1, $0xFFFFFFFF, v1;
	v2 =	vadd.s32 v3, v5;
	v3 =	vand.u32 $0x3FFF, v6  }
0x40: {  	v3 =	vsel vm1, $0xFFFFFFFF, v3;
	v0 =	vor.u32 v0, v2;
	v2 =	vshrl.u32 v1, $0x2  }
0x41: {  	v1 =	vshll.u32 v1, $0x7;
	v5 =	vshll.u32 v3, $0x2;
	v8 =	vmul.u32 $0x9E00, v2  }
0x42: {  	s18 =	simm.s32 $0x30;
	s14 =	sor.u32 $0xA0, s14;
	s17 =	sadd.s32 $0x10, s15;
	v2 =	vand.u32 $0x180, v1;
	v0 =	vor.u32 v7, v0;
	v5 =	vand.u32 $0xFFFFFE00, v5  }
0x43: {  	s16 =	smov.u32 s14;
	s15 =	smov.u32 s14;
	v1 =	vld.msk [tilespmem:s17+$0x0 ss:$0x1], $0xffff;
	v3 =	vand.u32 $0x7F, v3;
	(ifvalue) =	ssetifvalue $0x7FFFFFFF;
	v6 =	vshrl.u32 v4, $0x2;
	v5 =	vadd.s32 v8, v5  }
.LBB2_3:
0x44: {  	s18 =	sadd.s32 $0x10, s18  }
0x45: {  	vm1 =	veq.s32 v4, $0x80000000;
	v4 =	vand.u32 $0x3, v4;
	v6 =	vand.u32 $0x3FFF, v6;
	s15 =	sadd.s32 $0x10, s15;
	p0 =	slt.u32 s18, $0x40  }
.Ltmp3:
0x46: {  	v5 =	vor.u32 v2, v5;
	v4 =	vsel vm1, $0xFFFFFFFF, v4;
	v7 =	vsel vm1, $0xFFFFFFFF, v6;
	(pc) =	sbr.rel @p0 .LBB2_3-.Ltmp3, $4  }
0x47: {  	v2 =	vshrl.u32 v4, $0x2;
	v6 =	vshll.u32 v7, $0x2;
	v4 =	vshll.u32 v4, $0x7;
	[tilespmem:s16], [sflag:$0x1] =	stream.indirect_vreg.gather [hbm4b:s2+s10], $0x1, v0, vm0, $0x4038;
	[tilespmem:$0x140] =	vst v63  }
0x48: {  	v0 =	vor.u32 v3, v5;
	s16 =	smov.u32 s15;
	v8 =	vmul.u32 $0x9E00, v2;
	v2 =	vand.u32 $0x180, v4  }
0x49: {  	s17 =	sadd.s32 $0x10, s17;
	v9 =	vand.u32 $0xFFFFFE00, v6  }
0x4a: {  	v3 =	vand.u32 $0x7F, v7;
	v6 =	vshrl.u32 v1, $0x2;
	v5 =	vadd.s32 v8, v9;
	(ifvalue) =	ssetifvalue $0x7FFFFFFF;
	v4 =	vmovc v1;
	v1 =	vld.msk [tilespmem:s17+$0x0 ss:$0x1], $0xffff  }
.Ltmp4:
0x4b: {  	_ = 	snop;
	(pc) =	sbr.rel .LBB2_4-.Ltmp4, $1  }
0x4c: {  	_ =	sdelay $0x3  }
.LBB2_6:
0x4d: {  	_ =	sfence.sel $0x180000  }
0x4e: {  	s2 =	simm.s32 $0x2;
	[bflag:$0x0] =	sbarrier.arrive $0xFFFF  }
0x4f: {  	s30 =	simm.s32 $0x3;
	[sflag:s2] =	ssyncpa.u1 $0x1  }
0x50: {  	s31 =	simm.s32 $0x1;
	[sflag:s30] =	ssyncpa.u1 $0x1  }
0x51: {  	[sflag:s31] =	ssyncpa.u1 $0x1  }
0x52: {  	p0 =	sne.s32 s1, $0x0;
	_ =	strace $0x90000053  }
0x53: {  	s0 =	sadd.s32 @!p0 $0x100000, s0;
	[bflag:$0x2] =	sbarrier.arrive $0xFFFF  }
0x54: {  	[sflag:s0] =	ssyncadd.tile.s32 @!p0 $0x1;
	_ =	shalt  }
.Lfunc_end2:
_tile_overlayer_lowered:
.L_overlay_start_2:
0x55: {  	(tag) =	ssettag $0x2  }
0x56: {  	s0 =	rddreg [dreg:$0x0];
	s2 =	stileid.u32  }
0x57: {  	s1 =	rddreg [dreg:$0x1];
	p0 =	sne.s32 s2, $0x0  }
0x58: {  	s3 =	rddreg [dreg:$0x2];
	[bflag:$0x3] =	sbarrier.arrive $0xFFFF;
	s2 =	simm.s32 @!p0 $0x1C01  }
0x59: {  	[timem:s3], [sflag:s2] =	dma.local @!p0 [hbm:s0], s1  }
0x5a: {  	s0 =	simm.s32 @!p0 $0x1  }
0x5b: {  	_ =	swait.ge @!p0 [sflag:s0], s1  }
0x5c: {  	s1 =	ssub.s32 @!p0 $0x0, s1;
	[sflag:s0] =	ssyncset.done @!p0 $0x0  }
0x5d: {  	[sflag:s0] =	ssyncadd.s32 @!p0 s1  }
0x5e: {  	[bflag:$0x3] =	sbarrier.arrive $0xFFFF  }
0x5f: {  	_ =	shalt  }

// kernel: gather_offload_async_start.17
scs
__scs_entry_jumppad:
0x0: {  	(pc) =	sbr.rel $0x88, $3  }
0x1: {  	(tag) =	ssettag $0x0;
	lr =	simm.s32 $0x1  }
0x2: {  	[smem:$0x3F83] =	sst lr;
	_ =	strace $0xD0000000  }
0x3: {  	_ = 	snop  }
0x4: {  	_ = 	snop  }
0x5: {  	_ = 	snop  }
0x6: {  	_ = 	snop  }
0x7: {  	_ = 	snop  }
__scs_overlays_trampoline_lowered:
0x8: {  	[smem:$0x3F92] =	sst s0  }
0x9: {  	[smem:$0x3F93] =	sst s1  }
0xa: {  	[smem:$0x3F94] =	sst s2  }
0xb: {  	[smem:$0x3F95] =	sst s3  }
0xc: {  	[smem:$0x3F96] =	sst s4  }
0xd: {  	[smem:$0x3F97] =	sst s5  }
0xe: {  	[smem:$0x3F98] =	sst s6  }
0xf: {  	[smem:$0x3F99] =	sst s7  }
0x10: {  	[smem:$0x3F9A] =	sst s8  }
0x11: {  	[smem:$0x3F9B] =	sst s9;
	s0 =	simm.s32 @!p0 $0x0  }
0x12: {  	s1 =	sld [smem:$0x3F81];
	s0 =	simm.s32 @p0 $0x1  }
0x13: {  	[smem:$0x3F9C] =	sst s0;
	s0 =	simm.s32 @!p1 $0x0  }
0x14: {  	s2 =	sld [smem:$0x3F80];
	s0 =	simm.s32 @p1 $0x1  }
0x15: {  	[smem:$0x3F9D] =	sst s0;
	s0 =	simm.s32 @!p2 $0x0  }
0x16: {  	s3 =	sld [smem:$0x3FDB];
	s0 =	simm.s32 @p2 $0x1  }
0x17: {  	s4 =	simm.s32 $0x1BF5;
	[smem:$0x3F9F] =	sst s0  }
0x18: {  	s0 =	sld [smem:$0x3F82];
	_ =	swait.ge [sflag:s4], $0x0  }
0x19: {  	s7 =	sld [smem:$0x3F83]  }
0x1a: {  	s8 =	sadd.s32 $0xFFFFE003, lr  }
0x1b: {  	s9 =	sadd.s32 $0xFFFFFEF7, lr;
	s5 =	simm.s32 $0xFFFFFFFF;
	p2 =	slt.u32 s8, $0xFFFFF086  }
0x1c: {  	p1 =	slt.u32 s9, $0xF7A;
	s5 =	simm.s32 @!p2 $0x0  }
0x1d: {  	s5 =	simm.s32 @p1 $0x1;
	p0 =	seq.s32 s7, s2  }
0x1e: {  	s7 =	smul.u32 @!p0 $0xF7A, s2;
	p2 =	seq.s32 @!p0 s5, $0x0  }
0x1f: {  	s9 =	smul.u32 $0xF7A, s1;
	s8 =	simm.s32 @!p0 $0x1BF5;
	p2 =	por !p2, p0  }
0x20: {  	[sflag:s8] =	ssyncset.s32 @!p0 $0xFFFFF086;
	s6 =	sadd.s32 @!p0 s3, s7;
	s7 =	simm.s32 @!p0 $0x108  }
0x21: {  	s3 =	sadd.s32 s3, s9;
	s6 =	sadd.s32 @!p0 $0x88, s6;
	s7 =	simm.s32 @p2 $0x1082  }
0x22: {  	[simem:s7], [sflag:s8] =	dma.local @!p0 [hbm:s6], $0xF7A  }
0x23: {  	s9 =	sor.u32 $0xD0000000, s2;
	s6 =	simm.s32 $0x108;
	_ =	swait.ge @!p0 [sflag:s8], $0x0  }
0x24: {  	s3 =	sadd.s32 $0x88, s3;
	s6 =	simm.s32 @!p1 $0x1082;
	[sflag:s4] =	ssyncset.s32 $0xFFFFF086  }
0x25: {  	[simem:s6], [sflag:s4] =	dma.local [hbm:s3], $0xF7A  }
0x26: {  	[smem:$0x3F83] =	sst s1;
	(tag) =	ssettag s2;
	_ =	strace s9  }
0x27: {  	s1 =	sld [smem:$0x3F93]  }
0x28: {  	s2 =	sld [smem:$0x3F94]  }
0x29: {  	s4 =	sld [smem:$0x3F96]  }
0x2a: {  	p0 =	seq.s32 s5, $0x0;
	s5 =	sld [smem:$0x3F97]  }
0x2b: {  	s6 =	sld [smem:$0x3F98]  }
0x2c: {  	s7 =	sld [smem:$0x3F99]  }
0x2d: {  	s3 =	simm.s32 $0x108;
	s8 =	sld [smem:$0x3F9A]  }
0x2e: {  	s3 =	simm.s32 @!p0 $0x1082;
	s9 =	sld [smem:$0x3F9B]  }
0x2f: {  	lr =	sadd.s32 s0, s3;
	s0 =	sld [smem:$0x3F92]  }
0x30: {  	s3 =	sld [smem:$0x3F95]  }
0x31: {  	[smem:$0x3F9E] =	sst s10  }
0x32: {  	s10 =	sld [smem:$0x3F9C];
	_ =	sdelay $0x3  }
0x33: {  	p0 =	seq.s32 s10, $0x1;
	s10 =	sld [smem:$0x3F9E];
	_ =	sdelay $0x3  }
0x34: {  	[smem:$0x3F9E] =	sst s10  }
0x35: {  	s10 =	sld [smem:$0x3F9D];
	_ =	sdelay $0x3  }
0x36: {  	p1 =	seq.s32 s10, $0x1;
	s10 =	sld [smem:$0x3F9E];
	_ =	sdelay $0x3  }
0x37: {  	[smem:$0x3F9E] =	sst s10  }
0x38: {  	s10 =	sld [smem:$0x3F9F]  }
0x39: {  	_ = 	snop;
	(pc) =	sbr.ind lr, $3  }
0x3a: {  	_ = 	snop  }
0x3b: {  	_ = 	snop  }
0x3c: {  	p2 =	seq.s32 s10, $0x1;
	s10 =	sld [smem:$0x3F9E]  }
0x3d: {  	_ =	shalt  }
0x3e: {  	_ =	shalt  }
0x3f: {  	_ =	shalt  }
0x40: {  	_ =	shalt  }
0x41: {  	_ =	shalt  }
0x42: {  	_ =	shalt  }
0x43: {  	_ =	shalt  }
0x44: {  	_ =	shalt  }
0x45: {  	_ =	shalt  }
0x46: {  	_ =	shalt  }
0x47: {  	_ =	shalt  }
0x48: {  	_ =	shalt  }
0x49: {  	_ =	shalt  }
0x4a: {  	_ =	shalt  }
0x4b: {  	_ =	shalt  }
0x4c: {  	_ =	shalt  }
0x4d: {  	_ =	shalt  }
0x4e: {  	_ =	shalt  }
0x4f: {  	_ =	shalt  }
0x50: {  	_ =	shalt  }
0x51: {  	_ =	shalt  }
0x52: {  	_ =	shalt  }
0x53: {  	_ =	shalt  }
0x54: {  	_ =	shalt  }
0x55: {  	_ =	shalt  }
0x56: {  	_ =	shalt  }
0x57: {  	_ =	shalt  }
0x58: {  	_ =	shalt  }
0x59: {  	_ =	shalt  }
0x5a: {  	_ =	shalt  }
0x5b: {  	_ =	shalt  }
0x5c: {  	_ =	shalt  }
0x5d: {  	_ =	shalt  }
0x5e: {  	_ =	shalt  }
0x5f: {  	_ =	shalt  }
0x60: {  	_ =	shalt  }
0x61: {  	_ =	shalt  }
0x62: {  	_ =	shalt  }
0x63: {  	_ =	shalt  }
0x64: {  	_ =	shalt  }
0x65: {  	_ =	shalt  }
0x66: {  	_ =	shalt  }
0x67: {  	_ =	shalt  }
0x68: {  	_ =	shalt  }
0x69: {  	_ =	shalt  }
0x6a: {  	_ =	shalt  }
0x6b: {  	_ =	shalt  }
0x6c: {  	_ =	shalt  }
0x6d: {  	_ =	shalt  }
0x6e: {  	_ =	shalt  }
0x6f: {  	_ =	shalt  }
0x70: {  	_ =	shalt  }
0x71: {  	_ =	shalt  }
0x72: {  	_ =	shalt  }
0x73: {  	_ =	shalt  }
0x74: {  	_ =	shalt  }
0x75: {  	_ =	shalt  }
0x76: {  	_ =	shalt  }
0x77: {  	_ =	shalt  }
0x78: {  	_ =	shalt  }
0x79: {  	_ =	shalt  }
0x7a: {  	_ =	shalt  }
0x7b: {  	_ =	shalt  }
0x7c: {  	_ =	shalt  }
0x7d: {  	_ =	shalt  }
0x7e: {  	_ =	shalt  }
0x7f: {  	_ =	shalt  }
0x80: {  	_ =	shalt  }
0x81: {  	_ =	shalt  }
0x82: {  	_ =	shalt  }
0x83: {  	_ =	shalt  }
0x84: {  	_ =	shalt  }
0x85: {  	_ =	shalt  }
0x86: {  	_ =	shalt  }
0x87: {  	_ =	shalt  }
.Lfunc_end0:
.L_simem_size_0:
called_computation.17_lowered:
.L_overlay_start_0:
0x88: {  	s2 =	sld [smem:$0x3FD9]  }
0x89: {  	s3 =	sld [smem:$0x3FFE];
	_ =	sdelay $0x1  }
0x8a: {  	s1 =	srdreg.scid  }
0x8b: {  	s0 =	sand.u32 $0x1, s1  }
0x8c: {  	s16 =	sshll.u32 s0, $0xA;
	s2 =	sadd.s32 s3, s2  }
0x8d: {  	s2 =	sadd.s32 s2, s16  }
0x8e: {  	[smem:$0x3FAA] =	sst s2  }
0x8f: {  	_ = 	snop  }
0x90: {  	(tm) =	ssettm $0x1  }
0x91: {  	s17 =	sld [smem:$0x3FFB];
	_ =	sdelay $0x3  }
0x92: {  	_ =	strace s17  }
0x93: {  	s2 =	sld [smem:$0x3FFC];
	_ =	sdelay $0x3  }
0x94: {  	_ =	strace s2  }
0x95: {  	s2 =	sld [smem:$0x3FFD];
	_ =	sdelay $0x3  }
0x96: {  	_ =	strace s2  }
0x97: {  	_ =	strace $0x8FFFFFFF  }
0x98: {  	s18 =	sld [smem:$0x3FDB];
	_ =	sdelay $0x1  }
0x99: {  	s19 =	simm.s32 $_scs_section_size  }
0x9a: {  	s4 =	simm.s32 $_size__tile_overlayer_lowered;
	s5 =	simm.s32 $_tile_overlayer_lowered  }
0x9b: {  	s22 =	simm.s32 $0x1BFF;
	s21 =	sshll.u32 s5, $0x1;
	s2 =	sadd.s32 s19, s18  }
0x9c: {  	s6 =	simm.s32 $0x0;
	s20 =	sshll.u32 s4, $0x1;
	s4 =	sadd.s32 s21, s2  }
0x9d: {  	[timem:s6], [sflag:s22] =	dma.local [hbm:s4], s20  }
0x9e: {  	_ =	swait.ge [sflag:s22], s20  }
0x9f: {  	s3 =	ssub.s32 $0x0, s20;
	[sflag:s22] =	ssyncset.done $0x0  }
0xa0: {  	[sflag:s22] =	ssyncadd.s32 s3;
	_ =	sdelay $0x1  }
0xa1: {  	s23 =	simm.s32 $0x1B8B  }
0xa2: {  	_ =	swait.ge [sflag:s23], $0x1  }
0xa3: {  	[sflag:s23] =	ssyncset.done $0x0  }
0xa4: {  	s25 =	simm.s32 $0x1B8E;
	s24 =	sld [smem:$0x3FFE];
	[sflag:s23] =	ssyncadd.s32 $0xFFFFFFFF  }
0xa5: {  	s26 =	simm.s32 $execute0_lowered;
	[smem:$0x3FD2] =	sst s25  }
0xa6: {  	s4 =	sshll.u32 s26, $0x1;
	_ =	strace $0x8000004F;
	[dreg:$0x1] =	wrdreg $0xFFFFFFFF  }
0xa7: {  	s28 =	simm.s32 $_size_execute0_lowered;
	s2 =	sadd.s32 s2, s4;
	[dreg:$0x0] =	wrdreg $0x0  }
0xa8: {  	s4 =	sshll.u32 s28, $0x1;
	[dreg:$0x2] =	wrdreg s2  }
0xa9: {  	[dreg:$0x3] =	wrdreg s4  }
0xaa: {  	[dreg:$0x4] =	wrdreg $0xC0  }
0xab: {  	_ =	task [dreg:s6], $0x5FFFF  }
0xac: {  	[dreg:$0x1] =	wrdreg $0xFFFFFFFF  }
0xad: {  	[dreg:$0x0] =	wrdreg $0x60  }
0xae: {  	[dreg:$0x2] =	wrdreg s24  }
0xaf: {  	[dreg:$0x3] =	wrdreg $0x9  }
0xb0: {  	_ =	task.clear_ibuf [dreg:s6], $0x4FFFF;
	_ =	strace $0x9000004F  }
0xb1: {  	s29 =	simm.s32 $0x9;
	_ =	strace $0x80000051  }
0xb2: {  	_ =	swait.ge [sflag:s29], $0x1  }
0xb3: {  	[sflag:s29] =	ssyncadd.s32 $0xFFFFFFFF  }
0xb4: {  	_ =	strace $0x90000051  }
0xb5: {  	_ =	sfence  }
0xb6: {  	s30 =	sld [smem:$0x0];
	_ =	sdelay $0x2  }
0xb7: {  	s31 =	sshll.u32 s1, $0xD;
	s1 =	sshrl.u32 s1, $0x2  }
0xb8: {  	s3 =	sand.u32 $0x4000, s31;
	s1 =	sadd.s32 s1, s30  }
0xb9: {  	s0 =	sor.u32 s3, s0;
	s1 =	sshll.u32 s1, $0x11  }
0xba: {  	s0 =	sor.u32 s1, s0  }
0xbb: {  	s0 =	sadd.s32 $0x8F2B, s0  }
0xbc: {  	[sflag:s0] =	ssyncadd.remote.s32 $0x1  }
0xbd: {  	_ =	sfence.sel $0xFFFF  }
0xbe: {  	[dreg:$0x0] =	wrdreg $0xFFFFFFFF;
	(pc) =	sbr.abs _section_cstart, $3  }
0xbf: {  	[dreg:$0x1] =	wrdreg $0xFFFFFFFF  }
0xc0: {  	_ =	task.clear_ibuf [dreg:s6], $0x2FFFF;
	_ =	strace $0x9FFFFFFF  }
0xc1: {  	(tm) =	ssettm $0x7FFFFFFF  }
tec
execute0_lowered:
.L_overlay_start_1:
0x0: {  	(tag) =	ssettag $0x1  }
0x1: {  	s8 =	rddreg [dreg:$0x0];
	s1 =	stileid.u32  }
0x2: {  	s2 =	srdreg.scid;
	s0 =	rddreg [dreg:$0x1]  }
0x3: {  	_ =	strace $0x80000050;
	s5 =	simm.s32 $0x1;
	s9 =	simm.s32 $0x1  }
0x4: {  	s10 =	simm.s32 $0x3;
	s2 =	sand.u32 $0x1, s2;
	s3 =	sshll.u32 s1, $0x1  }
0x5: {  	s13 =	simm.s32 $0x0;
	s12 =	simm.s32 $0x0;
	s6 =	sor.u32 s3, s2  }
0x6: {  	[sflag:s5] =	ssyncpa.u1 $0x0;
	s2 =	sadd.s32 $0x19000, s8;
	s4 =	smul.u32 $0x190, s6  }
0x7: {  	s3 =	sadd.s32 $0x18800, s8;
	p0 =	slt.u32 s6, $0x9;
	s6 =	simm.s32 $0x3200  }
.Ltmp0:
0x8: {  	s6 =	simm.s32 @!p0 $0x0;
	s7 =	ssub.s32 $0x3E80, s4;
	(pc) =	sbr.rel .LBB2_1-.Ltmp0, $4  }
0x9: {  	s9 =	simm.s32 @!p0 $0x0;
	p0 =	sne.s32 s7, s6;
	s7 =	simm.s32 $0x1  }
0xa: {  	s8 =	sadd.s32 $0x7200, s8;
	s6 =	simm.s32 $0x2;
	s7 =	simm.s32 @!p0 $0x0  }
0xb: {  	s11 =	smov.u32 s4;
	[sflag:s6] =	ssyncpa.u1 $0x0;
	s7 =	sadd.s32 s9, s7  }
0xc: {  	vm0 =	vmmov $0xffff;
	[sflag:s10] =	ssyncpa.u1 $0x0;
	s10 =	simm.s32 $0x0;
	s9 =	sadd.s32 $0x1, s7  }
.LBB2_4:
0xd: {  	v6 =	vand.u32 $0x7F, v3;
	v4 =	vsel vm1, $0xFFFF6200, v4  }
0xe: {  	v5 =	vmul.u32 $0x9E00, v5;
	vm1 =	vmmov vm2;
	v56 =	vshll.u32 v3, $0x2  }
0xf: {  	v7 =	vand.u32 $0x3, v1;
	v2 =	vshll.u32 v2, $0x7;
	v57 =	vshrl.u32 v1, $0x2  }
0x10: {  	v58 =	vshrl.u32 v1, $0x4;
	v4 =	vor.u32 v4, v6;
	v3 =	vand.u32 $0xFFFFFE00, v56  }
0x11: {  	v2 =	vand.u32 $0x180, v2;
	v4 =	vadd.s32 v5, v4;
	v5 =	vand.u32 $0x3, v57  }
0x12: {  	v1 =	vand.u32 $0x3FFF, v58;
	v59 =	vmul.u32 $0x9E00, v7;
	v5 =	vsel vm1, $0xFFFFFFFF, v5  }
0x13: {  	v1 =	vsel vm1, $0xFFFFFFFF, v1;
	v3 =	vadd.s32 v3, v4;
	v60 =	vshrl.u32 v5, $0x2  }
0x14: {  	v61 =	vand.u32 $0x7F, v1;
	v6 =	vsel vm1, $0xFFFF6200, v59;
	v4 =	vmul.u32 $0x9E00, v60  }
0x15: {  	v1 =	vshll.u32 v1, $0x2;
	v2 =	vor.u32 v2, v3;
	v62 =	vor.u32 v6, v61  }
0x16: {  	v1 =	vand.u32 $0xFFFFFE00, v1;
	v5 =	vshll.u32 v5, $0x7;
	v3 =	vadd.s32 v4, v62  }
0x17: {  	v63 =	vand.u32 $0x180, v5;
	v1 =	vadd.s32 v1, v3  }
0x18: {  	(ifvalue) =	ssetifvalue $0x7FFFFFFF;
	s15 =	sadd.s32 $0x10, s15;
	v1 =	vor.u32 v63, v1  }
0x19: {  	[tilespmem:s15], [sflag:$0x1] =	stream.indirect_vreg.gather [hbm4b:s2+s10], $0x1, v0, vm0, $0x4038;
	[tilespmem:$0x640] =	vst v63  }
0x1a: {  	(ifvalue) =	ssetifvalue $0x7FFFFFFF;
	s15 =	sadd.s32 $0x10, s15  }
0x1b: {  	[tilespmem:s15], [sflag:$0x1] =	stream.indirect_vreg.gather [hbm4b:s2+s10], $0x1, v2, vm0, $0x4038;
	[tilespmem:$0x640] =	vst v63  }
0x1c: {  	(ifvalue) =	ssetifvalue $0x7FFFFFFF;
	s15 =	sadd.s32 $0x10, s15  }
0x1d: {  	[tilespmem:s15], [sflag:$0x1] =	stream.indirect_vreg.gather [hbm4b:s2+s10], $0x1, v1, vm0, $0x4038;
	[tilespmem:$0x640] =	vst v63  }
0x1e: {  	_ =	swait.ge [sflag:s5], $0x190  }
0x1f: {  	s30 =	sshrl.u32 s13, $0x3;
	[sflag:s5] =	ssyncset.done $0x0  }
0x20: {  	s31 =	sand.u32 $0x7, s13;
	s15 =	sadd.s32 s8, s30;
	[sflag:s5] =	ssyncadd.s32 $0xFFFFFE70  }
0x21: {  	[hbm4b:s15+s31] =	stream.linear.scatter [tilespmem:s14], [sflag:$0x3], $0x190, $0x38;
	[tilespmem:$0x640] =	vst v63  }
.LBB2_5:
0x22: {  	s15 =	sadd.s32 $0x3200, s11  }
0x23: {  	p1 =	sgt.s32 s15, $0x3E7F  }
0x24: {  	s15 =	smov.u32 @p1 s4;
	p1 =	sne.s32 s12, s9  }
.Ltmp1:
0x25: {  	p0 =	slt.u32 s12, $0x2;
	(pc) =	sbr.rel @!p1 .LBB2_6-.Ltmp1, $4  }
0x26: {  	s14 =	simm.s32 @!p0 $0x3  }
0x27: {  	_ =	swait.ge @!p0 [sflag:s14], $0x190  }
0x28: {  	s16 =	sadd.s32 $0x1, s12;
	s13 =	smov.u32 s11;
	[sflag:s14] =	ssyncset.done @!p0 $0x0  }
0x29: {  	s12 =	smov.u32 s16;
	s11 =	smov.u32 s15;
	[sflag:s14] =	ssyncadd.s32 @!p0 $0xFFFFFE70  }
.LBB2_1:
0x2a: {  	p0 =	sge.u32 s12, s7  }
0x2b: {  	s14 =	sxor.u32 @!p0 $0x1, s12  }
0x2c: {  	s14 =	smul.u32 @!p0 $0x640, s14  }
0x2d: {  	s31 =	sadd.s32 $0xFFFFFFFF, s12;
	s15 =	sshrl.u32 @!p0 s11, $0x3  }
0x2e: {  	s16 =	sand.u32 @!p0 $0x7, s11;
	s15 =	sadd.s32 @!p0 s3, s15;
	s14 =	sshra.s32 @!p0 s14, $0x2  }
0x2f: {  	[tilespmem:s14], [sflag:$0x2] =	stream.linear.gather @!p0 [hbm4b:s15+s16], $0x190, $0x38;
	[tilespmem:$0x640] =	vst v63  }
0x30: {  	p0 =	sge.u32 s31, s7  }
.Ltmp2:
0x31: {  	_ = 	snop;
	(pc) =	sbr.rel @p0 .LBB2_5-.Ltmp2, $1  }
0x32: {  	_ =	sdelay $0x3  }
0x33: {  	s14 =	sand.u32 $0x1, s12  }
0x34: {  	_ =	swait.ge [sflag:s6], $0x190;
	p0 =	seq.s32 s14, $0x1;
	s14 =	simm.s32 $0x190  }
0x35: {  	[sflag:s6] =	ssyncset.done $0x0;
	s14 =	simm.s32 @!p0 $0x0  }
0x36: {  	[sflag:s6] =	ssyncadd.s32 $0xFFFFFE70;
	(ifvalue) =	ssetifvalue $0x7FFFFFFF;
	v0 =	vld.msk [tilespmem:s14+$0x0 ss:$0x1], $0xffff;
	_ =	sdelay $0x1  }
0x37: {  	s15 =	sadd.s32 $0x10, s14  }
0x38: {  	v1 =	vld.msk [tilespmem:s15+$0x0 ss:$0x1], $0xffff;
	s15 =	sadd.s32 $0x10, s15  }
0x39: {  	v6 =	vld.msk [tilespmem:s15+$0x0 ss:$0x1], $0xffff  }
0x3a: {  	vm1 =	veq.s32 v0, $0x80000000;
	v2 =	vand.u32 $0x3, v0  }
0x3b: {  	v3 =	vshrl.u32 v0, $0x2;
	v0 =	vshrl.u32 v0, $0x4;
	vm1 =	vmmov vm1  }
0x3c: {  	v3 =	vand.u32 $0x3, v3;
	v0 =	vand.u32 $0x3FFF, v0;
	v2 =	vmul.u32 $0x9E00, v2  }
0x3d: {  	vm2 =	veq.s32 v1, $0x80000000;
	v7 =	vand.u32 $0x3, v1;
	v3 =	vsel vm1, $0xFFFFFFFF, v3  }
0x3e: {  	v0 =	vsel vm1, $0xFFFFFFFF, v0;
	v8 =	vand.u32 $0x3, v6;
	v4 =	vshrl.u32 v3, $0x2  }
0x3f: {  	v5 =	vand.u32 $0x7F, v0;
	v2 =	vsel vm1, $0xFFFF6200, v2;
	vm1 =	vmmov vm2  }
0x40: {  	v0 =	vshll.u32 v0, $0x2;
	v3 =	vshll.u32 v3, $0x7;
	v4 =	vmul.u32 $0x9E00, v4  }
0x41: {  	v2 =	vor.u32 v2, v5;
	v0 =	vand.u32 $0xFFFFFE00, v0;
	v3 =	vand.u32 $0x180, v3  }
0x42: {  	v2 =	vadd.s32 v4, v2;
	v4 =	vshrl.u32 v1, $0x2;
	v1 =	vshrl.u32 v1, $0x4  }
0x43: {  	v0 =	vadd.s32 v0, v2;
	v2 =	vand.u32 $0x3, v4;
	v1 =	vand.u32 $0x3FFF, v1  }
0x44: {  	v0 =	vor.u32 v3, v0;
	v2 =	vsel vm1, $0xFFFFFFFF, v2;
	v3 =	vmul.u32 $0x9E00, v7  }
0x45: {  	vm2 =	veq.s32 v6, $0x80000000;
	v4 =	vsel vm1, $0xFFFFFFFF, v1;
	v1 =	vshrl.u32 v2, $0x2  }
0x46: {  	s15 =	sadd.s32 $0x10, s15;
	v5 =	vand.u32 $0x7F, v4;
	v3 =	vsel vm1, $0xFFFF6200, v3;
	v7 =	vmul.u32 $0x9E00, v1  }
0x47: {  	v4 =	vshll.u32 v4, $0x2;
	v2 =	vshll.u32 v2, $0x7;
	v1 =	vld.msk [tilespmem:s15+$0x0 ss:$0x1], $0xffff;
	v3 =	vor.u32 v3, v5  }
0x48: {  	vm1 =	vmmov vm2;
	v4 =	vand.u32 $0xFFFFFE00, v4;
	v3 =	vadd.s32 v7, v3  }
0x49: {  	s14 =	sadd.s32 $0x320, s14;
	(ifvalue) =	ssetifvalue $0x7FFFFFFF;
	v2 =	vand.u32 $0x180, v2;
	v5 =	vshrl.u32 v6, $0x2;
	v3 =	vadd.s32 v4, v3  }
0x4a: {  	[tilespmem:s14], [sflag:$0x1] =	stream.indirect_vreg.gather [hbm4b:s2+s10], $0x1, v0, vm0, $0x4038;
	v4 =	vand.u32 $0x3, v5;
	v5 =	vshrl.u32 v6, $0x4;
	v0 =	vor.u32 v2, v3;
	[tilespmem:$0x640] =	vst v63  }
0x4b: {  	v2 =	vsel vm1, $0xFFFFFFFF, v4;
	v3 =	vand.u32 $0x3FFF, v5;
	v4 =	vmul.u32 $0x9E00, v8  }
0x4c: {  	s16 =	simm.s32 $0x30;
	s17 =	sadd.s32 $0x10, s15;
	s15 =	smov.u32 s14;
	vm2 =	veq.s32 v1, $0x80000000;
	v3 =	vsel vm1, $0xFFFFFFFF, v3;
	v5 =	vshrl.u32 v2, $0x2  }
.LBB2_3:
0x4d: {  	v7 =	vand.u32 $0x7F, v3  }
0x4e: {  	v6 =	vld.msk [tilespmem:s17+$0x0 ss:$0x1], $0xffff;
	v4 =	vsel vm1, $0xFFFF6200, v4;
	v5 =	vmul.u32 $0x9E00, v5;
	vm1 =	vmmov vm2;
	s16 =	sadd.s32 $0x10, s16  }
0x4f: {  	v8 =	vand.u32 $0x3, v1;
	v3 =	vshll.u32 v3, $0x2;
	s15 =	sadd.s32 $0x10, s15;
	v4 =	vor.u32 v4, v7;
	(ifvalue) =	ssetifvalue $0x7FFFFFFF;
	p0 =	slt.u32 s16, $0x180  }
0x50: {  	[tilespmem:s15], [sflag:$0x1] =	stream.indirect_vreg.gather [hbm4b:s2+s10], $0x1, v0, vm0, $0x4038;
	[tilespmem:$0x640] =	vst v63  }
.Ltmp3:
0x51: {  	v2 =	vshll.u32 v2, $0x7;
	v3 =	vand.u32 $0xFFFFFE00, v3;
	v4 =	vadd.s32 v5, v4;
	(pc) =	sbr.rel @p0 .LBB2_3-.Ltmp3, $4  }
0x52: {  	v2 =	vand.u32 $0x180, v2;
	v0 =	vshrl.u32 v1, $0x2;
	v3 =	vadd.s32 v3, v4  }
0x53: {  	v9 =	vshrl.u32 v1, $0x4;
	v4 =	vand.u32 $0x3, v0;
	v0 =	vor.u32 v2, v3  }
0x54: {  	v7 =	vand.u32 $0x3FFF, v9;
	v2 =	vsel vm1, $0xFFFFFFFF, v4;
	v4 =	vmul.u32 $0x9E00, v8  }
0x55: {  	s17 =	sadd.s32 $0x10, s17;
	v3 =	vsel vm1, $0xFFFFFFFF, v7;
	vm2 =	veq.s32 v6, $0x80000000;
	v5 =	vshrl.u32 v2, $0x2;
	v1 =	vmovc v6  }
.Ltmp4:
0x56: {  	_ = 	snop;
	(pc) =	sbr.rel .LBB2_4-.Ltmp4, $1  }
0x57: {  	_ =	sdelay $0x3  }
.LBB2_6:
0x58: {  	_ =	sfence.sel $0x180000  }
0x59: {  	s2 =	simm.s32 $0x2;
	[bflag:$0x0] =	sbarrier.arrive $0xFFFF  }
0x5a: {  	s30 =	simm.s32 $0x3;
	[sflag:s2] =	ssyncpa.u1 $0x1  }
0x5b: {  	s31 =	simm.s32 $0x1;
	[sflag:s30] =	ssyncpa.u1 $0x1  }
0x5c: {  	[sflag:s31] =	ssyncpa.u1 $0x1  }
0x5d: {  	p0 =	sne.s32 s1, $0x0;
	_ =	strace $0x90000050  }
0x5e: {  	s0 =	sadd.s32 @!p0 $0x100000, s0;
	[bflag:$0x2] =	sbarrier.arrive $0xFFFF  }
0x5f: {  	[sflag:s0] =	ssyncadd.tile.s32 @!p0 $0x1;
	_ =	shalt  }
.Lfunc_end2:
_tile_overlayer_lowered:
.L_overlay_start_2:
0x60: {  	(tag) =	ssettag $0x2  }
0x61: {  	s0 =	rddreg [dreg:$0x0];
	s2 =	stileid.u32  }
0x62: {  	s1 =	rddreg [dreg:$0x1];
	p0 =	sne.s32 s2, $0x0  }
0x63: {  	s3 =	rddreg [dreg:$0x2];
	[bflag:$0x3] =	sbarrier.arrive $0xFFFF;
	s2 =	simm.s32 @!p0 $0x1C01  }
0x64: {  	[timem:s3], [sflag:s2] =	dma.local @!p0 [hbm:s0], s1  }
0x65: {  	s0 =	simm.s32 @!p0 $0x1  }
0x66: {  	_ =	swait.ge @!p0 [sflag:s0], s1  }
0x67: {  	s1 =	ssub.s32 @!p0 $0x0, s1;
	[sflag:s0] =	ssyncset.done @!p0 $0x0  }
0x68: {  	[sflag:s0] =	ssyncadd.s32 @!p0 s1  }
0x69: {  	[bflag:$0x3] =	sbarrier.arrive $0xFFFF  }
0x6a: {  	_ =	shalt  }

// kernel: gather_offload_async_start.18
scs
__scs_entry_jumppad:
0x0: {  	(pc) =	sbr.rel $0x88, $3  }
0x1: {  	(tag) =	ssettag $0x0;
	lr =	simm.s32 $0x1  }
0x2: {  	[smem:$0x3F83] =	sst lr;
	_ =	strace $0xD0000000  }
0x3: {  	_ = 	snop  }
0x4: {  	_ = 	snop  }
0x5: {  	_ = 	snop  }
0x6: {  	_ = 	snop  }
0x7: {  	_ = 	snop  }
__scs_overlays_trampoline_lowered:
0x8: {  	[smem:$0x3F92] =	sst s0  }
0x9: {  	[smem:$0x3F93] =	sst s1  }
0xa: {  	[smem:$0x3F94] =	sst s2  }
0xb: {  	[smem:$0x3F95] =	sst s3  }
0xc: {  	[smem:$0x3F96] =	sst s4  }
0xd: {  	[smem:$0x3F97] =	sst s5  }
0xe: {  	[smem:$0x3F98] =	sst s6  }
0xf: {  	[smem:$0x3F99] =	sst s7  }
0x10: {  	[smem:$0x3F9A] =	sst s8  }
0x11: {  	[smem:$0x3F9B] =	sst s9;
	s0 =	simm.s32 @!p0 $0x0  }
0x12: {  	s1 =	sld [smem:$0x3F81];
	s0 =	simm.s32 @p0 $0x1  }
0x13: {  	[smem:$0x3F9C] =	sst s0;
	s0 =	simm.s32 @!p1 $0x0  }
0x14: {  	s2 =	sld [smem:$0x3F80];
	s0 =	simm.s32 @p1 $0x1  }
0x15: {  	[smem:$0x3F9D] =	sst s0;
	s0 =	simm.s32 @!p2 $0x0  }
0x16: {  	s3 =	sld [smem:$0x3FDB];
	s0 =	simm.s32 @p2 $0x1  }
0x17: {  	s4 =	simm.s32 $0x1BF5;
	[smem:$0x3F9F] =	sst s0  }
0x18: {  	s0 =	sld [smem:$0x3F82];
	_ =	swait.ge [sflag:s4], $0x0  }
0x19: {  	s7 =	sld [smem:$0x3F83]  }
0x1a: {  	s8 =	sadd.s32 $0xFFFFE003, lr  }
0x1b: {  	s9 =	sadd.s32 $0xFFFFFEF7, lr;
	s5 =	simm.s32 $0xFFFFFFFF;
	p2 =	slt.u32 s8, $0xFFFFF086  }
0x1c: {  	p1 =	slt.u32 s9, $0xF7A;
	s5 =	simm.s32 @!p2 $0x0  }
0x1d: {  	s5 =	simm.s32 @p1 $0x1;
	p0 =	seq.s32 s7, s2  }
0x1e: {  	s7 =	smul.u32 @!p0 $0xF7A, s2;
	p2 =	seq.s32 @!p0 s5, $0x0  }
0x1f: {  	s9 =	smul.u32 $0xF7A, s1;
	s8 =	simm.s32 @!p0 $0x1BF5;
	p2 =	por !p2, p0  }
0x20: {  	[sflag:s8] =	ssyncset.s32 @!p0 $0xFFFFF086;
	s6 =	sadd.s32 @!p0 s3, s7;
	s7 =	simm.s32 @!p0 $0x108  }
0x21: {  	s3 =	sadd.s32 s3, s9;
	s6 =	sadd.s32 @!p0 $0x88, s6;
	s7 =	simm.s32 @p2 $0x1082  }
0x22: {  	[simem:s7], [sflag:s8] =	dma.local @!p0 [hbm:s6], $0xF7A  }
0x23: {  	s9 =	sor.u32 $0xD0000000, s2;
	s6 =	simm.s32 $0x108;
	_ =	swait.ge @!p0 [sflag:s8], $0x0  }
0x24: {  	s3 =	sadd.s32 $0x88, s3;
	s6 =	simm.s32 @!p1 $0x1082;
	[sflag:s4] =	ssyncset.s32 $0xFFFFF086  }
0x25: {  	[simem:s6], [sflag:s4] =	dma.local [hbm:s3], $0xF7A  }
0x26: {  	[smem:$0x3F83] =	sst s1;
	(tag) =	ssettag s2;
	_ =	strace s9  }
0x27: {  	s1 =	sld [smem:$0x3F93]  }
0x28: {  	s2 =	sld [smem:$0x3F94]  }
0x29: {  	s4 =	sld [smem:$0x3F96]  }
0x2a: {  	p0 =	seq.s32 s5, $0x0;
	s5 =	sld [smem:$0x3F97]  }
0x2b: {  	s6 =	sld [smem:$0x3F98]  }
0x2c: {  	s7 =	sld [smem:$0x3F99]  }
0x2d: {  	s3 =	simm.s32 $0x108;
	s8 =	sld [smem:$0x3F9A]  }
0x2e: {  	s3 =	simm.s32 @!p0 $0x1082;
	s9 =	sld [smem:$0x3F9B]  }
0x2f: {  	lr =	sadd.s32 s0, s3;
	s0 =	sld [smem:$0x3F92]  }
0x30: {  	s3 =	sld [smem:$0x3F95]  }
0x31: {  	[smem:$0x3F9E] =	sst s10  }
0x32: {  	s10 =	sld [smem:$0x3F9C];
	_ =	sdelay $0x3  }
0x33: {  	p0 =	seq.s32 s10, $0x1;
	s10 =	sld [smem:$0x3F9E];
	_ =	sdelay $0x3  }
0x34: {  	[smem:$0x3F9E] =	sst s10  }
0x35: {  	s10 =	sld [smem:$0x3F9D];
	_ =	sdelay $0x3  }
0x36: {  	p1 =	seq.s32 s10, $0x1;
	s10 =	sld [smem:$0x3F9E];
	_ =	sdelay $0x3  }
0x37: {  	[smem:$0x3F9E] =	sst s10  }
0x38: {  	s10 =	sld [smem:$0x3F9F]  }
0x39: {  	_ = 	snop;
	(pc) =	sbr.ind lr, $3  }
0x3a: {  	_ = 	snop  }
0x3b: {  	_ = 	snop  }
0x3c: {  	p2 =	seq.s32 s10, $0x1;
	s10 =	sld [smem:$0x3F9E]  }
0x3d: {  	_ =	shalt  }
0x3e: {  	_ =	shalt  }
0x3f: {  	_ =	shalt  }
0x40: {  	_ =	shalt  }
0x41: {  	_ =	shalt  }
0x42: {  	_ =	shalt  }
0x43: {  	_ =	shalt  }
0x44: {  	_ =	shalt  }
0x45: {  	_ =	shalt  }
0x46: {  	_ =	shalt  }
0x47: {  	_ =	shalt  }
0x48: {  	_ =	shalt  }
0x49: {  	_ =	shalt  }
0x4a: {  	_ =	shalt  }
0x4b: {  	_ =	shalt  }
0x4c: {  	_ =	shalt  }
0x4d: {  	_ =	shalt  }
0x4e: {  	_ =	shalt  }
0x4f: {  	_ =	shalt  }
0x50: {  	_ =	shalt  }
0x51: {  	_ =	shalt  }
0x52: {  	_ =	shalt  }
0x53: {  	_ =	shalt  }
0x54: {  	_ =	shalt  }
0x55: {  	_ =	shalt  }
0x56: {  	_ =	shalt  }
0x57: {  	_ =	shalt  }
0x58: {  	_ =	shalt  }
0x59: {  	_ =	shalt  }
0x5a: {  	_ =	shalt  }
0x5b: {  	_ =	shalt  }
0x5c: {  	_ =	shalt  }
0x5d: {  	_ =	shalt  }
0x5e: {  	_ =	shalt  }
0x5f: {  	_ =	shalt  }
0x60: {  	_ =	shalt  }
0x61: {  	_ =	shalt  }
0x62: {  	_ =	shalt  }
0x63: {  	_ =	shalt  }
0x64: {  	_ =	shalt  }
0x65: {  	_ =	shalt  }
0x66: {  	_ =	shalt  }
0x67: {  	_ =	shalt  }
0x68: {  	_ =	shalt  }
0x69: {  	_ =	shalt  }
0x6a: {  	_ =	shalt  }
0x6b: {  	_ =	shalt  }
0x6c: {  	_ =	shalt  }
0x6d: {  	_ =	shalt  }
0x6e: {  	_ =	shalt  }
0x6f: {  	_ =	shalt  }
0x70: {  	_ =	shalt  }
0x71: {  	_ =	shalt  }
0x72: {  	_ =	shalt  }
0x73: {  	_ =	shalt  }
0x74: {  	_ =	shalt  }
0x75: {  	_ =	shalt  }
0x76: {  	_ =	shalt  }
0x77: {  	_ =	shalt  }
0x78: {  	_ =	shalt  }
0x79: {  	_ =	shalt  }
0x7a: {  	_ =	shalt  }
0x7b: {  	_ =	shalt  }
0x7c: {  	_ =	shalt  }
0x7d: {  	_ =	shalt  }
0x7e: {  	_ =	shalt  }
0x7f: {  	_ =	shalt  }
0x80: {  	_ =	shalt  }
0x81: {  	_ =	shalt  }
0x82: {  	_ =	shalt  }
0x83: {  	_ =	shalt  }
0x84: {  	_ =	shalt  }
0x85: {  	_ =	shalt  }
0x86: {  	_ =	shalt  }
0x87: {  	_ =	shalt  }
.Lfunc_end0:
.L_simem_size_0:
called_computation.18_lowered:
.L_overlay_start_0:
0x88: {  	s2 =	sld [smem:$0x3FD9]  }
0x89: {  	s3 =	sld [smem:$0x3FFE];
	_ =	sdelay $0x1  }
0x8a: {  	s1 =	srdreg.scid  }
0x8b: {  	s0 =	sand.u32 $0x1, s1  }
0x8c: {  	s16 =	sshll.u32 s0, $0xA;
	s2 =	sadd.s32 s3, s2  }
0x8d: {  	s2 =	sadd.s32 s2, s16  }
0x8e: {  	[smem:$0x3FAA] =	sst s2  }
0x8f: {  	_ = 	snop  }
0x90: {  	(tm) =	ssettm $0x1  }
0x91: {  	s17 =	sld [smem:$0x3FFB];
	_ =	sdelay $0x3  }
0x92: {  	_ =	strace s17  }
0x93: {  	s2 =	sld [smem:$0x3FFC];
	_ =	sdelay $0x3  }
0x94: {  	_ =	strace s2  }
0x95: {  	s2 =	sld [smem:$0x3FFD];
	_ =	sdelay $0x3  }
0x96: {  	_ =	strace s2  }
0x97: {  	_ =	strace $0x8FFFFFFF  }
0x98: {  	s18 =	sld [smem:$0x3FDB];
	_ =	sdelay $0x1  }
0x99: {  	s19 =	simm.s32 $_scs_section_size  }
0x9a: {  	s4 =	simm.s32 $_size__tile_overlayer_lowered;
	s5 =	simm.s32 $_tile_overlayer_lowered  }
0x9b: {  	s22 =	simm.s32 $0x1BFF;
	s21 =	sshll.u32 s5, $0x1;
	s2 =	sadd.s32 s19, s18  }
0x9c: {  	s6 =	simm.s32 $0x0;
	s20 =	sshll.u32 s4, $0x1;
	s4 =	sadd.s32 s21, s2  }
0x9d: {  	[timem:s6], [sflag:s22] =	dma.local [hbm:s4], s20  }
0x9e: {  	_ =	swait.ge [sflag:s22], s20  }
0x9f: {  	s3 =	ssub.s32 $0x0, s20;
	[sflag:s22] =	ssyncset.done $0x0  }
0xa0: {  	[sflag:s22] =	ssyncadd.s32 s3;
	_ =	sdelay $0x1  }
0xa1: {  	s23 =	simm.s32 $0x1B8B  }
0xa2: {  	_ =	swait.ge [sflag:s23], $0x1  }
0xa3: {  	[sflag:s23] =	ssyncset.done $0x0  }
0xa4: {  	s25 =	simm.s32 $0x1B8E;
	s24 =	sld [smem:$0x3FFE];
	[sflag:s23] =	ssyncadd.s32 $0xFFFFFFFF  }
0xa5: {  	s26 =	simm.s32 $execute0_lowered;
	[smem:$0x3FD2] =	sst s25  }
0xa6: {  	s4 =	sshll.u32 s26, $0x1;
	_ =	strace $0x80000049;
	[dreg:$0x1] =	wrdreg $0xFFFFFFFF  }
0xa7: {  	s28 =	simm.s32 $_size_execute0_lowered;
	s2 =	sadd.s32 s2, s4;
	[dreg:$0x0] =	wrdreg $0x0  }
0xa8: {  	s4 =	sshll.u32 s28, $0x1;
	[dreg:$0x2] =	wrdreg s2  }
0xa9: {  	[dreg:$0x3] =	wrdreg s4  }
0xaa: {  	[dreg:$0x4] =	wrdreg $0xC0  }
0xab: {  	_ =	task [dreg:s6], $0x5FFFF  }
0xac: {  	[dreg:$0x1] =	wrdreg $0xFFFFFFFF  }
0xad: {  	[dreg:$0x0] =	wrdreg $0x60  }
0xae: {  	[dreg:$0x2] =	wrdreg s24  }
0xaf: {  	[dreg:$0x3] =	wrdreg $0x9  }
0xb0: {  	_ =	task.clear_ibuf [dreg:s6], $0x4FFFF;
	_ =	strace $0x90000049  }
0xb1: {  	s29 =	simm.s32 $0x9;
	_ =	strace $0x8000004B  }
0xb2: {  	_ =	swait.ge [sflag:s29], $0x1  }
0xb3: {  	[sflag:s29] =	ssyncadd.s32 $0xFFFFFFFF  }
0xb4: {  	_ =	strace $0x9000004B  }
0xb5: {  	_ =	sfence  }
0xb6: {  	s30 =	sld [smem:$0x0];
	_ =	sdelay $0x2  }
0xb7: {  	s31 =	sshll.u32 s1, $0xD;
	s1 =	sshrl.u32 s1, $0x2  }
0xb8: {  	s3 =	sand.u32 $0x4000, s31;
	s1 =	sadd.s32 s1, s30  }
0xb9: {  	s0 =	sor.u32 s3, s0;
	s1 =	sshll.u32 s1, $0x11  }
0xba: {  	s0 =	sor.u32 s1, s0  }
0xbb: {  	s0 =	sadd.s32 $0x8F2B, s0  }
0xbc: {  	[sflag:s0] =	ssyncadd.remote.s32 $0x1  }
0xbd: {  	_ =	sfence.sel $0xFFFF  }
0xbe: {  	[dreg:$0x0] =	wrdreg $0xFFFFFFFF;
	(pc) =	sbr.abs _section_cstart, $3  }
0xbf: {  	[dreg:$0x1] =	wrdreg $0xFFFFFFFF  }
0xc0: {  	_ =	task.clear_ibuf [dreg:s6], $0x2FFFF;
	_ =	strace $0x9FFFFFFF  }
0xc1: {  	(tm) =	ssettm $0x7FFFFFFF  }
tec
execute0_lowered:
.L_overlay_start_1:
0x0: {  	(tag) =	ssettag $0x1  }
0x1: {  	s8 =	rddreg [dreg:$0x0];
	s1 =	stileid.u32  }
0x2: {  	s2 =	srdreg.scid;
	s0 =	rddreg [dreg:$0x1]  }
0x3: {  	_ =	strace $0x8000004A;
	s5 =	simm.s32 $0x1;
	s9 =	simm.s32 $0x1  }
0x4: {  	s10 =	simm.s32 $0x3;
	s2 =	sand.u32 $0x1, s2;
	s3 =	sshll.u32 s1, $0x1  }
0x5: {  	s13 =	simm.s32 $0x0;
	s12 =	simm.s32 $0x0;
	s6 =	sor.u32 s3, s2  }
0x6: {  	[sflag:s5] =	ssyncpa.u1 $0x0;
	s2 =	sadd.s32 $0x14C00, s8;
	s4 =	smul.u32 $0x50, s6  }
0x7: {  	s3 =	sadd.s32 $0x14A00, s8;
	p0 =	slt.u32 s6, $0x13;
	s6 =	simm.s32 $0xA00  }
.Ltmp0:
0x8: {  	s6 =	simm.s32 @!p0 $0x0;
	s7 =	ssub.s32 $0xFA0, s4;
	(pc) =	sbr.rel .LBB2_1-.Ltmp0, $4  }
0x9: {  	s9 =	simm.s32 @!p0 $0x0;
	p0 =	sne.s32 s7, s6;
	s7 =	simm.s32 $0x1  }
0xa: {  	s8 =	sadd.s32 $0x8E00, s8;
	s6 =	simm.s32 $0x2;
	s7 =	simm.s32 @!p0 $0x0  }
0xb: {  	s11 =	smov.u32 s4;
	[sflag:s6] =	ssyncpa.u1 $0x0;
	s7 =	sadd.s32 s9, s7  }
0xc: {  	vm0 =	vmmov $0xffff;
	[sflag:s10] =	ssyncpa.u1 $0x0;
	s10 =	simm.s32 $0x0;
	s9 =	sadd.s32 $0x1, s7  }
.LBB2_4:
0xd: {  	vm1 =	veq.s32 v4, $0x80000000;
	v56 =	vand.u32 $0x3, v4;
	v6 =	vand.u32 $0x3FFF, v6  }
0xe: {  	v2 =	vor.u32 v2, v5;
	v59 =	vshrl.u32 v1, $0x2;
	v60 =	vand.u32 $0x3, v1  }
0xf: {  	v4 =	vsel vm1, $0xFFFFFFFF, v56;
	v6 =	vsel vm1, $0xFFFFFFFF, v6;
	v2 =	vor.u32 v3, v2  }
0x10: {  	vm1 =	veq.s32 v1, $0x80000000;
	v5 =	vand.u32 $0x3FFF, v59;
	v7 =	vshrl.u32 v4, $0x2  }
0x11: {  	v57 =	vshll.u32 v6, $0x2;
	v4 =	vshll.u32 v4, $0x7;
	v1 =	vsel vm1, $0xFFFFFFFF, v60  }
0x12: {  	v5 =	vsel vm1, $0xFFFFFFFF, v5;
	v6 =	vand.u32 $0x7F, v6;
	v7 =	vmul.u32 $0x9E00, v7  }
0x13: {  	v58 =	vand.u32 $0xFFFFFE00, v57;
	v4 =	vand.u32 $0x180, v4;
	v61 =	vshrl.u32 v1, $0x2  }
0x14: {  	v62 =	vshll.u32 v5, $0x2;
	v3 =	vadd.s32 v7, v58;
	v7 =	vmul.u32 $0x9E00, v61  }
0x15: {  	v1 =	vshll.u32 v1, $0x7;
	v3 =	vor.u32 v4, v3;
	v4 =	vand.u32 $0xFFFFFE00, v62  }
0x16: {  	v1 =	vand.u32 $0x180, v1;
	v3 =	vor.u32 v6, v3;
	v4 =	vadd.s32 v7, v4  }
0x17: {  	[tilespmem:s16], [sflag:$0x1] =	stream.indirect_vreg.gather [hbm4b:s2+s10], $0x1, v0, vm0, $0x4038;
	v63 =	vand.u32 $0x7F, v5;
	v1 =	vor.u32 v1, v4;
	[tilespmem:$0x140] =	vst v63  }
0x18: {  	s15 =	sadd.s32 $0x10, s15;
	(ifvalue) =	ssetifvalue $0x7FFFFFFF;
	v0 =	vor.u32 v63, v1  }
0x19: {  	[tilespmem:s15], [sflag:$0x1] =	stream.indirect_vreg.gather [hbm4b:s2+s10], $0x1, v2, vm0, $0x4038;
	[tilespmem:$0x140] =	vst v63  }
0x1a: {  	s15 =	sadd.s32 $0x10, s15;
	(ifvalue) =	ssetifvalue $0x7FFFFFFF  }
0x1b: {  	[tilespmem:s15], [sflag:$0x1] =	stream.indirect_vreg.gather [hbm4b:s2+s10], $0x1, v3, vm0, $0x4038;
	[tilespmem:$0x140] =	vst v63  }
0x1c: {  	s15 =	sadd.s32 $0x10, s15;
	(ifvalue) =	ssetifvalue $0x7FFFFFFF  }
0x1d: {  	[tilespmem:s15], [sflag:$0x1] =	stream.indirect_vreg.gather [hbm4b:s2+s10], $0x1, v0, vm0, $0x4038;
	[tilespmem:$0x140] =	vst v63  }
0x1e: {  	_ =	swait.ge [sflag:s5], $0x50  }
0x1f: {  	s30 =	sshrl.u32 s13, $0x3;
	[sflag:s5] =	ssyncset.done $0x0  }
0x20: {  	s31 =	sand.u32 $0x7, s13;
	s15 =	sadd.s32 s8, s30;
	[sflag:s5] =	ssyncadd.s32 $0xFFFFFFB0  }
0x21: {  	[hbm4b:s15+s31] =	stream.linear.scatter [tilespmem:s14], [sflag:$0x3], $0x50, $0x38;
	[tilespmem:$0x140] =	vst v63  }
.LBB2_5:
0x22: {  	s15 =	sadd.s32 $0xA00, s11  }
0x23: {  	p1 =	sgt.s32 s15, $0xF9F  }
0x24: {  	s15 =	smov.u32 @p1 s4;
	p1 =	sne.s32 s12, s9  }
.Ltmp1:
0x25: {  	p0 =	slt.u32 s12, $0x2;
	(pc) =	sbr.rel @!p1 .LBB2_6-.Ltmp1, $4  }
0x26: {  	s14 =	simm.s32 @!p0 $0x3  }
0x27: {  	_ =	swait.ge @!p0 [sflag:s14], $0x50  }
0x28: {  	s16 =	sadd.s32 $0x1, s12;
	s13 =	smov.u32 s11;
	[sflag:s14] =	ssyncset.done @!p0 $0x0  }
0x29: {  	s12 =	smov.u32 s16;
	s11 =	smov.u32 s15;
	[sflag:s14] =	ssyncadd.s32 @!p0 $0xFFFFFFB0  }
.LBB2_1:
0x2a: {  	p0 =	sge.u32 s12, s7  }
0x2b: {  	s14 =	sxor.u32 @!p0 $0x1, s12  }
0x2c: {  	s14 =	smul.u32 @!p0 $0x140, s14  }
0x2d: {  	s31 =	sadd.s32 $0xFFFFFFFF, s12;
	s15 =	sshrl.u32 @!p0 s11, $0x3  }
0x2e: {  	s16 =	sand.u32 @!p0 $0x7, s11;
	s15 =	sadd.s32 @!p0 s3, s15;
	s14 =	sshra.s32 @!p0 s14, $0x2  }
0x2f: {  	[tilespmem:s14], [sflag:$0x2] =	stream.linear.gather @!p0 [hbm4b:s15+s16], $0x50, $0x38;
	[tilespmem:$0x140] =	vst v63  }
0x30: {  	p0 =	sge.u32 s31, s7  }
.Ltmp2:
0x31: {  	_ = 	snop;
	(pc) =	sbr.rel @p0 .LBB2_5-.Ltmp2, $1  }
0x32: {  	_ =	sdelay $0x3  }
0x33: {  	s14 =	sand.u32 $0x1, s12  }
0x34: {  	_ =	swait.ge [sflag:s6], $0x50;
	p0 =	seq.s32 s14, $0x1;
	s14 =	simm.s32 $0x50  }
0x35: {  	[sflag:s6] =	ssyncset.done $0x0;
	s14 =	simm.s32 @!p0 $0x0  }
0x36: {  	[sflag:s6] =	ssyncadd.s32 $0xFFFFFFB0;
	(ifvalue) =	ssetifvalue $0x7FFFFFFF;
	v0 =	vld.msk [tilespmem:s14+$0x0 ss:$0x1], $0xffff  }
0x37: {  	s15 =	sadd.s32 $0x10, s14  }
0x38: {  	v1 =	vld.msk [tilespmem:s15+$0x0 ss:$0x1], $0xffff;
	_ =	sdelay $0x2  }
0x39: {  	v2 =	vshrl.u32 v0, $0x2  }
0x3a: {  	vm1 =	veq.s32 v0, $0x80000000;
	v0 =	vand.u32 $0x3, v0;
	v2 =	vand.u32 $0x3FFF, v2  }
0x3b: {  	v0 =	vsel vm1, $0xFFFFFFFF, v0;
	v6 =	vshrl.u32 v1, $0x2;
	v2 =	vsel vm1, $0xFFFFFFFF, v2  }
0x3c: {  	v3 =	vshrl.u32 v0, $0x2;
	v0 =	vshll.u32 v0, $0x7;
	vm1 =	veq.s32 v1, $0x80000000  }
0x3d: {  	s15 =	sadd.s32 $0x10, s15;
	v1 =	vand.u32 $0x3, v1;
	v4 =	vshll.u32 v2, $0x2;
	v3 =	vmul.u32 $0x9E00, v3  }
0x3e: {  	v0 =	vand.u32 $0x180, v0;
	v7 =	vand.u32 $0x7F, v2;
	v5 =	vand.u32 $0xFFFFFE00, v4;
	v4 =	vld.msk [tilespmem:s15+$0x0 ss:$0x1], $0xffff  }
0x3f: {  	v1 =	vsel vm1, $0xFFFFFFFF, v1;
	v2 =	vadd.s32 v3, v5;
	v3 =	vand.u32 $0x3FFF, v6  }
0x40: {  	v3 =	vsel vm1, $0xFFFFFFFF, v3;
	v0 =	vor.u32 v0, v2;
	v2 =	vshrl.u32 v1, $0x2  }
0x41: {  	v1 =	vshll.u32 v1, $0x7;
	v5 =	vshll.u32 v3, $0x2;
	v8 =	vmul.u32 $0x9E00, v2  }
0x42: {  	s18 =	simm.s32 $0x30;
	s14 =	sor.u32 $0xA0, s14;
	s17 =	sadd.s32 $0x10, s15;
	v2 =	vand.u32 $0x180, v1;
	v0 =	vor.u32 v7, v0;
	v5 =	vand.u32 $0xFFFFFE00, v5  }
0x43: {  	s16 =	smov.u32 s14;
	s15 =	smov.u32 s14;
	v1 =	vld.msk [tilespmem:s17+$0x0 ss:$0x1], $0xffff;
	v3 =	vand.u32 $0x7F, v3;
	(ifvalue) =	ssetifvalue $0x7FFFFFFF;
	v6 =	vshrl.u32 v4, $0x2;
	v5 =	vadd.s32 v8, v5  }
.LBB2_3:
0x44: {  	s18 =	sadd.s32 $0x10, s18  }
0x45: {  	vm1 =	veq.s32 v4, $0x80000000;
	v4 =	vand.u32 $0x3, v4;
	v6 =	vand.u32 $0x3FFF, v6;
	s15 =	sadd.s32 $0x10, s15;
	p0 =	slt.u32 s18, $0x40  }
.Ltmp3:
0x46: {  	v5 =	vor.u32 v2, v5;
	v4 =	vsel vm1, $0xFFFFFFFF, v4;
	v7 =	vsel vm1, $0xFFFFFFFF, v6;
	(pc) =	sbr.rel @p0 .LBB2_3-.Ltmp3, $4  }
0x47: {  	v2 =	vshrl.u32 v4, $0x2;
	v6 =	vshll.u32 v7, $0x2;
	v4 =	vshll.u32 v4, $0x7;
	[tilespmem:s16], [sflag:$0x1] =	stream.indirect_vreg.gather [hbm4b:s2+s10], $0x1, v0, vm0, $0x4038;
	[tilespmem:$0x140] =	vst v63  }
0x48: {  	v0 =	vor.u32 v3, v5;
	s16 =	smov.u32 s15;
	v8 =	vmul.u32 $0x9E00, v2;
	v2 =	vand.u32 $0x180, v4  }
0x49: {  	s17 =	sadd.s32 $0x10, s17;
	v9 =	vand.u32 $0xFFFFFE00, v6  }
0x4a: {  	v3 =	vand.u32 $0x7F, v7;
	v6 =	vshrl.u32 v1, $0x2;
	v5 =	vadd.s32 v8, v9;
	(ifvalue) =	ssetifvalue $0x7FFFFFFF;
	v4 =	vmovc v1;
	v1 =	vld.msk [tilespmem:s17+$0x0 ss:$0x1], $0xffff  }
.Ltmp4:
0x4b: {  	_ = 	snop;
	(pc) =	sbr.rel .LBB2_4-.Ltmp4, $1  }
0x4c: {  	_ =	sdelay $0x3  }
.LBB2_6:
0x4d: {  	_ =	sfence.sel $0x180000  }
0x4e: {  	s2 =	simm.s32 $0x2;
	[bflag:$0x0] =	sbarrier.arrive $0xFFFF  }
0x4f: {  	s30 =	simm.s32 $0x3;
	[sflag:s2] =	ssyncpa.u1 $0x1  }
0x50: {  	s31 =	simm.s32 $0x1;
	[sflag:s30] =	ssyncpa.u1 $0x1  }
0x51: {  	[sflag:s31] =	ssyncpa.u1 $0x1  }
0x52: {  	p0 =	sne.s32 s1, $0x0;
	_ =	strace $0x9000004A  }
0x53: {  	s0 =	sadd.s32 @!p0 $0x100000, s0;
	[bflag:$0x2] =	sbarrier.arrive $0xFFFF  }
0x54: {  	[sflag:s0] =	ssyncadd.tile.s32 @!p0 $0x1;
	_ =	shalt  }
.Lfunc_end2:
_tile_overlayer_lowered:
.L_overlay_start_2:
0x55: {  	(tag) =	ssettag $0x2  }
0x56: {  	s0 =	rddreg [dreg:$0x0];
	s2 =	stileid.u32  }
0x57: {  	s1 =	rddreg [dreg:$0x1];
	p0 =	sne.s32 s2, $0x0  }
0x58: {  	s3 =	rddreg [dreg:$0x2];
	[bflag:$0x3] =	sbarrier.arrive $0xFFFF;
	s2 =	simm.s32 @!p0 $0x1C01  }
0x59: {  	[timem:s3], [sflag:s2] =	dma.local @!p0 [hbm:s0], s1  }
0x5a: {  	s0 =	simm.s32 @!p0 $0x1  }
0x5b: {  	_ =	swait.ge @!p0 [sflag:s0], s1  }
0x5c: {  	s1 =	ssub.s32 @!p0 $0x0, s1;
	[sflag:s0] =	ssyncset.done @!p0 $0x0  }
0x5d: {  	[sflag:s0] =	ssyncadd.s32 @!p0 s1  }
0x5e: {  	[bflag:$0x3] =	sbarrier.arrive $0xFFFF  }
0x5f: {  	_ =	shalt  }

// kernel: gather_offload_async_start.19
scs
__scs_entry_jumppad:
0x0: {  	(pc) =	sbr.rel $0x88, $3  }
0x1: {  	(tag) =	ssettag $0x0;
	lr =	simm.s32 $0x1  }
0x2: {  	[smem:$0x3F83] =	sst lr;
	_ =	strace $0xD0000000  }
0x3: {  	_ = 	snop  }
0x4: {  	_ = 	snop  }
0x5: {  	_ = 	snop  }
0x6: {  	_ = 	snop  }
0x7: {  	_ = 	snop  }
__scs_overlays_trampoline_lowered:
0x8: {  	[smem:$0x3F92] =	sst s0  }
0x9: {  	[smem:$0x3F93] =	sst s1  }
0xa: {  	[smem:$0x3F94] =	sst s2  }
0xb: {  	[smem:$0x3F95] =	sst s3  }
0xc: {  	[smem:$0x3F96] =	sst s4  }
0xd: {  	[smem:$0x3F97] =	sst s5  }
0xe: {  	[smem:$0x3F98] =	sst s6  }
0xf: {  	[smem:$0x3F99] =	sst s7  }
0x10: {  	[smem:$0x3F9A] =	sst s8  }
0x11: {  	[smem:$0x3F9B] =	sst s9;
	s0 =	simm.s32 @!p0 $0x0  }
0x12: {  	s1 =	sld [smem:$0x3F81];
	s0 =	simm.s32 @p0 $0x1  }
0x13: {  	[smem:$0x3F9C] =	sst s0;
	s0 =	simm.s32 @!p1 $0x0  }
0x14: {  	s2 =	sld [smem:$0x3F80];
	s0 =	simm.s32 @p1 $0x1  }
0x15: {  	[smem:$0x3F9D] =	sst s0;
	s0 =	simm.s32 @!p2 $0x0  }
0x16: {  	s3 =	sld [smem:$0x3FDB];
	s0 =	simm.s32 @p2 $0x1  }
0x17: {  	s4 =	simm.s32 $0x1BF5;
	[smem:$0x3F9F] =	sst s0  }
0x18: {  	s0 =	sld [smem:$0x3F82];
	_ =	swait.ge [sflag:s4], $0x0  }
0x19: {  	s7 =	sld [smem:$0x3F83]  }
0x1a: {  	s8 =	sadd.s32 $0xFFFFE003, lr  }
0x1b: {  	s9 =	sadd.s32 $0xFFFFFEF7, lr;
	s5 =	simm.s32 $0xFFFFFFFF;
	p2 =	slt.u32 s8, $0xFFFFF086  }
0x1c: {  	p1 =	slt.u32 s9, $0xF7A;
	s5 =	simm.s32 @!p2 $0x0  }
0x1d: {  	s5 =	simm.s32 @p1 $0x1;
	p0 =	seq.s32 s7, s2  }
0x1e: {  	s7 =	smul.u32 @!p0 $0xF7A, s2;
	p2 =	seq.s32 @!p0 s5, $0x0  }
0x1f: {  	s9 =	smul.u32 $0xF7A, s1;
	s8 =	simm.s32 @!p0 $0x1BF5;
	p2 =	por !p2, p0  }
0x20: {  	[sflag:s8] =	ssyncset.s32 @!p0 $0xFFFFF086;
	s6 =	sadd.s32 @!p0 s3, s7;
	s7 =	simm.s32 @!p0 $0x108  }
0x21: {  	s3 =	sadd.s32 s3, s9;
	s6 =	sadd.s32 @!p0 $0x88, s6;
	s7 =	simm.s32 @p2 $0x1082  }
0x22: {  	[simem:s7], [sflag:s8] =	dma.local @!p0 [hbm:s6], $0xF7A  }
0x23: {  	s9 =	sor.u32 $0xD0000000, s2;
	s6 =	simm.s32 $0x108;
	_ =	swait.ge @!p0 [sflag:s8], $0x0  }
0x24: {  	s3 =	sadd.s32 $0x88, s3;
	s6 =	simm.s32 @!p1 $0x1082;
	[sflag:s4] =	ssyncset.s32 $0xFFFFF086  }
0x25: {  	[simem:s6], [sflag:s4] =	dma.local [hbm:s3], $0xF7A  }
0x26: {  	[smem:$0x3F83] =	sst s1;
	(tag) =	ssettag s2;
	_ =	strace s9  }
0x27: {  	s1 =	sld [smem:$0x3F93]  }
0x28: {  	s2 =	sld [smem:$0x3F94]  }
0x29: {  	s4 =	sld [smem:$0x3F96]  }
0x2a: {  	p0 =	seq.s32 s5, $0x0;
	s5 =	sld [smem:$0x3F97]  }
0x2b: {  	s6 =	sld [smem:$0x3F98]  }
0x2c: {  	s7 =	sld [smem:$0x3F99]  }
0x2d: {  	s3 =	simm.s32 $0x108;
	s8 =	sld [smem:$0x3F9A]  }
0x2e: {  	s3 =	simm.s32 @!p0 $0x1082;
	s9 =	sld [smem:$0x3F9B]  }
0x2f: {  	lr =	sadd.s32 s0, s3;
	s0 =	sld [smem:$0x3F92]  }
0x30: {  	s3 =	sld [smem:$0x3F95]  }
0x31: {  	[smem:$0x3F9E] =	sst s10  }
0x32: {  	s10 =	sld [smem:$0x3F9C];
	_ =	sdelay $0x3  }
0x33: {  	p0 =	seq.s32 s10, $0x1;
	s10 =	sld [smem:$0x3F9E];
	_ =	sdelay $0x3  }
0x34: {  	[smem:$0x3F9E] =	sst s10  }
0x35: {  	s10 =	sld [smem:$0x3F9D];
	_ =	sdelay $0x3  }
0x36: {  	p1 =	seq.s32 s10, $0x1;
	s10 =	sld [smem:$0x3F9E];
	_ =	sdelay $0x3  }
0x37: {  	[smem:$0x3F9E] =	sst s10  }
0x38: {  	s10 =	sld [smem:$0x3F9F]  }
0x39: {  	_ = 	snop;
	(pc) =	sbr.ind lr, $3  }
0x3a: {  	_ = 	snop  }
0x3b: {  	_ = 	snop  }
0x3c: {  	p2 =	seq.s32 s10, $0x1;
	s10 =	sld [smem:$0x3F9E]  }
0x3d: {  	_ =	shalt  }
0x3e: {  	_ =	shalt  }
0x3f: {  	_ =	shalt  }
0x40: {  	_ =	shalt  }
0x41: {  	_ =	shalt  }
0x42: {  	_ =	shalt  }
0x43: {  	_ =	shalt  }
0x44: {  	_ =	shalt  }
0x45: {  	_ =	shalt  }
0x46: {  	_ =	shalt  }
0x47: {  	_ =	shalt  }
0x48: {  	_ =	shalt  }
0x49: {  	_ =	shalt  }
0x4a: {  	_ =	shalt  }
0x4b: {  	_ =	shalt  }
0x4c: {  	_ =	shalt  }
0x4d: {  	_ =	shalt  }
0x4e: {  	_ =	shalt  }
0x4f: {  	_ =	shalt  }
0x50: {  	_ =	shalt  }
0x51: {  	_ =	shalt  }
0x52: {  	_ =	shalt  }
0x53: {  	_ =	shalt  }
0x54: {  	_ =	shalt  }
0x55: {  	_ =	shalt  }
0x56: {  	_ =	shalt  }
0x57: {  	_ =	shalt  }
0x58: {  	_ =	shalt  }
0x59: {  	_ =	shalt  }
0x5a: {  	_ =	shalt  }
0x5b: {  	_ =	shalt  }
0x5c: {  	_ =	shalt  }
0x5d: {  	_ =	shalt  }
0x5e: {  	_ =	shalt  }
0x5f: {  	_ =	shalt  }
0x60: {  	_ =	shalt  }
0x61: {  	_ =	shalt  }
0x62: {  	_ =	shalt  }
0x63: {  	_ =	shalt  }
0x64: {  	_ =	shalt  }
0x65: {  	_ =	shalt  }
0x66: {  	_ =	shalt  }
0x67: {  	_ =	shalt  }
0x68: {  	_ =	shalt  }
0x69: {  	_ =	shalt  }
0x6a: {  	_ =	shalt  }
0x6b: {  	_ =	shalt  }
0x6c: {  	_ =	shalt  }
0x6d: {  	_ =	shalt  }
0x6e: {  	_ =	shalt  }
0x6f: {  	_ =	shalt  }
0x70: {  	_ =	shalt  }
0x71: {  	_ =	shalt  }
0x72: {  	_ =	shalt  }
0x73: {  	_ =	shalt  }
0x74: {  	_ =	shalt  }
0x75: {  	_ =	shalt  }
0x76: {  	_ =	shalt  }
0x77: {  	_ =	shalt  }
0x78: {  	_ =	shalt  }
0x79: {  	_ =	shalt  }
0x7a: {  	_ =	shalt  }
0x7b: {  	_ =	shalt  }
0x7c: {  	_ =	shalt  }
0x7d: {  	_ =	shalt  }
0x7e: {  	_ =	shalt  }
0x7f: {  	_ =	shalt  }
0x80: {  	_ =	shalt  }
0x81: {  	_ =	shalt  }
0x82: {  	_ =	shalt  }
0x83: {  	_ =	shalt  }
0x84: {  	_ =	shalt  }
0x85: {  	_ =	shalt  }
0x86: {  	_ =	shalt  }
0x87: {  	_ =	shalt  }
.Lfunc_end0:
.L_simem_size_0:
called_computation.19_lowered:
.L_overlay_start_0:
0x88: {  	s2 =	sld [smem:$0x3FD9]  }
0x89: {  	s3 =	sld [smem:$0x3FFE];
	_ =	sdelay $0x1  }
0x8a: {  	s1 =	srdreg.scid  }
0x8b: {  	s0 =	sand.u32 $0x1, s1  }
0x8c: {  	s17 =	sshll.u32 s0, $0xA;
	s2 =	sadd.s32 s3, s2  }
0x8d: {  	s2 =	sadd.s32 s2, s17  }
0x8e: {  	[smem:$0x3FAA] =	sst s2  }
0x8f: {  	_ = 	snop  }
0x90: {  	(tm) =	ssettm $0x1  }
0x91: {  	s18 =	sld [smem:$0x3FFB];
	_ =	sdelay $0x3  }
0x92: {  	_ =	strace s18  }
0x93: {  	s2 =	sld [smem:$0x3FFC];
	_ =	sdelay $0x3  }
0x94: {  	_ =	strace s2  }
0x95: {  	s2 =	sld [smem:$0x3FFD];
	_ =	sdelay $0x3  }
0x96: {  	_ =	strace s2  }
0x97: {  	_ =	strace $0x8FFFFFFF  }
0x98: {  	s19 =	sld [smem:$0x3FDB];
	_ =	sdelay $0x1  }
0x99: {  	s20 =	simm.s32 $_scs_section_size  }
0x9a: {  	s4 =	simm.s32 $_size__tile_overlayer_lowered;
	s5 =	simm.s32 $_tile_overlayer_lowered  }
0x9b: {  	s6 =	simm.s32 $0x1BFF;
	s21 =	sshll.u32 s5, $0x1;
	s3 =	sadd.s32 s20, s19  }
0x9c: {  	s22 =	simm.s32 $0x0;
	s4 =	sshll.u32 s4, $0x1;
	s5 =	sadd.s32 s21, s3  }
0x9d: {  	[timem:s22], [sflag:s6] =	dma.local [hbm:s5], s4  }
0x9e: {  	_ =	swait.ge [sflag:s6], s4  }
0x9f: {  	s4 =	ssub.s32 $0x0, s4;
	[sflag:s6] =	ssyncset.done $0x0  }
0xa0: {  	[sflag:s6] =	ssyncadd.s32 s4;
	_ =	sdelay $0x1  }
0xa1: {  	s23 =	simm.s32 $0x1B8B  }
0xa2: {  	_ =	swait.ge [sflag:s23], $0x1  }
0xa3: {  	[sflag:s23] =	ssyncset.done $0x0  }
0xa4: {  	[sflag:s23] =	ssyncadd.s32 $0xFFFFFFFF  }
0xa5: {  	s4 =	sld [smem:$0x0]  }
0xa6: {  	s5 =	sand.u32 $0xFFFFFFFE, s1  }
0xa7: {  	p0 =	sne.s32 s1, s5  }
0xa8: {  	s5 =	sshll.u32 @p0 s5, $0xE  }
0xa9: {  	s5 =	sadd.s32 @p0 $0x11B8D, s5;
	s6 =	sshll.u32 @p0 s4, $0x11  }
0xaa: {  	s5 =	sor.u32 @p0 s6, s5  }
0xab: {  	[sflag:s5] =	ssyncadd.remote.s32 @p0 $0x1;
	_ =	sdelay $0x1  }
0xac: {  	s5 =	simm.s32 @p0 $0x1B8D  }
0xad: {  	_ =	swait.eq @p0 [sflag:s5], $0x1  }
0xae: {  	[sflag:s5] =	ssyncadd.s32 @p0 $0xFFFFFFFF  }
0xaf: {  	s6 =	sshll.u32 @!p0 s1, $0xE  }
0xb0: {  	s6 =	sor.u32 @!p0 $0x4000, s6;
	s5 =	simm.s32 @!p0 $0x1B8D  }
0xb1: {  	s4 =	sshll.u32 @!p0 s4, $0x11;
	s6 =	sadd.s32 @!p0 $0x11B8D, s6;
	_ =	swait.eq @!p0 [sflag:s5], $0x1  }
0xb2: {  	s4 =	sor.u32 @!p0 s4, s6;
	[sflag:s5] =	ssyncadd.s32 @!p0 $0xFFFFFFFF  }
0xb3: {  	s25 =	simm.s32 $0x1B8E;
	s24 =	sld [smem:$0x3FFE];
	[sflag:s4] =	ssyncadd.remote.s32 @!p0 $0x1  }
0xb4: {  	s26 =	simm.s32 $execute0_lowered;
	[smem:$0x3FD2] =	sst s25  }
0xb5: {  	s5 =	sshll.u32 s26, $0x1;
	_ =	strace $0x8000004C;
	[dreg:$0x1] =	wrdreg $0xFFFFFFFF  }
0xb6: {  	s28 =	simm.s32 $_size_execute0_lowered;
	s3 =	sadd.s32 s3, s5;
	[dreg:$0x0] =	wrdreg $0x0  }
0xb7: {  	s5 =	sshll.u32 s28, $0x1;
	[dreg:$0x2] =	wrdreg s3  }
0xb8: {  	[dreg:$0x3] =	wrdreg s5  }
0xb9: {  	[dreg:$0x4] =	wrdreg $0xC0  }
0xba: {  	_ =	task [dreg:s22], $0x5FFFF  }
0xbb: {  	[dreg:$0x1] =	wrdreg $0xFFFFFFFF  }
0xbc: {  	[dreg:$0x0] =	wrdreg $0x60  }
0xbd: {  	[dreg:$0x2] =	wrdreg s24  }
0xbe: {  	[dreg:$0x3] =	wrdreg $0xA  }
0xbf: {  	_ =	task.clear_ibuf [dreg:s22], $0x4FFFF;
	_ =	strace $0x9000004C  }
0xc0: {  	s29 =	simm.s32 $0xA;
	_ =	strace $0x8000004E  }
0xc1: {  	_ =	swait.ge [sflag:s29], $0x1  }
0xc2: {  	[sflag:s29] =	ssyncadd.s32 $0xFFFFFFFF  }
0xc3: {  	_ =	strace $0x9000004E  }
0xc4: {  	_ =	sfence  }
0xc5: {  	s30 =	sld [smem:$0x0];
	_ =	sdelay $0x2  }
0xc6: {  	s31 =	sshll.u32 s1, $0xD;
	s1 =	sshrl.u32 s1, $0x2  }
0xc7: {  	s4 =	sand.u32 $0x4000, s31;
	s1 =	sadd.s32 s1, s30  }
0xc8: {  	s0 =	sor.u32 s4, s0;
	s1 =	sshll.u32 s1, $0x11  }
0xc9: {  	s0 =	sor.u32 s1, s0  }
0xca: {  	s0 =	sadd.s32 $0x8F2B, s0  }
0xcb: {  	[sflag:s0] =	ssyncadd.remote.s32 $0x1  }
0xcc: {  	_ =	sfence.sel $0xFFFF  }
0xcd: {  	[dreg:$0x0] =	wrdreg $0xFFFFFFFF;
	(pc) =	sbr.abs _section_cstart, $3  }
0xce: {  	[dreg:$0x1] =	wrdreg $0xFFFFFFFF  }
0xcf: {  	_ =	task.clear_ibuf [dreg:s22], $0x2FFFF;
	_ =	strace $0x9FFFFFFF  }
0xd0: {  	(tm) =	ssettm $0x7FFFFFFF  }
0xd1: {  	_ =	shalt  }
tec
execute0_lowered:
.L_overlay_start_1:
0x0: {  	(tag) =	ssettag $0x1  }
0x1: {  	s8 =	rddreg [dreg:$0x0];
	s1 =	stileid.u32  }
0x2: {  	s2 =	srdreg.scid;
	s0 =	rddreg [dreg:$0x1]  }
0x3: {  	_ =	strace $0x8000004D;
	s5 =	simm.s32 $0x1;
	s9 =	simm.s32 $0x1  }
0x4: {  	s10 =	simm.s32 $0x3;
	s2 =	sand.u32 $0x1, s2;
	s3 =	sshll.u32 s1, $0x1  }
0x5: {  	s13 =	simm.s32 $0x0;
	s12 =	simm.s32 $0x0;
	s6 =	sor.u32 s3, s2  }
0x6: {  	[sflag:s5] =	ssyncpa.u1 $0x0;
	s2 =	sadd.s32 $0x16000, s8;
	s4 =	smul.u32 $0x50, s6  }
0x7: {  	s3 =	sadd.s32 $0x14A00, s8;
	p0 =	slt.u32 s6, $0x13;
	s6 =	simm.s32 $0xA00  }
.Ltmp0:
0x8: {  	s6 =	simm.s32 @!p0 $0x0;
	s7 =	ssub.s32 $0xFA0, s4;
	(pc) =	sbr.rel .LBB2_1-.Ltmp0, $4  }
0x9: {  	s9 =	simm.s32 @!p0 $0x0;
	p0 =	sne.s32 s7, s6;
	s7 =	simm.s32 $0x1  }
0xa: {  	s8 =	sadd.s32 $0xA600, s8;
	s6 =	simm.s32 $0x2;
	s7 =	simm.s32 @!p0 $0x0  }
0xb: {  	s11 =	smov.u32 s4;
	[sflag:s6] =	ssyncpa.u1 $0x0;
	s7 =	sadd.s32 s9, s7  }
0xc: {  	vm0 =	vmmov $0xffff;
	[sflag:s10] =	ssyncpa.u1 $0x0;
	s10 =	simm.s32 $0x0;
	s9 =	sadd.s32 $0x1, s7  }
.LBB2_4:
0xd: {  	vm1 =	veq.s32 v4, $0x80000000;
	v56 =	vand.u32 $0x3, v4;
	v6 =	vand.u32 $0x3FFF, v6  }
0xe: {  	v2 =	vor.u32 v2, v5;
	v59 =	vshrl.u32 v1, $0x2;
	v60 =	vand.u32 $0x3, v1  }
0xf: {  	v4 =	vsel vm1, $0xFFFFFFFF, v56;
	v6 =	vsel vm1, $0xFFFFFFFF, v6;
	v2 =	vor.u32 v3, v2  }
0x10: {  	vm1 =	veq.s32 v1, $0x80000000;
	v5 =	vand.u32 $0x3FFF, v59;
	v7 =	vshrl.u32 v4, $0x2  }
0x11: {  	v57 =	vshll.u32 v6, $0x2;
	v4 =	vshll.u32 v4, $0x7;
	v1 =	vsel vm1, $0xFFFFFFFF, v60  }
0x12: {  	v5 =	vsel vm1, $0xFFFFFFFF, v5;
	v6 =	vand.u32 $0x7F, v6;
	v7 =	vmul.u32 $0x9E00, v7  }
0x13: {  	v58 =	vand.u32 $0xFFFFFE00, v57;
	v4 =	vand.u32 $0x180, v4;
	v61 =	vshrl.u32 v1, $0x2  }
0x14: {  	v62 =	vshll.u32 v5, $0x2;
	v3 =	vadd.s32 v7, v58;
	v7 =	vmul.u32 $0x9E00, v61  }
0x15: {  	v1 =	vshll.u32 v1, $0x7;
	v3 =	vor.u32 v4, v3;
	v4 =	vand.u32 $0xFFFFFE00, v62  }
0x16: {  	v1 =	vand.u32 $0x180, v1;
	v3 =	vor.u32 v6, v3;
	v4 =	vadd.s32 v7, v4  }
0x17: {  	[tilespmem:s16], [sflag:$0x1] =	stream.indirect_vreg.gather [hbm4b:s2+s10], $0x1, v0, vm0, $0x4038;
	v63 =	vand.u32 $0x7F, v5;
	v1 =	vor.u32 v1, v4;
	[tilespmem:$0x140] =	vst v63  }
0x18: {  	s15 =	sadd.s32 $0x10, s15;
	(ifvalue) =	ssetifvalue $0x7FFFFFFF;
	v0 =	vor.u32 v63, v1  }
0x19: {  	[tilespmem:s15], [sflag:$0x1] =	stream.indirect_vreg.gather [hbm4b:s2+s10], $0x1, v2, vm0, $0x4038;
	[tilespmem:$0x140] =	vst v63  }
0x1a: {  	s15 =	sadd.s32 $0x10, s15;
	(ifvalue) =	ssetifvalue $0x7FFFFFFF  }
0x1b: {  	[tilespmem:s15], [sflag:$0x1] =	stream.indirect_vreg.gather [hbm4b:s2+s10], $0x1, v3, vm0, $0x4038;
	[tilespmem:$0x140] =	vst v63  }
0x1c: {  	s15 =	sadd.s32 $0x10, s15;
	(ifvalue) =	ssetifvalue $0x7FFFFFFF  }
0x1d: {  	[tilespmem:s15], [sflag:$0x1] =	stream.indirect_vreg.gather [hbm4b:s2+s10], $0x1, v0, vm0, $0x4038;
	[tilespmem:$0x140] =	vst v63  }
0x1e: {  	_ =	swait.ge [sflag:s5], $0x50  }
0x1f: {  	s30 =	sshrl.u32 s13, $0x3;
	[sflag:s5] =	ssyncset.done $0x0  }
0x20: {  	s31 =	sand.u32 $0x7, s13;
	s15 =	sadd.s32 s8, s30;
	[sflag:s5] =	ssyncadd.s32 $0xFFFFFFB0  }
0x21: {  	[hbm4b:s15+s31] =	stream.linear.scatter [tilespmem:s14], [sflag:$0x3], $0x50, $0x38;
	[tilespmem:$0x140] =	vst v63  }
.LBB2_5:
0x22: {  	s15 =	sadd.s32 $0xA00, s11  }
0x23: {  	p1 =	sgt.s32 s15, $0xF9F  }
0x24: {  	s15 =	smov.u32 @p1 s4;
	p1 =	sne.s32 s12, s9  }
.Ltmp1:
0x25: {  	p0 =	slt.u32 s12, $0x2;
	(pc) =	sbr.rel @!p1 .LBB2_6-.Ltmp1, $4  }
0x26: {  	s14 =	simm.s32 @!p0 $0x3  }
0x27: {  	_ =	swait.ge @!p0 [sflag:s14], $0x50  }
0x28: {  	s16 =	sadd.s32 $0x1, s12;
	s13 =	smov.u32 s11;
	[sflag:s14] =	ssyncset.done @!p0 $0x0  }
0x29: {  	s12 =	smov.u32 s16;
	s11 =	smov.u32 s15;
	[sflag:s14] =	ssyncadd.s32 @!p0 $0xFFFFFFB0  }
.LBB2_1:
0x2a: {  	p0 =	sge.u32 s12, s7  }
0x2b: {  	s14 =	sxor.u32 @!p0 $0x1, s12  }
0x2c: {  	s14 =	smul.u32 @!p0 $0x140, s14  }
0x2d: {  	s31 =	sadd.s32 $0xFFFFFFFF, s12;
	s15 =	sshrl.u32 @!p0 s11, $0x3  }
0x2e: {  	s16 =	sand.u32 @!p0 $0x7, s11;
	s15 =	sadd.s32 @!p0 s3, s15;
	s14 =	sshra.s32 @!p0 s14, $0x2  }
0x2f: {  	[tilespmem:s14], [sflag:$0x2] =	stream.linear.gather @!p0 [hbm4b:s15+s16], $0x50, $0x38;
	[tilespmem:$0x140] =	vst v63  }
0x30: {  	p0 =	sge.u32 s31, s7  }
.Ltmp2:
0x31: {  	_ = 	snop;
	(pc) =	sbr.rel @p0 .LBB2_5-.Ltmp2, $1  }
0x32: {  	_ =	sdelay $0x3  }
0x33: {  	s14 =	sand.u32 $0x1, s12  }
0x34: {  	_ =	swait.ge [sflag:s6], $0x50;
	p0 =	seq.s32 s14, $0x1;
	s14 =	simm.s32 $0x50  }
0x35: {  	[sflag:s6] =	ssyncset.done $0x0;
	s14 =	simm.s32 @!p0 $0x0  }
0x36: {  	[sflag:s6] =	ssyncadd.s32 $0xFFFFFFB0;
	(ifvalue) =	ssetifvalue $0x7FFFFFFF;
	v0 =	vld.msk [tilespmem:s14+$0x0 ss:$0x1], $0xffff  }
0x37: {  	s15 =	sadd.s32 $0x10, s14  }
0x38: {  	v1 =	vld.msk [tilespmem:s15+$0x0 ss:$0x1], $0xffff;
	_ =	sdelay $0x2  }
0x39: {  	v2 =	vshrl.u32 v0, $0x2  }
0x3a: {  	vm1 =	veq.s32 v0, $0x80000000;
	v0 =	vand.u32 $0x3, v0;
	v2 =	vand.u32 $0x3FFF, v2  }
0x3b: {  	v0 =	vsel vm1, $0xFFFFFFFF, v0;
	v6 =	vshrl.u32 v1, $0x2;
	v2 =	vsel vm1, $0xFFFFFFFF, v2  }
0x3c: {  	v3 =	vshrl.u32 v0, $0x2;
	v0 =	vshll.u32 v0, $0x7;
	vm1 =	veq.s32 v1, $0x80000000  }
0x3d: {  	s15 =	sadd.s32 $0x10, s15;
	v1 =	vand.u32 $0x3, v1;
	v4 =	vshll.u32 v2, $0x2;
	v3 =	vmul.u32 $0x9E00, v3  }
0x3e: {  	v0 =	vand.u32 $0x180, v0;
	v7 =	vand.u32 $0x7F, v2;
	v5 =	vand.u32 $0xFFFFFE00, v4;
	v4 =	vld.msk [tilespmem:s15+$0x0 ss:$0x1], $0xffff  }
0x3f: {  	v1 =	vsel vm1, $0xFFFFFFFF, v1;
	v2 =	vadd.s32 v3, v5;
	v3 =	vand.u32 $0x3FFF, v6  }
0x40: {  	v3 =	vsel vm1, $0xFFFFFFFF, v3;
	v0 =	vor.u32 v0, v2;
	v2 =	vshrl.u32 v1, $0x2  }
0x41: {  	v1 =	vshll.u32 v1, $0x7;
	v5 =	vshll.u32 v3, $0x2;
	v8 =	vmul.u32 $0x9E00, v2  }
0x42: {  	s18 =	simm.s32 $0x30;
	s14 =	sor.u32 $0xA0, s14;
	s17 =	sadd.s32 $0x10, s15;
	v2 =	vand.u32 $0x180, v1;
	v0 =	vor.u32 v7, v0;
	v5 =	vand.u32 $0xFFFFFE00, v5  }
0x43: {  	s16 =	smov.u32 s14;
	s15 =	smov.u32 s14;
	v1 =	vld.msk [tilespmem:s17+$0x0 ss:$0x1], $0xffff;
	v3 =	vand.u32 $0x7F, v3;
	(ifvalue) =	ssetifvalue $0x7FFFFFFF;
	v6 =	vshrl.u32 v4, $0x2;
	v5 =	vadd.s32 v8, v5  }
.LBB2_3:
0x44: {  	s18 =	sadd.s32 $0x10, s18  }
0x45: {  	vm1 =	veq.s32 v4, $0x80000000;
	v4 =	vand.u32 $0x3, v4;
	v6 =	vand.u32 $0x3FFF, v6;
	s15 =	sadd.s32 $0x10, s15;
	p0 =	slt.u32 s18, $0x40  }
.Ltmp3:
0x46: {  	v5 =	vor.u32 v2, v5;
	v4 =	vsel vm1, $0xFFFFFFFF, v4;
	v7 =	vsel vm1, $0xFFFFFFFF, v6;
	(pc) =	sbr.rel @p0 .LBB2_3-.Ltmp3, $4  }
0x47: {  	v2 =	vshrl.u32 v4, $0x2;
	v6 =	vshll.u32 v7, $0x2;
	v4 =	vshll.u32 v4, $0x7;
	[tilespmem:s16], [sflag:$0x1] =	stream.indirect_vreg.gather [hbm4b:s2+s10], $0x1, v0, vm0, $0x4038;
	[tilespmem:$0x140] =	vst v63  }
0x48: {  	v0 =	vor.u32 v3, v5;
	s16 =	smov.u32 s15;
	v8 =	vmul.u32 $0x9E00, v2;
	v2 =	vand.u32 $0x180, v4  }
0x49: {  	s17 =	sadd.s32 $0x10, s17;
	v9 =	vand.u32 $0xFFFFFE00, v6  }
0x4a: {  	v3 =	vand.u32 $0x7F, v7;
	v6 =	vshrl.u32 v1, $0x2;
	v5 =	vadd.s32 v8, v9;
	(ifvalue) =	ssetifvalue $0x7FFFFFFF;
	v4 =	vmovc v1;
	v1 =	vld.msk [tilespmem:s17+$0x0 ss:$0x1], $0xffff  }
.Ltmp4:
0x4b: {  	_ = 	snop;
	(pc) =	sbr.rel .LBB2_4-.Ltmp4, $1  }
0x4c: {  	_ =	sdelay $0x3  }
.LBB2_6:
0x4d: {  	_ =	sfence.sel $0x180000  }
0x4e: {  	s2 =	simm.s32 $0x2;
	[bflag:$0x0] =	sbarrier.arrive $0xFFFF  }
0x4f: {  	s30 =	simm.s32 $0x3;
	[sflag:s2] =	ssyncpa.u1 $0x1  }
0x50: {  	s31 =	simm.s32 $0x1;
	[sflag:s30] =	ssyncpa.u1 $0x1  }
0x51: {  	[sflag:s31] =	ssyncpa.u1 $0x1  }
0x52: {  	p0 =	sne.s32 s1, $0x0;
	_ =	strace $0x9000004D  }
0x53: {  	s0 =	sadd.s32 @!p0 $0x100000, s0;
	[bflag:$0x2] =	sbarrier.arrive $0xFFFF  }
0x54: {  	[sflag:s0] =	ssyncadd.tile.s32 @!p0 $0x1;
	_ =	shalt  }
.Lfunc_end2:
_tile_overlayer_lowered:
.L_overlay_start_2:
0x55: {  	(tag) =	ssettag $0x2  }
0x56: {  	s0 =	rddreg [dreg:$0x0];
	s2 =	stileid.u32  }
0x57: {  	s1 =	rddreg [dreg:$0x1];
	p0 =	sne.s32 s2, $0x0  }
0x58: {  	s3 =	rddreg [dreg:$0x2];
	[bflag:$0x3] =	sbarrier.arrive $0xFFFF;
	s2 =	simm.s32 @!p0 $0x1C01  }
0x59: {  	[timem:s3], [sflag:s2] =	dma.local @!p0 [hbm:s0], s1  }
0x5a: {  	s0 =	simm.s32 @!p0 $0x1  }
0x5b: {  	_ =	swait.ge @!p0 [sflag:s0], s1  }
0x5c: {  	s1 =	ssub.s32 @!p0 $0x0, s1;
	[sflag:s0] =	ssyncset.done @!p0 $0x0  }
0x5d: {  	[sflag:s0] =	ssyncadd.s32 @!p0 s1  }
0x5e: {  	[bflag:$0x3] =	sbarrier.arrive $0xFFFF  }
0x5f: {  	_ =	shalt  }

// kernel: gather_offload_async_start.1
scs
__scs_entry_jumppad:
0x0: {  	(pc) =	sbr.rel $0x88, $3  }
0x1: {  	(tag) =	ssettag $0x0;
	lr =	simm.s32 $0x1  }
0x2: {  	[smem:$0x3F83] =	sst lr;
	_ =	strace $0xD0000000  }
0x3: {  	_ = 	snop  }
0x4: {  	_ = 	snop  }
0x5: {  	_ = 	snop  }
0x6: {  	_ = 	snop  }
0x7: {  	_ = 	snop  }
__scs_overlays_trampoline_lowered:
0x8: {  	[smem:$0x3F92] =	sst s0  }
0x9: {  	[smem:$0x3F93] =	sst s1  }
0xa: {  	[smem:$0x3F94] =	sst s2  }
0xb: {  	[smem:$0x3F95] =	sst s3  }
0xc: {  	[smem:$0x3F96] =	sst s4  }
0xd: {  	[smem:$0x3F97] =	sst s5  }
0xe: {  	[smem:$0x3F98] =	sst s6  }
0xf: {  	[smem:$0x3F99] =	sst s7  }
0x10: {  	[smem:$0x3F9A] =	sst s8  }
0x11: {  	[smem:$0x3F9B] =	sst s9;
	s0 =	simm.s32 @!p0 $0x0  }
0x12: {  	s1 =	sld [smem:$0x3F81];
	s0 =	simm.s32 @p0 $0x1  }
0x13: {  	[smem:$0x3F9C] =	sst s0;
	s0 =	simm.s32 @!p1 $0x0  }
0x14: {  	s2 =	sld [smem:$0x3F80];
	s0 =	simm.s32 @p1 $0x1  }
0x15: {  	[smem:$0x3F9D] =	sst s0;
	s0 =	simm.s32 @!p2 $0x0  }
0x16: {  	s3 =	sld [smem:$0x3FDB];
	s0 =	simm.s32 @p2 $0x1  }
0x17: {  	s4 =	simm.s32 $0x1BF5;
	[smem:$0x3F9F] =	sst s0  }
0x18: {  	s0 =	sld [smem:$0x3F82];
	_ =	swait.ge [sflag:s4], $0x0  }
0x19: {  	s7 =	sld [smem:$0x3F83]  }
0x1a: {  	s8 =	sadd.s32 $0xFFFFE003, lr  }
0x1b: {  	s9 =	sadd.s32 $0xFFFFFEF7, lr;
	s5 =	simm.s32 $0xFFFFFFFF;
	p2 =	slt.u32 s8, $0xFFFFF086  }
0x1c: {  	p1 =	slt.u32 s9, $0xF7A;
	s5 =	simm.s32 @!p2 $0x0  }
0x1d: {  	s5 =	simm.s32 @p1 $0x1;
	p0 =	seq.s32 s7, s2  }
0x1e: {  	s7 =	smul.u32 @!p0 $0xF7A, s2;
	p2 =	seq.s32 @!p0 s5, $0x0  }
0x1f: {  	s9 =	smul.u32 $0xF7A, s1;
	s8 =	simm.s32 @!p0 $0x1BF5;
	p2 =	por !p2, p0  }
0x20: {  	[sflag:s8] =	ssyncset.s32 @!p0 $0xFFFFF086;
	s6 =	sadd.s32 @!p0 s3, s7;
	s7 =	simm.s32 @!p0 $0x108  }
0x21: {  	s3 =	sadd.s32 s3, s9;
	s6 =	sadd.s32 @!p0 $0x88, s6;
	s7 =	simm.s32 @p2 $0x1082  }
0x22: {  	[simem:s7], [sflag:s8] =	dma.local @!p0 [hbm:s6], $0xF7A  }
0x23: {  	s9 =	sor.u32 $0xD0000000, s2;
	s6 =	simm.s32 $0x108;
	_ =	swait.ge @!p0 [sflag:s8], $0x0  }
0x24: {  	s3 =	sadd.s32 $0x88, s3;
	s6 =	simm.s32 @!p1 $0x1082;
	[sflag:s4] =	ssyncset.s32 $0xFFFFF086  }
0x25: {  	[simem:s6], [sflag:s4] =	dma.local [hbm:s3], $0xF7A  }
0x26: {  	[smem:$0x3F83] =	sst s1;
	(tag) =	ssettag s2;
	_ =	strace s9  }
0x27: {  	s1 =	sld [smem:$0x3F93]  }
0x28: {  	s2 =	sld [smem:$0x3F94]  }
0x29: {  	s4 =	sld [smem:$0x3F96]  }
0x2a: {  	p0 =	seq.s32 s5, $0x0;
	s5 =	sld [smem:$0x3F97]  }
0x2b: {  	s6 =	sld [smem:$0x3F98]  }
0x2c: {  	s7 =	sld [smem:$0x3F99]  }
0x2d: {  	s3 =	simm.s32 $0x108;
	s8 =	sld [smem:$0x3F9A]  }
0x2e: {  	s3 =	simm.s32 @!p0 $0x1082;
	s9 =	sld [smem:$0x3F9B]  }
0x2f: {  	lr =	sadd.s32 s0, s3;
	s0 =	sld [smem:$0x3F92]  }
0x30: {  	s3 =	sld [smem:$0x3F95]  }
0x31: {  	[smem:$0x3F9E] =	sst s10  }
0x32: {  	s10 =	sld [smem:$0x3F9C];
	_ =	sdelay $0x3  }
0x33: {  	p0 =	seq.s32 s10, $0x1;
	s10 =	sld [smem:$0x3F9E];
	_ =	sdelay $0x3  }
0x34: {  	[smem:$0x3F9E] =	sst s10  }
0x35: {  	s10 =	sld [smem:$0x3F9D];
	_ =	sdelay $0x3  }
0x36: {  	p1 =	seq.s32 s10, $0x1;
	s10 =	sld [smem:$0x3F9E];
	_ =	sdelay $0x3  }
0x37: {  	[smem:$0x3F9E] =	sst s10  }
0x38: {  	s10 =	sld [smem:$0x3F9F]  }
0x39: {  	_ = 	snop;
	(pc) =	sbr.ind lr, $3  }
0x3a: {  	_ = 	snop  }
0x3b: {  	_ = 	snop  }
0x3c: {  	p2 =	seq.s32 s10, $0x1;
	s10 =	sld [smem:$0x3F9E]  }
0x3d: {  	_ =	shalt  }
0x3e: {  	_ =	shalt  }
0x3f: {  	_ =	shalt  }
0x40: {  	_ =	shalt  }
0x41: {  	_ =	shalt  }
0x42: {  	_ =	shalt  }
0x43: {  	_ =	shalt  }
0x44: {  	_ =	shalt  }
0x45: {  	_ =	shalt  }
0x46: {  	_ =	shalt  }
0x47: {  	_ =	shalt  }
0x48: {  	_ =	shalt  }
0x49: {  	_ =	shalt  }
0x4a: {  	_ =	shalt  }
0x4b: {  	_ =	shalt  }
0x4c: {  	_ =	shalt  }
0x4d: {  	_ =	shalt  }
0x4e: {  	_ =	shalt  }
0x4f: {  	_ =	shalt  }
0x50: {  	_ =	shalt  }
0x51: {  	_ =	shalt  }
0x52: {  	_ =	shalt  }
0x53: {  	_ =	shalt  }
0x54: {  	_ =	shalt  }
0x55: {  	_ =	shalt  }
0x56: {  	_ =	shalt  }
0x57: {  	_ =	shalt  }
0x58: {  	_ =	shalt  }
0x59: {  	_ =	shalt  }
0x5a: {  	_ =	shalt  }
0x5b: {  	_ =	shalt  }
0x5c: {  	_ =	shalt  }
0x5d: {  	_ =	shalt  }
0x5e: {  	_ =	shalt  }
0x5f: {  	_ =	shalt  }
0x60: {  	_ =	shalt  }
0x61: {  	_ =	shalt  }
0x62: {  	_ =	shalt  }
0x63: {  	_ =	shalt  }
0x64: {  	_ =	shalt  }
0x65: {  	_ =	shalt  }
0x66: {  	_ =	shalt  }
0x67: {  	_ =	shalt  }
0x68: {  	_ =	shalt  }
0x69: {  	_ =	shalt  }
0x6a: {  	_ =	shalt  }
0x6b: {  	_ =	shalt  }
0x6c: {  	_ =	shalt  }
0x6d: {  	_ =	shalt  }
0x6e: {  	_ =	shalt  }
0x6f: {  	_ =	shalt  }
0x70: {  	_ =	shalt  }
0x71: {  	_ =	shalt  }
0x72: {  	_ =	shalt  }
0x73: {  	_ =	shalt  }
0x74: {  	_ =	shalt  }
0x75: {  	_ =	shalt  }
0x76: {  	_ =	shalt  }
0x77: {  	_ =	shalt  }
0x78: {  	_ =	shalt  }
0x79: {  	_ =	shalt  }
0x7a: {  	_ =	shalt  }
0x7b: {  	_ =	shalt  }
0x7c: {  	_ =	shalt  }
0x7d: {  	_ =	shalt  }
0x7e: {  	_ =	shalt  }
0x7f: {  	_ =	shalt  }
0x80: {  	_ =	shalt  }
0x81: {  	_ =	shalt  }
0x82: {  	_ =	shalt  }
0x83: {  	_ =	shalt  }
0x84: {  	_ =	shalt  }
0x85: {  	_ =	shalt  }
0x86: {  	_ =	shalt  }
0x87: {  	_ =	shalt  }
.Lfunc_end0:
.L_simem_size_0:
called_computation.1_lowered:
.L_overlay_start_0:
0x88: {  	s2 =	sld [smem:$0x3FD9]  }
0x89: {  	s3 =	sld [smem:$0x3FFE];
	_ =	sdelay $0x1  }
0x8a: {  	s1 =	srdreg.scid  }
0x8b: {  	s0 =	sand.u32 $0x1, s1  }
0x8c: {  	s17 =	sshll.u32 s0, $0xA;
	s2 =	sadd.s32 s3, s2  }
0x8d: {  	s2 =	sadd.s32 s2, s17  }
0x8e: {  	[smem:$0x3FAA] =	sst s2  }
0x8f: {  	_ = 	snop  }
0x90: {  	s2 =	sld [smem:$0x3FD0];
	(tm) =	ssettm $0x1  }
0x91: {  	s18 =	sld [smem:$0x3FFB];
	_ =	sdelay $0x3  }
0x92: {  	_ =	strace s18  }
0x93: {  	s3 =	sld [smem:$0x3FFC];
	_ =	sdelay $0x3  }
0x94: {  	_ =	strace s3  }
0x95: {  	s3 =	sld [smem:$0x3FFD];
	_ =	sdelay $0x3  }
0x96: {  	_ =	strace s3  }
0x97: {  	_ =	strace $0x8FFFFFFF  }
0x98: {  	s19 =	sld [smem:$0x3FDB];
	_ =	sdelay $0x1  }
0x99: {  	s4 =	simm.s32 $_scs_section_size  }
0x9a: {  	s5 =	simm.s32 $_size__tile_overlayer_lowered;
	s6 =	simm.s32 $_tile_overlayer_lowered  }
0x9b: {  	s22 =	simm.s32 $0x1BFF;
	s21 =	sshll.u32 s6, $0x1;
	s3 =	sadd.s32 s4, s19  }
0x9c: {  	s7 =	simm.s32 $0x0;
	s20 =	sshll.u32 s5, $0x1;
	s5 =	sadd.s32 s21, s3  }
0x9d: {  	[timem:s7], [sflag:s22] =	dma.local [hbm:s5], s20  }
0x9e: {  	_ =	swait.ge [sflag:s22], s20  }
0x9f: {  	s4 =	ssub.s32 $0x0, s20;
	[sflag:s22] =	ssyncset.done $0x0  }
0xa0: {  	[sflag:s22] =	ssyncadd.s32 s4;
	_ =	sdelay $0x1  }
0xa1: {  	s23 =	simm.s32 $0x1B8B  }
0xa2: {  	_ =	swait.ge [sflag:s23], $0x1  }
0xa3: {  	[sflag:s23] =	ssyncset.done $0x0  }
0xa4: {  	s25 =	simm.s32 $0x1B8E;
	s24 =	sld [smem:$0x3FFE];
	[sflag:s23] =	ssyncadd.s32 $0xFFFFFFFF  }
0xa5: {  	s26 =	simm.s32 $execute0_lowered;
	[smem:$0x3FD2] =	sst s25  }
0xa6: {  	s5 =	sshll.u32 s26, $0x1;
	_ =	strace $0x8000007F;
	[dreg:$0x1] =	wrdreg $0xFFFFFFFF  }
0xa7: {  	s28 =	simm.s32 $_size_execute0_lowered;
	s3 =	sadd.s32 s3, s5;
	[dreg:$0x0] =	wrdreg $0x0  }
0xa8: {  	s5 =	sshll.u32 s28, $0x1;
	[dreg:$0x2] =	wrdreg s3  }
0xa9: {  	[dreg:$0x3] =	wrdreg s5  }
0xaa: {  	[dreg:$0x4] =	wrdreg $0xC0  }
0xab: {  	_ =	task [dreg:s7], $0x5FFFF  }
0xac: {  	[dreg:$0x1] =	wrdreg $0xFFFFFFFF  }
0xad: {  	[dreg:$0x0] =	wrdreg $0x60  }
0xae: {  	[dreg:$0x2] =	wrdreg s2  }
0xaf: {  	[dreg:$0x3] =	wrdreg s24  }
0xb0: {  	[dreg:$0x4] =	wrdreg $0x9  }
0xb1: {  	_ =	task.clear_ibuf [dreg:s7], $0x5FFFF;
	_ =	strace $0x9000007F  }
0xb2: {  	s29 =	simm.s32 $0x9;
	_ =	strace $0x80000081  }
0xb3: {  	_ =	swait.ge [sflag:s29], $0x1  }
0xb4: {  	[sflag:s29] =	ssyncadd.s32 $0xFFFFFFFF  }
0xb5: {  	_ =	strace $0x90000081  }
0xb6: {  	_ =	sfence  }
0xb7: {  	s30 =	sld [smem:$0x0];
	_ =	sdelay $0x2  }
0xb8: {  	s31 =	sshll.u32 s1, $0xD;
	s1 =	sshrl.u32 s1, $0x2  }
0xb9: {  	s3 =	sand.u32 $0x4000, s31;
	s1 =	sadd.s32 s1, s30  }
0xba: {  	s0 =	sor.u32 s3, s0;
	s1 =	sshll.u32 s1, $0x11  }
0xbb: {  	s0 =	sor.u32 s1, s0  }
0xbc: {  	s0 =	sadd.s32 $0x8F2B, s0  }
0xbd: {  	[sflag:s0] =	ssyncadd.remote.s32 $0x1  }
0xbe: {  	_ =	sfence.sel $0xFFFF  }
0xbf: {  	[dreg:$0x0] =	wrdreg $0xFFFFFFFF;
	(pc) =	sbr.abs _section_cstart, $3  }
0xc0: {  	[dreg:$0x1] =	wrdreg $0xFFFFFFFF  }
0xc1: {  	_ =	task.clear_ibuf [dreg:s7], $0x2FFFF;
	_ =	strace $0x9FFFFFFF  }
0xc2: {  	(tm) =	ssettm $0x7FFFFFFF  }
0xc3: {  	_ =	shalt  }
tec
execute0_lowered:
.L_overlay_start_1:
0x0: {  	(tag) =	ssettag $0x1  }
0x1: {  	s2 =	rddreg [dreg:$0x0];
	s0 =	stileid.u32  }
0x2: {  	s1 =	srdreg.scid;
	s8 =	rddreg [dreg:$0x1]  }
0x3: {  	s5 =	simm.s32 $0x1;
	s9 =	simm.s32 $0x1;
	s10 =	simm.s32 $0x3  }
0x4: {  	s13 =	simm.s32 $0x0;
	s3 =	sand.u32 $0x1, s1;
	s4 =	sshll.u32 s0, $0x1  }
0x5: {  	s12 =	simm.s32 $0x0;
	s1 =	rddreg [dreg:$0x2];
	s6 =	sor.u32 s4, s3  }
0x6: {  	_ =	strace $0x80000080;
	s3 =	sadd.s32 $0x10800, s8;
	s4 =	smul.u32 $0x190, s6  }
0x7: {  	[sflag:s5] =	ssyncpa.u1 $0x0;
	p0 =	slt.u32 s6, $0x9;
	s6 =	simm.s32 $0x3200  }
.Ltmp0:
0x8: {  	s6 =	simm.s32 @!p0 $0x0;
	s7 =	ssub.s32 $0x3E80, s4;
	(pc) =	sbr.rel .LBB2_1-.Ltmp0, $4  }
0x9: {  	s9 =	simm.s32 @!p0 $0x0;
	p0 =	sne.s32 s7, s6;
	s7 =	simm.s32 $0x1  }
0xa: {  	s8 =	sadd.s32 $0xD000, s8;
	s6 =	simm.s32 $0x2;
	s7 =	simm.s32 @!p0 $0x0  }
0xb: {  	s11 =	smov.u32 s4;
	[sflag:s6] =	ssyncpa.u1 $0x0;
	s7 =	sadd.s32 s9, s7  }
0xc: {  	vm0 =	vmmov $0xffff;
	[sflag:s10] =	ssyncpa.u1 $0x0;
	s10 =	simm.s32 $0x0;
	s9 =	sadd.s32 $0x1, s7  }
.LBB2_4:
0xd: {  	v6 =	vand.u32 $0x7F, v3;
	v4 =	vsel vm1, $0xFFFF6200, v4  }
0xe: {  	v5 =	vmul.u32 $0x9E00, v5;
	vm1 =	vmmov vm2;
	v56 =	vshll.u32 v3, $0x2  }
0xf: {  	v7 =	vand.u32 $0x3, v1;
	v2 =	vshll.u32 v2, $0x7;
	v57 =	vshrl.u32 v1, $0x2  }
0x10: {  	v58 =	vshrl.u32 v1, $0x4;
	v4 =	vor.u32 v4, v6;
	v3 =	vand.u32 $0xFFFFFE00, v56  }
0x11: {  	v2 =	vand.u32 $0x180, v2;
	v4 =	vadd.s32 v5, v4;
	v5 =	vand.u32 $0x3, v57  }
0x12: {  	v1 =	vand.u32 $0x3FFF, v58;
	v59 =	vmul.u32 $0x9E00, v7;
	v5 =	vsel vm1, $0xFFFFFFFF, v5  }
0x13: {  	v1 =	vsel vm1, $0xFFFFFFFF, v1;
	v3 =	vadd.s32 v3, v4;
	v60 =	vshrl.u32 v5, $0x2  }
0x14: {  	v61 =	vand.u32 $0x7F, v1;
	v6 =	vsel vm1, $0xFFFF6200, v59;
	v4 =	vmul.u32 $0x9E00, v60  }
0x15: {  	v1 =	vshll.u32 v1, $0x2;
	v2 =	vor.u32 v2, v3;
	v62 =	vor.u32 v6, v61  }
0x16: {  	v1 =	vand.u32 $0xFFFFFE00, v1;
	v5 =	vshll.u32 v5, $0x7;
	v3 =	vadd.s32 v4, v62  }
0x17: {  	v63 =	vand.u32 $0x180, v5;
	v1 =	vadd.s32 v1, v3  }
0x18: {  	(ifvalue) =	ssetifvalue $0x7FFFFFFF;
	s15 =	sadd.s32 $0x10, s15;
	v1 =	vor.u32 v63, v1  }
0x19: {  	[tilespmem:s15], [sflag:$0x1] =	stream.indirect_vreg.gather [hbm4b:s2+s10], $0x1, v0, vm0, $0x4038;
	[tilespmem:$0x640] =	vst v63  }
0x1a: {  	(ifvalue) =	ssetifvalue $0x7FFFFFFF;
	s15 =	sadd.s32 $0x10, s15  }
0x1b: {  	[tilespmem:s15], [sflag:$0x1] =	stream.indirect_vreg.gather [hbm4b:s2+s10], $0x1, v2, vm0, $0x4038;
	[tilespmem:$0x640] =	vst v63  }
0x1c: {  	(ifvalue) =	ssetifvalue $0x7FFFFFFF;
	s15 =	sadd.s32 $0x10, s15  }
0x1d: {  	[tilespmem:s15], [sflag:$0x1] =	stream.indirect_vreg.gather [hbm4b:s2+s10], $0x1, v1, vm0, $0x4038;
	[tilespmem:$0x640] =	vst v63  }
0x1e: {  	_ =	swait.ge [sflag:s5], $0x190  }
0x1f: {  	s30 =	sshrl.u32 s13, $0x3;
	[sflag:s5] =	ssyncset.done $0x0  }
0x20: {  	s31 =	sand.u32 $0x7, s13;
	s15 =	sadd.s32 s8, s30;
	[sflag:s5] =	ssyncadd.s32 $0xFFFFFE70  }
0x21: {  	[hbm4b:s15+s31] =	stream.linear.scatter [tilespmem:s14], [sflag:$0x3], $0x190, $0x38;
	[tilespmem:$0x640] =	vst v63  }
.LBB2_5:
0x22: {  	s15 =	sadd.s32 $0x3200, s11  }
0x23: {  	p1 =	sgt.s32 s15, $0x3E7F  }
0x24: {  	s15 =	smov.u32 @p1 s4;
	p1 =	sne.s32 s12, s9  }
.Ltmp1:
0x25: {  	p0 =	slt.u32 s12, $0x2;
	(pc) =	sbr.rel @!p1 .LBB2_6-.Ltmp1, $4  }
0x26: {  	s14 =	simm.s32 @!p0 $0x3  }
0x27: {  	_ =	swait.ge @!p0 [sflag:s14], $0x190  }
0x28: {  	s16 =	sadd.s32 $0x1, s12;
	s13 =	smov.u32 s11;
	[sflag:s14] =	ssyncset.done @!p0 $0x0  }
0x29: {  	s12 =	smov.u32 s16;
	s11 =	smov.u32 s15;
	[sflag:s14] =	ssyncadd.s32 @!p0 $0xFFFFFE70  }
.LBB2_1:
0x2a: {  	p0 =	sge.u32 s12, s7  }
0x2b: {  	s14 =	sxor.u32 @!p0 $0x1, s12  }
0x2c: {  	s14 =	smul.u32 @!p0 $0x640, s14  }
0x2d: {  	s31 =	sadd.s32 $0xFFFFFFFF, s12;
	s15 =	sshrl.u32 @!p0 s11, $0x3  }
0x2e: {  	s16 =	sand.u32 @!p0 $0x7, s11;
	s15 =	sadd.s32 @!p0 s3, s15;
	s14 =	sshra.s32 @!p0 s14, $0x2  }
0x2f: {  	[tilespmem:s14], [sflag:$0x2] =	stream.linear.gather @!p0 [hbm4b:s15+s16], $0x190, $0x38;
	[tilespmem:$0x640] =	vst v63  }
0x30: {  	p0 =	sge.u32 s31, s7  }
.Ltmp2:
0x31: {  	_ = 	snop;
	(pc) =	sbr.rel @p0 .LBB2_5-.Ltmp2, $1  }
0x32: {  	_ =	sdelay $0x3  }
0x33: {  	s14 =	sand.u32 $0x1, s12  }
0x34: {  	_ =	swait.ge [sflag:s6], $0x190;
	p0 =	seq.s32 s14, $0x1;
	s14 =	simm.s32 $0x190  }
0x35: {  	[sflag:s6] =	ssyncset.done $0x0;
	s14 =	simm.s32 @!p0 $0x0  }
0x36: {  	[sflag:s6] =	ssyncadd.s32 $0xFFFFFE70;
	(ifvalue) =	ssetifvalue $0x7FFFFFFF;
	v0 =	vld.msk [tilespmem:s14+$0x0 ss:$0x1], $0xffff;
	_ =	sdelay $0x1  }
0x37: {  	s15 =	sadd.s32 $0x10, s14  }
0x38: {  	v1 =	vld.msk [tilespmem:s15+$0x0 ss:$0x1], $0xffff;
	s15 =	sadd.s32 $0x10, s15  }
0x39: {  	v6 =	vld.msk [tilespmem:s15+$0x0 ss:$0x1], $0xffff  }
0x3a: {  	vm1 =	veq.s32 v0, $0x80000000;
	v2 =	vand.u32 $0x3, v0  }
0x3b: {  	v3 =	vshrl.u32 v0, $0x2;
	v0 =	vshrl.u32 v0, $0x4;
	vm1 =	vmmov vm1  }
0x3c: {  	v3 =	vand.u32 $0x3, v3;
	v0 =	vand.u32 $0x3FFF, v0;
	v2 =	vmul.u32 $0x9E00, v2  }
0x3d: {  	vm2 =	veq.s32 v1, $0x80000000;
	v7 =	vand.u32 $0x3, v1;
	v3 =	vsel vm1, $0xFFFFFFFF, v3  }
0x3e: {  	v0 =	vsel vm1, $0xFFFFFFFF, v0;
	v8 =	vand.u32 $0x3, v6;
	v4 =	vshrl.u32 v3, $0x2  }
0x3f: {  	v5 =	vand.u32 $0x7F, v0;
	v2 =	vsel vm1, $0xFFFF6200, v2;
	vm1 =	vmmov vm2  }
0x40: {  	v0 =	vshll.u32 v0, $0x2;
	v3 =	vshll.u32 v3, $0x7;
	v4 =	vmul.u32 $0x9E00, v4  }
0x41: {  	v2 =	vor.u32 v2, v5;
	v0 =	vand.u32 $0xFFFFFE00, v0;
	v3 =	vand.u32 $0x180, v3  }
0x42: {  	v2 =	vadd.s32 v4, v2;
	v4 =	vshrl.u32 v1, $0x2;
	v1 =	vshrl.u32 v1, $0x4  }
0x43: {  	v0 =	vadd.s32 v0, v2;
	v2 =	vand.u32 $0x3, v4;
	v1 =	vand.u32 $0x3FFF, v1  }
0x44: {  	v0 =	vor.u32 v3, v0;
	v2 =	vsel vm1, $0xFFFFFFFF, v2;
	v3 =	vmul.u32 $0x9E00, v7  }
0x45: {  	vm2 =	veq.s32 v6, $0x80000000;
	v4 =	vsel vm1, $0xFFFFFFFF, v1;
	v1 =	vshrl.u32 v2, $0x2  }
0x46: {  	s15 =	sadd.s32 $0x10, s15;
	v5 =	vand.u32 $0x7F, v4;
	v3 =	vsel vm1, $0xFFFF6200, v3;
	v7 =	vmul.u32 $0x9E00, v1  }
0x47: {  	v4 =	vshll.u32 v4, $0x2;
	v2 =	vshll.u32 v2, $0x7;
	v1 =	vld.msk [tilespmem:s15+$0x0 ss:$0x1], $0xffff;
	v3 =	vor.u32 v3, v5  }
0x48: {  	vm1 =	vmmov vm2;
	v4 =	vand.u32 $0xFFFFFE00, v4;
	v3 =	vadd.s32 v7, v3  }
0x49: {  	s14 =	sadd.s32 $0x320, s14;
	(ifvalue) =	ssetifvalue $0x7FFFFFFF;
	v2 =	vand.u32 $0x180, v2;
	v5 =	vshrl.u32 v6, $0x2;
	v3 =	vadd.s32 v4, v3  }
0x4a: {  	[tilespmem:s14], [sflag:$0x1] =	stream.indirect_vreg.gather [hbm4b:s2+s10], $0x1, v0, vm0, $0x4038;
	v4 =	vand.u32 $0x3, v5;
	v5 =	vshrl.u32 v6, $0x4;
	v0 =	vor.u32 v2, v3;
	[tilespmem:$0x640] =	vst v63  }
0x4b: {  	v2 =	vsel vm1, $0xFFFFFFFF, v4;
	v3 =	vand.u32 $0x3FFF, v5;
	v4 =	vmul.u32 $0x9E00, v8  }
0x4c: {  	s16 =	simm.s32 $0x30;
	s17 =	sadd.s32 $0x10, s15;
	s15 =	smov.u32 s14;
	vm2 =	veq.s32 v1, $0x80000000;
	v3 =	vsel vm1, $0xFFFFFFFF, v3;
	v5 =	vshrl.u32 v2, $0x2  }
.LBB2_3:
0x4d: {  	v7 =	vand.u32 $0x7F, v3  }
0x4e: {  	v6 =	vld.msk [tilespmem:s17+$0x0 ss:$0x1], $0xffff;
	v4 =	vsel vm1, $0xFFFF6200, v4;
	v5 =	vmul.u32 $0x9E00, v5;
	vm1 =	vmmov vm2;
	s16 =	sadd.s32 $0x10, s16  }
0x4f: {  	v8 =	vand.u32 $0x3, v1;
	v3 =	vshll.u32 v3, $0x2;
	s15 =	sadd.s32 $0x10, s15;
	v4 =	vor.u32 v4, v7;
	(ifvalue) =	ssetifvalue $0x7FFFFFFF;
	p0 =	slt.u32 s16, $0x180  }
0x50: {  	[tilespmem:s15], [sflag:$0x1] =	stream.indirect_vreg.gather [hbm4b:s2+s10], $0x1, v0, vm0, $0x4038;
	[tilespmem:$0x640] =	vst v63  }
.Ltmp3:
0x51: {  	v2 =	vshll.u32 v2, $0x7;
	v3 =	vand.u32 $0xFFFFFE00, v3;
	v4 =	vadd.s32 v5, v4;
	(pc) =	sbr.rel @p0 .LBB2_3-.Ltmp3, $4  }
0x52: {  	v2 =	vand.u32 $0x180, v2;
	v0 =	vshrl.u32 v1, $0x2;
	v3 =	vadd.s32 v3, v4  }
0x53: {  	v9 =	vshrl.u32 v1, $0x4;
	v4 =	vand.u32 $0x3, v0;
	v0 =	vor.u32 v2, v3  }
0x54: {  	v7 =	vand.u32 $0x3FFF, v9;
	v2 =	vsel vm1, $0xFFFFFFFF, v4;
	v4 =	vmul.u32 $0x9E00, v8  }
0x55: {  	s17 =	sadd.s32 $0x10, s17;
	v3 =	vsel vm1, $0xFFFFFFFF, v7;
	vm2 =	veq.s32 v6, $0x80000000;
	v5 =	vshrl.u32 v2, $0x2;
	v1 =	vmovc v6  }
.Ltmp4:
0x56: {  	_ = 	snop;
	(pc) =	sbr.rel .LBB2_4-.Ltmp4, $1  }
0x57: {  	_ =	sdelay $0x3  }
.LBB2_6:
0x58: {  	_ =	sfence.sel $0x180000  }
0x59: {  	s2 =	simm.s32 $0x2;
	[bflag:$0x0] =	sbarrier.arrive $0xFFFF  }
0x5a: {  	s30 =	simm.s32 $0x3;
	[sflag:s2] =	ssyncpa.u1 $0x1  }
0x5b: {  	s31 =	simm.s32 $0x1;
	[sflag:s30] =	ssyncpa.u1 $0x1  }
0x5c: {  	[sflag:s31] =	ssyncpa.u1 $0x1  }
0x5d: {  	p0 =	sne.s32 s0, $0x0;
	_ =	strace $0x90000080  }
0x5e: {  	s0 =	sadd.s32 @!p0 $0x100000, s1;
	[bflag:$0x2] =	sbarrier.arrive $0xFFFF  }
0x5f: {  	[sflag:s0] =	ssyncadd.tile.s32 @!p0 $0x1;
	_ =	shalt  }
.Lfunc_end2:
_tile_overlayer_lowered:
.L_overlay_start_2:
0x60: {  	(tag) =	ssettag $0x2  }
0x61: {  	s0 =	rddreg [dreg:$0x0];
	s2 =	stileid.u32  }
0x62: {  	s1 =	rddreg [dreg:$0x1];
	p0 =	sne.s32 s2, $0x0  }
0x63: {  	s3 =	rddreg [dreg:$0x2];
	[bflag:$0x3] =	sbarrier.arrive $0xFFFF;
	s2 =	simm.s32 @!p0 $0x1C01  }
0x64: {  	[timem:s3], [sflag:s2] =	dma.local @!p0 [hbm:s0], s1  }
0x65: {  	s0 =	simm.s32 @!p0 $0x1  }
0x66: {  	_ =	swait.ge @!p0 [sflag:s0], s1  }
0x67: {  	s1 =	ssub.s32 @!p0 $0x0, s1;
	[sflag:s0] =	ssyncset.done @!p0 $0x0  }
0x68: {  	[sflag:s0] =	ssyncadd.s32 @!p0 s1  }
0x69: {  	[bflag:$0x3] =	sbarrier.arrive $0xFFFF  }
0x6a: {  	_ =	shalt  }

// kernel: gather_offload_async_start.20
scs
__scs_entry_jumppad:
0x0: {  	(pc) =	sbr.rel $0x88, $3  }
0x1: {  	(tag) =	ssettag $0x0;
	lr =	simm.s32 $0x1  }
0x2: {  	[smem:$0x3F83] =	sst lr;
	_ =	strace $0xD0000000  }
0x3: {  	_ = 	snop  }
0x4: {  	_ = 	snop  }
0x5: {  	_ = 	snop  }
0x6: {  	_ = 	snop  }
0x7: {  	_ = 	snop  }
__scs_overlays_trampoline_lowered:
0x8: {  	[smem:$0x3F92] =	sst s0  }
0x9: {  	[smem:$0x3F93] =	sst s1  }
0xa: {  	[smem:$0x3F94] =	sst s2  }
0xb: {  	[smem:$0x3F95] =	sst s3  }
0xc: {  	[smem:$0x3F96] =	sst s4  }
0xd: {  	[smem:$0x3F97] =	sst s5  }
0xe: {  	[smem:$0x3F98] =	sst s6  }
0xf: {  	[smem:$0x3F99] =	sst s7  }
0x10: {  	[smem:$0x3F9A] =	sst s8  }
0x11: {  	[smem:$0x3F9B] =	sst s9;
	s0 =	simm.s32 @!p0 $0x0  }
0x12: {  	s1 =	sld [smem:$0x3F81];
	s0 =	simm.s32 @p0 $0x1  }
0x13: {  	[smem:$0x3F9C] =	sst s0;
	s0 =	simm.s32 @!p1 $0x0  }
0x14: {  	s2 =	sld [smem:$0x3F80];
	s0 =	simm.s32 @p1 $0x1  }
0x15: {  	[smem:$0x3F9D] =	sst s0;
	s0 =	simm.s32 @!p2 $0x0  }
0x16: {  	s3 =	sld [smem:$0x3FDB];
	s0 =	simm.s32 @p2 $0x1  }
0x17: {  	s4 =	simm.s32 $0x1BF5;
	[smem:$0x3F9F] =	sst s0  }
0x18: {  	s0 =	sld [smem:$0x3F82];
	_ =	swait.ge [sflag:s4], $0x0  }
0x19: {  	s7 =	sld [smem:$0x3F83]  }
0x1a: {  	s8 =	sadd.s32 $0xFFFFE003, lr  }
0x1b: {  	s9 =	sadd.s32 $0xFFFFFEF7, lr;
	s5 =	simm.s32 $0xFFFFFFFF;
	p2 =	slt.u32 s8, $0xFFFFF086  }
0x1c: {  	p1 =	slt.u32 s9, $0xF7A;
	s5 =	simm.s32 @!p2 $0x0  }
0x1d: {  	s5 =	simm.s32 @p1 $0x1;
	p0 =	seq.s32 s7, s2  }
0x1e: {  	s7 =	smul.u32 @!p0 $0xF7A, s2;
	p2 =	seq.s32 @!p0 s5, $0x0  }
0x1f: {  	s9 =	smul.u32 $0xF7A, s1;
	s8 =	simm.s32 @!p0 $0x1BF5;
	p2 =	por !p2, p0  }
0x20: {  	[sflag:s8] =	ssyncset.s32 @!p0 $0xFFFFF086;
	s6 =	sadd.s32 @!p0 s3, s7;
	s7 =	simm.s32 @!p0 $0x108  }
0x21: {  	s3 =	sadd.s32 s3, s9;
	s6 =	sadd.s32 @!p0 $0x88, s6;
	s7 =	simm.s32 @p2 $0x1082  }
0x22: {  	[simem:s7], [sflag:s8] =	dma.local @!p0 [hbm:s6], $0xF7A  }
0x23: {  	s9 =	sor.u32 $0xD0000000, s2;
	s6 =	simm.s32 $0x108;
	_ =	swait.ge @!p0 [sflag:s8], $0x0  }
0x24: {  	s3 =	sadd.s32 $0x88, s3;
	s6 =	simm.s32 @!p1 $0x1082;
	[sflag:s4] =	ssyncset.s32 $0xFFFFF086  }
0x25: {  	[simem:s6], [sflag:s4] =	dma.local [hbm:s3], $0xF7A  }
0x26: {  	[smem:$0x3F83] =	sst s1;
	(tag) =	ssettag s2;
	_ =	strace s9  }
0x27: {  	s1 =	sld [smem:$0x3F93]  }
0x28: {  	s2 =	sld [smem:$0x3F94]  }
0x29: {  	s4 =	sld [smem:$0x3F96]  }
0x2a: {  	p0 =	seq.s32 s5, $0x0;
	s5 =	sld [smem:$0x3F97]  }
0x2b: {  	s6 =	sld [smem:$0x3F98]  }
0x2c: {  	s7 =	sld [smem:$0x3F99]  }
0x2d: {  	s3 =	simm.s32 $0x108;
	s8 =	sld [smem:$0x3F9A]  }
0x2e: {  	s3 =	simm.s32 @!p0 $0x1082;
	s9 =	sld [smem:$0x3F9B]  }
0x2f: {  	lr =	sadd.s32 s0, s3;
	s0 =	sld [smem:$0x3F92]  }
0x30: {  	s3 =	sld [smem:$0x3F95]  }
0x31: {  	[smem:$0x3F9E] =	sst s10  }
0x32: {  	s10 =	sld [smem:$0x3F9C];
	_ =	sdelay $0x3  }
0x33: {  	p0 =	seq.s32 s10, $0x1;
	s10 =	sld [smem:$0x3F9E];
	_ =	sdelay $0x3  }
0x34: {  	[smem:$0x3F9E] =	sst s10  }
0x35: {  	s10 =	sld [smem:$0x3F9D];
	_ =	sdelay $0x3  }
0x36: {  	p1 =	seq.s32 s10, $0x1;
	s10 =	sld [smem:$0x3F9E];
	_ =	sdelay $0x3  }
0x37: {  	[smem:$0x3F9E] =	sst s10  }
0x38: {  	s10 =	sld [smem:$0x3F9F]  }
0x39: {  	_ = 	snop;
	(pc) =	sbr.ind lr, $3  }
0x3a: {  	_ = 	snop  }
0x3b: {  	_ = 	snop  }
0x3c: {  	p2 =	seq.s32 s10, $0x1;
	s10 =	sld [smem:$0x3F9E]  }
0x3d: {  	_ =	shalt  }
0x3e: {  	_ =	shalt  }
0x3f: {  	_ =	shalt  }
0x40: {  	_ =	shalt  }
0x41: {  	_ =	shalt  }
0x42: {  	_ =	shalt  }
0x43: {  	_ =	shalt  }
0x44: {  	_ =	shalt  }
0x45: {  	_ =	shalt  }
0x46: {  	_ =	shalt  }
0x47: {  	_ =	shalt  }
0x48: {  	_ =	shalt  }
0x49: {  	_ =	shalt  }
0x4a: {  	_ =	shalt  }
0x4b: {  	_ =	shalt  }
0x4c: {  	_ =	shalt  }
0x4d: {  	_ =	shalt  }
0x4e: {  	_ =	shalt  }
0x4f: {  	_ =	shalt  }
0x50: {  	_ =	shalt  }
0x51: {  	_ =	shalt  }
0x52: {  	_ =	shalt  }
0x53: {  	_ =	shalt  }
0x54: {  	_ =	shalt  }
0x55: {  	_ =	shalt  }
0x56: {  	_ =	shalt  }
0x57: {  	_ =	shalt  }
0x58: {  	_ =	shalt  }
0x59: {  	_ =	shalt  }
0x5a: {  	_ =	shalt  }
0x5b: {  	_ =	shalt  }
0x5c: {  	_ =	shalt  }
0x5d: {  	_ =	shalt  }
0x5e: {  	_ =	shalt  }
0x5f: {  	_ =	shalt  }
0x60: {  	_ =	shalt  }
0x61: {  	_ =	shalt  }
0x62: {  	_ =	shalt  }
0x63: {  	_ =	shalt  }
0x64: {  	_ =	shalt  }
0x65: {  	_ =	shalt  }
0x66: {  	_ =	shalt  }
0x67: {  	_ =	shalt  }
0x68: {  	_ =	shalt  }
0x69: {  	_ =	shalt  }
0x6a: {  	_ =	shalt  }
0x6b: {  	_ =	shalt  }
0x6c: {  	_ =	shalt  }
0x6d: {  	_ =	shalt  }
0x6e: {  	_ =	shalt  }
0x6f: {  	_ =	shalt  }
0x70: {  	_ =	shalt  }
0x71: {  	_ =	shalt  }
0x72: {  	_ =	shalt  }
0x73: {  	_ =	shalt  }
0x74: {  	_ =	shalt  }
0x75: {  	_ =	shalt  }
0x76: {  	_ =	shalt  }
0x77: {  	_ =	shalt  }
0x78: {  	_ =	shalt  }
0x79: {  	_ =	shalt  }
0x7a: {  	_ =	shalt  }
0x7b: {  	_ =	shalt  }
0x7c: {  	_ =	shalt  }
0x7d: {  	_ =	shalt  }
0x7e: {  	_ =	shalt  }
0x7f: {  	_ =	shalt  }
0x80: {  	_ =	shalt  }
0x81: {  	_ =	shalt  }
0x82: {  	_ =	shalt  }
0x83: {  	_ =	shalt  }
0x84: {  	_ =	shalt  }
0x85: {  	_ =	shalt  }
0x86: {  	_ =	shalt  }
0x87: {  	_ =	shalt  }
.Lfunc_end0:
.L_simem_size_0:
called_computation.20_lowered:
.L_overlay_start_0:
0x88: {  	s2 =	sld [smem:$0x3FD9]  }
0x89: {  	s3 =	sld [smem:$0x3FFE];
	_ =	sdelay $0x1  }
0x8a: {  	s1 =	srdreg.scid  }
0x8b: {  	s0 =	sand.u32 $0x1, s1  }
0x8c: {  	s16 =	sshll.u32 s0, $0xA;
	s2 =	sadd.s32 s3, s2  }
0x8d: {  	s2 =	sadd.s32 s2, s16  }
0x8e: {  	[smem:$0x3FAA] =	sst s2  }
0x8f: {  	_ = 	snop  }
0x90: {  	(tm) =	ssettm $0x1  }
0x91: {  	s17 =	sld [smem:$0x3FFB];
	_ =	sdelay $0x3  }
0x92: {  	_ =	strace s17  }
0x93: {  	s2 =	sld [smem:$0x3FFC];
	_ =	sdelay $0x3  }
0x94: {  	_ =	strace s2  }
0x95: {  	s2 =	sld [smem:$0x3FFD];
	_ =	sdelay $0x3  }
0x96: {  	_ =	strace s2  }
0x97: {  	_ =	strace $0x8FFFFFFF  }
0x98: {  	s18 =	sld [smem:$0x3FDB];
	_ =	sdelay $0x1  }
0x99: {  	s19 =	simm.s32 $_scs_section_size  }
0x9a: {  	s4 =	simm.s32 $_size__tile_overlayer_lowered;
	s5 =	simm.s32 $_tile_overlayer_lowered  }
0x9b: {  	s22 =	simm.s32 $0x1BFF;
	s21 =	sshll.u32 s5, $0x1;
	s2 =	sadd.s32 s19, s18  }
0x9c: {  	s6 =	simm.s32 $0x0;
	s20 =	sshll.u32 s4, $0x1;
	s4 =	sadd.s32 s21, s2  }
0x9d: {  	[timem:s6], [sflag:s22] =	dma.local [hbm:s4], s20  }
0x9e: {  	_ =	swait.ge [sflag:s22], s20  }
0x9f: {  	s3 =	ssub.s32 $0x0, s20;
	[sflag:s22] =	ssyncset.done $0x0  }
0xa0: {  	[sflag:s22] =	ssyncadd.s32 s3;
	_ =	sdelay $0x1  }
0xa1: {  	s23 =	simm.s32 $0x1B8B  }
0xa2: {  	_ =	swait.ge [sflag:s23], $0x1  }
0xa3: {  	[sflag:s23] =	ssyncset.done $0x0  }
0xa4: {  	s25 =	simm.s32 $0x1B8E;
	s24 =	sld [smem:$0x3FFE];
	[sflag:s23] =	ssyncadd.s32 $0xFFFFFFFF  }
0xa5: {  	s26 =	simm.s32 $execute0_lowered;
	[smem:$0x3FD2] =	sst s25  }
0xa6: {  	s4 =	sshll.u32 s26, $0x1;
	_ =	strace $0x80000046;
	[dreg:$0x1] =	wrdreg $0xFFFFFFFF  }
0xa7: {  	s28 =	simm.s32 $_size_execute0_lowered;
	s2 =	sadd.s32 s2, s4;
	[dreg:$0x0] =	wrdreg $0x0  }
0xa8: {  	s4 =	sshll.u32 s28, $0x1;
	[dreg:$0x2] =	wrdreg s2  }
0xa9: {  	[dreg:$0x3] =	wrdreg s4  }
0xaa: {  	[dreg:$0x4] =	wrdreg $0xC0  }
0xab: {  	_ =	task [dreg:s6], $0x5FFFF  }
0xac: {  	[dreg:$0x1] =	wrdreg $0xFFFFFFFF  }
0xad: {  	[dreg:$0x0] =	wrdreg $0x60  }
0xae: {  	[dreg:$0x2] =	wrdreg s24  }
0xaf: {  	[dreg:$0x3] =	wrdreg $0x9  }
0xb0: {  	_ =	task.clear_ibuf [dreg:s6], $0x4FFFF;
	_ =	strace $0x90000046  }
0xb1: {  	s29 =	simm.s32 $0x9;
	_ =	strace $0x80000048  }
0xb2: {  	_ =	swait.ge [sflag:s29], $0x1  }
0xb3: {  	[sflag:s29] =	ssyncadd.s32 $0xFFFFFFFF  }
0xb4: {  	_ =	strace $0x90000048  }
0xb5: {  	_ =	sfence  }
0xb6: {  	s30 =	sld [smem:$0x0];
	_ =	sdelay $0x2  }
0xb7: {  	s31 =	sshll.u32 s1, $0xD;
	s1 =	sshrl.u32 s1, $0x2  }
0xb8: {  	s3 =	sand.u32 $0x4000, s31;
	s1 =	sadd.s32 s1, s30  }
0xb9: {  	s0 =	sor.u32 s3, s0;
	s1 =	sshll.u32 s1, $0x11  }
0xba: {  	s0 =	sor.u32 s1, s0  }
0xbb: {  	s0 =	sadd.s32 $0x8F2B, s0  }
0xbc: {  	[sflag:s0] =	ssyncadd.remote.s32 $0x1  }
0xbd: {  	_ =	sfence.sel $0xFFFF  }
0xbe: {  	[dreg:$0x0] =	wrdreg $0xFFFFFFFF;
	(pc) =	sbr.abs _section_cstart, $3  }
0xbf: {  	[dreg:$0x1] =	wrdreg $0xFFFFFFFF  }
0xc0: {  	_ =	task.clear_ibuf [dreg:s6], $0x2FFFF;
	_ =	strace $0x9FFFFFFF  }
0xc1: {  	(tm) =	ssettm $0x7FFFFFFF  }
tec
execute0_lowered:
.L_overlay_start_1:
0x0: {  	(tag) =	ssettag $0x1  }
0x1: {  	s8 =	rddreg [dreg:$0x0];
	s1 =	stileid.u32  }
0x2: {  	s2 =	srdreg.scid;
	s0 =	rddreg [dreg:$0x1]  }
0x3: {  	_ =	strace $0x80000047;
	s5 =	simm.s32 $0x1;
	s9 =	simm.s32 $0x1  }
0x4: {  	s10 =	simm.s32 $0x3;
	s2 =	sand.u32 $0x1, s2;
	s3 =	sshll.u32 s1, $0x1  }
0x5: {  	s13 =	simm.s32 $0x0;
	s12 =	simm.s32 $0x0;
	s6 =	sor.u32 s3, s2  }
0x6: {  	[sflag:s5] =	ssyncpa.u1 $0x0;
	s2 =	sadd.s32 $0x17400, s8;
	s4 =	smul.u32 $0x50, s6  }
0x7: {  	s3 =	sadd.s32 $0x14A00, s8;
	p0 =	slt.u32 s6, $0x13;
	s6 =	simm.s32 $0xA00  }
.Ltmp0:
0x8: {  	s6 =	simm.s32 @!p0 $0x0;
	s7 =	ssub.s32 $0xFA0, s4;
	(pc) =	sbr.rel .LBB2_1-.Ltmp0, $4  }
0x9: {  	s9 =	simm.s32 @!p0 $0x0;
	p0 =	sne.s32 s7, s6;
	s7 =	simm.s32 $0x1  }
0xa: {  	s8 =	sadd.s32 $0x8E00, s8;
	s6 =	simm.s32 $0x2;
	s7 =	simm.s32 @!p0 $0x0  }
0xb: {  	s11 =	smov.u32 s4;
	[sflag:s6] =	ssyncpa.u1 $0x0;
	s7 =	sadd.s32 s9, s7  }
0xc: {  	vm0 =	vmmov $0xffff;
	[sflag:s10] =	ssyncpa.u1 $0x0;
	s10 =	simm.s32 $0x0;
	s9 =	sadd.s32 $0x1, s7  }
.LBB2_4:
0xd: {  	vm1 =	veq.s32 v4, $0x80000000;
	v56 =	vand.u32 $0x3, v4;
	v6 =	vand.u32 $0x3FFF, v6  }
0xe: {  	v2 =	vor.u32 v2, v5;
	v59 =	vshrl.u32 v1, $0x2;
	v60 =	vand.u32 $0x3, v1  }
0xf: {  	v4 =	vsel vm1, $0xFFFFFFFF, v56;
	v6 =	vsel vm1, $0xFFFFFFFF, v6;
	v2 =	vor.u32 v3, v2  }
0x10: {  	vm1 =	veq.s32 v1, $0x80000000;
	v5 =	vand.u32 $0x3FFF, v59;
	v7 =	vshrl.u32 v4, $0x2  }
0x11: {  	v57 =	vshll.u32 v6, $0x2;
	v4 =	vshll.u32 v4, $0x7;
	v1 =	vsel vm1, $0xFFFFFFFF, v60  }
0x12: {  	v5 =	vsel vm1, $0xFFFFFFFF, v5;
	v6 =	vand.u32 $0x7F, v6;
	v7 =	vmul.u32 $0x9E00, v7  }
0x13: {  	v58 =	vand.u32 $0xFFFFFE00, v57;
	v4 =	vand.u32 $0x180, v4;
	v61 =	vshrl.u32 v1, $0x2  }
0x14: {  	v62 =	vshll.u32 v5, $0x2;
	v3 =	vadd.s32 v7, v58;
	v7 =	vmul.u32 $0x9E00, v61  }
0x15: {  	v1 =	vshll.u32 v1, $0x7;
	v3 =	vor.u32 v4, v3;
	v4 =	vand.u32 $0xFFFFFE00, v62  }
0x16: {  	v1 =	vand.u32 $0x180, v1;
	v3 =	vor.u32 v6, v3;
	v4 =	vadd.s32 v7, v4  }
0x17: {  	[tilespmem:s16], [sflag:$0x1] =	stream.indirect_vreg.gather [hbm4b:s2+s10], $0x1, v0, vm0, $0x4038;
	v63 =	vand.u32 $0x7F, v5;
	v1 =	vor.u32 v1, v4;
	[tilespmem:$0x140] =	vst v63  }
0x18: {  	s15 =	sadd.s32 $0x10, s15;
	(ifvalue) =	ssetifvalue $0x7FFFFFFF;
	v0 =	vor.u32 v63, v1  }
0x19: {  	[tilespmem:s15], [sflag:$0x1] =	stream.indirect_vreg.gather [hbm4b:s2+s10], $0x1, v2, vm0, $0x4038;
	[tilespmem:$0x140] =	vst v63  }
0x1a: {  	s15 =	sadd.s32 $0x10, s15;
	(ifvalue) =	ssetifvalue $0x7FFFFFFF  }
0x1b: {  	[tilespmem:s15], [sflag:$0x1] =	stream.indirect_vreg.gather [hbm4b:s2+s10], $0x1, v3, vm0, $0x4038;
	[tilespmem:$0x140] =	vst v63  }
0x1c: {  	s15 =	sadd.s32 $0x10, s15;
	(ifvalue) =	ssetifvalue $0x7FFFFFFF  }
0x1d: {  	[tilespmem:s15], [sflag:$0x1] =	stream.indirect_vreg.gather [hbm4b:s2+s10], $0x1, v0, vm0, $0x4038;
	[tilespmem:$0x140] =	vst v63  }
0x1e: {  	_ =	swait.ge [sflag:s5], $0x50  }
0x1f: {  	s30 =	sshrl.u32 s13, $0x3;
	[sflag:s5] =	ssyncset.done $0x0  }
0x20: {  	s31 =	sand.u32 $0x7, s13;
	s15 =	sadd.s32 s8, s30;
	[sflag:s5] =	ssyncadd.s32 $0xFFFFFFB0  }
0x21: {  	[hbm4b:s15+s31] =	stream.linear.scatter [tilespmem:s14], [sflag:$0x3], $0x50, $0x38;
	[tilespmem:$0x140] =	vst v63  }
.LBB2_5:
0x22: {  	s15 =	sadd.s32 $0xA00, s11  }
0x23: {  	p1 =	sgt.s32 s15, $0xF9F  }
0x24: {  	s15 =	smov.u32 @p1 s4;
	p1 =	sne.s32 s12, s9  }
.Ltmp1:
0x25: {  	p0 =	slt.u32 s12, $0x2;
	(pc) =	sbr.rel @!p1 .LBB2_6-.Ltmp1, $4  }
0x26: {  	s14 =	simm.s32 @!p0 $0x3  }
0x27: {  	_ =	swait.ge @!p0 [sflag:s14], $0x50  }
0x28: {  	s16 =	sadd.s32 $0x1, s12;
	s13 =	smov.u32 s11;
	[sflag:s14] =	ssyncset.done @!p0 $0x0  }
0x29: {  	s12 =	smov.u32 s16;
	s11 =	smov.u32 s15;
	[sflag:s14] =	ssyncadd.s32 @!p0 $0xFFFFFFB0  }
.LBB2_1:
0x2a: {  	p0 =	sge.u32 s12, s7  }
0x2b: {  	s14 =	sxor.u32 @!p0 $0x1, s12  }
0x2c: {  	s14 =	smul.u32 @!p0 $0x140, s14  }
0x2d: {  	s31 =	sadd.s32 $0xFFFFFFFF, s12;
	s15 =	sshrl.u32 @!p0 s11, $0x3  }
0x2e: {  	s16 =	sand.u32 @!p0 $0x7, s11;
	s15 =	sadd.s32 @!p0 s3, s15;
	s14 =	sshra.s32 @!p0 s14, $0x2  }
0x2f: {  	[tilespmem:s14], [sflag:$0x2] =	stream.linear.gather @!p0 [hbm4b:s15+s16], $0x50, $0x38;
	[tilespmem:$0x140] =	vst v63  }
0x30: {  	p0 =	sge.u32 s31, s7  }
.Ltmp2:
0x31: {  	_ = 	snop;
	(pc) =	sbr.rel @p0 .LBB2_5-.Ltmp2, $1  }
0x32: {  	_ =	sdelay $0x3  }
0x33: {  	s14 =	sand.u32 $0x1, s12  }
0x34: {  	_ =	swait.ge [sflag:s6], $0x50;
	p0 =	seq.s32 s14, $0x1;
	s14 =	simm.s32 $0x50  }
0x35: {  	[sflag:s6] =	ssyncset.done $0x0;
	s14 =	simm.s32 @!p0 $0x0  }
0x36: {  	[sflag:s6] =	ssyncadd.s32 $0xFFFFFFB0;
	(ifvalue) =	ssetifvalue $0x7FFFFFFF;
	v0 =	vld.msk [tilespmem:s14+$0x0 ss:$0x1], $0xffff  }
0x37: {  	s15 =	sadd.s32 $0x10, s14  }
0x38: {  	v1 =	vld.msk [tilespmem:s15+$0x0 ss:$0x1], $0xffff;
	_ =	sdelay $0x2  }
0x39: {  	v2 =	vshrl.u32 v0, $0x2  }
0x3a: {  	vm1 =	veq.s32 v0, $0x80000000;
	v0 =	vand.u32 $0x3, v0;
	v2 =	vand.u32 $0x3FFF, v2  }
0x3b: {  	v0 =	vsel vm1, $0xFFFFFFFF, v0;
	v6 =	vshrl.u32 v1, $0x2;
	v2 =	vsel vm1, $0xFFFFFFFF, v2  }
0x3c: {  	v3 =	vshrl.u32 v0, $0x2;
	v0 =	vshll.u32 v0, $0x7;
	vm1 =	veq.s32 v1, $0x80000000  }
0x3d: {  	s15 =	sadd.s32 $0x10, s15;
	v1 =	vand.u32 $0x3, v1;
	v4 =	vshll.u32 v2, $0x2;
	v3 =	vmul.u32 $0x9E00, v3  }
0x3e: {  	v0 =	vand.u32 $0x180, v0;
	v7 =	vand.u32 $0x7F, v2;
	v5 =	vand.u32 $0xFFFFFE00, v4;
	v4 =	vld.msk [tilespmem:s15+$0x0 ss:$0x1], $0xffff  }
0x3f: {  	v1 =	vsel vm1, $0xFFFFFFFF, v1;
	v2 =	vadd.s32 v3, v5;
	v3 =	vand.u32 $0x3FFF, v6  }
0x40: {  	v3 =	vsel vm1, $0xFFFFFFFF, v3;
	v0 =	vor.u32 v0, v2;
	v2 =	vshrl.u32 v1, $0x2  }
0x41: {  	v1 =	vshll.u32 v1, $0x7;
	v5 =	vshll.u32 v3, $0x2;
	v8 =	vmul.u32 $0x9E00, v2  }
0x42: {  	s18 =	simm.s32 $0x30;
	s14 =	sor.u32 $0xA0, s14;
	s17 =	sadd.s32 $0x10, s15;
	v2 =	vand.u32 $0x180, v1;
	v0 =	vor.u32 v7, v0;
	v5 =	vand.u32 $0xFFFFFE00, v5  }
0x43: {  	s16 =	smov.u32 s14;
	s15 =	smov.u32 s14;
	v1 =	vld.msk [tilespmem:s17+$0x0 ss:$0x1], $0xffff;
	v3 =	vand.u32 $0x7F, v3;
	(ifvalue) =	ssetifvalue $0x7FFFFFFF;
	v6 =	vshrl.u32 v4, $0x2;
	v5 =	vadd.s32 v8, v5  }
.LBB2_3:
0x44: {  	s18 =	sadd.s32 $0x10, s18  }
0x45: {  	vm1 =	veq.s32 v4, $0x80000000;
	v4 =	vand.u32 $0x3, v4;
	v6 =	vand.u32 $0x3FFF, v6;
	s15 =	sadd.s32 $0x10, s15;
	p0 =	slt.u32 s18, $0x40  }
.Ltmp3:
0x46: {  	v5 =	vor.u32 v2, v5;
	v4 =	vsel vm1, $0xFFFFFFFF, v4;
	v7 =	vsel vm1, $0xFFFFFFFF, v6;
	(pc) =	sbr.rel @p0 .LBB2_3-.Ltmp3, $4  }
0x47: {  	v2 =	vshrl.u32 v4, $0x2;
	v6 =	vshll.u32 v7, $0x2;
	v4 =	vshll.u32 v4, $0x7;
	[tilespmem:s16], [sflag:$0x1] =	stream.indirect_vreg.gather [hbm4b:s2+s10], $0x1, v0, vm0, $0x4038;
	[tilespmem:$0x140] =	vst v63  }
0x48: {  	v0 =	vor.u32 v3, v5;
	s16 =	smov.u32 s15;
	v8 =	vmul.u32 $0x9E00, v2;
	v2 =	vand.u32 $0x180, v4  }
0x49: {  	s17 =	sadd.s32 $0x10, s17;
	v9 =	vand.u32 $0xFFFFFE00, v6  }
0x4a: {  	v3 =	vand.u32 $0x7F, v7;
	v6 =	vshrl.u32 v1, $0x2;
	v5 =	vadd.s32 v8, v9;
	(ifvalue) =	ssetifvalue $0x7FFFFFFF;
	v4 =	vmovc v1;
	v1 =	vld.msk [tilespmem:s17+$0x0 ss:$0x1], $0xffff  }
.Ltmp4:
0x4b: {  	_ = 	snop;
	(pc) =	sbr.rel .LBB2_4-.Ltmp4, $1  }
0x4c: {  	_ =	sdelay $0x3  }
.LBB2_6:
0x4d: {  	_ =	sfence.sel $0x180000  }
0x4e: {  	s2 =	simm.s32 $0x2;
	[bflag:$0x0] =	sbarrier.arrive $0xFFFF  }
0x4f: {  	s30 =	simm.s32 $0x3;
	[sflag:s2] =	ssyncpa.u1 $0x1  }
0x50: {  	s31 =	simm.s32 $0x1;
	[sflag:s30] =	ssyncpa.u1 $0x1  }
0x51: {  	[sflag:s31] =	ssyncpa.u1 $0x1  }
0x52: {  	p0 =	sne.s32 s1, $0x0;
	_ =	strace $0x90000047  }
0x53: {  	s0 =	sadd.s32 @!p0 $0x100000, s0;
	[bflag:$0x2] =	sbarrier.arrive $0xFFFF  }
0x54: {  	[sflag:s0] =	ssyncadd.tile.s32 @!p0 $0x1;
	_ =	shalt  }
.Lfunc_end2:
_tile_overlayer_lowered:
.L_overlay_start_2:
0x55: {  	(tag) =	ssettag $0x2  }
0x56: {  	s0 =	rddreg [dreg:$0x0];
	s2 =	stileid.u32  }
0x57: {  	s1 =	rddreg [dreg:$0x1];
	p0 =	sne.s32 s2, $0x0  }
0x58: {  	s3 =	rddreg [dreg:$0x2];
	[bflag:$0x3] =	sbarrier.arrive $0xFFFF;
	s2 =	simm.s32 @!p0 $0x1C01  }
0x59: {  	[timem:s3], [sflag:s2] =	dma.local @!p0 [hbm:s0], s1  }
0x5a: {  	s0 =	simm.s32 @!p0 $0x1  }
0x5b: {  	_ =	swait.ge @!p0 [sflag:s0], s1  }
0x5c: {  	s1 =	ssub.s32 @!p0 $0x0, s1;
	[sflag:s0] =	ssyncset.done @!p0 $0x0  }
0x5d: {  	[sflag:s0] =	ssyncadd.s32 @!p0 s1  }
0x5e: {  	[bflag:$0x3] =	sbarrier.arrive $0xFFFF  }
0x5f: {  	_ =	shalt  }

// kernel: gather_offload_async_start.2
scs
__scs_entry_jumppad:
0x0: {  	(pc) =	sbr.rel $0x88, $3  }
0x1: {  	(tag) =	ssettag $0x0;
	lr =	simm.s32 $0x1  }
0x2: {  	[smem:$0x3F83] =	sst lr;
	_ =	strace $0xD0000000  }
0x3: {  	_ = 	snop  }
0x4: {  	_ = 	snop  }
0x5: {  	_ = 	snop  }
0x6: {  	_ = 	snop  }
0x7: {  	_ = 	snop  }
__scs_overlays_trampoline_lowered:
0x8: {  	[smem:$0x3F92] =	sst s0  }
0x9: {  	[smem:$0x3F93] =	sst s1  }
0xa: {  	[smem:$0x3F94] =	sst s2  }
0xb: {  	[smem:$0x3F95] =	sst s3  }
0xc: {  	[smem:$0x3F96] =	sst s4  }
0xd: {  	[smem:$0x3F97] =	sst s5  }
0xe: {  	[smem:$0x3F98] =	sst s6  }
0xf: {  	[smem:$0x3F99] =	sst s7  }
0x10: {  	[smem:$0x3F9A] =	sst s8  }
0x11: {  	[smem:$0x3F9B] =	sst s9;
	s0 =	simm.s32 @!p0 $0x0  }
0x12: {  	s1 =	sld [smem:$0x3F81];
	s0 =	simm.s32 @p0 $0x1  }
0x13: {  	[smem:$0x3F9C] =	sst s0;
	s0 =	simm.s32 @!p1 $0x0  }
0x14: {  	s2 =	sld [smem:$0x3F80];
	s0 =	simm.s32 @p1 $0x1  }
0x15: {  	[smem:$0x3F9D] =	sst s0;
	s0 =	simm.s32 @!p2 $0x0  }
0x16: {  	s3 =	sld [smem:$0x3FDB];
	s0 =	simm.s32 @p2 $0x1  }
0x17: {  	s4 =	simm.s32 $0x1BF5;
	[smem:$0x3F9F] =	sst s0  }
0x18: {  	s0 =	sld [smem:$0x3F82];
	_ =	swait.ge [sflag:s4], $0x0  }
0x19: {  	s7 =	sld [smem:$0x3F83]  }
0x1a: {  	s8 =	sadd.s32 $0xFFFFE003, lr  }
0x1b: {  	s9 =	sadd.s32 $0xFFFFFEF7, lr;
	s5 =	simm.s32 $0xFFFFFFFF;
	p2 =	slt.u32 s8, $0xFFFFF086  }
0x1c: {  	p1 =	slt.u32 s9, $0xF7A;
	s5 =	simm.s32 @!p2 $0x0  }
0x1d: {  	s5 =	simm.s32 @p1 $0x1;
	p0 =	seq.s32 s7, s2  }
0x1e: {  	s7 =	smul.u32 @!p0 $0xF7A, s2;
	p2 =	seq.s32 @!p0 s5, $0x0  }
0x1f: {  	s9 =	smul.u32 $0xF7A, s1;
	s8 =	simm.s32 @!p0 $0x1BF5;
	p2 =	por !p2, p0  }
0x20: {  	[sflag:s8] =	ssyncset.s32 @!p0 $0xFFFFF086;
	s6 =	sadd.s32 @!p0 s3, s7;
	s7 =	simm.s32 @!p0 $0x108  }
0x21: {  	s3 =	sadd.s32 s3, s9;
	s6 =	sadd.s32 @!p0 $0x88, s6;
	s7 =	simm.s32 @p2 $0x1082  }
0x22: {  	[simem:s7], [sflag:s8] =	dma.local @!p0 [hbm:s6], $0xF7A  }
0x23: {  	s9 =	sor.u32 $0xD0000000, s2;
	s6 =	simm.s32 $0x108;
	_ =	swait.ge @!p0 [sflag:s8], $0x0  }
0x24: {  	s3 =	sadd.s32 $0x88, s3;
	s6 =	simm.s32 @!p1 $0x1082;
	[sflag:s4] =	ssyncset.s32 $0xFFFFF086  }
0x25: {  	[simem:s6], [sflag:s4] =	dma.local [hbm:s3], $0xF7A  }
0x26: {  	[smem:$0x3F83] =	sst s1;
	(tag) =	ssettag s2;
	_ =	strace s9  }
0x27: {  	s1 =	sld [smem:$0x3F93]  }
0x28: {  	s2 =	sld [smem:$0x3F94]  }
0x29: {  	s4 =	sld [smem:$0x3F96]  }
0x2a: {  	p0 =	seq.s32 s5, $0x0;
	s5 =	sld [smem:$0x3F97]  }
0x2b: {  	s6 =	sld [smem:$0x3F98]  }
0x2c: {  	s7 =	sld [smem:$0x3F99]  }
0x2d: {  	s3 =	simm.s32 $0x108;
	s8 =	sld [smem:$0x3F9A]  }
0x2e: {  	s3 =	simm.s32 @!p0 $0x1082;
	s9 =	sld [smem:$0x3F9B]  }
0x2f: {  	lr =	sadd.s32 s0, s3;
	s0 =	sld [smem:$0x3F92]  }
0x30: {  	s3 =	sld [smem:$0x3F95]  }
0x31: {  	[smem:$0x3F9E] =	sst s10  }
0x32: {  	s10 =	sld [smem:$0x3F9C];
	_ =	sdelay $0x3  }
0x33: {  	p0 =	seq.s32 s10, $0x1;
	s10 =	sld [smem:$0x3F9E];
	_ =	sdelay $0x3  }
0x34: {  	[smem:$0x3F9E] =	sst s10  }
0x35: {  	s10 =	sld [smem:$0x3F9D];
	_ =	sdelay $0x3  }
0x36: {  	p1 =	seq.s32 s10, $0x1;
	s10 =	sld [smem:$0x3F9E];
	_ =	sdelay $0x3  }
0x37: {  	[smem:$0x3F9E] =	sst s10  }
0x38: {  	s10 =	sld [smem:$0x3F9F]  }
0x39: {  	_ = 	snop;
	(pc) =	sbr.ind lr, $3  }
0x3a: {  	_ = 	snop  }
0x3b: {  	_ = 	snop  }
0x3c: {  	p2 =	seq.s32 s10, $0x1;
	s10 =	sld [smem:$0x3F9E]  }
0x3d: {  	_ =	shalt  }
0x3e: {  	_ =	shalt  }
0x3f: {  	_ =	shalt  }
0x40: {  	_ =	shalt  }
0x41: {  	_ =	shalt  }
0x42: {  	_ =	shalt  }
0x43: {  	_ =	shalt  }
0x44: {  	_ =	shalt  }
0x45: {  	_ =	shalt  }
0x46: {  	_ =	shalt  }
0x47: {  	_ =	shalt  }
0x48: {  	_ =	shalt  }
0x49: {  	_ =	shalt  }
0x4a: {  	_ =	shalt  }
0x4b: {  	_ =	shalt  }
0x4c: {  	_ =	shalt  }
0x4d: {  	_ =	shalt  }
0x4e: {  	_ =	shalt  }
0x4f: {  	_ =	shalt  }
0x50: {  	_ =	shalt  }
0x51: {  	_ =	shalt  }
0x52: {  	_ =	shalt  }
0x53: {  	_ =	shalt  }
0x54: {  	_ =	shalt  }
0x55: {  	_ =	shalt  }
0x56: {  	_ =	shalt  }
0x57: {  	_ =	shalt  }
0x58: {  	_ =	shalt  }
0x59: {  	_ =	shalt  }
0x5a: {  	_ =	shalt  }
0x5b: {  	_ =	shalt  }
0x5c: {  	_ =	shalt  }
0x5d: {  	_ =	shalt  }
0x5e: {  	_ =	shalt  }
0x5f: {  	_ =	shalt  }
0x60: {  	_ =	shalt  }
0x61: {  	_ =	shalt  }
0x62: {  	_ =	shalt  }
0x63: {  	_ =	shalt  }
0x64: {  	_ =	shalt  }
0x65: {  	_ =	shalt  }
0x66: {  	_ =	shalt  }
0x67: {  	_ =	shalt  }
0x68: {  	_ =	shalt  }
0x69: {  	_ =	shalt  }
0x6a: {  	_ =	shalt  }
0x6b: {  	_ =	shalt  }
0x6c: {  	_ =	shalt  }
0x6d: {  	_ =	shalt  }
0x6e: {  	_ =	shalt  }
0x6f: {  	_ =	shalt  }
0x70: {  	_ =	shalt  }
0x71: {  	_ =	shalt  }
0x72: {  	_ =	shalt  }
0x73: {  	_ =	shalt  }
0x74: {  	_ =	shalt  }
0x75: {  	_ =	shalt  }
0x76: {  	_ =	shalt  }
0x77: {  	_ =	shalt  }
0x78: {  	_ =	shalt  }
0x79: {  	_ =	shalt  }
0x7a: {  	_ =	shalt  }
0x7b: {  	_ =	shalt  }
0x7c: {  	_ =	shalt  }
0x7d: {  	_ =	shalt  }
0x7e: {  	_ =	shalt  }
0x7f: {  	_ =	shalt  }
0x80: {  	_ =	shalt  }
0x81: {  	_ =	shalt  }
0x82: {  	_ =	shalt  }
0x83: {  	_ =	shalt  }
0x84: {  	_ =	shalt  }
0x85: {  	_ =	shalt  }
0x86: {  	_ =	shalt  }
0x87: {  	_ =	shalt  }
.Lfunc_end0:
.L_simem_size_0:
called_computation.2_lowered:
.L_overlay_start_0:
0x88: {  	s2 =	sld [smem:$0x3FD9]  }
0x89: {  	s3 =	sld [smem:$0x3FFE];
	_ =	sdelay $0x1  }
0x8a: {  	s1 =	srdreg.scid  }
0x8b: {  	s0 =	sand.u32 $0x1, s1  }
0x8c: {  	s16 =	sshll.u32 s0, $0xA;
	s2 =	sadd.s32 s3, s2  }
0x8d: {  	s2 =	sadd.s32 s2, s16  }
0x8e: {  	[smem:$0x3FAA] =	sst s2  }
0x8f: {  	_ = 	snop  }
0x90: {  	(tm) =	ssettm $0x1  }
0x91: {  	s17 =	sld [smem:$0x3FFB];
	_ =	sdelay $0x3  }
0x92: {  	_ =	strace s17  }
0x93: {  	s2 =	sld [smem:$0x3FFC];
	_ =	sdelay $0x3  }
0x94: {  	_ =	strace s2  }
0x95: {  	s2 =	sld [smem:$0x3FFD];
	_ =	sdelay $0x3  }
0x96: {  	_ =	strace s2  }
0x97: {  	_ =	strace $0x8FFFFFFF  }
0x98: {  	s18 =	sld [smem:$0x3FDB];
	_ =	sdelay $0x1  }
0x99: {  	s19 =	simm.s32 $_scs_section_size  }
0x9a: {  	s4 =	simm.s32 $_size__tile_overlayer_lowered;
	s5 =	simm.s32 $_tile_overlayer_lowered  }
0x9b: {  	s22 =	simm.s32 $0x1BFF;
	s21 =	sshll.u32 s5, $0x1;
	s2 =	sadd.s32 s19, s18  }
0x9c: {  	s6 =	simm.s32 $0x0;
	s20 =	sshll.u32 s4, $0x1;
	s4 =	sadd.s32 s21, s2  }
0x9d: {  	[timem:s6], [sflag:s22] =	dma.local [hbm:s4], s20  }
0x9e: {  	_ =	swait.ge [sflag:s22], s20  }
0x9f: {  	s3 =	ssub.s32 $0x0, s20;
	[sflag:s22] =	ssyncset.done $0x0  }
0xa0: {  	[sflag:s22] =	ssyncadd.s32 s3;
	_ =	sdelay $0x1  }
0xa1: {  	s23 =	simm.s32 $0x1B8B  }
0xa2: {  	_ =	swait.ge [sflag:s23], $0x1  }
0xa3: {  	[sflag:s23] =	ssyncset.done $0x0  }
0xa4: {  	s25 =	simm.s32 $0x1B8E;
	s24 =	sld [smem:$0x3FFE];
	[sflag:s23] =	ssyncadd.s32 $0xFFFFFFFF  }
0xa5: {  	s26 =	simm.s32 $execute0_lowered;
	[smem:$0x3FD2] =	sst s25  }
0xa6: {  	s4 =	sshll.u32 s26, $0x1;
	_ =	strace $0x80000079;
	[dreg:$0x1] =	wrdreg $0xFFFFFFFF  }
0xa7: {  	s28 =	simm.s32 $_size_execute0_lowered;
	s2 =	sadd.s32 s2, s4;
	[dreg:$0x0] =	wrdreg $0x0  }
0xa8: {  	s4 =	sshll.u32 s28, $0x1;
	[dreg:$0x2] =	wrdreg s2  }
0xa9: {  	[dreg:$0x3] =	wrdreg s4  }
0xaa: {  	[dreg:$0x4] =	wrdreg $0xC0  }
0xab: {  	_ =	task [dreg:s6], $0x5FFFF  }
0xac: {  	[dreg:$0x1] =	wrdreg $0xFFFFFFFF  }
0xad: {  	[dreg:$0x0] =	wrdreg $0x60  }
0xae: {  	[dreg:$0x2] =	wrdreg s24  }
0xaf: {  	[dreg:$0x3] =	wrdreg $0x9  }
0xb0: {  	_ =	task.clear_ibuf [dreg:s6], $0x4FFFF;
	_ =	strace $0x90000079  }
0xb1: {  	s29 =	simm.s32 $0x9;
	_ =	strace $0x8000007B  }
0xb2: {  	_ =	swait.ge [sflag:s29], $0x1  }
0xb3: {  	[sflag:s29] =	ssyncadd.s32 $0xFFFFFFFF  }
0xb4: {  	_ =	strace $0x9000007B  }
0xb5: {  	_ =	sfence  }
0xb6: {  	s30 =	sld [smem:$0x0];
	_ =	sdelay $0x2  }
0xb7: {  	s31 =	sshll.u32 s1, $0xD;
	s1 =	sshrl.u32 s1, $0x2  }
0xb8: {  	s3 =	sand.u32 $0x4000, s31;
	s1 =	sadd.s32 s1, s30  }
0xb9: {  	s0 =	sor.u32 s3, s0;
	s1 =	sshll.u32 s1, $0x11  }
0xba: {  	s0 =	sor.u32 s1, s0  }
0xbb: {  	s0 =	sadd.s32 $0x8F2B, s0  }
0xbc: {  	[sflag:s0] =	ssyncadd.remote.s32 $0x1  }
0xbd: {  	_ =	sfence.sel $0xFFFF  }
0xbe: {  	[dreg:$0x0] =	wrdreg $0xFFFFFFFF;
	(pc) =	sbr.abs _section_cstart, $3  }
0xbf: {  	[dreg:$0x1] =	wrdreg $0xFFFFFFFF  }
0xc0: {  	_ =	task.clear_ibuf [dreg:s6], $0x2FFFF;
	_ =	strace $0x9FFFFFFF  }
0xc1: {  	(tm) =	ssettm $0x7FFFFFFF  }
tec
execute0_lowered:
.L_overlay_start_1:
0x0: {  	(tag) =	ssettag $0x1  }
0x1: {  	s8 =	rddreg [dreg:$0x0];
	s1 =	stileid.u32  }
0x2: {  	s2 =	srdreg.scid;
	s0 =	rddreg [dreg:$0x1]  }
0x3: {  	_ =	strace $0x8000007A;
	s5 =	simm.s32 $0x1;
	s9 =	simm.s32 $0x1  }
0x4: {  	s10 =	simm.s32 $0x3;
	s2 =	sand.u32 $0x1, s2;
	s3 =	sshll.u32 s1, $0x1  }
0x5: {  	s13 =	simm.s32 $0x0;
	s12 =	simm.s32 $0x0;
	s6 =	sor.u32 s3, s2  }
0x6: {  	[sflag:s5] =	ssyncpa.u1 $0x0;
	s2 =	sadd.s32 $0x35800, s8;
	s4 =	smul.u32 $0x50, s6  }
0x7: {  	s3 =	sadd.s32 $0x8C00, s8;
	p0 =	slt.u32 s6, $0x13;
	s6 =	simm.s32 $0xA00  }
.Ltmp0:
0x8: {  	s6 =	simm.s32 @!p0 $0x0;
	s7 =	ssub.s32 $0xFA0, s4;
	(pc) =	sbr.rel .LBB2_1-.Ltmp0, $4  }
0x9: {  	s9 =	simm.s32 @!p0 $0x0;
	p0 =	sne.s32 s7, s6;
	s7 =	simm.s32 $0x1  }
0xa: {  	s8 =	sadd.s32 $0x9A00, s8;
	s6 =	simm.s32 $0x2;
	s7 =	simm.s32 @!p0 $0x0  }
0xb: {  	s11 =	smov.u32 s4;
	[sflag:s6] =	ssyncpa.u1 $0x0;
	s7 =	sadd.s32 s9, s7  }
0xc: {  	vm0 =	vmmov $0xffff;
	[sflag:s10] =	ssyncpa.u1 $0x0;
	s10 =	simm.s32 $0x0;
	s9 =	sadd.s32 $0x1, s7  }
.LBB2_4:
0xd: {  	vm1 =	veq.s32 v4, $0x80000000;
	v56 =	vand.u32 $0x3, v4;
	v6 =	vand.u32 $0x3FFF, v6  }
0xe: {  	v2 =	vor.u32 v2, v5;
	v59 =	vshrl.u32 v1, $0x2;
	v60 =	vand.u32 $0x3, v1  }
0xf: {  	v4 =	vsel vm1, $0xFFFFFFFF, v56;
	v6 =	vsel vm1, $0xFFFFFFFF, v6;
	v2 =	vor.u32 v3, v2  }
0x10: {  	vm1 =	veq.s32 v1, $0x80000000;
	v5 =	vand.u32 $0x3FFF, v59;
	v7 =	vshrl.u32 v4, $0x2  }
0x11: {  	v57 =	vshll.u32 v6, $0x2;
	v4 =	vshll.u32 v4, $0x7;
	v1 =	vsel vm1, $0xFFFFFFFF, v60  }
0x12: {  	v5 =	vsel vm1, $0xFFFFFFFF, v5;
	v6 =	vand.u32 $0x7F, v6;
	v7 =	vmul.u32 $0x9E00, v7  }
0x13: {  	v58 =	vand.u32 $0xFFFFFE00, v57;
	v4 =	vand.u32 $0x180, v4;
	v61 =	vshrl.u32 v1, $0x2  }
0x14: {  	v62 =	vshll.u32 v5, $0x2;
	v3 =	vadd.s32 v7, v58;
	v7 =	vmul.u32 $0x9E00, v61  }
0x15: {  	v1 =	vshll.u32 v1, $0x7;
	v3 =	vor.u32 v4, v3;
	v4 =	vand.u32 $0xFFFFFE00, v62  }
0x16: {  	v1 =	vand.u32 $0x180, v1;
	v3 =	vor.u32 v6, v3;
	v4 =	vadd.s32 v7, v4  }
0x17: {  	[tilespmem:s16], [sflag:$0x1] =	stream.indirect_vreg.gather [hbm4b:s2+s10], $0x1, v0, vm0, $0x4038;
	v63 =	vand.u32 $0x7F, v5;
	v1 =	vor.u32 v1, v4;
	[tilespmem:$0x140] =	vst v63  }
0x18: {  	s15 =	sadd.s32 $0x10, s15;
	(ifvalue) =	ssetifvalue $0x7FFFFFFF;
	v0 =	vor.u32 v63, v1  }
0x19: {  	[tilespmem:s15], [sflag:$0x1] =	stream.indirect_vreg.gather [hbm4b:s2+s10], $0x1, v2, vm0, $0x4038;
	[tilespmem:$0x140] =	vst v63  }
0x1a: {  	s15 =	sadd.s32 $0x10, s15;
	(ifvalue) =	ssetifvalue $0x7FFFFFFF  }
0x1b: {  	[tilespmem:s15], [sflag:$0x1] =	stream.indirect_vreg.gather [hbm4b:s2+s10], $0x1, v3, vm0, $0x4038;
	[tilespmem:$0x140] =	vst v63  }
0x1c: {  	s15 =	sadd.s32 $0x10, s15;
	(ifvalue) =	ssetifvalue $0x7FFFFFFF  }
0x1d: {  	[tilespmem:s15], [sflag:$0x1] =	stream.indirect_vreg.gather [hbm4b:s2+s10], $0x1, v0, vm0, $0x4038;
	[tilespmem:$0x140] =	vst v63  }
0x1e: {  	_ =	swait.ge [sflag:s5], $0x50  }
0x1f: {  	s30 =	sshrl.u32 s13, $0x3;
	[sflag:s5] =	ssyncset.done $0x0  }
0x20: {  	s31 =	sand.u32 $0x7, s13;
	s15 =	sadd.s32 s8, s30;
	[sflag:s5] =	ssyncadd.s32 $0xFFFFFFB0  }
0x21: {  	[hbm4b:s15+s31] =	stream.linear.scatter [tilespmem:s14], [sflag:$0x3], $0x50, $0x38;
	[tilespmem:$0x140] =	vst v63  }
.LBB2_5:
0x22: {  	s15 =	sadd.s32 $0xA00, s11  }
0x23: {  	p1 =	sgt.s32 s15, $0xF9F  }
0x24: {  	s15 =	smov.u32 @p1 s4;
	p1 =	sne.s32 s12, s9  }
.Ltmp1:
0x25: {  	p0 =	slt.u32 s12, $0x2;
	(pc) =	sbr.rel @!p1 .LBB2_6-.Ltmp1, $4  }
0x26: {  	s14 =	simm.s32 @!p0 $0x3  }
0x27: {  	_ =	swait.ge @!p0 [sflag:s14], $0x50  }
0x28: {  	s16 =	sadd.s32 $0x1, s12;
	s13 =	smov.u32 s11;
	[sflag:s14] =	ssyncset.done @!p0 $0x0  }
0x29: {  	s12 =	smov.u32 s16;
	s11 =	smov.u32 s15;
	[sflag:s14] =	ssyncadd.s32 @!p0 $0xFFFFFFB0  }
.LBB2_1:
0x2a: {  	p0 =	sge.u32 s12, s7  }
0x2b: {  	s14 =	sxor.u32 @!p0 $0x1, s12  }
0x2c: {  	s14 =	smul.u32 @!p0 $0x140, s14  }
0x2d: {  	s31 =	sadd.s32 $0xFFFFFFFF, s12;
	s15 =	sshrl.u32 @!p0 s11, $0x3  }
0x2e: {  	s16 =	sand.u32 @!p0 $0x7, s11;
	s15 =	sadd.s32 @!p0 s3, s15;
	s14 =	sshra.s32 @!p0 s14, $0x2  }
0x2f: {  	[tilespmem:s14], [sflag:$0x2] =	stream.linear.gather @!p0 [hbm4b:s15+s16], $0x50, $0x38;
	[tilespmem:$0x140] =	vst v63  }
0x30: {  	p0 =	sge.u32 s31, s7  }
.Ltmp2:
0x31: {  	_ = 	snop;
	(pc) =	sbr.rel @p0 .LBB2_5-.Ltmp2, $1  }
0x32: {  	_ =	sdelay $0x3  }
0x33: {  	s14 =	sand.u32 $0x1, s12  }
0x34: {  	_ =	swait.ge [sflag:s6], $0x50;
	p0 =	seq.s32 s14, $0x1;
	s14 =	simm.s32 $0x50  }
0x35: {  	[sflag:s6] =	ssyncset.done $0x0;
	s14 =	simm.s32 @!p0 $0x0  }
0x36: {  	[sflag:s6] =	ssyncadd.s32 $0xFFFFFFB0;
	(ifvalue) =	ssetifvalue $0x7FFFFFFF;
	v0 =	vld.msk [tilespmem:s14+$0x0 ss:$0x1], $0xffff  }
0x37: {  	s15 =	sadd.s32 $0x10, s14  }
0x38: {  	v1 =	vld.msk [tilespmem:s15+$0x0 ss:$0x1], $0xffff;
	_ =	sdelay $0x2  }
0x39: {  	v2 =	vshrl.u32 v0, $0x2  }
0x3a: {  	vm1 =	veq.s32 v0, $0x80000000;
	v0 =	vand.u32 $0x3, v0;
	v2 =	vand.u32 $0x3FFF, v2  }
0x3b: {  	v0 =	vsel vm1, $0xFFFFFFFF, v0;
	v6 =	vshrl.u32 v1, $0x2;
	v2 =	vsel vm1, $0xFFFFFFFF, v2  }
0x3c: {  	v3 =	vshrl.u32 v0, $0x2;
	v0 =	vshll.u32 v0, $0x7;
	vm1 =	veq.s32 v1, $0x80000000  }
0x3d: {  	s15 =	sadd.s32 $0x10, s15;
	v1 =	vand.u32 $0x3, v1;
	v4 =	vshll.u32 v2, $0x2;
	v3 =	vmul.u32 $0x9E00, v3  }
0x3e: {  	v0 =	vand.u32 $0x180, v0;
	v7 =	vand.u32 $0x7F, v2;
	v5 =	vand.u32 $0xFFFFFE00, v4;
	v4 =	vld.msk [tilespmem:s15+$0x0 ss:$0x1], $0xffff  }
0x3f: {  	v1 =	vsel vm1, $0xFFFFFFFF, v1;
	v2 =	vadd.s32 v3, v5;
	v3 =	vand.u32 $0x3FFF, v6  }
0x40: {  	v3 =	vsel vm1, $0xFFFFFFFF, v3;
	v0 =	vor.u32 v0, v2;
	v2 =	vshrl.u32 v1, $0x2  }
0x41: {  	v1 =	vshll.u32 v1, $0x7;
	v5 =	vshll.u32 v3, $0x2;
	v8 =	vmul.u32 $0x9E00, v2  }
0x42: {  	s18 =	simm.s32 $0x30;
	s14 =	sor.u32 $0xA0, s14;
	s17 =	sadd.s32 $0x10, s15;
	v2 =	vand.u32 $0x180, v1;
	v0 =	vor.u32 v7, v0;
	v5 =	vand.u32 $0xFFFFFE00, v5  }
0x43: {  	s16 =	smov.u32 s14;
	s15 =	smov.u32 s14;
	v1 =	vld.msk [tilespmem:s17+$0x0 ss:$0x1], $0xffff;
	v3 =	vand.u32 $0x7F, v3;
	(ifvalue) =	ssetifvalue $0x7FFFFFFF;
	v6 =	vshrl.u32 v4, $0x2;
	v5 =	vadd.s32 v8, v5  }
.LBB2_3:
0x44: {  	s18 =	sadd.s32 $0x10, s18  }
0x45: {  	vm1 =	veq.s32 v4, $0x80000000;
	v4 =	vand.u32 $0x3, v4;
	v6 =	vand.u32 $0x3FFF, v6;
	s15 =	sadd.s32 $0x10, s15;
	p0 =	slt.u32 s18, $0x40  }
.Ltmp3:
0x46: {  	v5 =	vor.u32 v2, v5;
	v4 =	vsel vm1, $0xFFFFFFFF, v4;
	v7 =	vsel vm1, $0xFFFFFFFF, v6;
	(pc) =	sbr.rel @p0 .LBB2_3-.Ltmp3, $4  }
0x47: {  	v2 =	vshrl.u32 v4, $0x2;
	v6 =	vshll.u32 v7, $0x2;
	v4 =	vshll.u32 v4, $0x7;
	[tilespmem:s16], [sflag:$0x1] =	stream.indirect_vreg.gather [hbm4b:s2+s10], $0x1, v0, vm0, $0x4038;
	[tilespmem:$0x140] =	vst v63  }
0x48: {  	v0 =	vor.u32 v3, v5;
	s16 =	smov.u32 s15;
	v8 =	vmul.u32 $0x9E00, v2;
	v2 =	vand.u32 $0x180, v4  }
0x49: {  	s17 =	sadd.s32 $0x10, s17;
	v9 =	vand.u32 $0xFFFFFE00, v6  }
0x4a: {  	v3 =	vand.u32 $0x7F, v7;
	v6 =	vshrl.u32 v1, $0x2;
	v5 =	vadd.s32 v8, v9;
	(ifvalue) =	ssetifvalue $0x7FFFFFFF;
	v4 =	vmovc v1;
	v1 =	vld.msk [tilespmem:s17+$0x0 ss:$0x1], $0xffff  }
.Ltmp4:
0x4b: {  	_ = 	snop;
	(pc) =	sbr.rel .LBB2_4-.Ltmp4, $1  }
0x4c: {  	_ =	sdelay $0x3  }
.LBB2_6:
0x4d: {  	_ =	sfence.sel $0x180000  }
0x4e: {  	s2 =	simm.s32 $0x2;
	[bflag:$0x0] =	sbarrier.arrive $0xFFFF  }
0x4f: {  	s30 =	simm.s32 $0x3;
	[sflag:s2] =	ssyncpa.u1 $0x1  }
0x50: {  	s31 =	simm.s32 $0x1;
	[sflag:s30] =	ssyncpa.u1 $0x1  }
0x51: {  	[sflag:s31] =	ssyncpa.u1 $0x1  }
0x52: {  	p0 =	sne.s32 s1, $0x0;
	_ =	strace $0x9000007A  }
0x53: {  	s0 =	sadd.s32 @!p0 $0x100000, s0;
	[bflag:$0x2] =	sbarrier.arrive $0xFFFF  }
0x54: {  	[sflag:s0] =	ssyncadd.tile.s32 @!p0 $0x1;
	_ =	shalt  }
.Lfunc_end2:
_tile_overlayer_lowered:
.L_overlay_start_2:
0x55: {  	(tag) =	ssettag $0x2  }
0x56: {  	s0 =	rddreg [dreg:$0x0];
	s2 =	stileid.u32  }
0x57: {  	s1 =	rddreg [dreg:$0x1];
	p0 =	sne.s32 s2, $0x0  }
0x58: {  	s3 =	rddreg [dreg:$0x2];
	[bflag:$0x3] =	sbarrier.arrive $0xFFFF;
	s2 =	simm.s32 @!p0 $0x1C01  }
0x59: {  	[timem:s3], [sflag:s2] =	dma.local @!p0 [hbm:s0], s1  }
0x5a: {  	s0 =	simm.s32 @!p0 $0x1  }
0x5b: {  	_ =	swait.ge @!p0 [sflag:s0], s1  }
0x5c: {  	s1 =	ssub.s32 @!p0 $0x0, s1;
	[sflag:s0] =	ssyncset.done @!p0 $0x0  }
0x5d: {  	[sflag:s0] =	ssyncadd.s32 @!p0 s1  }
0x5e: {  	[bflag:$0x3] =	sbarrier.arrive $0xFFFF  }
0x5f: {  	_ =	shalt  }

// kernel: gather_offload_async_start.3
scs
__scs_entry_jumppad:
0x0: {  	(pc) =	sbr.rel $0x88, $3  }
0x1: {  	(tag) =	ssettag $0x0;
	lr =	simm.s32 $0x1  }
0x2: {  	[smem:$0x3F83] =	sst lr;
	_ =	strace $0xD0000000  }
0x3: {  	_ = 	snop  }
0x4: {  	_ = 	snop  }
0x5: {  	_ = 	snop  }
0x6: {  	_ = 	snop  }
0x7: {  	_ = 	snop  }
__scs_overlays_trampoline_lowered:
0x8: {  	[smem:$0x3F92] =	sst s0  }
0x9: {  	[smem:$0x3F93] =	sst s1  }
0xa: {  	[smem:$0x3F94] =	sst s2  }
0xb: {  	[smem:$0x3F95] =	sst s3  }
0xc: {  	[smem:$0x3F96] =	sst s4  }
0xd: {  	[smem:$0x3F97] =	sst s5  }
0xe: {  	[smem:$0x3F98] =	sst s6  }
0xf: {  	[smem:$0x3F99] =	sst s7  }
0x10: {  	[smem:$0x3F9A] =	sst s8  }
0x11: {  	[smem:$0x3F9B] =	sst s9;
	s0 =	simm.s32 @!p0 $0x0  }
0x12: {  	s1 =	sld [smem:$0x3F81];
	s0 =	simm.s32 @p0 $0x1  }
0x13: {  	[smem:$0x3F9C] =	sst s0;
	s0 =	simm.s32 @!p1 $0x0  }
0x14: {  	s2 =	sld [smem:$0x3F80];
	s0 =	simm.s32 @p1 $0x1  }
0x15: {  	[smem:$0x3F9D] =	sst s0;
	s0 =	simm.s32 @!p2 $0x0  }
0x16: {  	s3 =	sld [smem:$0x3FDB];
	s0 =	simm.s32 @p2 $0x1  }
0x17: {  	s4 =	simm.s32 $0x1BF5;
	[smem:$0x3F9F] =	sst s0  }
0x18: {  	s0 =	sld [smem:$0x3F82];
	_ =	swait.ge [sflag:s4], $0x0  }
0x19: {  	s7 =	sld [smem:$0x3F83]  }
0x1a: {  	s8 =	sadd.s32 $0xFFFFE003, lr  }
0x1b: {  	s9 =	sadd.s32 $0xFFFFFEF7, lr;
	s5 =	simm.s32 $0xFFFFFFFF;
	p2 =	slt.u32 s8, $0xFFFFF086  }
0x1c: {  	p1 =	slt.u32 s9, $0xF7A;
	s5 =	simm.s32 @!p2 $0x0  }
0x1d: {  	s5 =	simm.s32 @p1 $0x1;
	p0 =	seq.s32 s7, s2  }
0x1e: {  	s7 =	smul.u32 @!p0 $0xF7A, s2;
	p2 =	seq.s32 @!p0 s5, $0x0  }
0x1f: {  	s9 =	smul.u32 $0xF7A, s1;
	s8 =	simm.s32 @!p0 $0x1BF5;
	p2 =	por !p2, p0  }
0x20: {  	[sflag:s8] =	ssyncset.s32 @!p0 $0xFFFFF086;
	s6 =	sadd.s32 @!p0 s3, s7;
	s7 =	simm.s32 @!p0 $0x108  }
0x21: {  	s3 =	sadd.s32 s3, s9;
	s6 =	sadd.s32 @!p0 $0x88, s6;
	s7 =	simm.s32 @p2 $0x1082  }
0x22: {  	[simem:s7], [sflag:s8] =	dma.local @!p0 [hbm:s6], $0xF7A  }
0x23: {  	s9 =	sor.u32 $0xD0000000, s2;
	s6 =	simm.s32 $0x108;
	_ =	swait.ge @!p0 [sflag:s8], $0x0  }
0x24: {  	s3 =	sadd.s32 $0x88, s3;
	s6 =	simm.s32 @!p1 $0x1082;
	[sflag:s4] =	ssyncset.s32 $0xFFFFF086  }
0x25: {  	[simem:s6], [sflag:s4] =	dma.local [hbm:s3], $0xF7A  }
0x26: {  	[smem:$0x3F83] =	sst s1;
	(tag) =	ssettag s2;
	_ =	strace s9  }
0x27: {  	s1 =	sld [smem:$0x3F93]  }
0x28: {  	s2 =	sld [smem:$0x3F94]  }
0x29: {  	s4 =	sld [smem:$0x3F96]  }
0x2a: {  	p0 =	seq.s32 s5, $0x0;
	s5 =	sld [smem:$0x3F97]  }
0x2b: {  	s6 =	sld [smem:$0x3F98]  }
0x2c: {  	s7 =	sld [smem:$0x3F99]  }
0x2d: {  	s3 =	simm.s32 $0x108;
	s8 =	sld [smem:$0x3F9A]  }
0x2e: {  	s3 =	simm.s32 @!p0 $0x1082;
	s9 =	sld [smem:$0x3F9B]  }
0x2f: {  	lr =	sadd.s32 s0, s3;
	s0 =	sld [smem:$0x3F92]  }
0x30: {  	s3 =	sld [smem:$0x3F95]  }
0x31: {  	[smem:$0x3F9E] =	sst s10  }
0x32: {  	s10 =	sld [smem:$0x3F9C];
	_ =	sdelay $0x3  }
0x33: {  	p0 =	seq.s32 s10, $0x1;
	s10 =	sld [smem:$0x3F9E];
	_ =	sdelay $0x3  }
0x34: {  	[smem:$0x3F9E] =	sst s10  }
0x35: {  	s10 =	sld [smem:$0x3F9D];
	_ =	sdelay $0x3  }
0x36: {  	p1 =	seq.s32 s10, $0x1;
	s10 =	sld [smem:$0x3F9E];
	_ =	sdelay $0x3  }
0x37: {  	[smem:$0x3F9E] =	sst s10  }
0x38: {  	s10 =	sld [smem:$0x3F9F]  }
0x39: {  	_ = 	snop;
	(pc) =	sbr.ind lr, $3  }
0x3a: {  	_ = 	snop  }
0x3b: {  	_ = 	snop  }
0x3c: {  	p2 =	seq.s32 s10, $0x1;
	s10 =	sld [smem:$0x3F9E]  }
0x3d: {  	_ =	shalt  }
0x3e: {  	_ =	shalt  }
0x3f: {  	_ =	shalt  }
0x40: {  	_ =	shalt  }
0x41: {  	_ =	shalt  }
0x42: {  	_ =	shalt  }
0x43: {  	_ =	shalt  }
0x44: {  	_ =	shalt  }
0x45: {  	_ =	shalt  }
0x46: {  	_ =	shalt  }
0x47: {  	_ =	shalt  }
0x48: {  	_ =	shalt  }
0x49: {  	_ =	shalt  }
0x4a: {  	_ =	shalt  }
0x4b: {  	_ =	shalt  }
0x4c: {  	_ =	shalt  }
0x4d: {  	_ =	shalt  }
0x4e: {  	_ =	shalt  }
0x4f: {  	_ =	shalt  }
0x50: {  	_ =	shalt  }
0x51: {  	_ =	shalt  }
0x52: {  	_ =	shalt  }
0x53: {  	_ =	shalt  }
0x54: {  	_ =	shalt  }
0x55: {  	_ =	shalt  }
0x56: {  	_ =	shalt  }
0x57: {  	_ =	shalt  }
0x58: {  	_ =	shalt  }
0x59: {  	_ =	shalt  }
0x5a: {  	_ =	shalt  }
0x5b: {  	_ =	shalt  }
0x5c: {  	_ =	shalt  }
0x5d: {  	_ =	shalt  }
0x5e: {  	_ =	shalt  }
0x5f: {  	_ =	shalt  }
0x60: {  	_ =	shalt  }
0x61: {  	_ =	shalt  }
0x62: {  	_ =	shalt  }
0x63: {  	_ =	shalt  }
0x64: {  	_ =	shalt  }
0x65: {  	_ =	shalt  }
0x66: {  	_ =	shalt  }
0x67: {  	_ =	shalt  }
0x68: {  	_ =	shalt  }
0x69: {  	_ =	shalt  }
0x6a: {  	_ =	shalt  }
0x6b: {  	_ =	shalt  }
0x6c: {  	_ =	shalt  }
0x6d: {  	_ =	shalt  }
0x6e: {  	_ =	shalt  }
0x6f: {  	_ =	shalt  }
0x70: {  	_ =	shalt  }
0x71: {  	_ =	shalt  }
0x72: {  	_ =	shalt  }
0x73: {  	_ =	shalt  }
0x74: {  	_ =	shalt  }
0x75: {  	_ =	shalt  }
0x76: {  	_ =	shalt  }
0x77: {  	_ =	shalt  }
0x78: {  	_ =	shalt  }
0x79: {  	_ =	shalt  }
0x7a: {  	_ =	shalt  }
0x7b: {  	_ =	shalt  }
0x7c: {  	_ =	shalt  }
0x7d: {  	_ =	shalt  }
0x7e: {  	_ =	shalt  }
0x7f: {  	_ =	shalt  }
0x80: {  	_ =	shalt  }
0x81: {  	_ =	shalt  }
0x82: {  	_ =	shalt  }
0x83: {  	_ =	shalt  }
0x84: {  	_ =	shalt  }
0x85: {  	_ =	shalt  }
0x86: {  	_ =	shalt  }
0x87: {  	_ =	shalt  }
.Lfunc_end0:
.L_simem_size_0:
called_computation.3_lowered:
.L_overlay_start_0:
0x88: {  	s2 =	sld [smem:$0x3FD9]  }
0x89: {  	s3 =	sld [smem:$0x3FFE];
	_ =	sdelay $0x1  }
0x8a: {  	s1 =	srdreg.scid  }
0x8b: {  	s0 =	sand.u32 $0x1, s1  }
0x8c: {  	s17 =	sshll.u32 s0, $0xA;
	s2 =	sadd.s32 s3, s2  }
0x8d: {  	s2 =	sadd.s32 s2, s17  }
0x8e: {  	[smem:$0x3FAA] =	sst s2  }
0x8f: {  	_ = 	snop  }
0x90: {  	(tm) =	ssettm $0x1  }
0x91: {  	s18 =	sld [smem:$0x3FFB];
	_ =	sdelay $0x3  }
0x92: {  	_ =	strace s18  }
0x93: {  	s2 =	sld [smem:$0x3FFC];
	_ =	sdelay $0x3  }
0x94: {  	_ =	strace s2  }
0x95: {  	s2 =	sld [smem:$0x3FFD];
	_ =	sdelay $0x3  }
0x96: {  	_ =	strace s2  }
0x97: {  	_ =	strace $0x8FFFFFFF  }
0x98: {  	s19 =	sld [smem:$0x3FDB];
	_ =	sdelay $0x1  }
0x99: {  	s20 =	simm.s32 $_scs_section_size  }
0x9a: {  	s4 =	simm.s32 $_size__tile_overlayer_lowered;
	s5 =	simm.s32 $_tile_overlayer_lowered  }
0x9b: {  	s6 =	simm.s32 $0x1BFF;
	s21 =	sshll.u32 s5, $0x1;
	s3 =	sadd.s32 s20, s19  }
0x9c: {  	s22 =	simm.s32 $0x0;
	s4 =	sshll.u32 s4, $0x1;
	s5 =	sadd.s32 s21, s3  }
0x9d: {  	[timem:s22], [sflag:s6] =	dma.local [hbm:s5], s4  }
0x9e: {  	_ =	swait.ge [sflag:s6], s4  }
0x9f: {  	s4 =	ssub.s32 $0x0, s4;
	[sflag:s6] =	ssyncset.done $0x0  }
0xa0: {  	[sflag:s6] =	ssyncadd.s32 s4;
	_ =	sdelay $0x1  }
0xa1: {  	s23 =	simm.s32 $0x1B8B  }
0xa2: {  	_ =	swait.ge [sflag:s23], $0x1  }
0xa3: {  	[sflag:s23] =	ssyncset.done $0x0  }
0xa4: {  	[sflag:s23] =	ssyncadd.s32 $0xFFFFFFFF  }
0xa5: {  	s4 =	sld [smem:$0x0]  }
0xa6: {  	s5 =	sand.u32 $0xFFFFFFFE, s1  }
0xa7: {  	p0 =	sne.s32 s1, s5  }
0xa8: {  	s5 =	sshll.u32 @p0 s5, $0xE  }
0xa9: {  	s5 =	sadd.s32 @p0 $0x11B8D, s5;
	s6 =	sshll.u32 @p0 s4, $0x11  }
0xaa: {  	s5 =	sor.u32 @p0 s6, s5  }
0xab: {  	[sflag:s5] =	ssyncadd.remote.s32 @p0 $0x1;
	_ =	sdelay $0x1  }
0xac: {  	s5 =	simm.s32 @p0 $0x1B8D  }
0xad: {  	_ =	swait.eq @p0 [sflag:s5], $0x1  }
0xae: {  	[sflag:s5] =	ssyncadd.s32 @p0 $0xFFFFFFFF  }
0xaf: {  	s6 =	sshll.u32 @!p0 s1, $0xE  }
0xb0: {  	s6 =	sor.u32 @!p0 $0x4000, s6;
	s5 =	simm.s32 @!p0 $0x1B8D  }
0xb1: {  	s4 =	sshll.u32 @!p0 s4, $0x11;
	s6 =	sadd.s32 @!p0 $0x11B8D, s6;
	_ =	swait.eq @!p0 [sflag:s5], $0x1  }
0xb2: {  	s4 =	sor.u32 @!p0 s4, s6;
	[sflag:s5] =	ssyncadd.s32 @!p0 $0xFFFFFFFF  }
0xb3: {  	s25 =	simm.s32 $0x1B8E;
	s24 =	sld [smem:$0x3FFE];
	[sflag:s4] =	ssyncadd.remote.s32 @!p0 $0x1  }
0xb4: {  	s26 =	simm.s32 $execute0_lowered;
	[smem:$0x3FD2] =	sst s25  }
0xb5: {  	s5 =	sshll.u32 s26, $0x1;
	_ =	strace $0x8000007C;
	[dreg:$0x1] =	wrdreg $0xFFFFFFFF  }
0xb6: {  	s28 =	simm.s32 $_size_execute0_lowered;
	s3 =	sadd.s32 s3, s5;
	[dreg:$0x0] =	wrdreg $0x0  }
0xb7: {  	s5 =	sshll.u32 s28, $0x1;
	[dreg:$0x2] =	wrdreg s3  }
0xb8: {  	[dreg:$0x3] =	wrdreg s5  }
0xb9: {  	[dreg:$0x4] =	wrdreg $0xC0  }
0xba: {  	_ =	task [dreg:s22], $0x5FFFF  }
0xbb: {  	[dreg:$0x1] =	wrdreg $0xFFFFFFFF  }
0xbc: {  	[dreg:$0x0] =	wrdreg $0x60  }
0xbd: {  	[dreg:$0x2] =	wrdreg s24  }
0xbe: {  	[dreg:$0x3] =	wrdreg $0xA  }
0xbf: {  	_ =	task.clear_ibuf [dreg:s22], $0x4FFFF;
	_ =	strace $0x9000007C  }
0xc0: {  	s29 =	simm.s32 $0xA;
	_ =	strace $0x8000007E  }
0xc1: {  	_ =	swait.ge [sflag:s29], $0x1  }
0xc2: {  	[sflag:s29] =	ssyncadd.s32 $0xFFFFFFFF  }
0xc3: {  	_ =	strace $0x9000007E  }
0xc4: {  	_ =	sfence  }
0xc5: {  	s30 =	sld [smem:$0x0];
	_ =	sdelay $0x2  }
0xc6: {  	s31 =	sshll.u32 s1, $0xD;
	s1 =	sshrl.u32 s1, $0x2  }
0xc7: {  	s4 =	sand.u32 $0x4000, s31;
	s1 =	sadd.s32 s1, s30  }
0xc8: {  	s0 =	sor.u32 s4, s0;
	s1 =	sshll.u32 s1, $0x11  }
0xc9: {  	s0 =	sor.u32 s1, s0  }
0xca: {  	s0 =	sadd.s32 $0x8F2B, s0  }
0xcb: {  	[sflag:s0] =	ssyncadd.remote.s32 $0x1  }
0xcc: {  	_ =	sfence.sel $0xFFFF  }
0xcd: {  	[dreg:$0x0] =	wrdreg $0xFFFFFFFF;
	(pc) =	sbr.abs _section_cstart, $3  }
0xce: {  	[dreg:$0x1] =	wrdreg $0xFFFFFFFF  }
0xcf: {  	_ =	task.clear_ibuf [dreg:s22], $0x2FFFF;
	_ =	strace $0x9FFFFFFF  }
0xd0: {  	(tm) =	ssettm $0x7FFFFFFF  }
0xd1: {  	_ =	shalt  }
tec
execute0_lowered:
.L_overlay_start_1:
0x0: {  	(tag) =	ssettag $0x1  }
0x1: {  	s8 =	rddreg [dreg:$0x0];
	s1 =	stileid.u32  }
0x2: {  	s2 =	srdreg.scid;
	s0 =	rddreg [dreg:$0x1]  }
0x3: {  	_ =	strace $0x8000007D;
	s5 =	simm.s32 $0x1;
	s9 =	simm.s32 $0x1  }
0x4: {  	s10 =	simm.s32 $0x3;
	s2 =	sand.u32 $0x1, s2;
	s3 =	sshll.u32 s1, $0x1  }
0x5: {  	s13 =	simm.s32 $0x0;
	s12 =	simm.s32 $0x0;
	s6 =	sor.u32 s3, s2  }
0x6: {  	[sflag:s5] =	ssyncpa.u1 $0x0;
	s2 =	sadd.s32 $0x36C00, s8;
	s4 =	smul.u32 $0x50, s6  }
0x7: {  	s3 =	sadd.s32 $0x8C00, s8;
	p0 =	slt.u32 s6, $0x13;
	s6 =	simm.s32 $0xA00  }
.Ltmp0:
0x8: {  	s6 =	simm.s32 @!p0 $0x0;
	s7 =	ssub.s32 $0xFA0, s4;
	(pc) =	sbr.rel .LBB2_1-.Ltmp0, $4  }
0x9: {  	s9 =	simm.s32 @!p0 $0x0;
	p0 =	sne.s32 s7, s6;
	s7 =	simm.s32 $0x1  }
0xa: {  	s8 =	sadd.s32 $0xD000, s8;
	s6 =	simm.s32 $0x2;
	s7 =	simm.s32 @!p0 $0x0  }
0xb: {  	s11 =	smov.u32 s4;
	[sflag:s6] =	ssyncpa.u1 $0x0;
	s7 =	sadd.s32 s9, s7  }
0xc: {  	vm0 =	vmmov $0xffff;
	[sflag:s10] =	ssyncpa.u1 $0x0;
	s10 =	simm.s32 $0x0;
	s9 =	sadd.s32 $0x1, s7  }
.LBB2_4:
0xd: {  	vm1 =	veq.s32 v4, $0x80000000;
	v56 =	vand.u32 $0x3, v4;
	v6 =	vand.u32 $0x3FFF, v6  }
0xe: {  	v2 =	vor.u32 v2, v5;
	v59 =	vshrl.u32 v1, $0x2;
	v60 =	vand.u32 $0x3, v1  }
0xf: {  	v4 =	vsel vm1, $0xFFFFFFFF, v56;
	v6 =	vsel vm1, $0xFFFFFFFF, v6;
	v2 =	vor.u32 v3, v2  }
0x10: {  	vm1 =	veq.s32 v1, $0x80000000;
	v5 =	vand.u32 $0x3FFF, v59;
	v7 =	vshrl.u32 v4, $0x2  }
0x11: {  	v57 =	vshll.u32 v6, $0x2;
	v4 =	vshll.u32 v4, $0x7;
	v1 =	vsel vm1, $0xFFFFFFFF, v60  }
0x12: {  	v5 =	vsel vm1, $0xFFFFFFFF, v5;
	v6 =	vand.u32 $0x7F, v6;
	v7 =	vmul.u32 $0x9E00, v7  }
0x13: {  	v58 =	vand.u32 $0xFFFFFE00, v57;
	v4 =	vand.u32 $0x180, v4;
	v61 =	vshrl.u32 v1, $0x2  }
0x14: {  	v62 =	vshll.u32 v5, $0x2;
	v3 =	vadd.s32 v7, v58;
	v7 =	vmul.u32 $0x9E00, v61  }
0x15: {  	v1 =	vshll.u32 v1, $0x7;
	v3 =	vor.u32 v4, v3;
	v4 =	vand.u32 $0xFFFFFE00, v62  }
0x16: {  	v1 =	vand.u32 $0x180, v1;
	v3 =	vor.u32 v6, v3;
	v4 =	vadd.s32 v7, v4  }
0x17: {  	[tilespmem:s16], [sflag:$0x1] =	stream.indirect_vreg.gather [hbm4b:s2+s10], $0x1, v0, vm0, $0x4038;
	v63 =	vand.u32 $0x7F, v5;
	v1 =	vor.u32 v1, v4;
	[tilespmem:$0x140] =	vst v63  }
0x18: {  	s15 =	sadd.s32 $0x10, s15;
	(ifvalue) =	ssetifvalue $0x7FFFFFFF;
	v0 =	vor.u32 v63, v1  }
0x19: {  	[tilespmem:s15], [sflag:$0x1] =	stream.indirect_vreg.gather [hbm4b:s2+s10], $0x1, v2, vm0, $0x4038;
	[tilespmem:$0x140] =	vst v63  }
0x1a: {  	s15 =	sadd.s32 $0x10, s15;
	(ifvalue) =	ssetifvalue $0x7FFFFFFF  }
0x1b: {  	[tilespmem:s15], [sflag:$0x1] =	stream.indirect_vreg.gather [hbm4b:s2+s10], $0x1, v3, vm0, $0x4038;
	[tilespmem:$0x140] =	vst v63  }
0x1c: {  	s15 =	sadd.s32 $0x10, s15;
	(ifvalue) =	ssetifvalue $0x7FFFFFFF  }
0x1d: {  	[tilespmem:s15], [sflag:$0x1] =	stream.indirect_vreg.gather [hbm4b:s2+s10], $0x1, v0, vm0, $0x4038;
	[tilespmem:$0x140] =	vst v63  }
0x1e: {  	_ =	swait.ge [sflag:s5], $0x50  }
0x1f: {  	s30 =	sshrl.u32 s13, $0x3;
	[sflag:s5] =	ssyncset.done $0x0  }
0x20: {  	s31 =	sand.u32 $0x7, s13;
	s15 =	sadd.s32 s8, s30;
	[sflag:s5] =	ssyncadd.s32 $0xFFFFFFB0  }
0x21: {  	[hbm4b:s15+s31] =	stream.linear.scatter [tilespmem:s14], [sflag:$0x3], $0x50, $0x38;
	[tilespmem:$0x140] =	vst v63  }
.LBB2_5:
0x22: {  	s15 =	sadd.s32 $0xA00, s11  }
0x23: {  	p1 =	sgt.s32 s15, $0xF9F  }
0x24: {  	s15 =	smov.u32 @p1 s4;
	p1 =	sne.s32 s12, s9  }
.Ltmp1:
0x25: {  	p0 =	slt.u32 s12, $0x2;
	(pc) =	sbr.rel @!p1 .LBB2_6-.Ltmp1, $4  }
0x26: {  	s14 =	simm.s32 @!p0 $0x3  }
0x27: {  	_ =	swait.ge @!p0 [sflag:s14], $0x50  }
0x28: {  	s16 =	sadd.s32 $0x1, s12;
	s13 =	smov.u32 s11;
	[sflag:s14] =	ssyncset.done @!p0 $0x0  }
0x29: {  	s12 =	smov.u32 s16;
	s11 =	smov.u32 s15;
	[sflag:s14] =	ssyncadd.s32 @!p0 $0xFFFFFFB0  }
.LBB2_1:
0x2a: {  	p0 =	sge.u32 s12, s7  }
0x2b: {  	s14 =	sxor.u32 @!p0 $0x1, s12  }
0x2c: {  	s14 =	smul.u32 @!p0 $0x140, s14  }
0x2d: {  	s31 =	sadd.s32 $0xFFFFFFFF, s12;
	s15 =	sshrl.u32 @!p0 s11, $0x3  }
0x2e: {  	s16 =	sand.u32 @!p0 $0x7, s11;
	s15 =	sadd.s32 @!p0 s3, s15;
	s14 =	sshra.s32 @!p0 s14, $0x2  }
0x2f: {  	[tilespmem:s14], [sflag:$0x2] =	stream.linear.gather @!p0 [hbm4b:s15+s16], $0x50, $0x38;
	[tilespmem:$0x140] =	vst v63  }
0x30: {  	p0 =	sge.u32 s31, s7  }
.Ltmp2:
0x31: {  	_ = 	snop;
	(pc) =	sbr.rel @p0 .LBB2_5-.Ltmp2, $1  }
0x32: {  	_ =	sdelay $0x3  }
0x33: {  	s14 =	sand.u32 $0x1, s12  }
0x34: {  	_ =	swait.ge [sflag:s6], $0x50;
	p0 =	seq.s32 s14, $0x1;
	s14 =	simm.s32 $0x50  }
0x35: {  	[sflag:s6] =	ssyncset.done $0x0;
	s14 =	simm.s32 @!p0 $0x0  }
0x36: {  	[sflag:s6] =	ssyncadd.s32 $0xFFFFFFB0;
	(ifvalue) =	ssetifvalue $0x7FFFFFFF;
	v0 =	vld.msk [tilespmem:s14+$0x0 ss:$0x1], $0xffff  }
0x37: {  	s15 =	sadd.s32 $0x10, s14  }
0x38: {  	v1 =	vld.msk [tilespmem:s15+$0x0 ss:$0x1], $0xffff;
	_ =	sdelay $0x2  }
0x39: {  	v2 =	vshrl.u32 v0, $0x2  }
0x3a: {  	vm1 =	veq.s32 v0, $0x80000000;
	v0 =	vand.u32 $0x3, v0;
	v2 =	vand.u32 $0x3FFF, v2  }
0x3b: {  	v0 =	vsel vm1, $0xFFFFFFFF, v0;
	v6 =	vshrl.u32 v1, $0x2;
	v2 =	vsel vm1, $0xFFFFFFFF, v2  }
0x3c: {  	v3 =	vshrl.u32 v0, $0x2;
	v0 =	vshll.u32 v0, $0x7;
	vm1 =	veq.s32 v1, $0x80000000  }
0x3d: {  	s15 =	sadd.s32 $0x10, s15;
	v1 =	vand.u32 $0x3, v1;
	v4 =	vshll.u32 v2, $0x2;
	v3 =	vmul.u32 $0x9E00, v3  }
0x3e: {  	v0 =	vand.u32 $0x180, v0;
	v7 =	vand.u32 $0x7F, v2;
	v5 =	vand.u32 $0xFFFFFE00, v4;
	v4 =	vld.msk [tilespmem:s15+$0x0 ss:$0x1], $0xffff  }
0x3f: {  	v1 =	vsel vm1, $0xFFFFFFFF, v1;
	v2 =	vadd.s32 v3, v5;
	v3 =	vand.u32 $0x3FFF, v6  }
0x40: {  	v3 =	vsel vm1, $0xFFFFFFFF, v3;
	v0 =	vor.u32 v0, v2;
	v2 =	vshrl.u32 v1, $0x2  }
0x41: {  	v1 =	vshll.u32 v1, $0x7;
	v5 =	vshll.u32 v3, $0x2;
	v8 =	vmul.u32 $0x9E00, v2  }
0x42: {  	s18 =	simm.s32 $0x30;
	s14 =	sor.u32 $0xA0, s14;
	s17 =	sadd.s32 $0x10, s15;
	v2 =	vand.u32 $0x180, v1;
	v0 =	vor.u32 v7, v0;
	v5 =	vand.u32 $0xFFFFFE00, v5  }
0x43: {  	s16 =	smov.u32 s14;
	s15 =	smov.u32 s14;
	v1 =	vld.msk [tilespmem:s17+$0x0 ss:$0x1], $0xffff;
	v3 =	vand.u32 $0x7F, v3;
	(ifvalue) =	ssetifvalue $0x7FFFFFFF;
	v6 =	vshrl.u32 v4, $0x2;
	v5 =	vadd.s32 v8, v5  }
.LBB2_3:
0x44: {  	s18 =	sadd.s32 $0x10, s18  }
0x45: {  	vm1 =	veq.s32 v4, $0x80000000;
	v4 =	vand.u32 $0x3, v4;
	v6 =	vand.u32 $0x3FFF, v6;
	s15 =	sadd.s32 $0x10, s15;
	p0 =	slt.u32 s18, $0x40  }
.Ltmp3:
0x46: {  	v5 =	vor.u32 v2, v5;
	v4 =	vsel vm1, $0xFFFFFFFF, v4;
	v7 =	vsel vm1, $0xFFFFFFFF, v6;
	(pc) =	sbr.rel @p0 .LBB2_3-.Ltmp3, $4  }
0x47: {  	v2 =	vshrl.u32 v4, $0x2;
	v6 =	vshll.u32 v7, $0x2;
	v4 =	vshll.u32 v4, $0x7;
	[tilespmem:s16], [sflag:$0x1] =	stream.indirect_vreg.gather [hbm4b:s2+s10], $0x1, v0, vm0, $0x4038;
	[tilespmem:$0x140] =	vst v63  }
0x48: {  	v0 =	vor.u32 v3, v5;
	s16 =	smov.u32 s15;
	v8 =	vmul.u32 $0x9E00, v2;
	v2 =	vand.u32 $0x180, v4  }
0x49: {  	s17 =	sadd.s32 $0x10, s17;
	v9 =	vand.u32 $0xFFFFFE00, v6  }
0x4a: {  	v3 =	vand.u32 $0x7F, v7;
	v6 =	vshrl.u32 v1, $0x2;
	v5 =	vadd.s32 v8, v9;
	(ifvalue) =	ssetifvalue $0x7FFFFFFF;
	v4 =	vmovc v1;
	v1 =	vld.msk [tilespmem:s17+$0x0 ss:$0x1], $0xffff  }
.Ltmp4:
0x4b: {  	_ = 	snop;
	(pc) =	sbr.rel .LBB2_4-.Ltmp4, $1  }
0x4c: {  	_ =	sdelay $0x3  }
.LBB2_6:
0x4d: {  	_ =	sfence.sel $0x180000  }
0x4e: {  	s2 =	simm.s32 $0x2;
	[bflag:$0x0] =	sbarrier.arrive $0xFFFF  }
0x4f: {  	s30 =	simm.s32 $0x3;
	[sflag:s2] =	ssyncpa.u1 $0x1  }
0x50: {  	s31 =	simm.s32 $0x1;
	[sflag:s30] =	ssyncpa.u1 $0x1  }
0x51: {  	[sflag:s31] =	ssyncpa.u1 $0x1  }
0x52: {  	p0 =	sne.s32 s1, $0x0;
	_ =	strace $0x9000007D  }
0x53: {  	s0 =	sadd.s32 @!p0 $0x100000, s0;
	[bflag:$0x2] =	sbarrier.arrive $0xFFFF  }
0x54: {  	[sflag:s0] =	ssyncadd.tile.s32 @!p0 $0x1;
	_ =	shalt  }
.Lfunc_end2:
_tile_overlayer_lowered:
.L_overlay_start_2:
0x55: {  	(tag) =	ssettag $0x2  }
0x56: {  	s0 =	rddreg [dreg:$0x0];
	s2 =	stileid.u32  }
0x57: {  	s1 =	rddreg [dreg:$0x1];
	p0 =	sne.s32 s2, $0x0  }
0x58: {  	s3 =	rddreg [dreg:$0x2];
	[bflag:$0x3] =	sbarrier.arrive $0xFFFF;
	s2 =	simm.s32 @!p0 $0x1C01  }
0x59: {  	[timem:s3], [sflag:s2] =	dma.local @!p0 [hbm:s0], s1  }
0x5a: {  	s0 =	simm.s32 @!p0 $0x1  }
0x5b: {  	_ =	swait.ge @!p0 [sflag:s0], s1  }
0x5c: {  	s1 =	ssub.s32 @!p0 $0x0, s1;
	[sflag:s0] =	ssyncset.done @!p0 $0x0  }
0x5d: {  	[sflag:s0] =	ssyncadd.s32 @!p0 s1  }
0x5e: {  	[bflag:$0x3] =	sbarrier.arrive $0xFFFF  }
0x5f: {  	_ =	shalt  }

// kernel: gather_offload_async_start.4
scs
__scs_entry_jumppad:
0x0: {  	(pc) =	sbr.rel $0x88, $3  }
0x1: {  	(tag) =	ssettag $0x0;
	lr =	simm.s32 $0x1  }
0x2: {  	[smem:$0x3F83] =	sst lr;
	_ =	strace $0xD0000000  }
0x3: {  	_ = 	snop  }
0x4: {  	_ = 	snop  }
0x5: {  	_ = 	snop  }
0x6: {  	_ = 	snop  }
0x7: {  	_ = 	snop  }
__scs_overlays_trampoline_lowered:
0x8: {  	[smem:$0x3F92] =	sst s0  }
0x9: {  	[smem:$0x3F93] =	sst s1  }
0xa: {  	[smem:$0x3F94] =	sst s2  }
0xb: {  	[smem:$0x3F95] =	sst s3  }
0xc: {  	[smem:$0x3F96] =	sst s4  }
0xd: {  	[smem:$0x3F97] =	sst s5  }
0xe: {  	[smem:$0x3F98] =	sst s6  }
0xf: {  	[smem:$0x3F99] =	sst s7  }
0x10: {  	[smem:$0x3F9A] =	sst s8  }
0x11: {  	[smem:$0x3F9B] =	sst s9;
	s0 =	simm.s32 @!p0 $0x0  }
0x12: {  	s1 =	sld [smem:$0x3F81];
	s0 =	simm.s32 @p0 $0x1  }
0x13: {  	[smem:$0x3F9C] =	sst s0;
	s0 =	simm.s32 @!p1 $0x0  }
0x14: {  	s2 =	sld [smem:$0x3F80];
	s0 =	simm.s32 @p1 $0x1  }
0x15: {  	[smem:$0x3F9D] =	sst s0;
	s0 =	simm.s32 @!p2 $0x0  }
0x16: {  	s3 =	sld [smem:$0x3FDB];
	s0 =	simm.s32 @p2 $0x1  }
0x17: {  	s4 =	simm.s32 $0x1BF5;
	[smem:$0x3F9F] =	sst s0  }
0x18: {  	s0 =	sld [smem:$0x3F82];
	_ =	swait.ge [sflag:s4], $0x0  }
0x19: {  	s7 =	sld [smem:$0x3F83]  }
0x1a: {  	s8 =	sadd.s32 $0xFFFFE003, lr  }
0x1b: {  	s9 =	sadd.s32 $0xFFFFFEF7, lr;
	s5 =	simm.s32 $0xFFFFFFFF;
	p2 =	slt.u32 s8, $0xFFFFF086  }
0x1c: {  	p1 =	slt.u32 s9, $0xF7A;
	s5 =	simm.s32 @!p2 $0x0  }
0x1d: {  	s5 =	simm.s32 @p1 $0x1;
	p0 =	seq.s32 s7, s2  }
0x1e: {  	s7 =	smul.u32 @!p0 $0xF7A, s2;
	p2 =	seq.s32 @!p0 s5, $0x0  }
0x1f: {  	s9 =	smul.u32 $0xF7A, s1;
	s8 =	simm.s32 @!p0 $0x1BF5;
	p2 =	por !p2, p0  }
0x20: {  	[sflag:s8] =	ssyncset.s32 @!p0 $0xFFFFF086;
	s6 =	sadd.s32 @!p0 s3, s7;
	s7 =	simm.s32 @!p0 $0x108  }
0x21: {  	s3 =	sadd.s32 s3, s9;
	s6 =	sadd.s32 @!p0 $0x88, s6;
	s7 =	simm.s32 @p2 $0x1082  }
0x22: {  	[simem:s7], [sflag:s8] =	dma.local @!p0 [hbm:s6], $0xF7A  }
0x23: {  	s9 =	sor.u32 $0xD0000000, s2;
	s6 =	simm.s32 $0x108;
	_ =	swait.ge @!p0 [sflag:s8], $0x0  }
0x24: {  	s3 =	sadd.s32 $0x88, s3;
	s6 =	simm.s32 @!p1 $0x1082;
	[sflag:s4] =	ssyncset.s32 $0xFFFFF086  }
0x25: {  	[simem:s6], [sflag:s4] =	dma.local [hbm:s3], $0xF7A  }
0x26: {  	[smem:$0x3F83] =	sst s1;
	(tag) =	ssettag s2;
	_ =	strace s9  }
0x27: {  	s1 =	sld [smem:$0x3F93]  }
0x28: {  	s2 =	sld [smem:$0x3F94]  }
0x29: {  	s4 =	sld [smem:$0x3F96]  }
0x2a: {  	p0 =	seq.s32 s5, $0x0;
	s5 =	sld [smem:$0x3F97]  }
0x2b: {  	s6 =	sld [smem:$0x3F98]  }
0x2c: {  	s7 =	sld [smem:$0x3F99]  }
0x2d: {  	s3 =	simm.s32 $0x108;
	s8 =	sld [smem:$0x3F9A]  }
0x2e: {  	s3 =	simm.s32 @!p0 $0x1082;
	s9 =	sld [smem:$0x3F9B]  }
0x2f: {  	lr =	sadd.s32 s0, s3;
	s0 =	sld [smem:$0x3F92]  }
0x30: {  	s3 =	sld [smem:$0x3F95]  }
0x31: {  	[smem:$0x3F9E] =	sst s10  }
0x32: {  	s10 =	sld [smem:$0x3F9C];
	_ =	sdelay $0x3  }
0x33: {  	p0 =	seq.s32 s10, $0x1;
	s10 =	sld [smem:$0x3F9E];
	_ =	sdelay $0x3  }
0x34: {  	[smem:$0x3F9E] =	sst s10  }
0x35: {  	s10 =	sld [smem:$0x3F9D];
	_ =	sdelay $0x3  }
0x36: {  	p1 =	seq.s32 s10, $0x1;
	s10 =	sld [smem:$0x3F9E];
	_ =	sdelay $0x3  }
0x37: {  	[smem:$0x3F9E] =	sst s10  }
0x38: {  	s10 =	sld [smem:$0x3F9F]  }
0x39: {  	_ = 	snop;
	(pc) =	sbr.ind lr, $3  }
0x3a: {  	_ = 	snop  }
0x3b: {  	_ = 	snop  }
0x3c: {  	p2 =	seq.s32 s10, $0x1;
	s10 =	sld [smem:$0x3F9E]  }
0x3d: {  	_ =	shalt  }
0x3e: {  	_ =	shalt  }
0x3f: {  	_ =	shalt  }
0x40: {  	_ =	shalt  }
0x41: {  	_ =	shalt  }
0x42: {  	_ =	shalt  }
0x43: {  	_ =	shalt  }
0x44: {  	_ =	shalt  }
0x45: {  	_ =	shalt  }
0x46: {  	_ =	shalt  }
0x47: {  	_ =	shalt  }
0x48: {  	_ =	shalt  }
0x49: {  	_ =	shalt  }
0x4a: {  	_ =	shalt  }
0x4b: {  	_ =	shalt  }
0x4c: {  	_ =	shalt  }
0x4d: {  	_ =	shalt  }
0x4e: {  	_ =	shalt  }
0x4f: {  	_ =	shalt  }
0x50: {  	_ =	shalt  }
0x51: {  	_ =	shalt  }
0x52: {  	_ =	shalt  }
0x53: {  	_ =	shalt  }
0x54: {  	_ =	shalt  }
0x55: {  	_ =	shalt  }
0x56: {  	_ =	shalt  }
0x57: {  	_ =	shalt  }
0x58: {  	_ =	shalt  }
0x59: {  	_ =	shalt  }
0x5a: {  	_ =	shalt  }
0x5b: {  	_ =	shalt  }
0x5c: {  	_ =	shalt  }
0x5d: {  	_ =	shalt  }
0x5e: {  	_ =	shalt  }
0x5f: {  	_ =	shalt  }
0x60: {  	_ =	shalt  }
0x61: {  	_ =	shalt  }
0x62: {  	_ =	shalt  }
0x63: {  	_ =	shalt  }
0x64: {  	_ =	shalt  }
0x65: {  	_ =	shalt  }
0x66: {  	_ =	shalt  }
0x67: {  	_ =	shalt  }
0x68: {  	_ =	shalt  }
0x69: {  	_ =	shalt  }
0x6a: {  	_ =	shalt  }
0x6b: {  	_ =	shalt  }
0x6c: {  	_ =	shalt  }
0x6d: {  	_ =	shalt  }
0x6e: {  	_ =	shalt  }
0x6f: {  	_ =	shalt  }
0x70: {  	_ =	shalt  }
0x71: {  	_ =	shalt  }
0x72: {  	_ =	shalt  }
0x73: {  	_ =	shalt  }
0x74: {  	_ =	shalt  }
0x75: {  	_ =	shalt  }
0x76: {  	_ =	shalt  }
0x77: {  	_ =	shalt  }
0x78: {  	_ =	shalt  }
0x79: {  	_ =	shalt  }
0x7a: {  	_ =	shalt  }
0x7b: {  	_ =	shalt  }
0x7c: {  	_ =	shalt  }
0x7d: {  	_ =	shalt  }
0x7e: {  	_ =	shalt  }
0x7f: {  	_ =	shalt  }
0x80: {  	_ =	shalt  }
0x81: {  	_ =	shalt  }
0x82: {  	_ =	shalt  }
0x83: {  	_ =	shalt  }
0x84: {  	_ =	shalt  }
0x85: {  	_ =	shalt  }
0x86: {  	_ =	shalt  }
0x87: {  	_ =	shalt  }
.Lfunc_end0:
.L_simem_size_0:
called_computation.4_lowered:
.L_overlay_start_0:
0x88: {  	s2 =	sld [smem:$0x3FD9]  }
0x89: {  	s3 =	sld [smem:$0x3FFE];
	_ =	sdelay $0x1  }
0x8a: {  	s1 =	srdreg.scid  }
0x8b: {  	s0 =	sand.u32 $0x1, s1  }
0x8c: {  	s16 =	sshll.u32 s0, $0xA;
	s2 =	sadd.s32 s3, s2  }
0x8d: {  	s2 =	sadd.s32 s2, s16  }
0x8e: {  	[smem:$0x3FAA] =	sst s2  }
0x8f: {  	_ = 	snop  }
0x90: {  	(tm) =	ssettm $0x1  }
0x91: {  	s17 =	sld [smem:$0x3FFB];
	_ =	sdelay $0x3  }
0x92: {  	_ =	strace s17  }
0x93: {  	s2 =	sld [smem:$0x3FFC];
	_ =	sdelay $0x3  }
0x94: {  	_ =	strace s2  }
0x95: {  	s2 =	sld [smem:$0x3FFD];
	_ =	sdelay $0x3  }
0x96: {  	_ =	strace s2  }
0x97: {  	_ =	strace $0x8FFFFFFF  }
0x98: {  	s18 =	sld [smem:$0x3FDB];
	_ =	sdelay $0x1  }
0x99: {  	s19 =	simm.s32 $_scs_section_size  }
0x9a: {  	s4 =	simm.s32 $_size__tile_overlayer_lowered;
	s5 =	simm.s32 $_tile_overlayer_lowered  }
0x9b: {  	s22 =	simm.s32 $0x1BFF;
	s21 =	sshll.u32 s5, $0x1;
	s2 =	sadd.s32 s19, s18  }
0x9c: {  	s6 =	simm.s32 $0x0;
	s20 =	sshll.u32 s4, $0x1;
	s4 =	sadd.s32 s21, s2  }
0x9d: {  	[timem:s6], [sflag:s22] =	dma.local [hbm:s4], s20  }
0x9e: {  	_ =	swait.ge [sflag:s22], s20  }
0x9f: {  	s3 =	ssub.s32 $0x0, s20;
	[sflag:s22] =	ssyncset.done $0x0  }
0xa0: {  	[sflag:s22] =	ssyncadd.s32 s3;
	_ =	sdelay $0x1  }
0xa1: {  	s23 =	simm.s32 $0x1B8B  }
0xa2: {  	_ =	swait.ge [sflag:s23], $0x1  }
0xa3: {  	[sflag:s23] =	ssyncset.done $0x0  }
0xa4: {  	s25 =	simm.s32 $0x1B8E;
	s24 =	sld [smem:$0x3FFE];
	[sflag:s23] =	ssyncadd.s32 $0xFFFFFFFF  }
0xa5: {  	s26 =	simm.s32 $execute0_lowered;
	[smem:$0x3FD2] =	sst s25  }
0xa6: {  	s4 =	sshll.u32 s26, $0x1;
	_ =	strace $0x80000076;
	[dreg:$0x1] =	wrdreg $0xFFFFFFFF  }
0xa7: {  	s28 =	simm.s32 $_size_execute0_lowered;
	s2 =	sadd.s32 s2, s4;
	[dreg:$0x0] =	wrdreg $0x0  }
0xa8: {  	s4 =	sshll.u32 s28, $0x1;
	[dreg:$0x2] =	wrdreg s2  }
0xa9: {  	[dreg:$0x3] =	wrdreg s4  }
0xaa: {  	[dreg:$0x4] =	wrdreg $0xC0  }
0xab: {  	_ =	task [dreg:s6], $0x5FFFF  }
0xac: {  	[dreg:$0x1] =	wrdreg $0xFFFFFFFF  }
0xad: {  	[dreg:$0x0] =	wrdreg $0x60  }
0xae: {  	[dreg:$0x2] =	wrdreg s24  }
0xaf: {  	[dreg:$0x3] =	wrdreg $0x9  }
0xb0: {  	_ =	task.clear_ibuf [dreg:s6], $0x4FFFF;
	_ =	strace $0x90000076  }
0xb1: {  	s29 =	simm.s32 $0x9;
	_ =	strace $0x80000078  }
0xb2: {  	_ =	swait.ge [sflag:s29], $0x1  }
0xb3: {  	[sflag:s29] =	ssyncadd.s32 $0xFFFFFFFF  }
0xb4: {  	_ =	strace $0x90000078  }
0xb5: {  	_ =	sfence  }
0xb6: {  	s30 =	sld [smem:$0x0];
	_ =	sdelay $0x2  }
0xb7: {  	s31 =	sshll.u32 s1, $0xD;
	s1 =	sshrl.u32 s1, $0x2  }
0xb8: {  	s3 =	sand.u32 $0x4000, s31;
	s1 =	sadd.s32 s1, s30  }
0xb9: {  	s0 =	sor.u32 s3, s0;
	s1 =	sshll.u32 s1, $0x11  }
0xba: {  	s0 =	sor.u32 s1, s0  }
0xbb: {  	s0 =	sadd.s32 $0x8F2B, s0  }
0xbc: {  	[sflag:s0] =	ssyncadd.remote.s32 $0x1  }
0xbd: {  	_ =	sfence.sel $0xFFFF  }
0xbe: {  	[dreg:$0x0] =	wrdreg $0xFFFFFFFF;
	(pc) =	sbr.abs _section_cstart, $3  }
0xbf: {  	[dreg:$0x1] =	wrdreg $0xFFFFFFFF  }
0xc0: {  	_ =	task.clear_ibuf [dreg:s6], $0x2FFFF;
	_ =	strace $0x9FFFFFFF  }
0xc1: {  	(tm) =	ssettm $0x7FFFFFFF  }
tec
execute0_lowered:
.L_overlay_start_1:
0x0: {  	(tag) =	ssettag $0x1  }
0x1: {  	s8 =	rddreg [dreg:$0x0];
	s1 =	stileid.u32  }
0x2: {  	s2 =	srdreg.scid;
	s0 =	rddreg [dreg:$0x1]  }
0x3: {  	_ =	strace $0x80000077;
	s5 =	simm.s32 $0x1;
	s9 =	simm.s32 $0x1  }
0x4: {  	s10 =	simm.s32 $0x3;
	s2 =	sand.u32 $0x1, s2;
	s3 =	sshll.u32 s1, $0x1  }
0x5: {  	s13 =	simm.s32 $0x0;
	s12 =	simm.s32 $0x0;
	s6 =	sor.u32 s3, s2  }
0x6: {  	[sflag:s5] =	ssyncpa.u1 $0x0;
	s2 =	sadd.s32 $0x38000, s8;
	s4 =	smul.u32 $0x50, s6  }
0x7: {  	s3 =	sadd.s32 $0x8C00, s8;
	p0 =	slt.u32 s6, $0x13;
	s6 =	simm.s32 $0xA00  }
.Ltmp0:
0x8: {  	s6 =	simm.s32 @!p0 $0x0;
	s7 =	ssub.s32 $0xFA0, s4;
	(pc) =	sbr.rel .LBB2_1-.Ltmp0, $4  }
0x9: {  	s9 =	simm.s32 @!p0 $0x0;
	p0 =	sne.s32 s7, s6;
	s7 =	simm.s32 $0x1  }
0xa: {  	s8 =	sadd.s32 $0x9A00, s8;
	s6 =	simm.s32 $0x2;
	s7 =	simm.s32 @!p0 $0x0  }
0xb: {  	s11 =	smov.u32 s4;
	[sflag:s6] =	ssyncpa.u1 $0x0;
	s7 =	sadd.s32 s9, s7  }
0xc: {  	vm0 =	vmmov $0xffff;
	[sflag:s10] =	ssyncpa.u1 $0x0;
	s10 =	simm.s32 $0x0;
	s9 =	sadd.s32 $0x1, s7  }
.LBB2_4:
0xd: {  	vm1 =	veq.s32 v4, $0x80000000;
	v56 =	vand.u32 $0x3, v4;
	v6 =	vand.u32 $0x3FFF, v6  }
0xe: {  	v2 =	vor.u32 v2, v5;
	v59 =	vshrl.u32 v1, $0x2;
	v60 =	vand.u32 $0x3, v1  }
0xf: {  	v4 =	vsel vm1, $0xFFFFFFFF, v56;
	v6 =	vsel vm1, $0xFFFFFFFF, v6;
	v2 =	vor.u32 v3, v2  }
0x10: {  	vm1 =	veq.s32 v1, $0x80000000;
	v5 =	vand.u32 $0x3FFF, v59;
	v7 =	vshrl.u32 v4, $0x2  }
0x11: {  	v57 =	vshll.u32 v6, $0x2;
	v4 =	vshll.u32 v4, $0x7;
	v1 =	vsel vm1, $0xFFFFFFFF, v60  }
0x12: {  	v5 =	vsel vm1, $0xFFFFFFFF, v5;
	v6 =	vand.u32 $0x7F, v6;
	v7 =	vmul.u32 $0x9E00, v7  }
0x13: {  	v58 =	vand.u32 $0xFFFFFE00, v57;
	v4 =	vand.u32 $0x180, v4;
	v61 =	vshrl.u32 v1, $0x2  }
0x14: {  	v62 =	vshll.u32 v5, $0x2;
	v3 =	vadd.s32 v7, v58;
	v7 =	vmul.u32 $0x9E00, v61  }
0x15: {  	v1 =	vshll.u32 v1, $0x7;
	v3 =	vor.u32 v4, v3;
	v4 =	vand.u32 $0xFFFFFE00, v62  }
0x16: {  	v1 =	vand.u32 $0x180, v1;
	v3 =	vor.u32 v6, v3;
	v4 =	vadd.s32 v7, v4  }
0x17: {  	[tilespmem:s16], [sflag:$0x1] =	stream.indirect_vreg.gather [hbm4b:s2+s10], $0x1, v0, vm0, $0x4038;
	v63 =	vand.u32 $0x7F, v5;
	v1 =	vor.u32 v1, v4;
	[tilespmem:$0x140] =	vst v63  }
0x18: {  	s15 =	sadd.s32 $0x10, s15;
	(ifvalue) =	ssetifvalue $0x7FFFFFFF;
	v0 =	vor.u32 v63, v1  }
0x19: {  	[tilespmem:s15], [sflag:$0x1] =	stream.indirect_vreg.gather [hbm4b:s2+s10], $0x1, v2, vm0, $0x4038;
	[tilespmem:$0x140] =	vst v63  }
0x1a: {  	s15 =	sadd.s32 $0x10, s15;
	(ifvalue) =	ssetifvalue $0x7FFFFFFF  }
0x1b: {  	[tilespmem:s15], [sflag:$0x1] =	stream.indirect_vreg.gather [hbm4b:s2+s10], $0x1, v3, vm0, $0x4038;
	[tilespmem:$0x140] =	vst v63  }
0x1c: {  	s15 =	sadd.s32 $0x10, s15;
	(ifvalue) =	ssetifvalue $0x7FFFFFFF  }
0x1d: {  	[tilespmem:s15], [sflag:$0x1] =	stream.indirect_vreg.gather [hbm4b:s2+s10], $0x1, v0, vm0, $0x4038;
	[tilespmem:$0x140] =	vst v63  }
0x1e: {  	_ =	swait.ge [sflag:s5], $0x50  }
0x1f: {  	s30 =	sshrl.u32 s13, $0x3;
	[sflag:s5] =	ssyncset.done $0x0  }
0x20: {  	s31 =	sand.u32 $0x7, s13;
	s15 =	sadd.s32 s8, s30;
	[sflag:s5] =	ssyncadd.s32 $0xFFFFFFB0  }
0x21: {  	[hbm4b:s15+s31] =	stream.linear.scatter [tilespmem:s14], [sflag:$0x3], $0x50, $0x38;
	[tilespmem:$0x140] =	vst v63  }
.LBB2_5:
0x22: {  	s15 =	sadd.s32 $0xA00, s11  }
0x23: {  	p1 =	sgt.s32 s15, $0xF9F  }
0x24: {  	s15 =	smov.u32 @p1 s4;
	p1 =	sne.s32 s12, s9  }
.Ltmp1:
0x25: {  	p0 =	slt.u32 s12, $0x2;
	(pc) =	sbr.rel @!p1 .LBB2_6-.Ltmp1, $4  }
0x26: {  	s14 =	simm.s32 @!p0 $0x3  }
0x27: {  	_ =	swait.ge @!p0 [sflag:s14], $0x50  }
0x28: {  	s16 =	sadd.s32 $0x1, s12;
	s13 =	smov.u32 s11;
	[sflag:s14] =	ssyncset.done @!p0 $0x0  }
0x29: {  	s12 =	smov.u32 s16;
	s11 =	smov.u32 s15;
	[sflag:s14] =	ssyncadd.s32 @!p0 $0xFFFFFFB0  }
.LBB2_1:
0x2a: {  	p0 =	sge.u32 s12, s7  }
0x2b: {  	s14 =	sxor.u32 @!p0 $0x1, s12  }
0x2c: {  	s14 =	smul.u32 @!p0 $0x140, s14  }
0x2d: {  	s31 =	sadd.s32 $0xFFFFFFFF, s12;
	s15 =	sshrl.u32 @!p0 s11, $0x3  }
0x2e: {  	s16 =	sand.u32 @!p0 $0x7, s11;
	s15 =	sadd.s32 @!p0 s3, s15;
	s14 =	sshra.s32 @!p0 s14, $0x2  }
0x2f: {  	[tilespmem:s14], [sflag:$0x2] =	stream.linear.gather @!p0 [hbm4b:s15+s16], $0x50, $0x38;
	[tilespmem:$0x140] =	vst v63  }
0x30: {  	p0 =	sge.u32 s31, s7  }
.Ltmp2:
0x31: {  	_ = 	snop;
	(pc) =	sbr.rel @p0 .LBB2_5-.Ltmp2, $1  }
0x32: {  	_ =	sdelay $0x3  }
0x33: {  	s14 =	sand.u32 $0x1, s12  }
0x34: {  	_ =	swait.ge [sflag:s6], $0x50;
	p0 =	seq.s32 s14, $0x1;
	s14 =	simm.s32 $0x50  }
0x35: {  	[sflag:s6] =	ssyncset.done $0x0;
	s14 =	simm.s32 @!p0 $0x0  }
0x36: {  	[sflag:s6] =	ssyncadd.s32 $0xFFFFFFB0;
	(ifvalue) =	ssetifvalue $0x7FFFFFFF;
	v0 =	vld.msk [tilespmem:s14+$0x0 ss:$0x1], $0xffff  }
0x37: {  	s15 =	sadd.s32 $0x10, s14  }
0x38: {  	v1 =	vld.msk [tilespmem:s15+$0x0 ss:$0x1], $0xffff;
	_ =	sdelay $0x2  }
0x39: {  	v2 =	vshrl.u32 v0, $0x2  }
0x3a: {  	vm1 =	veq.s32 v0, $0x80000000;
	v0 =	vand.u32 $0x3, v0;
	v2 =	vand.u32 $0x3FFF, v2  }
0x3b: {  	v0 =	vsel vm1, $0xFFFFFFFF, v0;
	v6 =	vshrl.u32 v1, $0x2;
	v2 =	vsel vm1, $0xFFFFFFFF, v2  }
0x3c: {  	v3 =	vshrl.u32 v0, $0x2;
	v0 =	vshll.u32 v0, $0x7;
	vm1 =	veq.s32 v1, $0x80000000  }
0x3d: {  	s15 =	sadd.s32 $0x10, s15;
	v1 =	vand.u32 $0x3, v1;
	v4 =	vshll.u32 v2, $0x2;
	v3 =	vmul.u32 $0x9E00, v3  }
0x3e: {  	v0 =	vand.u32 $0x180, v0;
	v7 =	vand.u32 $0x7F, v2;
	v5 =	vand.u32 $0xFFFFFE00, v4;
	v4 =	vld.msk [tilespmem:s15+$0x0 ss:$0x1], $0xffff  }
0x3f: {  	v1 =	vsel vm1, $0xFFFFFFFF, v1;
	v2 =	vadd.s32 v3, v5;
	v3 =	vand.u32 $0x3FFF, v6  }
0x40: {  	v3 =	vsel vm1, $0xFFFFFFFF, v3;
	v0 =	vor.u32 v0, v2;
	v2 =	vshrl.u32 v1, $0x2  }
0x41: {  	v1 =	vshll.u32 v1, $0x7;
	v5 =	vshll.u32 v3, $0x2;
	v8 =	vmul.u32 $0x9E00, v2  }
0x42: {  	s18 =	simm.s32 $0x30;
	s14 =	sor.u32 $0xA0, s14;
	s17 =	sadd.s32 $0x10, s15;
	v2 =	vand.u32 $0x180, v1;
	v0 =	vor.u32 v7, v0;
	v5 =	vand.u32 $0xFFFFFE00, v5  }
0x43: {  	s16 =	smov.u32 s14;
	s15 =	smov.u32 s14;
	v1 =	vld.msk [tilespmem:s17+$0x0 ss:$0x1], $0xffff;
	v3 =	vand.u32 $0x7F, v3;
	(ifvalue) =	ssetifvalue $0x7FFFFFFF;
	v6 =	vshrl.u32 v4, $0x2;
	v5 =	vadd.s32 v8, v5  }
.LBB2_3:
0x44: {  	s18 =	sadd.s32 $0x10, s18  }
0x45: {  	vm1 =	veq.s32 v4, $0x80000000;
	v4 =	vand.u32 $0x3, v4;
	v6 =	vand.u32 $0x3FFF, v6;
	s15 =	sadd.s32 $0x10, s15;
	p0 =	slt.u32 s18, $0x40  }
.Ltmp3:
0x46: {  	v5 =	vor.u32 v2, v5;
	v4 =	vsel vm1, $0xFFFFFFFF, v4;
	v7 =	vsel vm1, $0xFFFFFFFF, v6;
	(pc) =	sbr.rel @p0 .LBB2_3-.Ltmp3, $4  }
0x47: {  	v2 =	vshrl.u32 v4, $0x2;
	v6 =	vshll.u32 v7, $0x2;
	v4 =	vshll.u32 v4, $0x7;
	[tilespmem:s16], [sflag:$0x1] =	stream.indirect_vreg.gather [hbm4b:s2+s10], $0x1, v0, vm0, $0x4038;
	[tilespmem:$0x140] =	vst v63  }
0x48: {  	v0 =	vor.u32 v3, v5;
	s16 =	smov.u32 s15;
	v8 =	vmul.u32 $0x9E00, v2;
	v2 =	vand.u32 $0x180, v4  }
0x49: {  	s17 =	sadd.s32 $0x10, s17;
	v9 =	vand.u32 $0xFFFFFE00, v6  }
0x4a: {  	v3 =	vand.u32 $0x7F, v7;
	v6 =	vshrl.u32 v1, $0x2;
	v5 =	vadd.s32 v8, v9;
	(ifvalue) =	ssetifvalue $0x7FFFFFFF;
	v4 =	vmovc v1;
	v1 =	vld.msk [tilespmem:s17+$0x0 ss:$0x1], $0xffff  }
.Ltmp4:
0x4b: {  	_ = 	snop;
	(pc) =	sbr.rel .LBB2_4-.Ltmp4, $1  }
0x4c: {  	_ =	sdelay $0x3  }
.LBB2_6:
0x4d: {  	_ =	sfence.sel $0x180000  }
0x4e: {  	s2 =	simm.s32 $0x2;
	[bflag:$0x0] =	sbarrier.arrive $0xFFFF  }
0x4f: {  	s30 =	simm.s32 $0x3;
	[sflag:s2] =	ssyncpa.u1 $0x1  }
0x50: {  	s31 =	simm.s32 $0x1;
	[sflag:s30] =	ssyncpa.u1 $0x1  }
0x51: {  	[sflag:s31] =	ssyncpa.u1 $0x1  }
0x52: {  	p0 =	sne.s32 s1, $0x0;
	_ =	strace $0x90000077  }
0x53: {  	s0 =	sadd.s32 @!p0 $0x100000, s0;
	[bflag:$0x2] =	sbarrier.arrive $0xFFFF  }
0x54: {  	[sflag:s0] =	ssyncadd.tile.s32 @!p0 $0x1;
	_ =	shalt  }
.Lfunc_end2:
_tile_overlayer_lowered:
.L_overlay_start_2:
0x55: {  	(tag) =	ssettag $0x2  }
0x56: {  	s0 =	rddreg [dreg:$0x0];
	s2 =	stileid.u32  }
0x57: {  	s1 =	rddreg [dreg:$0x1];
	p0 =	sne.s32 s2, $0x0  }
0x58: {  	s3 =	rddreg [dreg:$0x2];
	[bflag:$0x3] =	sbarrier.arrive $0xFFFF;
	s2 =	simm.s32 @!p0 $0x1C01  }
0x59: {  	[timem:s3], [sflag:s2] =	dma.local @!p0 [hbm:s0], s1  }
0x5a: {  	s0 =	simm.s32 @!p0 $0x1  }
0x5b: {  	_ =	swait.ge @!p0 [sflag:s0], s1  }
0x5c: {  	s1 =	ssub.s32 @!p0 $0x0, s1;
	[sflag:s0] =	ssyncset.done @!p0 $0x0  }
0x5d: {  	[sflag:s0] =	ssyncadd.s32 @!p0 s1  }
0x5e: {  	[bflag:$0x3] =	sbarrier.arrive $0xFFFF  }
0x5f: {  	_ =	shalt  }

// kernel: gather_offload_async_start.5
scs
__scs_entry_jumppad:
0x0: {  	(pc) =	sbr.rel $0x88, $3  }
0x1: {  	(tag) =	ssettag $0x0;
	lr =	simm.s32 $0x1  }
0x2: {  	[smem:$0x3F83] =	sst lr;
	_ =	strace $0xD0000000  }
0x3: {  	_ = 	snop  }
0x4: {  	_ = 	snop  }
0x5: {  	_ = 	snop  }
0x6: {  	_ = 	snop  }
0x7: {  	_ = 	snop  }
__scs_overlays_trampoline_lowered:
0x8: {  	[smem:$0x3F92] =	sst s0  }
0x9: {  	[smem:$0x3F93] =	sst s1  }
0xa: {  	[smem:$0x3F94] =	sst s2  }
0xb: {  	[smem:$0x3F95] =	sst s3  }
0xc: {  	[smem:$0x3F96] =	sst s4  }
0xd: {  	[smem:$0x3F97] =	sst s5  }
0xe: {  	[smem:$0x3F98] =	sst s6  }
0xf: {  	[smem:$0x3F99] =	sst s7  }
0x10: {  	[smem:$0x3F9A] =	sst s8  }
0x11: {  	[smem:$0x3F9B] =	sst s9;
	s0 =	simm.s32 @!p0 $0x0  }
0x12: {  	s1 =	sld [smem:$0x3F81];
	s0 =	simm.s32 @p0 $0x1  }
0x13: {  	[smem:$0x3F9C] =	sst s0;
	s0 =	simm.s32 @!p1 $0x0  }
0x14: {  	s2 =	sld [smem:$0x3F80];
	s0 =	simm.s32 @p1 $0x1  }
0x15: {  	[smem:$0x3F9D] =	sst s0;
	s0 =	simm.s32 @!p2 $0x0  }
0x16: {  	s3 =	sld [smem:$0x3FDB];
	s0 =	simm.s32 @p2 $0x1  }
0x17: {  	s4 =	simm.s32 $0x1BF5;
	[smem:$0x3F9F] =	sst s0  }
0x18: {  	s0 =	sld [smem:$0x3F82];
	_ =	swait.ge [sflag:s4], $0x0  }
0x19: {  	s7 =	sld [smem:$0x3F83]  }
0x1a: {  	s8 =	sadd.s32 $0xFFFFE003, lr  }
0x1b: {  	s9 =	sadd.s32 $0xFFFFFEF7, lr;
	s5 =	simm.s32 $0xFFFFFFFF;
	p2 =	slt.u32 s8, $0xFFFFF086  }
0x1c: {  	p1 =	slt.u32 s9, $0xF7A;
	s5 =	simm.s32 @!p2 $0x0  }
0x1d: {  	s5 =	simm.s32 @p1 $0x1;
	p0 =	seq.s32 s7, s2  }
0x1e: {  	s7 =	smul.u32 @!p0 $0xF7A, s2;
	p2 =	seq.s32 @!p0 s5, $0x0  }
0x1f: {  	s9 =	smul.u32 $0xF7A, s1;
	s8 =	simm.s32 @!p0 $0x1BF5;
	p2 =	por !p2, p0  }
0x20: {  	[sflag:s8] =	ssyncset.s32 @!p0 $0xFFFFF086;
	s6 =	sadd.s32 @!p0 s3, s7;
	s7 =	simm.s32 @!p0 $0x108  }
0x21: {  	s3 =	sadd.s32 s3, s9;
	s6 =	sadd.s32 @!p0 $0x88, s6;
	s7 =	simm.s32 @p2 $0x1082  }
0x22: {  	[simem:s7], [sflag:s8] =	dma.local @!p0 [hbm:s6], $0xF7A  }
0x23: {  	s9 =	sor.u32 $0xD0000000, s2;
	s6 =	simm.s32 $0x108;
	_ =	swait.ge @!p0 [sflag:s8], $0x0  }
0x24: {  	s3 =	sadd.s32 $0x88, s3;
	s6 =	simm.s32 @!p1 $0x1082;
	[sflag:s4] =	ssyncset.s32 $0xFFFFF086  }
0x25: {  	[simem:s6], [sflag:s4] =	dma.local [hbm:s3], $0xF7A  }
0x26: {  	[smem:$0x3F83] =	sst s1;
	(tag) =	ssettag s2;
	_ =	strace s9  }
0x27: {  	s1 =	sld [smem:$0x3F93]  }
0x28: {  	s2 =	sld [smem:$0x3F94]  }
0x29: {  	s4 =	sld [smem:$0x3F96]  }
0x2a: {  	p0 =	seq.s32 s5, $0x0;
	s5 =	sld [smem:$0x3F97]  }
0x2b: {  	s6 =	sld [smem:$0x3F98]  }
0x2c: {  	s7 =	sld [smem:$0x3F99]  }
0x2d: {  	s3 =	simm.s32 $0x108;
	s8 =	sld [smem:$0x3F9A]  }
0x2e: {  	s3 =	simm.s32 @!p0 $0x1082;
	s9 =	sld [smem:$0x3F9B]  }
0x2f: {  	lr =	sadd.s32 s0, s3;
	s0 =	sld [smem:$0x3F92]  }
0x30: {  	s3 =	sld [smem:$0x3F95]  }
0x31: {  	[smem:$0x3F9E] =	sst s10  }
0x32: {  	s10 =	sld [smem:$0x3F9C];
	_ =	sdelay $0x3  }
0x33: {  	p0 =	seq.s32 s10, $0x1;
	s10 =	sld [smem:$0x3F9E];
	_ =	sdelay $0x3  }
0x34: {  	[smem:$0x3F9E] =	sst s10  }
0x35: {  	s10 =	sld [smem:$0x3F9D];
	_ =	sdelay $0x3  }
0x36: {  	p1 =	seq.s32 s10, $0x1;
	s10 =	sld [smem:$0x3F9E];
	_ =	sdelay $0x3  }
0x37: {  	[smem:$0x3F9E] =	sst s10  }
0x38: {  	s10 =	sld [smem:$0x3F9F]  }
0x39: {  	_ = 	snop;
	(pc) =	sbr.ind lr, $3  }
0x3a: {  	_ = 	snop  }
0x3b: {  	_ = 	snop  }
0x3c: {  	p2 =	seq.s32 s10, $0x1;
	s10 =	sld [smem:$0x3F9E]  }
0x3d: {  	_ =	shalt  }
0x3e: {  	_ =	shalt  }
0x3f: {  	_ =	shalt  }
0x40: {  	_ =	shalt  }
0x41: {  	_ =	shalt  }
0x42: {  	_ =	shalt  }
0x43: {  	_ =	shalt  }
0x44: {  	_ =	shalt  }
0x45: {  	_ =	shalt  }
0x46: {  	_ =	shalt  }
0x47: {  	_ =	shalt  }
0x48: {  	_ =	shalt  }
0x49: {  	_ =	shalt  }
0x4a: {  	_ =	shalt  }
0x4b: {  	_ =	shalt  }
0x4c: {  	_ =	shalt  }
0x4d: {  	_ =	shalt  }
0x4e: {  	_ =	shalt  }
0x4f: {  	_ =	shalt  }
0x50: {  	_ =	shalt  }
0x51: {  	_ =	shalt  }
0x52: {  	_ =	shalt  }
0x53: {  	_ =	shalt  }
0x54: {  	_ =	shalt  }
0x55: {  	_ =	shalt  }
0x56: {  	_ =	shalt  }
0x57: {  	_ =	shalt  }
0x58: {  	_ =	shalt  }
0x59: {  	_ =	shalt  }
0x5a: {  	_ =	shalt  }
0x5b: {  	_ =	shalt  }
0x5c: {  	_ =	shalt  }
0x5d: {  	_ =	shalt  }
0x5e: {  	_ =	shalt  }
0x5f: {  	_ =	shalt  }
0x60: {  	_ =	shalt  }
0x61: {  	_ =	shalt  }
0x62: {  	_ =	shalt  }
0x63: {  	_ =	shalt  }
0x64: {  	_ =	shalt  }
0x65: {  	_ =	shalt  }
0x66: {  	_ =	shalt  }
0x67: {  	_ =	shalt  }
0x68: {  	_ =	shalt  }
0x69: {  	_ =	shalt  }
0x6a: {  	_ =	shalt  }
0x6b: {  	_ =	shalt  }
0x6c: {  	_ =	shalt  }
0x6d: {  	_ =	shalt  }
0x6e: {  	_ =	shalt  }
0x6f: {  	_ =	shalt  }
0x70: {  	_ =	shalt  }
0x71: {  	_ =	shalt  }
0x72: {  	_ =	shalt  }
0x73: {  	_ =	shalt  }
0x74: {  	_ =	shalt  }
0x75: {  	_ =	shalt  }
0x76: {  	_ =	shalt  }
0x77: {  	_ =	shalt  }
0x78: {  	_ =	shalt  }
0x79: {  	_ =	shalt  }
0x7a: {  	_ =	shalt  }
0x7b: {  	_ =	shalt  }
0x7c: {  	_ =	shalt  }
0x7d: {  	_ =	shalt  }
0x7e: {  	_ =	shalt  }
0x7f: {  	_ =	shalt  }
0x80: {  	_ =	shalt  }
0x81: {  	_ =	shalt  }
0x82: {  	_ =	shalt  }
0x83: {  	_ =	shalt  }
0x84: {  	_ =	shalt  }
0x85: {  	_ =	shalt  }
0x86: {  	_ =	shalt  }
0x87: {  	_ =	shalt  }
.Lfunc_end0:
.L_simem_size_0:
called_computation.5_lowered:
.L_overlay_start_0:
0x88: {  	s2 =	sld [smem:$0x3FD9]  }
0x89: {  	s3 =	sld [smem:$0x3FFE];
	_ =	sdelay $0x1  }
0x8a: {  	s1 =	srdreg.scid  }
0x8b: {  	s0 =	sand.u32 $0x1, s1  }
0x8c: {  	s16 =	sshll.u32 s0, $0xA;
	s2 =	sadd.s32 s3, s2  }
0x8d: {  	s2 =	sadd.s32 s2, s16  }
0x8e: {  	[smem:$0x3FAA] =	sst s2  }
0x8f: {  	_ = 	snop  }
0x90: {  	(tm) =	ssettm $0x1  }
0x91: {  	s17 =	sld [smem:$0x3FFB];
	_ =	sdelay $0x3  }
0x92: {  	_ =	strace s17  }
0x93: {  	s2 =	sld [smem:$0x3FFC];
	_ =	sdelay $0x3  }
0x94: {  	_ =	strace s2  }
0x95: {  	s2 =	sld [smem:$0x3FFD];
	_ =	sdelay $0x3  }
0x96: {  	_ =	strace s2  }
0x97: {  	_ =	strace $0x8FFFFFFF  }
0x98: {  	s18 =	sld [smem:$0x3FDB];
	_ =	sdelay $0x1  }
0x99: {  	s19 =	simm.s32 $_scs_section_size  }
0x9a: {  	s4 =	simm.s32 $_size__tile_overlayer_lowered;
	s5 =	simm.s32 $_tile_overlayer_lowered  }
0x9b: {  	s22 =	simm.s32 $0x1BFF;
	s21 =	sshll.u32 s5, $0x1;
	s2 =	sadd.s32 s19, s18  }
0x9c: {  	s6 =	simm.s32 $0x0;
	s20 =	sshll.u32 s4, $0x1;
	s4 =	sadd.s32 s21, s2  }
0x9d: {  	[timem:s6], [sflag:s22] =	dma.local [hbm:s4], s20  }
0x9e: {  	_ =	swait.ge [sflag:s22], s20  }
0x9f: {  	s3 =	ssub.s32 $0x0, s20;
	[sflag:s22] =	ssyncset.done $0x0  }
0xa0: {  	[sflag:s22] =	ssyncadd.s32 s3;
	_ =	sdelay $0x1  }
0xa1: {  	s23 =	simm.s32 $0x1B8B  }
0xa2: {  	_ =	swait.ge [sflag:s23], $0x1  }
0xa3: {  	[sflag:s23] =	ssyncset.done $0x0  }
0xa4: {  	s25 =	simm.s32 $0x1B8E;
	s24 =	sld [smem:$0x3FFE];
	[sflag:s23] =	ssyncadd.s32 $0xFFFFFFFF  }
0xa5: {  	s26 =	simm.s32 $execute0_lowered;
	[smem:$0x3FD2] =	sst s25  }
0xa6: {  	s4 =	sshll.u32 s26, $0x1;
	_ =	strace $0x80000073;
	[dreg:$0x1] =	wrdreg $0xFFFFFFFF  }
0xa7: {  	s28 =	simm.s32 $_size_execute0_lowered;
	s2 =	sadd.s32 s2, s4;
	[dreg:$0x0] =	wrdreg $0x0  }
0xa8: {  	s4 =	sshll.u32 s28, $0x1;
	[dreg:$0x2] =	wrdreg s2  }
0xa9: {  	[dreg:$0x3] =	wrdreg s4  }
0xaa: {  	[dreg:$0x4] =	wrdreg $0xC0  }
0xab: {  	_ =	task [dreg:s6], $0x5FFFF  }
0xac: {  	[dreg:$0x1] =	wrdreg $0xFFFFFFFF  }
0xad: {  	[dreg:$0x0] =	wrdreg $0x60  }
0xae: {  	[dreg:$0x2] =	wrdreg s24  }
0xaf: {  	[dreg:$0x3] =	wrdreg $0x9  }
0xb0: {  	_ =	task.clear_ibuf [dreg:s6], $0x4FFFF;
	_ =	strace $0x90000073  }
0xb1: {  	s29 =	simm.s32 $0x9;
	_ =	strace $0x80000075  }
0xb2: {  	_ =	swait.ge [sflag:s29], $0x1  }
0xb3: {  	[sflag:s29] =	ssyncadd.s32 $0xFFFFFFFF  }
0xb4: {  	_ =	strace $0x90000075  }
0xb5: {  	_ =	sfence  }
0xb6: {  	s30 =	sld [smem:$0x0];
	_ =	sdelay $0x2  }
0xb7: {  	s31 =	sshll.u32 s1, $0xD;
	s1 =	sshrl.u32 s1, $0x2  }
0xb8: {  	s3 =	sand.u32 $0x4000, s31;
	s1 =	sadd.s32 s1, s30  }
0xb9: {  	s0 =	sor.u32 s3, s0;
	s1 =	sshll.u32 s1, $0x11  }
0xba: {  	s0 =	sor.u32 s1, s0  }
0xbb: {  	s0 =	sadd.s32 $0x8F2B, s0  }
0xbc: {  	[sflag:s0] =	ssyncadd.remote.s32 $0x1  }
0xbd: {  	_ =	sfence.sel $0xFFFF  }
0xbe: {  	[dreg:$0x0] =	wrdreg $0xFFFFFFFF;
	(pc) =	sbr.abs _section_cstart, $3  }
0xbf: {  	[dreg:$0x1] =	wrdreg $0xFFFFFFFF  }
0xc0: {  	_ =	task.clear_ibuf [dreg:s6], $0x2FFFF;
	_ =	strace $0x9FFFFFFF  }
0xc1: {  	(tm) =	ssettm $0x7FFFFFFF  }
tec
execute0_lowered:
.L_overlay_start_1:
0x0: {  	(tag) =	ssettag $0x1  }
0x1: {  	s8 =	rddreg [dreg:$0x0];
	s1 =	stileid.u32  }
0x2: {  	s2 =	srdreg.scid;
	s0 =	rddreg [dreg:$0x1]  }
0x3: {  	_ =	strace $0x80000074;
	s5 =	simm.s32 $0x1;
	s9 =	simm.s32 $0x1  }
0x4: {  	s10 =	simm.s32 $0x3;
	s2 =	sand.u32 $0x1, s2;
	s3 =	sshll.u32 s1, $0x1  }
0x5: {  	s13 =	simm.s32 $0x0;
	s12 =	simm.s32 $0x0;
	s6 =	sor.u32 s3, s2  }
0x6: {  	[sflag:s5] =	ssyncpa.u1 $0x0;
	s2 =	sadd.s32 $0x30800, s8;
	s4 =	smul.u32 $0x190, s6  }
0x7: {  	s3 =	sadd.s32 $0x30000, s8;
	p0 =	slt.u32 s6, $0x9;
	s6 =	simm.s32 $0x3200  }
.Ltmp0:
0x8: {  	s6 =	simm.s32 @!p0 $0x0;
	s7 =	ssub.s32 $0x3E80, s4;
	(pc) =	sbr.rel .LBB2_1-.Ltmp0, $4  }
0x9: {  	s9 =	simm.s32 @!p0 $0x0;
	p0 =	sne.s32 s7, s6;
	s7 =	simm.s32 $0x1  }
0xa: {  	s8 =	sadd.s32 $0x9A00, s8;
	s6 =	simm.s32 $0x2;
	s7 =	simm.s32 @!p0 $0x0  }
0xb: {  	s11 =	smov.u32 s4;
	[sflag:s6] =	ssyncpa.u1 $0x0;
	s7 =	sadd.s32 s9, s7  }
0xc: {  	vm0 =	vmmov $0xffff;
	[sflag:s10] =	ssyncpa.u1 $0x0;
	s10 =	simm.s32 $0x0;
	s9 =	sadd.s32 $0x1, s7  }
.LBB2_4:
0xd: {  	v6 =	vand.u32 $0x7F, v3;
	v4 =	vsel vm1, $0xFFFF6200, v4  }
0xe: {  	v5 =	vmul.u32 $0x9E00, v5;
	vm1 =	vmmov vm2;
	v56 =	vshll.u32 v3, $0x2  }
0xf: {  	v7 =	vand.u32 $0x3, v1;
	v2 =	vshll.u32 v2, $0x7;
	v57 =	vshrl.u32 v1, $0x2  }
0x10: {  	v58 =	vshrl.u32 v1, $0x4;
	v4 =	vor.u32 v4, v6;
	v3 =	vand.u32 $0xFFFFFE00, v56  }
0x11: {  	v2 =	vand.u32 $0x180, v2;
	v4 =	vadd.s32 v5, v4;
	v5 =	vand.u32 $0x3, v57  }
0x12: {  	v1 =	vand.u32 $0x3FFF, v58;
	v59 =	vmul.u32 $0x9E00, v7;
	v5 =	vsel vm1, $0xFFFFFFFF, v5  }
0x13: {  	v1 =	vsel vm1, $0xFFFFFFFF, v1;
	v3 =	vadd.s32 v3, v4;
	v60 =	vshrl.u32 v5, $0x2  }
0x14: {  	v61 =	vand.u32 $0x7F, v1;
	v6 =	vsel vm1, $0xFFFF6200, v59;
	v4 =	vmul.u32 $0x9E00, v60  }
0x15: {  	v1 =	vshll.u32 v1, $0x2;
	v2 =	vor.u32 v2, v3;
	v62 =	vor.u32 v6, v61  }
0x16: {  	v1 =	vand.u32 $0xFFFFFE00, v1;
	v5 =	vshll.u32 v5, $0x7;
	v3 =	vadd.s32 v4, v62  }
0x17: {  	v63 =	vand.u32 $0x180, v5;
	v1 =	vadd.s32 v1, v3  }
0x18: {  	(ifvalue) =	ssetifvalue $0x7FFFFFFF;
	s15 =	sadd.s32 $0x10, s15;
	v1 =	vor.u32 v63, v1  }
0x19: {  	[tilespmem:s15], [sflag:$0x1] =	stream.indirect_vreg.gather [hbm4b:s2+s10], $0x1, v0, vm0, $0x4038;
	[tilespmem:$0x640] =	vst v63  }
0x1a: {  	(ifvalue) =	ssetifvalue $0x7FFFFFFF;
	s15 =	sadd.s32 $0x10, s15  }
0x1b: {  	[tilespmem:s15], [sflag:$0x1] =	stream.indirect_vreg.gather [hbm4b:s2+s10], $0x1, v2, vm0, $0x4038;
	[tilespmem:$0x640] =	vst v63  }
0x1c: {  	(ifvalue) =	ssetifvalue $0x7FFFFFFF;
	s15 =	sadd.s32 $0x10, s15  }
0x1d: {  	[tilespmem:s15], [sflag:$0x1] =	stream.indirect_vreg.gather [hbm4b:s2+s10], $0x1, v1, vm0, $0x4038;
	[tilespmem:$0x640] =	vst v63  }
0x1e: {  	_ =	swait.ge [sflag:s5], $0x190  }
0x1f: {  	s30 =	sshrl.u32 s13, $0x3;
	[sflag:s5] =	ssyncset.done $0x0  }
0x20: {  	s31 =	sand.u32 $0x7, s13;
	s15 =	sadd.s32 s8, s30;
	[sflag:s5] =	ssyncadd.s32 $0xFFFFFE70  }
0x21: {  	[hbm4b:s15+s31] =	stream.linear.scatter [tilespmem:s14], [sflag:$0x3], $0x190, $0x38;
	[tilespmem:$0x640] =	vst v63  }
.LBB2_5:
0x22: {  	s15 =	sadd.s32 $0x3200, s11  }
0x23: {  	p1 =	sgt.s32 s15, $0x3E7F  }
0x24: {  	s15 =	smov.u32 @p1 s4;
	p1 =	sne.s32 s12, s9  }
.Ltmp1:
0x25: {  	p0 =	slt.u32 s12, $0x2;
	(pc) =	sbr.rel @!p1 .LBB2_6-.Ltmp1, $4  }
0x26: {  	s14 =	simm.s32 @!p0 $0x3  }
0x27: {  	_ =	swait.ge @!p0 [sflag:s14], $0x190  }
0x28: {  	s16 =	sadd.s32 $0x1, s12;
	s13 =	smov.u32 s11;
	[sflag:s14] =	ssyncset.done @!p0 $0x0  }
0x29: {  	s12 =	smov.u32 s16;
	s11 =	smov.u32 s15;
	[sflag:s14] =	ssyncadd.s32 @!p0 $0xFFFFFE70  }
.LBB2_1:
0x2a: {  	p0 =	sge.u32 s12, s7  }
0x2b: {  	s14 =	sxor.u32 @!p0 $0x1, s12  }
0x2c: {  	s14 =	smul.u32 @!p0 $0x640, s14  }
0x2d: {  	s31 =	sadd.s32 $0xFFFFFFFF, s12;
	s15 =	sshrl.u32 @!p0 s11, $0x3  }
0x2e: {  	s16 =	sand.u32 @!p0 $0x7, s11;
	s15 =	sadd.s32 @!p0 s3, s15;
	s14 =	sshra.s32 @!p0 s14, $0x2  }
0x2f: {  	[tilespmem:s14], [sflag:$0x2] =	stream.linear.gather @!p0 [hbm4b:s15+s16], $0x190, $0x38;
	[tilespmem:$0x640] =	vst v63  }
0x30: {  	p0 =	sge.u32 s31, s7  }
.Ltmp2:
0x31: {  	_ = 	snop;
	(pc) =	sbr.rel @p0 .LBB2_5-.Ltmp2, $1  }
0x32: {  	_ =	sdelay $0x3  }
0x33: {  	s14 =	sand.u32 $0x1, s12  }
0x34: {  	_ =	swait.ge [sflag:s6], $0x190;
	p0 =	seq.s32 s14, $0x1;
	s14 =	simm.s32 $0x190  }
0x35: {  	[sflag:s6] =	ssyncset.done $0x0;
	s14 =	simm.s32 @!p0 $0x0  }
0x36: {  	[sflag:s6] =	ssyncadd.s32 $0xFFFFFE70;
	(ifvalue) =	ssetifvalue $0x7FFFFFFF;
	v0 =	vld.msk [tilespmem:s14+$0x0 ss:$0x1], $0xffff;
	_ =	sdelay $0x1  }
0x37: {  	s15 =	sadd.s32 $0x10, s14  }
0x38: {  	v1 =	vld.msk [tilespmem:s15+$0x0 ss:$0x1], $0xffff;
	s15 =	sadd.s32 $0x10, s15  }
0x39: {  	v6 =	vld.msk [tilespmem:s15+$0x0 ss:$0x1], $0xffff  }
0x3a: {  	vm1 =	veq.s32 v0, $0x80000000;
	v2 =	vand.u32 $0x3, v0  }
0x3b: {  	v3 =	vshrl.u32 v0, $0x2;
	v0 =	vshrl.u32 v0, $0x4;
	vm1 =	vmmov vm1  }
0x3c: {  	v3 =	vand.u32 $0x3, v3;
	v0 =	vand.u32 $0x3FFF, v0;
	v2 =	vmul.u32 $0x9E00, v2  }
0x3d: {  	vm2 =	veq.s32 v1, $0x80000000;
	v7 =	vand.u32 $0x3, v1;
	v3 =	vsel vm1, $0xFFFFFFFF, v3  }
0x3e: {  	v0 =	vsel vm1, $0xFFFFFFFF, v0;
	v8 =	vand.u32 $0x3, v6;
	v4 =	vshrl.u32 v3, $0x2  }
0x3f: {  	v5 =	vand.u32 $0x7F, v0;
	v2 =	vsel vm1, $0xFFFF6200, v2;
	vm1 =	vmmov vm2  }
0x40: {  	v0 =	vshll.u32 v0, $0x2;
	v3 =	vshll.u32 v3, $0x7;
	v4 =	vmul.u32 $0x9E00, v4  }
0x41: {  	v2 =	vor.u32 v2, v5;
	v0 =	vand.u32 $0xFFFFFE00, v0;
	v3 =	vand.u32 $0x180, v3  }
0x42: {  	v2 =	vadd.s32 v4, v2;
	v4 =	vshrl.u32 v1, $0x2;
	v1 =	vshrl.u32 v1, $0x4  }
0x43: {  	v0 =	vadd.s32 v0, v2;
	v2 =	vand.u32 $0x3, v4;
	v1 =	vand.u32 $0x3FFF, v1  }
0x44: {  	v0 =	vor.u32 v3, v0;
	v2 =	vsel vm1, $0xFFFFFFFF, v2;
	v3 =	vmul.u32 $0x9E00, v7  }
0x45: {  	vm2 =	veq.s32 v6, $0x80000000;
	v4 =	vsel vm1, $0xFFFFFFFF, v1;
	v1 =	vshrl.u32 v2, $0x2  }
0x46: {  	s15 =	sadd.s32 $0x10, s15;
	v5 =	vand.u32 $0x7F, v4;
	v3 =	vsel vm1, $0xFFFF6200, v3;
	v7 =	vmul.u32 $0x9E00, v1  }
0x47: {  	v4 =	vshll.u32 v4, $0x2;
	v2 =	vshll.u32 v2, $0x7;
	v1 =	vld.msk [tilespmem:s15+$0x0 ss:$0x1], $0xffff;
	v3 =	vor.u32 v3, v5  }
0x48: {  	vm1 =	vmmov vm2;
	v4 =	vand.u32 $0xFFFFFE00, v4;
	v3 =	vadd.s32 v7, v3  }
0x49: {  	s14 =	sadd.s32 $0x320, s14;
	(ifvalue) =	ssetifvalue $0x7FFFFFFF;
	v2 =	vand.u32 $0x180, v2;
	v5 =	vshrl.u32 v6, $0x2;
	v3 =	vadd.s32 v4, v3  }
0x4a: {  	[tilespmem:s14], [sflag:$0x1] =	stream.indirect_vreg.gather [hbm4b:s2+s10], $0x1, v0, vm0, $0x4038;
	v4 =	vand.u32 $0x3, v5;
	v5 =	vshrl.u32 v6, $0x4;
	v0 =	vor.u32 v2, v3;
	[tilespmem:$0x640] =	vst v63  }
0x4b: {  	v2 =	vsel vm1, $0xFFFFFFFF, v4;
	v3 =	vand.u32 $0x3FFF, v5;
	v4 =	vmul.u32 $0x9E00, v8  }
0x4c: {  	s16 =	simm.s32 $0x30;
	s17 =	sadd.s32 $0x10, s15;
	s15 =	smov.u32 s14;
	vm2 =	veq.s32 v1, $0x80000000;
	v3 =	vsel vm1, $0xFFFFFFFF, v3;
	v5 =	vshrl.u32 v2, $0x2  }
.LBB2_3:
0x4d: {  	v7 =	vand.u32 $0x7F, v3  }
0x4e: {  	v6 =	vld.msk [tilespmem:s17+$0x0 ss:$0x1], $0xffff;
	v4 =	vsel vm1, $0xFFFF6200, v4;
	v5 =	vmul.u32 $0x9E00, v5;
	vm1 =	vmmov vm2;
	s16 =	sadd.s32 $0x10, s16  }
0x4f: {  	v8 =	vand.u32 $0x3, v1;
	v3 =	vshll.u32 v3, $0x2;
	s15 =	sadd.s32 $0x10, s15;
	v4 =	vor.u32 v4, v7;
	(ifvalue) =	ssetifvalue $0x7FFFFFFF;
	p0 =	slt.u32 s16, $0x180  }
0x50: {  	[tilespmem:s15], [sflag:$0x1] =	stream.indirect_vreg.gather [hbm4b:s2+s10], $0x1, v0, vm0, $0x4038;
	[tilespmem:$0x640] =	vst v63  }
.Ltmp3:
0x51: {  	v2 =	vshll.u32 v2, $0x7;
	v3 =	vand.u32 $0xFFFFFE00, v3;
	v4 =	vadd.s32 v5, v4;
	(pc) =	sbr.rel @p0 .LBB2_3-.Ltmp3, $4  }
0x52: {  	v2 =	vand.u32 $0x180, v2;
	v0 =	vshrl.u32 v1, $0x2;
	v3 =	vadd.s32 v3, v4  }
0x53: {  	v9 =	vshrl.u32 v1, $0x4;
	v4 =	vand.u32 $0x3, v0;
	v0 =	vor.u32 v2, v3  }
0x54: {  	v7 =	vand.u32 $0x3FFF, v9;
	v2 =	vsel vm1, $0xFFFFFFFF, v4;
	v4 =	vmul.u32 $0x9E00, v8  }
0x55: {  	s17 =	sadd.s32 $0x10, s17;
	v3 =	vsel vm1, $0xFFFFFFFF, v7;
	vm2 =	veq.s32 v6, $0x80000000;
	v5 =	vshrl.u32 v2, $0x2;
	v1 =	vmovc v6  }
.Ltmp4:
0x56: {  	_ = 	snop;
	(pc) =	sbr.rel .LBB2_4-.Ltmp4, $1  }
0x57: {  	_ =	sdelay $0x3  }
.LBB2_6:
0x58: {  	_ =	sfence.sel $0x180000  }
0x59: {  	s2 =	simm.s32 $0x2;
	[bflag:$0x0] =	sbarrier.arrive $0xFFFF  }
0x5a: {  	s30 =	simm.s32 $0x3;
	[sflag:s2] =	ssyncpa.u1 $0x1  }
0x5b: {  	s31 =	simm.s32 $0x1;
	[sflag:s30] =	ssyncpa.u1 $0x1  }
0x5c: {  	[sflag:s31] =	ssyncpa.u1 $0x1  }
0x5d: {  	p0 =	sne.s32 s1, $0x0;
	_ =	strace $0x90000074  }
0x5e: {  	s0 =	sadd.s32 @!p0 $0x100000, s0;
	[bflag:$0x2] =	sbarrier.arrive $0xFFFF  }
0x5f: {  	[sflag:s0] =	ssyncadd.tile.s32 @!p0 $0x1;
	_ =	shalt  }
.Lfunc_end2:
_tile_overlayer_lowered:
.L_overlay_start_2:
0x60: {  	(tag) =	ssettag $0x2  }
0x61: {  	s0 =	rddreg [dreg:$0x0];
	s2 =	stileid.u32  }
0x62: {  	s1 =	rddreg [dreg:$0x1];
	p0 =	sne.s32 s2, $0x0  }
0x63: {  	s3 =	rddreg [dreg:$0x2];
	[bflag:$0x3] =	sbarrier.arrive $0xFFFF;
	s2 =	simm.s32 @!p0 $0x1C01  }
0x64: {  	[timem:s3], [sflag:s2] =	dma.local @!p0 [hbm:s0], s1  }
0x65: {  	s0 =	simm.s32 @!p0 $0x1  }
0x66: {  	_ =	swait.ge @!p0 [sflag:s0], s1  }
0x67: {  	s1 =	ssub.s32 @!p0 $0x0, s1;
	[sflag:s0] =	ssyncset.done @!p0 $0x0  }
0x68: {  	[sflag:s0] =	ssyncadd.s32 @!p0 s1  }
0x69: {  	[bflag:$0x3] =	sbarrier.arrive $0xFFFF  }
0x6a: {  	_ =	shalt  }

// kernel: gather_offload_async_start.6
scs
__scs_entry_jumppad:
0x0: {  	(pc) =	sbr.rel $0x88, $3  }
0x1: {  	(tag) =	ssettag $0x0;
	lr =	simm.s32 $0x1  }
0x2: {  	[smem:$0x3F83] =	sst lr;
	_ =	strace $0xD0000000  }
0x3: {  	_ = 	snop  }
0x4: {  	_ = 	snop  }
0x5: {  	_ = 	snop  }
0x6: {  	_ = 	snop  }
0x7: {  	_ = 	snop  }
__scs_overlays_trampoline_lowered:
0x8: {  	[smem:$0x3F92] =	sst s0  }
0x9: {  	[smem:$0x3F93] =	sst s1  }
0xa: {  	[smem:$0x3F94] =	sst s2  }
0xb: {  	[smem:$0x3F95] =	sst s3  }
0xc: {  	[smem:$0x3F96] =	sst s4  }
0xd: {  	[smem:$0x3F97] =	sst s5  }
0xe: {  	[smem:$0x3F98] =	sst s6  }
0xf: {  	[smem:$0x3F99] =	sst s7  }
0x10: {  	[smem:$0x3F9A] =	sst s8  }
0x11: {  	[smem:$0x3F9B] =	sst s9;
	s0 =	simm.s32 @!p0 $0x0  }
0x12: {  	s1 =	sld [smem:$0x3F81];
	s0 =	simm.s32 @p0 $0x1  }
0x13: {  	[smem:$0x3F9C] =	sst s0;
	s0 =	simm.s32 @!p1 $0x0  }
0x14: {  	s2 =	sld [smem:$0x3F80];
	s0 =	simm.s32 @p1 $0x1  }
0x15: {  	[smem:$0x3F9D] =	sst s0;
	s0 =	simm.s32 @!p2 $0x0  }
0x16: {  	s3 =	sld [smem:$0x3FDB];
	s0 =	simm.s32 @p2 $0x1  }
0x17: {  	s4 =	simm.s32 $0x1BF5;
	[smem:$0x3F9F] =	sst s0  }
0x18: {  	s0 =	sld [smem:$0x3F82];
	_ =	swait.ge [sflag:s4], $0x0  }
0x19: {  	s7 =	sld [smem:$0x3F83]  }
0x1a: {  	s8 =	sadd.s32 $0xFFFFE003, lr  }
0x1b: {  	s9 =	sadd.s32 $0xFFFFFEF7, lr;
	s5 =	simm.s32 $0xFFFFFFFF;
	p2 =	slt.u32 s8, $0xFFFFF086  }
0x1c: {  	p1 =	slt.u32 s9, $0xF7A;
	s5 =	simm.s32 @!p2 $0x0  }
0x1d: {  	s5 =	simm.s32 @p1 $0x1;
	p0 =	seq.s32 s7, s2  }
0x1e: {  	s7 =	smul.u32 @!p0 $0xF7A, s2;
	p2 =	seq.s32 @!p0 s5, $0x0  }
0x1f: {  	s9 =	smul.u32 $0xF7A, s1;
	s8 =	simm.s32 @!p0 $0x1BF5;
	p2 =	por !p2, p0  }
0x20: {  	[sflag:s8] =	ssyncset.s32 @!p0 $0xFFFFF086;
	s6 =	sadd.s32 @!p0 s3, s7;
	s7 =	simm.s32 @!p0 $0x108  }
0x21: {  	s3 =	sadd.s32 s3, s9;
	s6 =	sadd.s32 @!p0 $0x88, s6;
	s7 =	simm.s32 @p2 $0x1082  }
0x22: {  	[simem:s7], [sflag:s8] =	dma.local @!p0 [hbm:s6], $0xF7A  }
0x23: {  	s9 =	sor.u32 $0xD0000000, s2;
	s6 =	simm.s32 $0x108;
	_ =	swait.ge @!p0 [sflag:s8], $0x0  }
0x24: {  	s3 =	sadd.s32 $0x88, s3;
	s6 =	simm.s32 @!p1 $0x1082;
	[sflag:s4] =	ssyncset.s32 $0xFFFFF086  }
0x25: {  	[simem:s6], [sflag:s4] =	dma.local [hbm:s3], $0xF7A  }
0x26: {  	[smem:$0x3F83] =	sst s1;
	(tag) =	ssettag s2;
	_ =	strace s9  }
0x27: {  	s1 =	sld [smem:$0x3F93]  }
0x28: {  	s2 =	sld [smem:$0x3F94]  }
0x29: {  	s4 =	sld [smem:$0x3F96]  }
0x2a: {  	p0 =	seq.s32 s5, $0x0;
	s5 =	sld [smem:$0x3F97]  }
0x2b: {  	s6 =	sld [smem:$0x3F98]  }
0x2c: {  	s7 =	sld [smem:$0x3F99]  }
0x2d: {  	s3 =	simm.s32 $0x108;
	s8 =	sld [smem:$0x3F9A]  }
0x2e: {  	s3 =	simm.s32 @!p0 $0x1082;
	s9 =	sld [smem:$0x3F9B]  }
0x2f: {  	lr =	sadd.s32 s0, s3;
	s0 =	sld [smem:$0x3F92]  }
0x30: {  	s3 =	sld [smem:$0x3F95]  }
0x31: {  	[smem:$0x3F9E] =	sst s10  }
0x32: {  	s10 =	sld [smem:$0x3F9C];
	_ =	sdelay $0x3  }
0x33: {  	p0 =	seq.s32 s10, $0x1;
	s10 =	sld [smem:$0x3F9E];
	_ =	sdelay $0x3  }
0x34: {  	[smem:$0x3F9E] =	sst s10  }
0x35: {  	s10 =	sld [smem:$0x3F9D];
	_ =	sdelay $0x3  }
0x36: {  	p1 =	seq.s32 s10, $0x1;
	s10 =	sld [smem:$0x3F9E];
	_ =	sdelay $0x3  }
0x37: {  	[smem:$0x3F9E] =	sst s10  }
0x38: {  	s10 =	sld [smem:$0x3F9F]  }
0x39: {  	_ = 	snop;
	(pc) =	sbr.ind lr, $3  }
0x3a: {  	_ = 	snop  }
0x3b: {  	_ = 	snop  }
0x3c: {  	p2 =	seq.s32 s10, $0x1;
	s10 =	sld [smem:$0x3F9E]  }
0x3d: {  	_ =	shalt  }
0x3e: {  	_ =	shalt  }
0x3f: {  	_ =	shalt  }
0x40: {  	_ =	shalt  }
0x41: {  	_ =	shalt  }
0x42: {  	_ =	shalt  }
0x43: {  	_ =	shalt  }
0x44: {  	_ =	shalt  }
0x45: {  	_ =	shalt  }
0x46: {  	_ =	shalt  }
0x47: {  	_ =	shalt  }
0x48: {  	_ =	shalt  }
0x49: {  	_ =	shalt  }
0x4a: {  	_ =	shalt  }
0x4b: {  	_ =	shalt  }
0x4c: {  	_ =	shalt  }
0x4d: {  	_ =	shalt  }
0x4e: {  	_ =	shalt  }
0x4f: {  	_ =	shalt  }
0x50: {  	_ =	shalt  }
0x51: {  	_ =	shalt  }
0x52: {  	_ =	shalt  }
0x53: {  	_ =	shalt  }
0x54: {  	_ =	shalt  }
0x55: {  	_ =	shalt  }
0x56: {  	_ =	shalt  }
0x57: {  	_ =	shalt  }
0x58: {  	_ =	shalt  }
0x59: {  	_ =	shalt  }
0x5a: {  	_ =	shalt  }
0x5b: {  	_ =	shalt  }
0x5c: {  	_ =	shalt  }
0x5d: {  	_ =	shalt  }
0x5e: {  	_ =	shalt  }
0x5f: {  	_ =	shalt  }
0x60: {  	_ =	shalt  }
0x61: {  	_ =	shalt  }
0x62: {  	_ =	shalt  }
0x63: {  	_ =	shalt  }
0x64: {  	_ =	shalt  }
0x65: {  	_ =	shalt  }
0x66: {  	_ =	shalt  }
0x67: {  	_ =	shalt  }
0x68: {  	_ =	shalt  }
0x69: {  	_ =	shalt  }
0x6a: {  	_ =	shalt  }
0x6b: {  	_ =	shalt  }
0x6c: {  	_ =	shalt  }
0x6d: {  	_ =	shalt  }
0x6e: {  	_ =	shalt  }
0x6f: {  	_ =	shalt  }
0x70: {  	_ =	shalt  }
0x71: {  	_ =	shalt  }
0x72: {  	_ =	shalt  }
0x73: {  	_ =	shalt  }
0x74: {  	_ =	shalt  }
0x75: {  	_ =	shalt  }
0x76: {  	_ =	shalt  }
0x77: {  	_ =	shalt  }
0x78: {  	_ =	shalt  }
0x79: {  	_ =	shalt  }
0x7a: {  	_ =	shalt  }
0x7b: {  	_ =	shalt  }
0x7c: {  	_ =	shalt  }
0x7d: {  	_ =	shalt  }
0x7e: {  	_ =	shalt  }
0x7f: {  	_ =	shalt  }
0x80: {  	_ =	shalt  }
0x81: {  	_ =	shalt  }
0x82: {  	_ =	shalt  }
0x83: {  	_ =	shalt  }
0x84: {  	_ =	shalt  }
0x85: {  	_ =	shalt  }
0x86: {  	_ =	shalt  }
0x87: {  	_ =	shalt  }
.Lfunc_end0:
.L_simem_size_0:
called_computation.6_lowered:
.L_overlay_start_0:
0x88: {  	s2 =	sld [smem:$0x3FD9]  }
0x89: {  	s3 =	sld [smem:$0x3FFE];
	_ =	sdelay $0x1  }
0x8a: {  	s1 =	srdreg.scid  }
0x8b: {  	s0 =	sand.u32 $0x1, s1  }
0x8c: {  	s16 =	sshll.u32 s0, $0xA;
	s2 =	sadd.s32 s3, s2  }
0x8d: {  	s2 =	sadd.s32 s2, s16  }
0x8e: {  	[smem:$0x3FAA] =	sst s2  }
0x8f: {  	_ = 	snop  }
0x90: {  	(tm) =	ssettm $0x1  }
0x91: {  	s17 =	sld [smem:$0x3FFB];
	_ =	sdelay $0x3  }
0x92: {  	_ =	strace s17  }
0x93: {  	s2 =	sld [smem:$0x3FFC];
	_ =	sdelay $0x3  }
0x94: {  	_ =	strace s2  }
0x95: {  	s2 =	sld [smem:$0x3FFD];
	_ =	sdelay $0x3  }
0x96: {  	_ =	strace s2  }
0x97: {  	_ =	strace $0x8FFFFFFF  }
0x98: {  	s18 =	sld [smem:$0x3FDB];
	_ =	sdelay $0x1  }
0x99: {  	s19 =	simm.s32 $_scs_section_size  }
0x9a: {  	s4 =	simm.s32 $_size__tile_overlayer_lowered;
	s5 =	simm.s32 $_tile_overlayer_lowered  }
0x9b: {  	s22 =	simm.s32 $0x1BFF;
	s21 =	sshll.u32 s5, $0x1;
	s2 =	sadd.s32 s19, s18  }
0x9c: {  	s6 =	simm.s32 $0x0;
	s20 =	sshll.u32 s4, $0x1;
	s4 =	sadd.s32 s21, s2  }
0x9d: {  	[timem:s6], [sflag:s22] =	dma.local [hbm:s4], s20  }
0x9e: {  	_ =	swait.ge [sflag:s22], s20  }
0x9f: {  	s3 =	ssub.s32 $0x0, s20;
	[sflag:s22] =	ssyncset.done $0x0  }
0xa0: {  	[sflag:s22] =	ssyncadd.s32 s3;
	_ =	sdelay $0x1  }
0xa1: {  	s23 =	simm.s32 $0x1B8B  }
0xa2: {  	_ =	swait.ge [sflag:s23], $0x1  }
0xa3: {  	[sflag:s23] =	ssyncset.done $0x0  }
0xa4: {  	s25 =	simm.s32 $0x1B8E;
	s24 =	sld [smem:$0x3FFE];
	[sflag:s23] =	ssyncadd.s32 $0xFFFFFFFF  }
0xa5: {  	s26 =	simm.s32 $execute0_lowered;
	[smem:$0x3FD2] =	sst s25  }
0xa6: {  	s4 =	sshll.u32 s26, $0x1;
	_ =	strace $0x8000006D;
	[dreg:$0x1] =	wrdreg $0xFFFFFFFF  }
0xa7: {  	s28 =	simm.s32 $_size_execute0_lowered;
	s2 =	sadd.s32 s2, s4;
	[dreg:$0x0] =	wrdreg $0x0  }
0xa8: {  	s4 =	sshll.u32 s28, $0x1;
	[dreg:$0x2] =	wrdreg s2  }
0xa9: {  	[dreg:$0x3] =	wrdreg s4  }
0xaa: {  	[dreg:$0x4] =	wrdreg $0xC0  }
0xab: {  	_ =	task [dreg:s6], $0x5FFFF  }
0xac: {  	[dreg:$0x1] =	wrdreg $0xFFFFFFFF  }
0xad: {  	[dreg:$0x0] =	wrdreg $0x60  }
0xae: {  	[dreg:$0x2] =	wrdreg s24  }
0xaf: {  	[dreg:$0x3] =	wrdreg $0x9  }
0xb0: {  	_ =	task.clear_ibuf [dreg:s6], $0x4FFFF;
	_ =	strace $0x9000006D  }
0xb1: {  	s29 =	simm.s32 $0x9;
	_ =	strace $0x8000006F  }
0xb2: {  	_ =	swait.ge [sflag:s29], $0x1  }
0xb3: {  	[sflag:s29] =	ssyncadd.s32 $0xFFFFFFFF  }
0xb4: {  	_ =	strace $0x9000006F  }
0xb5: {  	_ =	sfence  }
0xb6: {  	s30 =	sld [smem:$0x0];
	_ =	sdelay $0x2  }
0xb7: {  	s31 =	sshll.u32 s1, $0xD;
	s1 =	sshrl.u32 s1, $0x2  }
0xb8: {  	s3 =	sand.u32 $0x4000, s31;
	s1 =	sadd.s32 s1, s30  }
0xb9: {  	s0 =	sor.u32 s3, s0;
	s1 =	sshll.u32 s1, $0x11  }
0xba: {  	s0 =	sor.u32 s1, s0  }
0xbb: {  	s0 =	sadd.s32 $0x8F2B, s0  }
0xbc: {  	[sflag:s0] =	ssyncadd.remote.s32 $0x1  }
0xbd: {  	_ =	sfence.sel $0xFFFF  }
0xbe: {  	[dreg:$0x0] =	wrdreg $0xFFFFFFFF;
	(pc) =	sbr.abs _section_cstart, $3  }
0xbf: {  	[dreg:$0x1] =	wrdreg $0xFFFFFFFF  }
0xc0: {  	_ =	task.clear_ibuf [dreg:s6], $0x2FFFF;
	_ =	strace $0x9FFFFFFF  }
0xc1: {  	(tm) =	ssettm $0x7FFFFFFF  }
tec
execute0_lowered:
.L_overlay_start_1:
0x0: {  	(tag) =	ssettag $0x1  }
0x1: {  	s8 =	rddreg [dreg:$0x0];
	s1 =	stileid.u32  }
0x2: {  	s2 =	srdreg.scid;
	s0 =	rddreg [dreg:$0x1]  }
0x3: {  	_ =	strace $0x8000006E;
	s5 =	simm.s32 $0x1;
	s9 =	simm.s32 $0x1  }
0x4: {  	s10 =	simm.s32 $0x3;
	s2 =	sand.u32 $0x1, s2;
	s3 =	sshll.u32 s1, $0x1  }
0x5: {  	s13 =	simm.s32 $0x0;
	s12 =	simm.s32 $0x0;
	s6 =	sor.u32 s3, s2  }
0x6: {  	[sflag:s5] =	ssyncpa.u1 $0x0;
	s2 =	sadd.s32 $0xD000, s8;
	s4 =	smul.u32 $0x50, s6  }
0x7: {  	s3 =	sadd.s32 $0x12A00, s8;
	p0 =	slt.u32 s6, $0x13;
	s6 =	simm.s32 $0xA00  }
.Ltmp0:
0x8: {  	s6 =	simm.s32 @!p0 $0x0;
	s7 =	ssub.s32 $0xFA0, s4;
	(pc) =	sbr.rel .LBB2_1-.Ltmp0, $4  }
0x9: {  	s9 =	simm.s32 @!p0 $0x0;
	p0 =	sne.s32 s7, s6;
	s7 =	simm.s32 $0x1  }
0xa: {  	s8 =	sadd.s32 $0x8800, s8;
	s6 =	simm.s32 $0x2;
	s7 =	simm.s32 @!p0 $0x0  }
0xb: {  	s11 =	smov.u32 s4;
	[sflag:s6] =	ssyncpa.u1 $0x0;
	s7 =	sadd.s32 s9, s7  }
0xc: {  	vm0 =	vmmov $0xffff;
	[sflag:s10] =	ssyncpa.u1 $0x0;
	s10 =	simm.s32 $0x0;
	s9 =	sadd.s32 $0x1, s7  }
.LBB2_4:
0xd: {  	vm1 =	veq.s32 v4, $0x80000000;
	v56 =	vand.u32 $0x3, v4;
	v6 =	vand.u32 $0x3FFF, v6  }
0xe: {  	v2 =	vor.u32 v2, v5;
	v59 =	vshrl.u32 v1, $0x2;
	v60 =	vand.u32 $0x3, v1  }
0xf: {  	v4 =	vsel vm1, $0xFFFFFFFF, v56;
	v6 =	vsel vm1, $0xFFFFFFFF, v6;
	v2 =	vor.u32 v3, v2  }
0x10: {  	vm1 =	veq.s32 v1, $0x80000000;
	v5 =	vand.u32 $0x3FFF, v59;
	v7 =	vshrl.u32 v4, $0x2  }
0x11: {  	v57 =	vshll.u32 v6, $0x2;
	v4 =	vshll.u32 v4, $0x7;
	v1 =	vsel vm1, $0xFFFFFFFF, v60  }
0x12: {  	v5 =	vsel vm1, $0xFFFFFFFF, v5;
	v6 =	vand.u32 $0x7F, v6;
	v7 =	vmul.u32 $0x9E00, v7  }
0x13: {  	v58 =	vand.u32 $0xFFFFFE00, v57;
	v4 =	vand.u32 $0x180, v4;
	v61 =	vshrl.u32 v1, $0x2  }
0x14: {  	v62 =	vshll.u32 v5, $0x2;
	v3 =	vadd.s32 v7, v58;
	v7 =	vmul.u32 $0x9E00, v61  }
0x15: {  	v1 =	vshll.u32 v1, $0x7;
	v3 =	vor.u32 v4, v3;
	v4 =	vand.u32 $0xFFFFFE00, v62  }
0x16: {  	v1 =	vand.u32 $0x180, v1;
	v3 =	vor.u32 v6, v3;
	v4 =	vadd.s32 v7, v4  }
0x17: {  	[tilespmem:s16], [sflag:$0x1] =	stream.indirect_vreg.gather [hbm4b:s2+s10], $0x1, v0, vm0, $0x4038;
	v63 =	vand.u32 $0x7F, v5;
	v1 =	vor.u32 v1, v4;
	[tilespmem:$0x140] =	vst v63  }
0x18: {  	s15 =	sadd.s32 $0x10, s15;
	(ifvalue) =	ssetifvalue $0x7FFFFFFF;
	v0 =	vor.u32 v63, v1  }
0x19: {  	[tilespmem:s15], [sflag:$0x1] =	stream.indirect_vreg.gather [hbm4b:s2+s10], $0x1, v2, vm0, $0x4038;
	[tilespmem:$0x140] =	vst v63  }
0x1a: {  	s15 =	sadd.s32 $0x10, s15;
	(ifvalue) =	ssetifvalue $0x7FFFFFFF  }
0x1b: {  	[tilespmem:s15], [sflag:$0x1] =	stream.indirect_vreg.gather [hbm4b:s2+s10], $0x1, v3, vm0, $0x4038;
	[tilespmem:$0x140] =	vst v63  }
0x1c: {  	s15 =	sadd.s32 $0x10, s15;
	(ifvalue) =	ssetifvalue $0x7FFFFFFF  }
0x1d: {  	[tilespmem:s15], [sflag:$0x1] =	stream.indirect_vreg.gather [hbm4b:s2+s10], $0x1, v0, vm0, $0x4038;
	[tilespmem:$0x140] =	vst v63  }
0x1e: {  	_ =	swait.ge [sflag:s5], $0x50  }
0x1f: {  	s30 =	sshrl.u32 s13, $0x3;
	[sflag:s5] =	ssyncset.done $0x0  }
0x20: {  	s31 =	sand.u32 $0x7, s13;
	s15 =	sadd.s32 s8, s30;
	[sflag:s5] =	ssyncadd.s32 $0xFFFFFFB0  }
0x21: {  	[hbm4b:s15+s31] =	stream.linear.scatter [tilespmem:s14], [sflag:$0x3], $0x50, $0x38;
	[tilespmem:$0x140] =	vst v63  }
.LBB2_5:
0x22: {  	s15 =	sadd.s32 $0xA00, s11  }
0x23: {  	p1 =	sgt.s32 s15, $0xF9F  }
0x24: {  	s15 =	smov.u32 @p1 s4;
	p1 =	sne.s32 s12, s9  }
.Ltmp1:
0x25: {  	p0 =	slt.u32 s12, $0x2;
	(pc) =	sbr.rel @!p1 .LBB2_6-.Ltmp1, $4  }
0x26: {  	s14 =	simm.s32 @!p0 $0x3  }
0x27: {  	_ =	swait.ge @!p0 [sflag:s14], $0x50  }
0x28: {  	s16 =	sadd.s32 $0x1, s12;
	s13 =	smov.u32 s11;
	[sflag:s14] =	ssyncset.done @!p0 $0x0  }
0x29: {  	s12 =	smov.u32 s16;
	s11 =	smov.u32 s15;
	[sflag:s14] =	ssyncadd.s32 @!p0 $0xFFFFFFB0  }
.LBB2_1:
0x2a: {  	p0 =	sge.u32 s12, s7  }
0x2b: {  	s14 =	sxor.u32 @!p0 $0x1, s12  }
0x2c: {  	s14 =	smul.u32 @!p0 $0x140, s14  }
0x2d: {  	s31 =	sadd.s32 $0xFFFFFFFF, s12;
	s15 =	sshrl.u32 @!p0 s11, $0x3  }
0x2e: {  	s16 =	sand.u32 @!p0 $0x7, s11;
	s15 =	sadd.s32 @!p0 s3, s15;
	s14 =	sshra.s32 @!p0 s14, $0x2  }
0x2f: {  	[tilespmem:s14], [sflag:$0x2] =	stream.linear.gather @!p0 [hbm4b:s15+s16], $0x50, $0x38;
	[tilespmem:$0x140] =	vst v63  }
0x30: {  	p0 =	sge.u32 s31, s7  }
.Ltmp2:
0x31: {  	_ = 	snop;
	(pc) =	sbr.rel @p0 .LBB2_5-.Ltmp2, $1  }
0x32: {  	_ =	sdelay $0x3  }
0x33: {  	s14 =	sand.u32 $0x1, s12  }
0x34: {  	_ =	swait.ge [sflag:s6], $0x50;
	p0 =	seq.s32 s14, $0x1;
	s14 =	simm.s32 $0x50  }
0x35: {  	[sflag:s6] =	ssyncset.done $0x0;
	s14 =	simm.s32 @!p0 $0x0  }
0x36: {  	[sflag:s6] =	ssyncadd.s32 $0xFFFFFFB0;
	(ifvalue) =	ssetifvalue $0x7FFFFFFF;
	v0 =	vld.msk [tilespmem:s14+$0x0 ss:$0x1], $0xffff  }
0x37: {  	s15 =	sadd.s32 $0x10, s14  }
0x38: {  	v1 =	vld.msk [tilespmem:s15+$0x0 ss:$0x1], $0xffff;
	_ =	sdelay $0x2  }
0x39: {  	v2 =	vshrl.u32 v0, $0x2  }
0x3a: {  	vm1 =	veq.s32 v0, $0x80000000;
	v0 =	vand.u32 $0x3, v0;
	v2 =	vand.u32 $0x3FFF, v2  }
0x3b: {  	v0 =	vsel vm1, $0xFFFFFFFF, v0;
	v6 =	vshrl.u32 v1, $0x2;
	v2 =	vsel vm1, $0xFFFFFFFF, v2  }
0x3c: {  	v3 =	vshrl.u32 v0, $0x2;
	v0 =	vshll.u32 v0, $0x7;
	vm1 =	veq.s32 v1, $0x80000000  }
0x3d: {  	s15 =	sadd.s32 $0x10, s15;
	v1 =	vand.u32 $0x3, v1;
	v4 =	vshll.u32 v2, $0x2;
	v3 =	vmul.u32 $0x9E00, v3  }
0x3e: {  	v0 =	vand.u32 $0x180, v0;
	v7 =	vand.u32 $0x7F, v2;
	v5 =	vand.u32 $0xFFFFFE00, v4;
	v4 =	vld.msk [tilespmem:s15+$0x0 ss:$0x1], $0xffff  }
0x3f: {  	v1 =	vsel vm1, $0xFFFFFFFF, v1;
	v2 =	vadd.s32 v3, v5;
	v3 =	vand.u32 $0x3FFF, v6  }
0x40: {  	v3 =	vsel vm1, $0xFFFFFFFF, v3;
	v0 =	vor.u32 v0, v2;
	v2 =	vshrl.u32 v1, $0x2  }
0x41: {  	v1 =	vshll.u32 v1, $0x7;
	v5 =	vshll.u32 v3, $0x2;
	v8 =	vmul.u32 $0x9E00, v2  }
0x42: {  	s18 =	simm.s32 $0x30;
	s14 =	sor.u32 $0xA0, s14;
	s17 =	sadd.s32 $0x10, s15;
	v2 =	vand.u32 $0x180, v1;
	v0 =	vor.u32 v7, v0;
	v5 =	vand.u32 $0xFFFFFE00, v5  }
0x43: {  	s16 =	smov.u32 s14;
	s15 =	smov.u32 s14;
	v1 =	vld.msk [tilespmem:s17+$0x0 ss:$0x1], $0xffff;
	v3 =	vand.u32 $0x7F, v3;
	(ifvalue) =	ssetifvalue $0x7FFFFFFF;
	v6 =	vshrl.u32 v4, $0x2;
	v5 =	vadd.s32 v8, v5  }
.LBB2_3:
0x44: {  	s18 =	sadd.s32 $0x10, s18  }
0x45: {  	vm1 =	veq.s32 v4, $0x80000000;
	v4 =	vand.u32 $0x3, v4;
	v6 =	vand.u32 $0x3FFF, v6;
	s15 =	sadd.s32 $0x10, s15;
	p0 =	slt.u32 s18, $0x40  }
.Ltmp3:
0x46: {  	v5 =	vor.u32 v2, v5;
	v4 =	vsel vm1, $0xFFFFFFFF, v4;
	v7 =	vsel vm1, $0xFFFFFFFF, v6;
	(pc) =	sbr.rel @p0 .LBB2_3-.Ltmp3, $4  }
0x47: {  	v2 =	vshrl.u32 v4, $0x2;
	v6 =	vshll.u32 v7, $0x2;
	v4 =	vshll.u32 v4, $0x7;
	[tilespmem:s16], [sflag:$0x1] =	stream.indirect_vreg.gather [hbm4b:s2+s10], $0x1, v0, vm0, $0x4038;
	[tilespmem:$0x140] =	vst v63  }
0x48: {  	v0 =	vor.u32 v3, v5;
	s16 =	smov.u32 s15;
	v8 =	vmul.u32 $0x9E00, v2;
	v2 =	vand.u32 $0x180, v4  }
0x49: {  	s17 =	sadd.s32 $0x10, s17;
	v9 =	vand.u32 $0xFFFFFE00, v6  }
0x4a: {  	v3 =	vand.u32 $0x7F, v7;
	v6 =	vshrl.u32 v1, $0x2;
	v5 =	vadd.s32 v8, v9;
	(ifvalue) =	ssetifvalue $0x7FFFFFFF;
	v4 =	vmovc v1;
	v1 =	vld.msk [tilespmem:s17+$0x0 ss:$0x1], $0xffff  }
.Ltmp4:
0x4b: {  	_ = 	snop;
	(pc) =	sbr.rel .LBB2_4-.Ltmp4, $1  }
0x4c: {  	_ =	sdelay $0x3  }
.LBB2_6:
0x4d: {  	_ =	sfence.sel $0x180000  }
0x4e: {  	s2 =	simm.s32 $0x2;
	[bflag:$0x0] =	sbarrier.arrive $0xFFFF  }
0x4f: {  	s30 =	simm.s32 $0x3;
	[sflag:s2] =	ssyncpa.u1 $0x1  }
0x50: {  	s31 =	simm.s32 $0x1;
	[sflag:s30] =	ssyncpa.u1 $0x1  }
0x51: {  	[sflag:s31] =	ssyncpa.u1 $0x1  }
0x52: {  	p0 =	sne.s32 s1, $0x0;
	_ =	strace $0x9000006E  }
0x53: {  	s0 =	sadd.s32 @!p0 $0x100000, s0;
	[bflag:$0x2] =	sbarrier.arrive $0xFFFF  }
0x54: {  	[sflag:s0] =	ssyncadd.tile.s32 @!p0 $0x1;
	_ =	shalt  }
.Lfunc_end2:
_tile_overlayer_lowered:
.L_overlay_start_2:
0x55: {  	(tag) =	ssettag $0x2  }
0x56: {  	s0 =	rddreg [dreg:$0x0];
	s2 =	stileid.u32  }
0x57: {  	s1 =	rddreg [dreg:$0x1];
	p0 =	sne.s32 s2, $0x0  }
0x58: {  	s3 =	rddreg [dreg:$0x2];
	[bflag:$0x3] =	sbarrier.arrive $0xFFFF;
	s2 =	simm.s32 @!p0 $0x1C01  }
0x59: {  	[timem:s3], [sflag:s2] =	dma.local @!p0 [hbm:s0], s1  }
0x5a: {  	s0 =	simm.s32 @!p0 $0x1  }
0x5b: {  	_ =	swait.ge @!p0 [sflag:s0], s1  }
0x5c: {  	s1 =	ssub.s32 @!p0 $0x0, s1;
	[sflag:s0] =	ssyncset.done @!p0 $0x0  }
0x5d: {  	[sflag:s0] =	ssyncadd.s32 @!p0 s1  }
0x5e: {  	[bflag:$0x3] =	sbarrier.arrive $0xFFFF  }
0x5f: {  	_ =	shalt  }

// kernel: gather_offload_async_start.7
scs
__scs_entry_jumppad:
0x0: {  	(pc) =	sbr.rel $0x88, $3  }
0x1: {  	(tag) =	ssettag $0x0;
	lr =	simm.s32 $0x1  }
0x2: {  	[smem:$0x3F83] =	sst lr;
	_ =	strace $0xD0000000  }
0x3: {  	_ = 	snop  }
0x4: {  	_ = 	snop  }
0x5: {  	_ = 	snop  }
0x6: {  	_ = 	snop  }
0x7: {  	_ = 	snop  }
__scs_overlays_trampoline_lowered:
0x8: {  	[smem:$0x3F92] =	sst s0  }
0x9: {  	[smem:$0x3F93] =	sst s1  }
0xa: {  	[smem:$0x3F94] =	sst s2  }
0xb: {  	[smem:$0x3F95] =	sst s3  }
0xc: {  	[smem:$0x3F96] =	sst s4  }
0xd: {  	[smem:$0x3F97] =	sst s5  }
0xe: {  	[smem:$0x3F98] =	sst s6  }
0xf: {  	[smem:$0x3F99] =	sst s7  }
0x10: {  	[smem:$0x3F9A] =	sst s8  }
0x11: {  	[smem:$0x3F9B] =	sst s9;
	s0 =	simm.s32 @!p0 $0x0  }
0x12: {  	s1 =	sld [smem:$0x3F81];
	s0 =	simm.s32 @p0 $0x1  }
0x13: {  	[smem:$0x3F9C] =	sst s0;
	s0 =	simm.s32 @!p1 $0x0  }
0x14: {  	s2 =	sld [smem:$0x3F80];
	s0 =	simm.s32 @p1 $0x1  }
0x15: {  	[smem:$0x3F9D] =	sst s0;
	s0 =	simm.s32 @!p2 $0x0  }
0x16: {  	s3 =	sld [smem:$0x3FDB];
	s0 =	simm.s32 @p2 $0x1  }
0x17: {  	s4 =	simm.s32 $0x1BF5;
	[smem:$0x3F9F] =	sst s0  }
0x18: {  	s0 =	sld [smem:$0x3F82];
	_ =	swait.ge [sflag:s4], $0x0  }
0x19: {  	s7 =	sld [smem:$0x3F83]  }
0x1a: {  	s8 =	sadd.s32 $0xFFFFE003, lr  }
0x1b: {  	s9 =	sadd.s32 $0xFFFFFEF7, lr;
	s5 =	simm.s32 $0xFFFFFFFF;
	p2 =	slt.u32 s8, $0xFFFFF086  }
0x1c: {  	p1 =	slt.u32 s9, $0xF7A;
	s5 =	simm.s32 @!p2 $0x0  }
0x1d: {  	s5 =	simm.s32 @p1 $0x1;
	p0 =	seq.s32 s7, s2  }
0x1e: {  	s7 =	smul.u32 @!p0 $0xF7A, s2;
	p2 =	seq.s32 @!p0 s5, $0x0  }
0x1f: {  	s9 =	smul.u32 $0xF7A, s1;
	s8 =	simm.s32 @!p0 $0x1BF5;
	p2 =	por !p2, p0  }
0x20: {  	[sflag:s8] =	ssyncset.s32 @!p0 $0xFFFFF086;
	s6 =	sadd.s32 @!p0 s3, s7;
	s7 =	simm.s32 @!p0 $0x108  }
0x21: {  	s3 =	sadd.s32 s3, s9;
	s6 =	sadd.s32 @!p0 $0x88, s6;
	s7 =	simm.s32 @p2 $0x1082  }
0x22: {  	[simem:s7], [sflag:s8] =	dma.local @!p0 [hbm:s6], $0xF7A  }
0x23: {  	s9 =	sor.u32 $0xD0000000, s2;
	s6 =	simm.s32 $0x108;
	_ =	swait.ge @!p0 [sflag:s8], $0x0  }
0x24: {  	s3 =	sadd.s32 $0x88, s3;
	s6 =	simm.s32 @!p1 $0x1082;
	[sflag:s4] =	ssyncset.s32 $0xFFFFF086  }
0x25: {  	[simem:s6], [sflag:s4] =	dma.local [hbm:s3], $0xF7A  }
0x26: {  	[smem:$0x3F83] =	sst s1;
	(tag) =	ssettag s2;
	_ =	strace s9  }
0x27: {  	s1 =	sld [smem:$0x3F93]  }
0x28: {  	s2 =	sld [smem:$0x3F94]  }
0x29: {  	s4 =	sld [smem:$0x3F96]  }
0x2a: {  	p0 =	seq.s32 s5, $0x0;
	s5 =	sld [smem:$0x3F97]  }
0x2b: {  	s6 =	sld [smem:$0x3F98]  }
0x2c: {  	s7 =	sld [smem:$0x3F99]  }
0x2d: {  	s3 =	simm.s32 $0x108;
	s8 =	sld [smem:$0x3F9A]  }
0x2e: {  	s3 =	simm.s32 @!p0 $0x1082;
	s9 =	sld [smem:$0x3F9B]  }
0x2f: {  	lr =	sadd.s32 s0, s3;
	s0 =	sld [smem:$0x3F92]  }
0x30: {  	s3 =	sld [smem:$0x3F95]  }
0x31: {  	[smem:$0x3F9E] =	sst s10  }
0x32: {  	s10 =	sld [smem:$0x3F9C];
	_ =	sdelay $0x3  }
0x33: {  	p0 =	seq.s32 s10, $0x1;
	s10 =	sld [smem:$0x3F9E];
	_ =	sdelay $0x3  }
0x34: {  	[smem:$0x3F9E] =	sst s10  }
0x35: {  	s10 =	sld [smem:$0x3F9D];
	_ =	sdelay $0x3  }
0x36: {  	p1 =	seq.s32 s10, $0x1;
	s10 =	sld [smem:$0x3F9E];
	_ =	sdelay $0x3  }
0x37: {  	[smem:$0x3F9E] =	sst s10  }
0x38: {  	s10 =	sld [smem:$0x3F9F]  }
0x39: {  	_ = 	snop;
	(pc) =	sbr.ind lr, $3  }
0x3a: {  	_ = 	snop  }
0x3b: {  	_ = 	snop  }
0x3c: {  	p2 =	seq.s32 s10, $0x1;
	s10 =	sld [smem:$0x3F9E]  }
0x3d: {  	_ =	shalt  }
0x3e: {  	_ =	shalt  }
0x3f: {  	_ =	shalt  }
0x40: {  	_ =	shalt  }
0x41: {  	_ =	shalt  }
0x42: {  	_ =	shalt  }
0x43: {  	_ =	shalt  }
0x44: {  	_ =	shalt  }
0x45: {  	_ =	shalt  }
0x46: {  	_ =	shalt  }
0x47: {  	_ =	shalt  }
0x48: {  	_ =	shalt  }
0x49: {  	_ =	shalt  }
0x4a: {  	_ =	shalt  }
0x4b: {  	_ =	shalt  }
0x4c: {  	_ =	shalt  }
0x4d: {  	_ =	shalt  }
0x4e: {  	_ =	shalt  }
0x4f: {  	_ =	shalt  }
0x50: {  	_ =	shalt  }
0x51: {  	_ =	shalt  }
0x52: {  	_ =	shalt  }
0x53: {  	_ =	shalt  }
0x54: {  	_ =	shalt  }
0x55: {  	_ =	shalt  }
0x56: {  	_ =	shalt  }
0x57: {  	_ =	shalt  }
0x58: {  	_ =	shalt  }
0x59: {  	_ =	shalt  }
0x5a: {  	_ =	shalt  }
0x5b: {  	_ =	shalt  }
0x5c: {  	_ =	shalt  }
0x5d: {  	_ =	shalt  }
0x5e: {  	_ =	shalt  }
0x5f: {  	_ =	shalt  }
0x60: {  	_ =	shalt  }
0x61: {  	_ =	shalt  }
0x62: {  	_ =	shalt  }
0x63: {  	_ =	shalt  }
0x64: {  	_ =	shalt  }
0x65: {  	_ =	shalt  }
0x66: {  	_ =	shalt  }
0x67: {  	_ =	shalt  }
0x68: {  	_ =	shalt  }
0x69: {  	_ =	shalt  }
0x6a: {  	_ =	shalt  }
0x6b: {  	_ =	shalt  }
0x6c: {  	_ =	shalt  }
0x6d: {  	_ =	shalt  }
0x6e: {  	_ =	shalt  }
0x6f: {  	_ =	shalt  }
0x70: {  	_ =	shalt  }
0x71: {  	_ =	shalt  }
0x72: {  	_ =	shalt  }
0x73: {  	_ =	shalt  }
0x74: {  	_ =	shalt  }
0x75: {  	_ =	shalt  }
0x76: {  	_ =	shalt  }
0x77: {  	_ =	shalt  }
0x78: {  	_ =	shalt  }
0x79: {  	_ =	shalt  }
0x7a: {  	_ =	shalt  }
0x7b: {  	_ =	shalt  }
0x7c: {  	_ =	shalt  }
0x7d: {  	_ =	shalt  }
0x7e: {  	_ =	shalt  }
0x7f: {  	_ =	shalt  }
0x80: {  	_ =	shalt  }
0x81: {  	_ =	shalt  }
0x82: {  	_ =	shalt  }
0x83: {  	_ =	shalt  }
0x84: {  	_ =	shalt  }
0x85: {  	_ =	shalt  }
0x86: {  	_ =	shalt  }
0x87: {  	_ =	shalt  }
.Lfunc_end0:
.L_simem_size_0:
called_computation.7_lowered:
.L_overlay_start_0:
0x88: {  	s2 =	sld [smem:$0x3FD9]  }
0x89: {  	s3 =	sld [smem:$0x3FFE];
	_ =	sdelay $0x1  }
0x8a: {  	s1 =	srdreg.scid  }
0x8b: {  	s0 =	sand.u32 $0x1, s1  }
0x8c: {  	s17 =	sshll.u32 s0, $0xA;
	s2 =	sadd.s32 s3, s2  }
0x8d: {  	s2 =	sadd.s32 s2, s17  }
0x8e: {  	[smem:$0x3FAA] =	sst s2  }
0x8f: {  	_ = 	snop  }
0x90: {  	(tm) =	ssettm $0x1  }
0x91: {  	s18 =	sld [smem:$0x3FFB];
	_ =	sdelay $0x3  }
0x92: {  	_ =	strace s18  }
0x93: {  	s2 =	sld [smem:$0x3FFC];
	_ =	sdelay $0x3  }
0x94: {  	_ =	strace s2  }
0x95: {  	s2 =	sld [smem:$0x3FFD];
	_ =	sdelay $0x3  }
0x96: {  	_ =	strace s2  }
0x97: {  	_ =	strace $0x8FFFFFFF  }
0x98: {  	s19 =	sld [smem:$0x3FDB];
	_ =	sdelay $0x1  }
0x99: {  	s20 =	simm.s32 $_scs_section_size  }
0x9a: {  	s4 =	simm.s32 $_size__tile_overlayer_lowered;
	s5 =	simm.s32 $_tile_overlayer_lowered  }
0x9b: {  	s6 =	simm.s32 $0x1BFF;
	s21 =	sshll.u32 s5, $0x1;
	s3 =	sadd.s32 s20, s19  }
0x9c: {  	s22 =	simm.s32 $0x0;
	s4 =	sshll.u32 s4, $0x1;
	s5 =	sadd.s32 s21, s3  }
0x9d: {  	[timem:s22], [sflag:s6] =	dma.local [hbm:s5], s4  }
0x9e: {  	_ =	swait.ge [sflag:s6], s4  }
0x9f: {  	s4 =	ssub.s32 $0x0, s4;
	[sflag:s6] =	ssyncset.done $0x0  }
0xa0: {  	[sflag:s6] =	ssyncadd.s32 s4;
	_ =	sdelay $0x1  }
0xa1: {  	s23 =	simm.s32 $0x1B8B  }
0xa2: {  	_ =	swait.ge [sflag:s23], $0x1  }
0xa3: {  	[sflag:s23] =	ssyncset.done $0x0  }
0xa4: {  	[sflag:s23] =	ssyncadd.s32 $0xFFFFFFFF  }
0xa5: {  	s4 =	sld [smem:$0x0]  }
0xa6: {  	s5 =	sand.u32 $0xFFFFFFFE, s1  }
0xa7: {  	p0 =	sne.s32 s1, s5  }
0xa8: {  	s5 =	sshll.u32 @p0 s5, $0xE  }
0xa9: {  	s5 =	sadd.s32 @p0 $0x11B8D, s5;
	s6 =	sshll.u32 @p0 s4, $0x11  }
0xaa: {  	s5 =	sor.u32 @p0 s6, s5  }
0xab: {  	[sflag:s5] =	ssyncadd.remote.s32 @p0 $0x1;
	_ =	sdelay $0x1  }
0xac: {  	s5 =	simm.s32 @p0 $0x1B8D  }
0xad: {  	_ =	swait.eq @p0 [sflag:s5], $0x1  }
0xae: {  	[sflag:s5] =	ssyncadd.s32 @p0 $0xFFFFFFFF  }
0xaf: {  	s6 =	sshll.u32 @!p0 s1, $0xE  }
0xb0: {  	s6 =	sor.u32 @!p0 $0x4000, s6;
	s5 =	simm.s32 @!p0 $0x1B8D  }
0xb1: {  	s4 =	sshll.u32 @!p0 s4, $0x11;
	s6 =	sadd.s32 @!p0 $0x11B8D, s6;
	_ =	swait.eq @!p0 [sflag:s5], $0x1  }
0xb2: {  	s4 =	sor.u32 @!p0 s4, s6;
	[sflag:s5] =	ssyncadd.s32 @!p0 $0xFFFFFFFF  }
0xb3: {  	s25 =	simm.s32 $0x1B8E;
	s24 =	sld [smem:$0x3FFE];
	[sflag:s4] =	ssyncadd.remote.s32 @!p0 $0x1  }
0xb4: {  	s26 =	simm.s32 $execute0_lowered;
	[smem:$0x3FD2] =	sst s25  }
0xb5: {  	s5 =	sshll.u32 s26, $0x1;
	_ =	strace $0x80000070;
	[dreg:$0x1] =	wrdreg $0xFFFFFFFF  }
0xb6: {  	s28 =	simm.s32 $_size_execute0_lowered;
	s3 =	sadd.s32 s3, s5;
	[dreg:$0x0] =	wrdreg $0x0  }
0xb7: {  	s5 =	sshll.u32 s28, $0x1;
	[dreg:$0x2] =	wrdreg s3  }
0xb8: {  	[dreg:$0x3] =	wrdreg s5  }
0xb9: {  	[dreg:$0x4] =	wrdreg $0xC0  }
0xba: {  	_ =	task [dreg:s22], $0x5FFFF  }
0xbb: {  	[dreg:$0x1] =	wrdreg $0xFFFFFFFF  }
0xbc: {  	[dreg:$0x0] =	wrdreg $0x60  }
0xbd: {  	[dreg:$0x2] =	wrdreg s24  }
0xbe: {  	[dreg:$0x3] =	wrdreg $0xA  }
0xbf: {  	_ =	task.clear_ibuf [dreg:s22], $0x4FFFF;
	_ =	strace $0x90000070  }
0xc0: {  	s29 =	simm.s32 $0xA;
	_ =	strace $0x80000072  }
0xc1: {  	_ =	swait.ge [sflag:s29], $0x1  }
0xc2: {  	[sflag:s29] =	ssyncadd.s32 $0xFFFFFFFF  }
0xc3: {  	_ =	strace $0x90000072  }
0xc4: {  	_ =	sfence  }
0xc5: {  	s30 =	sld [smem:$0x0];
	_ =	sdelay $0x2  }
0xc6: {  	s31 =	sshll.u32 s1, $0xD;
	s1 =	sshrl.u32 s1, $0x2  }
0xc7: {  	s4 =	sand.u32 $0x4000, s31;
	s1 =	sadd.s32 s1, s30  }
0xc8: {  	s0 =	sor.u32 s4, s0;
	s1 =	sshll.u32 s1, $0x11  }
0xc9: {  	s0 =	sor.u32 s1, s0  }
0xca: {  	s0 =	sadd.s32 $0x8F2B, s0  }
0xcb: {  	[sflag:s0] =	ssyncadd.remote.s32 $0x1  }
0xcc: {  	_ =	sfence.sel $0xFFFF  }
0xcd: {  	[dreg:$0x0] =	wrdreg $0xFFFFFFFF;
	(pc) =	sbr.abs _section_cstart, $3  }
0xce: {  	[dreg:$0x1] =	wrdreg $0xFFFFFFFF  }
0xcf: {  	_ =	task.clear_ibuf [dreg:s22], $0x2FFFF;
	_ =	strace $0x9FFFFFFF  }
0xd0: {  	(tm) =	ssettm $0x7FFFFFFF  }
0xd1: {  	_ =	shalt  }
tec
execute0_lowered:
.L_overlay_start_1:
0x0: {  	(tag) =	ssettag $0x1  }
0x1: {  	s8 =	rddreg [dreg:$0x0];
	s1 =	stileid.u32  }
0x2: {  	s2 =	srdreg.scid;
	s0 =	rddreg [dreg:$0x1]  }
0x3: {  	_ =	strace $0x80000071;
	s5 =	simm.s32 $0x1;
	s9 =	simm.s32 $0x1  }
0x4: {  	s10 =	simm.s32 $0x3;
	s2 =	sand.u32 $0x1, s2;
	s3 =	sshll.u32 s1, $0x1  }
0x5: {  	s13 =	simm.s32 $0x0;
	s12 =	simm.s32 $0x0;
	s6 =	sor.u32 s3, s2  }
0x6: {  	[sflag:s5] =	ssyncpa.u1 $0x0;
	s2 =	sadd.s32 $0x2D800, s8;
	s4 =	smul.u32 $0x50, s6  }
0x7: {  	s3 =	sadd.s32 $0x12A00, s8;
	p0 =	slt.u32 s6, $0x13;
	s6 =	simm.s32 $0xA00  }
.Ltmp0:
0x8: {  	s6 =	simm.s32 @!p0 $0x0;
	s7 =	ssub.s32 $0xFA0, s4;
	(pc) =	sbr.rel .LBB2_1-.Ltmp0, $4  }
0x9: {  	s9 =	simm.s32 @!p0 $0x0;
	p0 =	sne.s32 s7, s6;
	s7 =	simm.s32 $0x1  }
0xa: {  	s8 =	sadd.s32 $0x9800, s8;
	s6 =	simm.s32 $0x2;
	s7 =	simm.s32 @!p0 $0x0  }
0xb: {  	s11 =	smov.u32 s4;
	[sflag:s6] =	ssyncpa.u1 $0x0;
	s7 =	sadd.s32 s9, s7  }
0xc: {  	vm0 =	vmmov $0xffff;
	[sflag:s10] =	ssyncpa.u1 $0x0;
	s10 =	simm.s32 $0x0;
	s9 =	sadd.s32 $0x1, s7  }
.LBB2_4:
0xd: {  	vm1 =	veq.s32 v4, $0x80000000;
	v56 =	vand.u32 $0x3, v4;
	v6 =	vand.u32 $0x3FFF, v6  }
0xe: {  	v2 =	vor.u32 v2, v5;
	v59 =	vshrl.u32 v1, $0x2;
	v60 =	vand.u32 $0x3, v1  }
0xf: {  	v4 =	vsel vm1, $0xFFFFFFFF, v56;
	v6 =	vsel vm1, $0xFFFFFFFF, v6;
	v2 =	vor.u32 v3, v2  }
0x10: {  	vm1 =	veq.s32 v1, $0x80000000;
	v5 =	vand.u32 $0x3FFF, v59;
	v7 =	vshrl.u32 v4, $0x2  }
0x11: {  	v57 =	vshll.u32 v6, $0x2;
	v4 =	vshll.u32 v4, $0x7;
	v1 =	vsel vm1, $0xFFFFFFFF, v60  }
0x12: {  	v5 =	vsel vm1, $0xFFFFFFFF, v5;
	v6 =	vand.u32 $0x7F, v6;
	v7 =	vmul.u32 $0x9E00, v7  }
0x13: {  	v58 =	vand.u32 $0xFFFFFE00, v57;
	v4 =	vand.u32 $0x180, v4;
	v61 =	vshrl.u32 v1, $0x2  }
0x14: {  	v62 =	vshll.u32 v5, $0x2;
	v3 =	vadd.s32 v7, v58;
	v7 =	vmul.u32 $0x9E00, v61  }
0x15: {  	v1 =	vshll.u32 v1, $0x7;
	v3 =	vor.u32 v4, v3;
	v4 =	vand.u32 $0xFFFFFE00, v62  }
0x16: {  	v1 =	vand.u32 $0x180, v1;
	v3 =	vor.u32 v6, v3;
	v4 =	vadd.s32 v7, v4  }
0x17: {  	[tilespmem:s16], [sflag:$0x1] =	stream.indirect_vreg.gather [hbm4b:s2+s10], $0x1, v0, vm0, $0x4038;
	v63 =	vand.u32 $0x7F, v5;
	v1 =	vor.u32 v1, v4;
	[tilespmem:$0x140] =	vst v63  }
0x18: {  	s15 =	sadd.s32 $0x10, s15;
	(ifvalue) =	ssetifvalue $0x7FFFFFFF;
	v0 =	vor.u32 v63, v1  }
0x19: {  	[tilespmem:s15], [sflag:$0x1] =	stream.indirect_vreg.gather [hbm4b:s2+s10], $0x1, v2, vm0, $0x4038;
	[tilespmem:$0x140] =	vst v63  }
0x1a: {  	s15 =	sadd.s32 $0x10, s15;
	(ifvalue) =	ssetifvalue $0x7FFFFFFF  }
0x1b: {  	[tilespmem:s15], [sflag:$0x1] =	stream.indirect_vreg.gather [hbm4b:s2+s10], $0x1, v3, vm0, $0x4038;
	[tilespmem:$0x140] =	vst v63  }
0x1c: {  	s15 =	sadd.s32 $0x10, s15;
	(ifvalue) =	ssetifvalue $0x7FFFFFFF  }
0x1d: {  	[tilespmem:s15], [sflag:$0x1] =	stream.indirect_vreg.gather [hbm4b:s2+s10], $0x1, v0, vm0, $0x4038;
	[tilespmem:$0x140] =	vst v63  }
0x1e: {  	_ =	swait.ge [sflag:s5], $0x50  }
0x1f: {  	s30 =	sshrl.u32 s13, $0x3;
	[sflag:s5] =	ssyncset.done $0x0  }
0x20: {  	s31 =	sand.u32 $0x7, s13;
	s15 =	sadd.s32 s8, s30;
	[sflag:s5] =	ssyncadd.s32 $0xFFFFFFB0  }
0x21: {  	[hbm4b:s15+s31] =	stream.linear.scatter [tilespmem:s14], [sflag:$0x3], $0x50, $0x38;
	[tilespmem:$0x140] =	vst v63  }
.LBB2_5:
0x22: {  	s15 =	sadd.s32 $0xA00, s11  }
0x23: {  	p1 =	sgt.s32 s15, $0xF9F  }
0x24: {  	s15 =	smov.u32 @p1 s4;
	p1 =	sne.s32 s12, s9  }
.Ltmp1:
0x25: {  	p0 =	slt.u32 s12, $0x2;
	(pc) =	sbr.rel @!p1 .LBB2_6-.Ltmp1, $4  }
0x26: {  	s14 =	simm.s32 @!p0 $0x3  }
0x27: {  	_ =	swait.ge @!p0 [sflag:s14], $0x50  }
0x28: {  	s16 =	sadd.s32 $0x1, s12;
	s13 =	smov.u32 s11;
	[sflag:s14] =	ssyncset.done @!p0 $0x0  }
0x29: {  	s12 =	smov.u32 s16;
	s11 =	smov.u32 s15;
	[sflag:s14] =	ssyncadd.s32 @!p0 $0xFFFFFFB0  }
.LBB2_1:
0x2a: {  	p0 =	sge.u32 s12, s7  }
0x2b: {  	s14 =	sxor.u32 @!p0 $0x1, s12  }
0x2c: {  	s14 =	smul.u32 @!p0 $0x140, s14  }
0x2d: {  	s31 =	sadd.s32 $0xFFFFFFFF, s12;
	s15 =	sshrl.u32 @!p0 s11, $0x3  }
0x2e: {  	s16 =	sand.u32 @!p0 $0x7, s11;
	s15 =	sadd.s32 @!p0 s3, s15;
	s14 =	sshra.s32 @!p0 s14, $0x2  }
0x2f: {  	[tilespmem:s14], [sflag:$0x2] =	stream.linear.gather @!p0 [hbm4b:s15+s16], $0x50, $0x38;
	[tilespmem:$0x140] =	vst v63  }
0x30: {  	p0 =	sge.u32 s31, s7  }
.Ltmp2:
0x31: {  	_ = 	snop;
	(pc) =	sbr.rel @p0 .LBB2_5-.Ltmp2, $1  }
0x32: {  	_ =	sdelay $0x3  }
0x33: {  	s14 =	sand.u32 $0x1, s12  }
0x34: {  	_ =	swait.ge [sflag:s6], $0x50;
	p0 =	seq.s32 s14, $0x1;
	s14 =	simm.s32 $0x50  }
0x35: {  	[sflag:s6] =	ssyncset.done $0x0;
	s14 =	simm.s32 @!p0 $0x0  }
0x36: {  	[sflag:s6] =	ssyncadd.s32 $0xFFFFFFB0;
	(ifvalue) =	ssetifvalue $0x7FFFFFFF;
	v0 =	vld.msk [tilespmem:s14+$0x0 ss:$0x1], $0xffff  }
0x37: {  	s15 =	sadd.s32 $0x10, s14  }
0x38: {  	v1 =	vld.msk [tilespmem:s15+$0x0 ss:$0x1], $0xffff;
	_ =	sdelay $0x2  }
0x39: {  	v2 =	vshrl.u32 v0, $0x2  }
0x3a: {  	vm1 =	veq.s32 v0, $0x80000000;
	v0 =	vand.u32 $0x3, v0;
	v2 =	vand.u32 $0x3FFF, v2  }
0x3b: {  	v0 =	vsel vm1, $0xFFFFFFFF, v0;
	v6 =	vshrl.u32 v1, $0x2;
	v2 =	vsel vm1, $0xFFFFFFFF, v2  }
0x3c: {  	v3 =	vshrl.u32 v0, $0x2;
	v0 =	vshll.u32 v0, $0x7;
	vm1 =	veq.s32 v1, $0x80000000  }
0x3d: {  	s15 =	sadd.s32 $0x10, s15;
	v1 =	vand.u32 $0x3, v1;
	v4 =	vshll.u32 v2, $0x2;
	v3 =	vmul.u32 $0x9E00, v3  }
0x3e: {  	v0 =	vand.u32 $0x180, v0;
	v7 =	vand.u32 $0x7F, v2;
	v5 =	vand.u32 $0xFFFFFE00, v4;
	v4 =	vld.msk [tilespmem:s15+$0x0 ss:$0x1], $0xffff  }
0x3f: {  	v1 =	vsel vm1, $0xFFFFFFFF, v1;
	v2 =	vadd.s32 v3, v5;
	v3 =	vand.u32 $0x3FFF, v6  }
0x40: {  	v3 =	vsel vm1, $0xFFFFFFFF, v3;
	v0 =	vor.u32 v0, v2;
	v2 =	vshrl.u32 v1, $0x2  }
0x41: {  	v1 =	vshll.u32 v1, $0x7;
	v5 =	vshll.u32 v3, $0x2;
	v8 =	vmul.u32 $0x9E00, v2  }
0x42: {  	s18 =	simm.s32 $0x30;
	s14 =	sor.u32 $0xA0, s14;
	s17 =	sadd.s32 $0x10, s15;
	v2 =	vand.u32 $0x180, v1;
	v0 =	vor.u32 v7, v0;
	v5 =	vand.u32 $0xFFFFFE00, v5  }
0x43: {  	s16 =	smov.u32 s14;
	s15 =	smov.u32 s14;
	v1 =	vld.msk [tilespmem:s17+$0x0 ss:$0x1], $0xffff;
	v3 =	vand.u32 $0x7F, v3;
	(ifvalue) =	ssetifvalue $0x7FFFFFFF;
	v6 =	vshrl.u32 v4, $0x2;
	v5 =	vadd.s32 v8, v5  }
.LBB2_3:
0x44: {  	s18 =	sadd.s32 $0x10, s18  }
0x45: {  	vm1 =	veq.s32 v4, $0x80000000;
	v4 =	vand.u32 $0x3, v4;
	v6 =	vand.u32 $0x3FFF, v6;
	s15 =	sadd.s32 $0x10, s15;
	p0 =	slt.u32 s18, $0x40  }
.Ltmp3:
0x46: {  	v5 =	vor.u32 v2, v5;
	v4 =	vsel vm1, $0xFFFFFFFF, v4;
	v7 =	vsel vm1, $0xFFFFFFFF, v6;
	(pc) =	sbr.rel @p0 .LBB2_3-.Ltmp3, $4  }
0x47: {  	v2 =	vshrl.u32 v4, $0x2;
	v6 =	vshll.u32 v7, $0x2;
	v4 =	vshll.u32 v4, $0x7;
	[tilespmem:s16], [sflag:$0x1] =	stream.indirect_vreg.gather [hbm4b:s2+s10], $0x1, v0, vm0, $0x4038;
	[tilespmem:$0x140] =	vst v63  }
0x48: {  	v0 =	vor.u32 v3, v5;
	s16 =	smov.u32 s15;
	v8 =	vmul.u32 $0x9E00, v2;
	v2 =	vand.u32 $0x180, v4  }
0x49: {  	s17 =	sadd.s32 $0x10, s17;
	v9 =	vand.u32 $0xFFFFFE00, v6  }
0x4a: {  	v3 =	vand.u32 $0x7F, v7;
	v6 =	vshrl.u32 v1, $0x2;
	v5 =	vadd.s32 v8, v9;
	(ifvalue) =	ssetifvalue $0x7FFFFFFF;
	v4 =	vmovc v1;
	v1 =	vld.msk [tilespmem:s17+$0x0 ss:$0x1], $0xffff  }
.Ltmp4:
0x4b: {  	_ = 	snop;
	(pc) =	sbr.rel .LBB2_4-.Ltmp4, $1  }
0x4c: {  	_ =	sdelay $0x3  }
.LBB2_6:
0x4d: {  	_ =	sfence.sel $0x180000  }
0x4e: {  	s2 =	simm.s32 $0x2;
	[bflag:$0x0] =	sbarrier.arrive $0xFFFF  }
0x4f: {  	s30 =	simm.s32 $0x3;
	[sflag:s2] =	ssyncpa.u1 $0x1  }
0x50: {  	s31 =	simm.s32 $0x1;
	[sflag:s30] =	ssyncpa.u1 $0x1  }
0x51: {  	[sflag:s31] =	ssyncpa.u1 $0x1  }
0x52: {  	p0 =	sne.s32 s1, $0x0;
	_ =	strace $0x90000071  }
0x53: {  	s0 =	sadd.s32 @!p0 $0x100000, s0;
	[bflag:$0x2] =	sbarrier.arrive $0xFFFF  }
0x54: {  	[sflag:s0] =	ssyncadd.tile.s32 @!p0 $0x1;
	_ =	shalt  }
.Lfunc_end2:
_tile_overlayer_lowered:
.L_overlay_start_2:
0x55: {  	(tag) =	ssettag $0x2  }
0x56: {  	s0 =	rddreg [dreg:$0x0];
	s2 =	stileid.u32  }
0x57: {  	s1 =	rddreg [dreg:$0x1];
	p0 =	sne.s32 s2, $0x0  }
0x58: {  	s3 =	rddreg [dreg:$0x2];
	[bflag:$0x3] =	sbarrier.arrive $0xFFFF;
	s2 =	simm.s32 @!p0 $0x1C01  }
0x59: {  	[timem:s3], [sflag:s2] =	dma.local @!p0 [hbm:s0], s1  }
0x5a: {  	s0 =	simm.s32 @!p0 $0x1  }
0x5b: {  	_ =	swait.ge @!p0 [sflag:s0], s1  }
0x5c: {  	s1 =	ssub.s32 @!p0 $0x0, s1;
	[sflag:s0] =	ssyncset.done @!p0 $0x0  }
0x5d: {  	[sflag:s0] =	ssyncadd.s32 @!p0 s1  }
0x5e: {  	[bflag:$0x3] =	sbarrier.arrive $0xFFFF  }
0x5f: {  	_ =	shalt  }

// kernel: gather_offload_async_start.8
scs
__scs_entry_jumppad:
0x0: {  	(pc) =	sbr.rel $0x88, $3  }
0x1: {  	(tag) =	ssettag $0x0;
	lr =	simm.s32 $0x1  }
0x2: {  	[smem:$0x3F83] =	sst lr;
	_ =	strace $0xD0000000  }
0x3: {  	_ = 	snop  }
0x4: {  	_ = 	snop  }
0x5: {  	_ = 	snop  }
0x6: {  	_ = 	snop  }
0x7: {  	_ = 	snop  }
__scs_overlays_trampoline_lowered:
0x8: {  	[smem:$0x3F92] =	sst s0  }
0x9: {  	[smem:$0x3F93] =	sst s1  }
0xa: {  	[smem:$0x3F94] =	sst s2  }
0xb: {  	[smem:$0x3F95] =	sst s3  }
0xc: {  	[smem:$0x3F96] =	sst s4  }
0xd: {  	[smem:$0x3F97] =	sst s5  }
0xe: {  	[smem:$0x3F98] =	sst s6  }
0xf: {  	[smem:$0x3F99] =	sst s7  }
0x10: {  	[smem:$0x3F9A] =	sst s8  }
0x11: {  	[smem:$0x3F9B] =	sst s9;
	s0 =	simm.s32 @!p0 $0x0  }
0x12: {  	s1 =	sld [smem:$0x3F81];
	s0 =	simm.s32 @p0 $0x1  }
0x13: {  	[smem:$0x3F9C] =	sst s0;
	s0 =	simm.s32 @!p1 $0x0  }
0x14: {  	s2 =	sld [smem:$0x3F80];
	s0 =	simm.s32 @p1 $0x1  }
0x15: {  	[smem:$0x3F9D] =	sst s0;
	s0 =	simm.s32 @!p2 $0x0  }
0x16: {  	s3 =	sld [smem:$0x3FDB];
	s0 =	simm.s32 @p2 $0x1  }
0x17: {  	s4 =	simm.s32 $0x1BF5;
	[smem:$0x3F9F] =	sst s0  }
0x18: {  	s0 =	sld [smem:$0x3F82];
	_ =	swait.ge [sflag:s4], $0x0  }
0x19: {  	s7 =	sld [smem:$0x3F83]  }
0x1a: {  	s8 =	sadd.s32 $0xFFFFE003, lr  }
0x1b: {  	s9 =	sadd.s32 $0xFFFFFEF7, lr;
	s5 =	simm.s32 $0xFFFFFFFF;
	p2 =	slt.u32 s8, $0xFFFFF086  }
0x1c: {  	p1 =	slt.u32 s9, $0xF7A;
	s5 =	simm.s32 @!p2 $0x0  }
0x1d: {  	s5 =	simm.s32 @p1 $0x1;
	p0 =	seq.s32 s7, s2  }
0x1e: {  	s7 =	smul.u32 @!p0 $0xF7A, s2;
	p2 =	seq.s32 @!p0 s5, $0x0  }
0x1f: {  	s9 =	smul.u32 $0xF7A, s1;
	s8 =	simm.s32 @!p0 $0x1BF5;
	p2 =	por !p2, p0  }
0x20: {  	[sflag:s8] =	ssyncset.s32 @!p0 $0xFFFFF086;
	s6 =	sadd.s32 @!p0 s3, s7;
	s7 =	simm.s32 @!p0 $0x108  }
0x21: {  	s3 =	sadd.s32 s3, s9;
	s6 =	sadd.s32 @!p0 $0x88, s6;
	s7 =	simm.s32 @p2 $0x1082  }
0x22: {  	[simem:s7], [sflag:s8] =	dma.local @!p0 [hbm:s6], $0xF7A  }
0x23: {  	s9 =	sor.u32 $0xD0000000, s2;
	s6 =	simm.s32 $0x108;
	_ =	swait.ge @!p0 [sflag:s8], $0x0  }
0x24: {  	s3 =	sadd.s32 $0x88, s3;
	s6 =	simm.s32 @!p1 $0x1082;
	[sflag:s4] =	ssyncset.s32 $0xFFFFF086  }
0x25: {  	[simem:s6], [sflag:s4] =	dma.local [hbm:s3], $0xF7A  }
0x26: {  	[smem:$0x3F83] =	sst s1;
	(tag) =	ssettag s2;
	_ =	strace s9  }
0x27: {  	s1 =	sld [smem:$0x3F93]  }
0x28: {  	s2 =	sld [smem:$0x3F94]  }
0x29: {  	s4 =	sld [smem:$0x3F96]  }
0x2a: {  	p0 =	seq.s32 s5, $0x0;
	s5 =	sld [smem:$0x3F97]  }
0x2b: {  	s6 =	sld [smem:$0x3F98]  }
0x2c: {  	s7 =	sld [smem:$0x3F99]  }
0x2d: {  	s3 =	simm.s32 $0x108;
	s8 =	sld [smem:$0x3F9A]  }
0x2e: {  	s3 =	simm.s32 @!p0 $0x1082;
	s9 =	sld [smem:$0x3F9B]  }
0x2f: {  	lr =	sadd.s32 s0, s3;
	s0 =	sld [smem:$0x3F92]  }
0x30: {  	s3 =	sld [smem:$0x3F95]  }
0x31: {  	[smem:$0x3F9E] =	sst s10  }
0x32: {  	s10 =	sld [smem:$0x3F9C];
	_ =	sdelay $0x3  }
0x33: {  	p0 =	seq.s32 s10, $0x1;
	s10 =	sld [smem:$0x3F9E];
	_ =	sdelay $0x3  }
0x34: {  	[smem:$0x3F9E] =	sst s10  }
0x35: {  	s10 =	sld [smem:$0x3F9D];
	_ =	sdelay $0x3  }
0x36: {  	p1 =	seq.s32 s10, $0x1;
	s10 =	sld [smem:$0x3F9E];
	_ =	sdelay $0x3  }
0x37: {  	[smem:$0x3F9E] =	sst s10  }
0x38: {  	s10 =	sld [smem:$0x3F9F]  }
0x39: {  	_ = 	snop;
	(pc) =	sbr.ind lr, $3  }
0x3a: {  	_ = 	snop  }
0x3b: {  	_ = 	snop  }
0x3c: {  	p2 =	seq.s32 s10, $0x1;
	s10 =	sld [smem:$0x3F9E]  }
0x3d: {  	_ =	shalt  }
0x3e: {  	_ =	shalt  }
0x3f: {  	_ =	shalt  }
0x40: {  	_ =	shalt  }
0x41: {  	_ =	shalt  }
0x42: {  	_ =	shalt  }
0x43: {  	_ =	shalt  }
0x44: {  	_ =	shalt  }
0x45: {  	_ =	shalt  }
0x46: {  	_ =	shalt  }
0x47: {  	_ =	shalt  }
0x48: {  	_ =	shalt  }
0x49: {  	_ =	shalt  }
0x4a: {  	_ =	shalt  }
0x4b: {  	_ =	shalt  }
0x4c: {  	_ =	shalt  }
0x4d: {  	_ =	shalt  }
0x4e: {  	_ =	shalt  }
0x4f: {  	_ =	shalt  }
0x50: {  	_ =	shalt  }
0x51: {  	_ =	shalt  }
0x52: {  	_ =	shalt  }
0x53: {  	_ =	shalt  }
0x54: {  	_ =	shalt  }
0x55: {  	_ =	shalt  }
0x56: {  	_ =	shalt  }
0x57: {  	_ =	shalt  }
0x58: {  	_ =	shalt  }
0x59: {  	_ =	shalt  }
0x5a: {  	_ =	shalt  }
0x5b: {  	_ =	shalt  }
0x5c: {  	_ =	shalt  }
0x5d: {  	_ =	shalt  }
0x5e: {  	_ =	shalt  }
0x5f: {  	_ =	shalt  }
0x60: {  	_ =	shalt  }
0x61: {  	_ =	shalt  }
0x62: {  	_ =	shalt  }
0x63: {  	_ =	shalt  }
0x64: {  	_ =	shalt  }
0x65: {  	_ =	shalt  }
0x66: {  	_ =	shalt  }
0x67: {  	_ =	shalt  }
0x68: {  	_ =	shalt  }
0x69: {  	_ =	shalt  }
0x6a: {  	_ =	shalt  }
0x6b: {  	_ =	shalt  }
0x6c: {  	_ =	shalt  }
0x6d: {  	_ =	shalt  }
0x6e: {  	_ =	shalt  }
0x6f: {  	_ =	shalt  }
0x70: {  	_ =	shalt  }
0x71: {  	_ =	shalt  }
0x72: {  	_ =	shalt  }
0x73: {  	_ =	shalt  }
0x74: {  	_ =	shalt  }
0x75: {  	_ =	shalt  }
0x76: {  	_ =	shalt  }
0x77: {  	_ =	shalt  }
0x78: {  	_ =	shalt  }
0x79: {  	_ =	shalt  }
0x7a: {  	_ =	shalt  }
0x7b: {  	_ =	shalt  }
0x7c: {  	_ =	shalt  }
0x7d: {  	_ =	shalt  }
0x7e: {  	_ =	shalt  }
0x7f: {  	_ =	shalt  }
0x80: {  	_ =	shalt  }
0x81: {  	_ =	shalt  }
0x82: {  	_ =	shalt  }
0x83: {  	_ =	shalt  }
0x84: {  	_ =	shalt  }
0x85: {  	_ =	shalt  }
0x86: {  	_ =	shalt  }
0x87: {  	_ =	shalt  }
.Lfunc_end0:
.L_simem_size_0:
called_computation.8_lowered:
.L_overlay_start_0:
0x88: {  	s2 =	sld [smem:$0x3FD9]  }
0x89: {  	s3 =	sld [smem:$0x3FFE];
	_ =	sdelay $0x1  }
0x8a: {  	s1 =	srdreg.scid  }
0x8b: {  	s0 =	sand.u32 $0x1, s1  }
0x8c: {  	s16 =	sshll.u32 s0, $0xA;
	s2 =	sadd.s32 s3, s2  }
0x8d: {  	s2 =	sadd.s32 s2, s16  }
0x8e: {  	[smem:$0x3FAA] =	sst s2  }
0x8f: {  	_ = 	snop  }
0x90: {  	(tm) =	ssettm $0x1  }
0x91: {  	s17 =	sld [smem:$0x3FFB];
	_ =	sdelay $0x3  }
0x92: {  	_ =	strace s17  }
0x93: {  	s2 =	sld [smem:$0x3FFC];
	_ =	sdelay $0x3  }
0x94: {  	_ =	strace s2  }
0x95: {  	s2 =	sld [smem:$0x3FFD];
	_ =	sdelay $0x3  }
0x96: {  	_ =	strace s2  }
0x97: {  	_ =	strace $0x8FFFFFFF  }
0x98: {  	s18 =	sld [smem:$0x3FDB];
	_ =	sdelay $0x1  }
0x99: {  	s19 =	simm.s32 $_scs_section_size  }
0x9a: {  	s4 =	simm.s32 $_size__tile_overlayer_lowered;
	s5 =	simm.s32 $_tile_overlayer_lowered  }
0x9b: {  	s22 =	simm.s32 $0x1BFF;
	s21 =	sshll.u32 s5, $0x1;
	s2 =	sadd.s32 s19, s18  }
0x9c: {  	s6 =	simm.s32 $0x0;
	s20 =	sshll.u32 s4, $0x1;
	s4 =	sadd.s32 s21, s2  }
0x9d: {  	[timem:s6], [sflag:s22] =	dma.local [hbm:s4], s20  }
0x9e: {  	_ =	swait.ge [sflag:s22], s20  }
0x9f: {  	s3 =	ssub.s32 $0x0, s20;
	[sflag:s22] =	ssyncset.done $0x0  }
0xa0: {  	[sflag:s22] =	ssyncadd.s32 s3;
	_ =	sdelay $0x1  }
0xa1: {  	s23 =	simm.s32 $0x1B8B  }
0xa2: {  	_ =	swait.ge [sflag:s23], $0x1  }
0xa3: {  	[sflag:s23] =	ssyncset.done $0x0  }
0xa4: {  	s25 =	simm.s32 $0x1B8E;
	s24 =	sld [smem:$0x3FFE];
	[sflag:s23] =	ssyncadd.s32 $0xFFFFFFFF  }
0xa5: {  	s26 =	simm.s32 $execute0_lowered;
	[smem:$0x3FD2] =	sst s25  }
0xa6: {  	s4 =	sshll.u32 s26, $0x1;
	_ =	strace $0x8000006A;
	[dreg:$0x1] =	wrdreg $0xFFFFFFFF  }
0xa7: {  	s28 =	simm.s32 $_size_execute0_lowered;
	s2 =	sadd.s32 s2, s4;
	[dreg:$0x0] =	wrdreg $0x0  }
0xa8: {  	s4 =	sshll.u32 s28, $0x1;
	[dreg:$0x2] =	wrdreg s2  }
0xa9: {  	[dreg:$0x3] =	wrdreg s4  }
0xaa: {  	[dreg:$0x4] =	wrdreg $0xC0  }
0xab: {  	_ =	task [dreg:s6], $0x5FFFF  }
0xac: {  	[dreg:$0x1] =	wrdreg $0xFFFFFFFF  }
0xad: {  	[dreg:$0x0] =	wrdreg $0x60  }
0xae: {  	[dreg:$0x2] =	wrdreg s24  }
0xaf: {  	[dreg:$0x3] =	wrdreg $0x9  }
0xb0: {  	_ =	task.clear_ibuf [dreg:s6], $0x4FFFF;
	_ =	strace $0x9000006A  }
0xb1: {  	s29 =	simm.s32 $0x9;
	_ =	strace $0x8000006C  }
0xb2: {  	_ =	swait.ge [sflag:s29], $0x1  }
0xb3: {  	[sflag:s29] =	ssyncadd.s32 $0xFFFFFFFF  }
0xb4: {  	_ =	strace $0x9000006C  }
0xb5: {  	_ =	sfence  }
0xb6: {  	s30 =	sld [smem:$0x0];
	_ =	sdelay $0x2  }
0xb7: {  	s31 =	sshll.u32 s1, $0xD;
	s1 =	sshrl.u32 s1, $0x2  }
0xb8: {  	s3 =	sand.u32 $0x4000, s31;
	s1 =	sadd.s32 s1, s30  }
0xb9: {  	s0 =	sor.u32 s3, s0;
	s1 =	sshll.u32 s1, $0x11  }
0xba: {  	s0 =	sor.u32 s1, s0  }
0xbb: {  	s0 =	sadd.s32 $0x8F2B, s0  }
0xbc: {  	[sflag:s0] =	ssyncadd.remote.s32 $0x1  }
0xbd: {  	_ =	sfence.sel $0xFFFF  }
0xbe: {  	[dreg:$0x0] =	wrdreg $0xFFFFFFFF;
	(pc) =	sbr.abs _section_cstart, $3  }
0xbf: {  	[dreg:$0x1] =	wrdreg $0xFFFFFFFF  }
0xc0: {  	_ =	task.clear_ibuf [dreg:s6], $0x2FFFF;
	_ =	strace $0x9FFFFFFF  }
0xc1: {  	(tm) =	ssettm $0x7FFFFFFF  }
tec
execute0_lowered:
.L_overlay_start_1:
0x0: {  	(tag) =	ssettag $0x1  }
0x1: {  	s8 =	rddreg [dreg:$0x0];
	s1 =	stileid.u32  }
0x2: {  	s2 =	srdreg.scid;
	s0 =	rddreg [dreg:$0x1]  }
0x3: {  	_ =	strace $0x8000006B;
	s5 =	simm.s32 $0x1;
	s9 =	simm.s32 $0x1  }
0x4: {  	s10 =	simm.s32 $0x3;
	s2 =	sand.u32 $0x1, s2;
	s3 =	sshll.u32 s1, $0x1  }
0x5: {  	s13 =	simm.s32 $0x0;
	s12 =	simm.s32 $0x0;
	s6 =	sor.u32 s3, s2  }
0x6: {  	[sflag:s5] =	ssyncpa.u1 $0x0;
	s2 =	sadd.s32 $0x2EC00, s8;
	s4 =	smul.u32 $0x50, s6  }
0x7: {  	s3 =	sadd.s32 $0x12A00, s8;
	p0 =	slt.u32 s6, $0x13;
	s6 =	simm.s32 $0xA00  }
.Ltmp0:
0x8: {  	s6 =	simm.s32 @!p0 $0x0;
	s7 =	ssub.s32 $0xFA0, s4;
	(pc) =	sbr.rel .LBB2_1-.Ltmp0, $4  }
0x9: {  	s9 =	simm.s32 @!p0 $0x0;
	p0 =	sne.s32 s7, s6;
	s7 =	simm.s32 $0x1  }
0xa: {  	s8 =	sadd.s32 $0x8800, s8;
	s6 =	simm.s32 $0x2;
	s7 =	simm.s32 @!p0 $0x0  }
0xb: {  	s11 =	smov.u32 s4;
	[sflag:s6] =	ssyncpa.u1 $0x0;
	s7 =	sadd.s32 s9, s7  }
0xc: {  	vm0 =	vmmov $0xffff;
	[sflag:s10] =	ssyncpa.u1 $0x0;
	s10 =	simm.s32 $0x0;
	s9 =	sadd.s32 $0x1, s7  }
.LBB2_4:
0xd: {  	vm1 =	veq.s32 v4, $0x80000000;
	v56 =	vand.u32 $0x3, v4;
	v6 =	vand.u32 $0x3FFF, v6  }
0xe: {  	v2 =	vor.u32 v2, v5;
	v59 =	vshrl.u32 v1, $0x2;
	v60 =	vand.u32 $0x3, v1  }
0xf: {  	v4 =	vsel vm1, $0xFFFFFFFF, v56;
	v6 =	vsel vm1, $0xFFFFFFFF, v6;
	v2 =	vor.u32 v3, v2  }
0x10: {  	vm1 =	veq.s32 v1, $0x80000000;
	v5 =	vand.u32 $0x3FFF, v59;
	v7 =	vshrl.u32 v4, $0x2  }
0x11: {  	v57 =	vshll.u32 v6, $0x2;
	v4 =	vshll.u32 v4, $0x7;
	v1 =	vsel vm1, $0xFFFFFFFF, v60  }
0x12: {  	v5 =	vsel vm1, $0xFFFFFFFF, v5;
	v6 =	vand.u32 $0x7F, v6;
	v7 =	vmul.u32 $0x9E00, v7  }
0x13: {  	v58 =	vand.u32 $0xFFFFFE00, v57;
	v4 =	vand.u32 $0x180, v4;
	v61 =	vshrl.u32 v1, $0x2  }
0x14: {  	v62 =	vshll.u32 v5, $0x2;
	v3 =	vadd.s32 v7, v58;
	v7 =	vmul.u32 $0x9E00, v61  }
0x15: {  	v1 =	vshll.u32 v1, $0x7;
	v3 =	vor.u32 v4, v3;
	v4 =	vand.u32 $0xFFFFFE00, v62  }
0x16: {  	v1 =	vand.u32 $0x180, v1;
	v3 =	vor.u32 v6, v3;
	v4 =	vadd.s32 v7, v4  }
0x17: {  	[tilespmem:s16], [sflag:$0x1] =	stream.indirect_vreg.gather [hbm4b:s2+s10], $0x1, v0, vm0, $0x4038;
	v63 =	vand.u32 $0x7F, v5;
	v1 =	vor.u32 v1, v4;
	[tilespmem:$0x140] =	vst v63  }
0x18: {  	s15 =	sadd.s32 $0x10, s15;
	(ifvalue) =	ssetifvalue $0x7FFFFFFF;
	v0 =	vor.u32 v63, v1  }
0x19: {  	[tilespmem:s15], [sflag:$0x1] =	stream.indirect_vreg.gather [hbm4b:s2+s10], $0x1, v2, vm0, $0x4038;
	[tilespmem:$0x140] =	vst v63  }
0x1a: {  	s15 =	sadd.s32 $0x10, s15;
	(ifvalue) =	ssetifvalue $0x7FFFFFFF  }
0x1b: {  	[tilespmem:s15], [sflag:$0x1] =	stream.indirect_vreg.gather [hbm4b:s2+s10], $0x1, v3, vm0, $0x4038;
	[tilespmem:$0x140] =	vst v63  }
0x1c: {  	s15 =	sadd.s32 $0x10, s15;
	(ifvalue) =	ssetifvalue $0x7FFFFFFF  }
0x1d: {  	[tilespmem:s15], [sflag:$0x1] =	stream.indirect_vreg.gather [hbm4b:s2+s10], $0x1, v0, vm0, $0x4038;
	[tilespmem:$0x140] =	vst v63  }
0x1e: {  	_ =	swait.ge [sflag:s5], $0x50  }
0x1f: {  	s30 =	sshrl.u32 s13, $0x3;
	[sflag:s5] =	ssyncset.done $0x0  }
0x20: {  	s31 =	sand.u32 $0x7, s13;
	s15 =	sadd.s32 s8, s30;
	[sflag:s5] =	ssyncadd.s32 $0xFFFFFFB0  }
0x21: {  	[hbm4b:s15+s31] =	stream.linear.scatter [tilespmem:s14], [sflag:$0x3], $0x50, $0x38;
	[tilespmem:$0x140] =	vst v63  }
.LBB2_5:
0x22: {  	s15 =	sadd.s32 $0xA00, s11  }
0x23: {  	p1 =	sgt.s32 s15, $0xF9F  }
0x24: {  	s15 =	smov.u32 @p1 s4;
	p1 =	sne.s32 s12, s9  }
.Ltmp1:
0x25: {  	p0 =	slt.u32 s12, $0x2;
	(pc) =	sbr.rel @!p1 .LBB2_6-.Ltmp1, $4  }
0x26: {  	s14 =	simm.s32 @!p0 $0x3  }
0x27: {  	_ =	swait.ge @!p0 [sflag:s14], $0x50  }
0x28: {  	s16 =	sadd.s32 $0x1, s12;
	s13 =	smov.u32 s11;
	[sflag:s14] =	ssyncset.done @!p0 $0x0  }
0x29: {  	s12 =	smov.u32 s16;
	s11 =	smov.u32 s15;
	[sflag:s14] =	ssyncadd.s32 @!p0 $0xFFFFFFB0  }
.LBB2_1:
0x2a: {  	p0 =	sge.u32 s12, s7  }
0x2b: {  	s14 =	sxor.u32 @!p0 $0x1, s12  }
0x2c: {  	s14 =	smul.u32 @!p0 $0x140, s14  }
0x2d: {  	s31 =	sadd.s32 $0xFFFFFFFF, s12;
	s15 =	sshrl.u32 @!p0 s11, $0x3  }
0x2e: {  	s16 =	sand.u32 @!p0 $0x7, s11;
	s15 =	sadd.s32 @!p0 s3, s15;
	s14 =	sshra.s32 @!p0 s14, $0x2  }
0x2f: {  	[tilespmem:s14], [sflag:$0x2] =	stream.linear.gather @!p0 [hbm4b:s15+s16], $0x50, $0x38;
	[tilespmem:$0x140] =	vst v63  }
0x30: {  	p0 =	sge.u32 s31, s7  }
.Ltmp2:
0x31: {  	_ = 	snop;
	(pc) =	sbr.rel @p0 .LBB2_5-.Ltmp2, $1  }
0x32: {  	_ =	sdelay $0x3  }
0x33: {  	s14 =	sand.u32 $0x1, s12  }
0x34: {  	_ =	swait.ge [sflag:s6], $0x50;
	p0 =	seq.s32 s14, $0x1;
	s14 =	simm.s32 $0x50  }
0x35: {  	[sflag:s6] =	ssyncset.done $0x0;
	s14 =	simm.s32 @!p0 $0x0  }
0x36: {  	[sflag:s6] =	ssyncadd.s32 $0xFFFFFFB0;
	(ifvalue) =	ssetifvalue $0x7FFFFFFF;
	v0 =	vld.msk [tilespmem:s14+$0x0 ss:$0x1], $0xffff  }
0x37: {  	s15 =	sadd.s32 $0x10, s14  }
0x38: {  	v1 =	vld.msk [tilespmem:s15+$0x0 ss:$0x1], $0xffff;
	_ =	sdelay $0x2  }
0x39: {  	v2 =	vshrl.u32 v0, $0x2  }
0x3a: {  	vm1 =	veq.s32 v0, $0x80000000;
	v0 =	vand.u32 $0x3, v0;
	v2 =	vand.u32 $0x3FFF, v2  }
0x3b: {  	v0 =	vsel vm1, $0xFFFFFFFF, v0;
	v6 =	vshrl.u32 v1, $0x2;
	v2 =	vsel vm1, $0xFFFFFFFF, v2  }
0x3c: {  	v3 =	vshrl.u32 v0, $0x2;
	v0 =	vshll.u32 v0, $0x7;
	vm1 =	veq.s32 v1, $0x80000000  }
0x3d: {  	s15 =	sadd.s32 $0x10, s15;
	v1 =	vand.u32 $0x3, v1;
	v4 =	vshll.u32 v2, $0x2;
	v3 =	vmul.u32 $0x9E00, v3  }
0x3e: {  	v0 =	vand.u32 $0x180, v0;
	v7 =	vand.u32 $0x7F, v2;
	v5 =	vand.u32 $0xFFFFFE00, v4;
	v4 =	vld.msk [tilespmem:s15+$0x0 ss:$0x1], $0xffff  }
0x3f: {  	v1 =	vsel vm1, $0xFFFFFFFF, v1;
	v2 =	vadd.s32 v3, v5;
	v3 =	vand.u32 $0x3FFF, v6  }
0x40: {  	v3 =	vsel vm1, $0xFFFFFFFF, v3;
	v0 =	vor.u32 v0, v2;
	v2 =	vshrl.u32 v1, $0x2  }
0x41: {  	v1 =	vshll.u32 v1, $0x7;
	v5 =	vshll.u32 v3, $0x2;
	v8 =	vmul.u32 $0x9E00, v2  }
0x42: {  	s18 =	simm.s32 $0x30;
	s14 =	sor.u32 $0xA0, s14;
	s17 =	sadd.s32 $0x10, s15;
	v2 =	vand.u32 $0x180, v1;
	v0 =	vor.u32 v7, v0;
	v5 =	vand.u32 $0xFFFFFE00, v5  }
0x43: {  	s16 =	smov.u32 s14;
	s15 =	smov.u32 s14;
	v1 =	vld.msk [tilespmem:s17+$0x0 ss:$0x1], $0xffff;
	v3 =	vand.u32 $0x7F, v3;
	(ifvalue) =	ssetifvalue $0x7FFFFFFF;
	v6 =	vshrl.u32 v4, $0x2;
	v5 =	vadd.s32 v8, v5  }
.LBB2_3:
0x44: {  	s18 =	sadd.s32 $0x10, s18  }
0x45: {  	vm1 =	veq.s32 v4, $0x80000000;
	v4 =	vand.u32 $0x3, v4;
	v6 =	vand.u32 $0x3FFF, v6;
	s15 =	sadd.s32 $0x10, s15;
	p0 =	slt.u32 s18, $0x40  }
.Ltmp3:
0x46: {  	v5 =	vor.u32 v2, v5;
	v4 =	vsel vm1, $0xFFFFFFFF, v4;
	v7 =	vsel vm1, $0xFFFFFFFF, v6;
	(pc) =	sbr.rel @p0 .LBB2_3-.Ltmp3, $4  }
0x47: {  	v2 =	vshrl.u32 v4, $0x2;
	v6 =	vshll.u32 v7, $0x2;
	v4 =	vshll.u32 v4, $0x7;
	[tilespmem:s16], [sflag:$0x1] =	stream.indirect_vreg.gather [hbm4b:s2+s10], $0x1, v0, vm0, $0x4038;
	[tilespmem:$0x140] =	vst v63  }
0x48: {  	v0 =	vor.u32 v3, v5;
	s16 =	smov.u32 s15;
	v8 =	vmul.u32 $0x9E00, v2;
	v2 =	vand.u32 $0x180, v4  }
0x49: {  	s17 =	sadd.s32 $0x10, s17;
	v9 =	vand.u32 $0xFFFFFE00, v6  }
0x4a: {  	v3 =	vand.u32 $0x7F, v7;
	v6 =	vshrl.u32 v1, $0x2;
	v5 =	vadd.s32 v8, v9;
	(ifvalue) =	ssetifvalue $0x7FFFFFFF;
	v4 =	vmovc v1;
	v1 =	vld.msk [tilespmem:s17+$0x0 ss:$0x1], $0xffff  }
.Ltmp4:
0x4b: {  	_ = 	snop;
	(pc) =	sbr.rel .LBB2_4-.Ltmp4, $1  }
0x4c: {  	_ =	sdelay $0x3  }
.LBB2_6:
0x4d: {  	_ =	sfence.sel $0x180000  }
0x4e: {  	s2 =	simm.s32 $0x2;
	[bflag:$0x0] =	sbarrier.arrive $0xFFFF  }
0x4f: {  	s30 =	simm.s32 $0x3;
	[sflag:s2] =	ssyncpa.u1 $0x1  }
0x50: {  	s31 =	simm.s32 $0x1;
	[sflag:s30] =	ssyncpa.u1 $0x1  }
0x51: {  	[sflag:s31] =	ssyncpa.u1 $0x1  }
0x52: {  	p0 =	sne.s32 s1, $0x0;
	_ =	strace $0x9000006B  }
0x53: {  	s0 =	sadd.s32 @!p0 $0x100000, s0;
	[bflag:$0x2] =	sbarrier.arrive $0xFFFF  }
0x54: {  	[sflag:s0] =	ssyncadd.tile.s32 @!p0 $0x1;
	_ =	shalt  }
.Lfunc_end2:
_tile_overlayer_lowered:
.L_overlay_start_2:
0x55: {  	(tag) =	ssettag $0x2  }
0x56: {  	s0 =	rddreg [dreg:$0x0];
	s2 =	stileid.u32  }
0x57: {  	s1 =	rddreg [dreg:$0x1];
	p0 =	sne.s32 s2, $0x0  }
0x58: {  	s3 =	rddreg [dreg:$0x2];
	[bflag:$0x3] =	sbarrier.arrive $0xFFFF;
	s2 =	simm.s32 @!p0 $0x1C01  }
0x59: {  	[timem:s3], [sflag:s2] =	dma.local @!p0 [hbm:s0], s1  }
0x5a: {  	s0 =	simm.s32 @!p0 $0x1  }
0x5b: {  	_ =	swait.ge @!p0 [sflag:s0], s1  }
0x5c: {  	s1 =	ssub.s32 @!p0 $0x0, s1;
	[sflag:s0] =	ssyncset.done @!p0 $0x0  }
0x5d: {  	[sflag:s0] =	ssyncadd.s32 @!p0 s1  }
0x5e: {  	[bflag:$0x3] =	sbarrier.arrive $0xFFFF  }
0x5f: {  	_ =	shalt  }

// kernel: gather_offload_async_start.9
scs
__scs_entry_jumppad:
0x0: {  	(pc) =	sbr.rel $0x88, $3  }
0x1: {  	(tag) =	ssettag $0x0;
	lr =	simm.s32 $0x1  }
0x2: {  	[smem:$0x3F83] =	sst lr;
	_ =	strace $0xD0000000  }
0x3: {  	_ = 	snop  }
0x4: {  	_ = 	snop  }
0x5: {  	_ = 	snop  }
0x6: {  	_ = 	snop  }
0x7: {  	_ = 	snop  }
__scs_overlays_trampoline_lowered:
0x8: {  	[smem:$0x3F92] =	sst s0  }
0x9: {  	[smem:$0x3F93] =	sst s1  }
0xa: {  	[smem:$0x3F94] =	sst s2  }
0xb: {  	[smem:$0x3F95] =	sst s3  }
0xc: {  	[smem:$0x3F96] =	sst s4  }
0xd: {  	[smem:$0x3F97] =	sst s5  }
0xe: {  	[smem:$0x3F98] =	sst s6  }
0xf: {  	[smem:$0x3F99] =	sst s7  }
0x10: {  	[smem:$0x3F9A] =	sst s8  }
0x11: {  	[smem:$0x3F9B] =	sst s9;
	s0 =	simm.s32 @!p0 $0x0  }
0x12: {  	s1 =	sld [smem:$0x3F81];
	s0 =	simm.s32 @p0 $0x1  }
0x13: {  	[smem:$0x3F9C] =	sst s0;
	s0 =	simm.s32 @!p1 $0x0  }
0x14: {  	s2 =	sld [smem:$0x3F80];
	s0 =	simm.s32 @p1 $0x1  }
0x15: {  	[smem:$0x3F9D] =	sst s0;
	s0 =	simm.s32 @!p2 $0x0  }
0x16: {  	s3 =	sld [smem:$0x3FDB];
	s0 =	simm.s32 @p2 $0x1  }
0x17: {  	s4 =	simm.s32 $0x1BF5;
	[smem:$0x3F9F] =	sst s0  }
0x18: {  	s0 =	sld [smem:$0x3F82];
	_ =	swait.ge [sflag:s4], $0x0  }
0x19: {  	s7 =	sld [smem:$0x3F83]  }
0x1a: {  	s8 =	sadd.s32 $0xFFFFE003, lr  }
0x1b: {  	s9 =	sadd.s32 $0xFFFFFEF7, lr;
	s5 =	simm.s32 $0xFFFFFFFF;
	p2 =	slt.u32 s8, $0xFFFFF086  }
0x1c: {  	p1 =	slt.u32 s9, $0xF7A;
	s5 =	simm.s32 @!p2 $0x0  }
0x1d: {  	s5 =	simm.s32 @p1 $0x1;
	p0 =	seq.s32 s7, s2  }
0x1e: {  	s7 =	smul.u32 @!p0 $0xF7A, s2;
	p2 =	seq.s32 @!p0 s5, $0x0  }
0x1f: {  	s9 =	smul.u32 $0xF7A, s1;
	s8 =	simm.s32 @!p0 $0x1BF5;
	p2 =	por !p2, p0  }
0x20: {  	[sflag:s8] =	ssyncset.s32 @!p0 $0xFFFFF086;
	s6 =	sadd.s32 @!p0 s3, s7;
	s7 =	simm.s32 @!p0 $0x108  }
0x21: {  	s3 =	sadd.s32 s3, s9;
	s6 =	sadd.s32 @!p0 $0x88, s6;
	s7 =	simm.s32 @p2 $0x1082  }
0x22: {  	[simem:s7], [sflag:s8] =	dma.local @!p0 [hbm:s6], $0xF7A  }
0x23: {  	s9 =	sor.u32 $0xD0000000, s2;
	s6 =	simm.s32 $0x108;
	_ =	swait.ge @!p0 [sflag:s8], $0x0  }
0x24: {  	s3 =	sadd.s32 $0x88, s3;
	s6 =	simm.s32 @!p1 $0x1082;
	[sflag:s4] =	ssyncset.s32 $0xFFFFF086  }
0x25: {  	[simem:s6], [sflag:s4] =	dma.local [hbm:s3], $0xF7A  }
0x26: {  	[smem:$0x3F83] =	sst s1;
	(tag) =	ssettag s2;
	_ =	strace s9  }
0x27: {  	s1 =	sld [smem:$0x3F93]  }
0x28: {  	s2 =	sld [smem:$0x3F94]  }
0x29: {  	s4 =	sld [smem:$0x3F96]  }
0x2a: {  	p0 =	seq.s32 s5, $0x0;
	s5 =	sld [smem:$0x3F97]  }
0x2b: {  	s6 =	sld [smem:$0x3F98]  }
0x2c: {  	s7 =	sld [smem:$0x3F99]  }
0x2d: {  	s3 =	simm.s32 $0x108;
	s8 =	sld [smem:$0x3F9A]  }
0x2e: {  	s3 =	simm.s32 @!p0 $0x1082;
	s9 =	sld [smem:$0x3F9B]  }
0x2f: {  	lr =	sadd.s32 s0, s3;
	s0 =	sld [smem:$0x3F92]  }
0x30: {  	s3 =	sld [smem:$0x3F95]  }
0x31: {  	[smem:$0x3F9E] =	sst s10  }
0x32: {  	s10 =	sld [smem:$0x3F9C];
	_ =	sdelay $0x3  }
0x33: {  	p0 =	seq.s32 s10, $0x1;
	s10 =	sld [smem:$0x3F9E];
	_ =	sdelay $0x3  }
0x34: {  	[smem:$0x3F9E] =	sst s10  }
0x35: {  	s10 =	sld [smem:$0x3F9D];
	_ =	sdelay $0x3  }
0x36: {  	p1 =	seq.s32 s10, $0x1;
	s10 =	sld [smem:$0x3F9E];
	_ =	sdelay $0x3  }
0x37: {  	[smem:$0x3F9E] =	sst s10  }
0x38: {  	s10 =	sld [smem:$0x3F9F]  }
0x39: {  	_ = 	snop;
	(pc) =	sbr.ind lr, $3  }
0x3a: {  	_ = 	snop  }
0x3b: {  	_ = 	snop  }
0x3c: {  	p2 =	seq.s32 s10, $0x1;
	s10 =	sld [smem:$0x3F9E]  }
0x3d: {  	_ =	shalt  }
0x3e: {  	_ =	shalt  }
0x3f: {  	_ =	shalt  }
0x40: {  	_ =	shalt  }
0x41: {  	_ =	shalt  }
0x42: {  	_ =	shalt  }
0x43: {  	_ =	shalt  }
0x44: {  	_ =	shalt  }
0x45: {  	_ =	shalt  }
0x46: {  	_ =	shalt  }
0x47: {  	_ =	shalt  }
0x48: {  	_ =	shalt  }
0x49: {  	_ =	shalt  }
0x4a: {  	_ =	shalt  }
0x4b: {  	_ =	shalt  }
0x4c: {  	_ =	shalt  }
0x4d: {  	_ =	shalt  }
0x4e: {  	_ =	shalt  }
0x4f: {  	_ =	shalt  }
0x50: {  	_ =	shalt  }
0x51: {  	_ =	shalt  }
0x52: {  	_ =	shalt  }
0x53: {  	_ =	shalt  }
0x54: {  	_ =	shalt  }
0x55: {  	_ =	shalt  }
0x56: {  	_ =	shalt  }
0x57: {  	_ =	shalt  }
0x58: {  	_ =	shalt  }
0x59: {  	_ =	shalt  }
0x5a: {  	_ =	shalt  }
0x5b: {  	_ =	shalt  }
0x5c: {  	_ =	shalt  }
0x5d: {  	_ =	shalt  }
0x5e: {  	_ =	shalt  }
0x5f: {  	_ =	shalt  }
0x60: {  	_ =	shalt  }
0x61: {  	_ =	shalt  }
0x62: {  	_ =	shalt  }
0x63: {  	_ =	shalt  }
0x64: {  	_ =	shalt  }
0x65: {  	_ =	shalt  }
0x66: {  	_ =	shalt  }
0x67: {  	_ =	shalt  }
0x68: {  	_ =	shalt  }
0x69: {  	_ =	shalt  }
0x6a: {  	_ =	shalt  }
0x6b: {  	_ =	shalt  }
0x6c: {  	_ =	shalt  }
0x6d: {  	_ =	shalt  }
0x6e: {  	_ =	shalt  }
0x6f: {  	_ =	shalt  }
0x70: {  	_ =	shalt  }
0x71: {  	_ =	shalt  }
0x72: {  	_ =	shalt  }
0x73: {  	_ =	shalt  }
0x74: {  	_ =	shalt  }
0x75: {  	_ =	shalt  }
0x76: {  	_ =	shalt  }
0x77: {  	_ =	shalt  }
0x78: {  	_ =	shalt  }
0x79: {  	_ =	shalt  }
0x7a: {  	_ =	shalt  }
0x7b: {  	_ =	shalt  }
0x7c: {  	_ =	shalt  }
0x7d: {  	_ =	shalt  }
0x7e: {  	_ =	shalt  }
0x7f: {  	_ =	shalt  }
0x80: {  	_ =	shalt  }
0x81: {  	_ =	shalt  }
0x82: {  	_ =	shalt  }
0x83: {  	_ =	shalt  }
0x84: {  	_ =	shalt  }
0x85: {  	_ =	shalt  }
0x86: {  	_ =	shalt  }
0x87: {  	_ =	shalt  }
.Lfunc_end0:
.L_simem_size_0:
called_computation.9_lowered:
.L_overlay_start_0:
0x88: {  	s2 =	sld [smem:$0x3FD9]  }
0x89: {  	s3 =	sld [smem:$0x3FFE];
	_ =	sdelay $0x1  }
0x8a: {  	s1 =	srdreg.scid  }
0x8b: {  	s0 =	sand.u32 $0x1, s1  }
0x8c: {  	s16 =	sshll.u32 s0, $0xA;
	s2 =	sadd.s32 s3, s2  }
0x8d: {  	s2 =	sadd.s32 s2, s16  }
0x8e: {  	[smem:$0x3FAA] =	sst s2  }
0x8f: {  	_ = 	snop  }
0x90: {  	(tm) =	ssettm $0x1  }
0x91: {  	s17 =	sld [smem:$0x3FFB];
	_ =	sdelay $0x3  }
0x92: {  	_ =	strace s17  }
0x93: {  	s2 =	sld [smem:$0x3FFC];
	_ =	sdelay $0x3  }
0x94: {  	_ =	strace s2  }
0x95: {  	s2 =	sld [smem:$0x3FFD];
	_ =	sdelay $0x3  }
0x96: {  	_ =	strace s2  }
0x97: {  	_ =	strace $0x8FFFFFFF  }
0x98: {  	s18 =	sld [smem:$0x3FDB];
	_ =	sdelay $0x1  }
0x99: {  	s19 =	simm.s32 $_scs_section_size  }
0x9a: {  	s4 =	simm.s32 $_size__tile_overlayer_lowered;
	s5 =	simm.s32 $_tile_overlayer_lowered  }
0x9b: {  	s22 =	simm.s32 $0x1BFF;
	s21 =	sshll.u32 s5, $0x1;
	s2 =	sadd.s32 s19, s18  }
0x9c: {  	s6 =	simm.s32 $0x0;
	s20 =	sshll.u32 s4, $0x1;
	s4 =	sadd.s32 s21, s2  }
0x9d: {  	[timem:s6], [sflag:s22] =	dma.local [hbm:s4], s20  }
0x9e: {  	_ =	swait.ge [sflag:s22], s20  }
0x9f: {  	s3 =	ssub.s32 $0x0, s20;
	[sflag:s22] =	ssyncset.done $0x0  }
0xa0: {  	[sflag:s22] =	ssyncadd.s32 s3;
	_ =	sdelay $0x1  }
0xa1: {  	s23 =	simm.s32 $0x1B8B  }
0xa2: {  	_ =	swait.ge [sflag:s23], $0x1  }
0xa3: {  	[sflag:s23] =	ssyncset.done $0x0  }
0xa4: {  	s25 =	simm.s32 $0x1B8E;
	s24 =	sld [smem:$0x3FFE];
	[sflag:s23] =	ssyncadd.s32 $0xFFFFFFFF  }
0xa5: {  	s26 =	simm.s32 $execute0_lowered;
	[smem:$0x3FD2] =	sst s25  }
0xa6: {  	s4 =	sshll.u32 s26, $0x1;
	_ =	strace $0x80000067;
	[dreg:$0x1] =	wrdreg $0xFFFFFFFF  }
0xa7: {  	s28 =	simm.s32 $_size_execute0_lowered;
	s2 =	sadd.s32 s2, s4;
	[dreg:$0x0] =	wrdreg $0x0  }
0xa8: {  	s4 =	sshll.u32 s28, $0x1;
	[dreg:$0x2] =	wrdreg s2  }
0xa9: {  	[dreg:$0x3] =	wrdreg s4  }
0xaa: {  	[dreg:$0x4] =	wrdreg $0xC0  }
0xab: {  	_ =	task [dreg:s6], $0x5FFFF  }
0xac: {  	[dreg:$0x1] =	wrdreg $0xFFFFFFFF  }
0xad: {  	[dreg:$0x0] =	wrdreg $0x60  }
0xae: {  	[dreg:$0x2] =	wrdreg s24  }
0xaf: {  	[dreg:$0x3] =	wrdreg $0x9  }
0xb0: {  	_ =	task.clear_ibuf [dreg:s6], $0x4FFFF;
	_ =	strace $0x90000067  }
0xb1: {  	s29 =	simm.s32 $0x9;
	_ =	strace $0x80000069  }
0xb2: {  	_ =	swait.ge [sflag:s29], $0x1  }
0xb3: {  	[sflag:s29] =	ssyncadd.s32 $0xFFFFFFFF  }
0xb4: {  	_ =	strace $0x90000069  }
0xb5: {  	_ =	sfence  }
0xb6: {  	s30 =	sld [smem:$0x0];
	_ =	sdelay $0x2  }
0xb7: {  	s31 =	sshll.u32 s1, $0xD;
	s1 =	sshrl.u32 s1, $0x2  }
0xb8: {  	s3 =	sand.u32 $0x4000, s31;
	s1 =	sadd.s32 s1, s30  }
0xb9: {  	s0 =	sor.u32 s3, s0;
	s1 =	sshll.u32 s1, $0x11  }
0xba: {  	s0 =	sor.u32 s1, s0  }
0xbb: {  	s0 =	sadd.s32 $0x8F2B, s0  }
0xbc: {  	[sflag:s0] =	ssyncadd.remote.s32 $0x1  }
0xbd: {  	_ =	sfence.sel $0xFFFF  }
0xbe: {  	[dreg:$0x0] =	wrdreg $0xFFFFFFFF;
	(pc) =	sbr.abs _section_cstart, $3  }
0xbf: {  	[dreg:$0x1] =	wrdreg $0xFFFFFFFF  }
0xc0: {  	_ =	task.clear_ibuf [dreg:s6], $0x2FFFF;
	_ =	strace $0x9FFFFFFF  }
0xc1: {  	(tm) =	ssettm $0x7FFFFFFF  }
tec
execute0_lowered:
.L_overlay_start_1:
0x0: {  	(tag) =	ssettag $0x1  }
0x1: {  	s8 =	rddreg [dreg:$0x0];
	s1 =	stileid.u32  }
0x2: {  	s2 =	srdreg.scid;
	s0 =	rddreg [dreg:$0x1]  }
0x3: {  	_ =	strace $0x80000068;
	s5 =	simm.s32 $0x1;
	s9 =	simm.s32 $0x1  }
0x4: {  	s10 =	simm.s32 $0x3;
	s2 =	sand.u32 $0x1, s2;
	s3 =	sshll.u32 s1, $0x1  }
0x5: {  	s13 =	simm.s32 $0x0;
	s12 =	simm.s32 $0x0;
	s6 =	sor.u32 s3, s2  }
0x6: {  	[sflag:s5] =	ssyncpa.u1 $0x0;
	s2 =	sadd.s32 $0x28800, s8;
	s4 =	smul.u32 $0x190, s6  }
0x7: {  	s3 =	sadd.s32 $0x28000, s8;
	p0 =	slt.u32 s6, $0x9;
	s6 =	simm.s32 $0x3200  }
.Ltmp0:
0x8: {  	s6 =	simm.s32 @!p0 $0x0;
	s7 =	ssub.s32 $0x3E80, s4;
	(pc) =	sbr.rel .LBB2_1-.Ltmp0, $4  }
0x9: {  	s9 =	simm.s32 @!p0 $0x0;
	p0 =	sne.s32 s7, s6;
	s7 =	simm.s32 $0x1  }
0xa: {  	s8 =	sadd.s32 $0x9000, s8;
	s6 =	simm.s32 $0x2;
	s7 =	simm.s32 @!p0 $0x0  }
0xb: {  	s11 =	smov.u32 s4;
	[sflag:s6] =	ssyncpa.u1 $0x0;
	s7 =	sadd.s32 s9, s7  }
0xc: {  	vm0 =	vmmov $0xffff;
	[sflag:s10] =	ssyncpa.u1 $0x0;
	s10 =	simm.s32 $0x0;
	s9 =	sadd.s32 $0x1, s7  }
.LBB2_4:
0xd: {  	v6 =	vand.u32 $0x7F, v3;
	v4 =	vsel vm1, $0xFFFF6200, v4  }
0xe: {  	v5 =	vmul.u32 $0x9E00, v5;
	vm1 =	vmmov vm2;
	v56 =	vshll.u32 v3, $0x2  }
0xf: {  	v7 =	vand.u32 $0x3, v1;
	v2 =	vshll.u32 v2, $0x7;
	v57 =	vshrl.u32 v1, $0x2  }
0x10: {  	v58 =	vshrl.u32 v1, $0x4;
	v4 =	vor.u32 v4, v6;
	v3 =	vand.u32 $0xFFFFFE00, v56  }
0x11: {  	v2 =	vand.u32 $0x180, v2;
	v4 =	vadd.s32 v5, v4;
	v5 =	vand.u32 $0x3, v57  }
0x12: {  	v1 =	vand.u32 $0x3FFF, v58;
	v59 =	vmul.u32 $0x9E00, v7;
	v5 =	vsel vm1, $0xFFFFFFFF, v5  }
0x13: {  	v1 =	vsel vm1, $0xFFFFFFFF, v1;
	v3 =	vadd.s32 v3, v4;
	v60 =	vshrl.u32 v5, $0x2  }
0x14: {  	v61 =	vand.u32 $0x7F, v1;
	v6 =	vsel vm1, $0xFFFF6200, v59;
	v4 =	vmul.u32 $0x9E00, v60  }
0x15: {  	v1 =	vshll.u32 v1, $0x2;
	v2 =	vor.u32 v2, v3;
	v62 =	vor.u32 v6, v61  }
0x16: {  	v1 =	vand.u32 $0xFFFFFE00, v1;
	v5 =	vshll.u32 v5, $0x7;
	v3 =	vadd.s32 v4, v62  }
0x17: {  	v63 =	vand.u32 $0x180, v5;
	v1 =	vadd.s32 v1, v3  }
0x18: {  	(ifvalue) =	ssetifvalue $0x7FFFFFFF;
	s15 =	sadd.s32 $0x10, s15;
	v1 =	vor.u32 v63, v1  }
0x19: {  	[tilespmem:s15], [sflag:$0x1] =	stream.indirect_vreg.gather [hbm4b:s2+s10], $0x1, v0, vm0, $0x4038;
	[tilespmem:$0x640] =	vst v63  }
0x1a: {  	(ifvalue) =	ssetifvalue $0x7FFFFFFF;
	s15 =	sadd.s32 $0x10, s15  }
0x1b: {  	[tilespmem:s15], [sflag:$0x1] =	stream.indirect_vreg.gather [hbm4b:s2+s10], $0x1, v2, vm0, $0x4038;
	[tilespmem:$0x640] =	vst v63  }
0x1c: {  	(ifvalue) =	ssetifvalue $0x7FFFFFFF;
	s15 =	sadd.s32 $0x10, s15  }
0x1d: {  	[tilespmem:s15], [sflag:$0x1] =	stream.indirect_vreg.gather [hbm4b:s2+s10], $0x1, v1, vm0, $0x4038;
	[tilespmem:$0x640] =	vst v63  }
0x1e: {  	_ =	swait.ge [sflag:s5], $0x190  }
0x1f: {  	s30 =	sshrl.u32 s13, $0x3;
	[sflag:s5] =	ssyncset.done $0x0  }
0x20: {  	s31 =	sand.u32 $0x7, s13;
	s15 =	sadd.s32 s8, s30;
	[sflag:s5] =	ssyncadd.s32 $0xFFFFFE70  }
0x21: {  	[hbm4b:s15+s31] =	stream.linear.scatter [tilespmem:s14], [sflag:$0x3], $0x190, $0x38;
	[tilespmem:$0x640] =	vst v63  }
.LBB2_5:
0x22: {  	s15 =	sadd.s32 $0x3200, s11  }
0x23: {  	p1 =	sgt.s32 s15, $0x3E7F  }
0x24: {  	s15 =	smov.u32 @p1 s4;
	p1 =	sne.s32 s12, s9  }
.Ltmp1:
0x25: {  	p0 =	slt.u32 s12, $0x2;
	(pc) =	sbr.rel @!p1 .LBB2_6-.Ltmp1, $4  }
0x26: {  	s14 =	simm.s32 @!p0 $0x3  }
0x27: {  	_ =	swait.ge @!p0 [sflag:s14], $0x190  }
0x28: {  	s16 =	sadd.s32 $0x1, s12;
	s13 =	smov.u32 s11;
	[sflag:s14] =	ssyncset.done @!p0 $0x0  }
0x29: {  	s12 =	smov.u32 s16;
	s11 =	smov.u32 s15;
	[sflag:s14] =	ssyncadd.s32 @!p0 $0xFFFFFE70  }
.LBB2_1:
0x2a: {  	p0 =	sge.u32 s12, s7  }
0x2b: {  	s14 =	sxor.u32 @!p0 $0x1, s12  }
0x2c: {  	s14 =	smul.u32 @!p0 $0x640, s14  }
0x2d: {  	s31 =	sadd.s32 $0xFFFFFFFF, s12;
	s15 =	sshrl.u32 @!p0 s11, $0x3  }
0x2e: {  	s16 =	sand.u32 @!p0 $0x7, s11;
	s15 =	sadd.s32 @!p0 s3, s15;
	s14 =	sshra.s32 @!p0 s14, $0x2  }
0x2f: {  	[tilespmem:s14], [sflag:$0x2] =	stream.linear.gather @!p0 [hbm4b:s15+s16], $0x190, $0x38;
	[tilespmem:$0x640] =	vst v63  }
0x30: {  	p0 =	sge.u32 s31, s7  }
.Ltmp2:
0x31: {  	_ = 	snop;
	(pc) =	sbr.rel @p0 .LBB2_5-.Ltmp2, $1  }
0x32: {  	_ =	sdelay $0x3  }
0x33: {  	s14 =	sand.u32 $0x1, s12  }
0x34: {  	_ =	swait.ge [sflag:s6], $0x190;
	p0 =	seq.s32 s14, $0x1;
	s14 =	simm.s32 $0x190  }
0x35: {  	[sflag:s6] =	ssyncset.done $0x0;
	s14 =	simm.s32 @!p0 $0x0  }
0x36: {  	[sflag:s6] =	ssyncadd.s32 $0xFFFFFE70;
	(ifvalue) =	ssetifvalue $0x7FFFFFFF;
	v0 =	vld.msk [tilespmem:s14+$0x0 ss:$0x1], $0xffff;
	_ =	sdelay $0x1  }
0x37: {  	s15 =	sadd.s32 $0x10, s14  }
0x38: {  	v1 =	vld.msk [tilespmem:s15+$0x0 ss:$0x1], $0xffff;
	s15 =	sadd.s32 $0x10, s15  }
0x39: {  	v6 =	vld.msk [tilespmem:s15+$0x0 ss:$0x1], $0xffff  }
0x3a: {  	vm1 =	veq.s32 v0, $0x80000000;
	v2 =	vand.u32 $0x3, v0  }
0x3b: {  	v3 =	vshrl.u32 v0, $0x2;
	v0 =	vshrl.u32 v0, $0x4;
	vm1 =	vmmov vm1  }
0x3c: {  	v3 =	vand.u32 $0x3, v3;
	v0 =	vand.u32 $0x3FFF, v0;
	v2 =	vmul.u32 $0x9E00, v2  }
0x3d: {  	vm2 =	veq.s32 v1, $0x80000000;
	v7 =	vand.u32 $0x3, v1;
	v3 =	vsel vm1, $0xFFFFFFFF, v3  }
0x3e: {  	v0 =	vsel vm1, $0xFFFFFFFF, v0;
	v8 =	vand.u32 $0x3, v6;
	v4 =	vshrl.u32 v3, $0x2  }
0x3f: {  	v5 =	vand.u32 $0x7F, v0;
	v2 =	vsel vm1, $0xFFFF6200, v2;
	vm1 =	vmmov vm2  }
0x40: {  	v0 =	vshll.u32 v0, $0x2;
	v3 =	vshll.u32 v3, $0x7;
	v4 =	vmul.u32 $0x9E00, v4  }
0x41: {  	v2 =	vor.u32 v2, v5;
	v0 =	vand.u32 $0xFFFFFE00, v0;
	v3 =	vand.u32 $0x180, v3  }
0x42: {  	v2 =	vadd.s32 v4, v2;
	v4 =	vshrl.u32 v1, $0x2;
	v1 =	vshrl.u32 v1, $0x4  }
0x43: {  	v0 =	vadd.s32 v0, v2;
	v2 =	vand.u32 $0x3, v4;
	v1 =	vand.u32 $0x3FFF, v1  }
0x44: {  	v0 =	vor.u32 v3, v0;
	v2 =	vsel vm1, $0xFFFFFFFF, v2;
	v3 =	vmul.u32 $0x9E00, v7  }
0x45: {  	vm2 =	veq.s32 v6, $0x80000000;
	v4 =	vsel vm1, $0xFFFFFFFF, v1;
	v1 =	vshrl.u32 v2, $0x2  }
0x46: {  	s15 =	sadd.s32 $0x10, s15;
	v5 =	vand.u32 $0x7F, v4;
	v3 =	vsel vm1, $0xFFFF6200, v3;
	v7 =	vmul.u32 $0x9E00, v1  }
0x47: {  	v4 =	vshll.u32 v4, $0x2;
	v2 =	vshll.u32 v2, $0x7;
	v1 =	vld.msk [tilespmem:s15+$0x0 ss:$0x1], $0xffff;
	v3 =	vor.u32 v3, v5  }
0x48: {  	vm1 =	vmmov vm2;
	v4 =	vand.u32 $0xFFFFFE00, v4;
	v3 =	vadd.s32 v7, v3  }
0x49: {  	s14 =	sadd.s32 $0x320, s14;
	(ifvalue) =	ssetifvalue $0x7FFFFFFF;
	v2 =	vand.u32 $0x180, v2;
	v5 =	vshrl.u32 v6, $0x2;
	v3 =	vadd.s32 v4, v3  }
0x4a: {  	[tilespmem:s14], [sflag:$0x1] =	stream.indirect_vreg.gather [hbm4b:s2+s10], $0x1, v0, vm0, $0x4038;
	v4 =	vand.u32 $0x3, v5;
	v5 =	vshrl.u32 v6, $0x4;
	v0 =	vor.u32 v2, v3;
	[tilespmem:$0x640] =	vst v63  }
0x4b: {  	v2 =	vsel vm1, $0xFFFFFFFF, v4;
	v3 =	vand.u32 $0x3FFF, v5;
	v4 =	vmul.u32 $0x9E00, v8  }
0x4c: {  	s16 =	simm.s32 $0x30;
	s17 =	sadd.s32 $0x10, s15;
	s15 =	smov.u32 s14;
	vm2 =	veq.s32 v1, $0x80000000;
	v3 =	vsel vm1, $0xFFFFFFFF, v3;
	v5 =	vshrl.u32 v2, $0x2  }
.LBB2_3:
0x4d: {  	v7 =	vand.u32 $0x7F, v3  }
0x4e: {  	v6 =	vld.msk [tilespmem:s17+$0x0 ss:$0x1], $0xffff;
	v4 =	vsel vm1, $0xFFFF6200, v4;
	v5 =	vmul.u32 $0x9E00, v5;
	vm1 =	vmmov vm2;
	s16 =	sadd.s32 $0x10, s16  }
0x4f: {  	v8 =	vand.u32 $0x3, v1;
	v3 =	vshll.u32 v3, $0x2;
	s15 =	sadd.s32 $0x10, s15;
	v4 =	vor.u32 v4, v7;
	(ifvalue) =	ssetifvalue $0x7FFFFFFF;
	p0 =	slt.u32 s16, $0x180  }
0x50: {  	[tilespmem:s15], [sflag:$0x1] =	stream.indirect_vreg.gather [hbm4b:s2+s10], $0x1, v0, vm0, $0x4038;
	[tilespmem:$0x640] =	vst v63  }
.Ltmp3:
0x51: {  	v2 =	vshll.u32 v2, $0x7;
	v3 =	vand.u32 $0xFFFFFE00, v3;
	v4 =	vadd.s32 v5, v4;
	(pc) =	sbr.rel @p0 .LBB2_3-.Ltmp3, $4  }
0x52: {  	v2 =	vand.u32 $0x180, v2;
	v0 =	vshrl.u32 v1, $0x2;
	v3 =	vadd.s32 v3, v4  }
0x53: {  	v9 =	vshrl.u32 v1, $0x4;
	v4 =	vand.u32 $0x3, v0;
	v0 =	vor.u32 v2, v3  }
0x54: {  	v7 =	vand.u32 $0x3FFF, v9;
	v2 =	vsel vm1, $0xFFFFFFFF, v4;
	v4 =	vmul.u32 $0x9E00, v8  }
0x55: {  	s17 =	sadd.s32 $0x10, s17;
	v3 =	vsel vm1, $0xFFFFFFFF, v7;
	vm2 =	veq.s32 v6, $0x80000000;
	v5 =	vshrl.u32 v2, $0x2;
	v1 =	vmovc v6  }
.Ltmp4:
0x56: {  	_ = 	snop;
	(pc) =	sbr.rel .LBB2_4-.Ltmp4, $1  }
0x57: {  	_ =	sdelay $0x3  }
.LBB2_6:
0x58: {  	_ =	sfence.sel $0x180000  }
0x59: {  	s2 =	simm.s32 $0x2;
	[bflag:$0x0] =	sbarrier.arrive $0xFFFF  }
0x5a: {  	s30 =	simm.s32 $0x3;
	[sflag:s2] =	ssyncpa.u1 $0x1  }
0x5b: {  	s31 =	simm.s32 $0x1;
	[sflag:s30] =	ssyncpa.u1 $0x1  }
0x5c: {  	[sflag:s31] =	ssyncpa.u1 $0x1  }
0x5d: {  	p0 =	sne.s32 s1, $0x0;
	_ =	strace $0x90000068  }
0x5e: {  	s0 =	sadd.s32 @!p0 $0x100000, s0;
	[bflag:$0x2] =	sbarrier.arrive $0xFFFF  }
0x5f: {  	[sflag:s0] =	ssyncadd.tile.s32 @!p0 $0x1;
	_ =	shalt  }
.Lfunc_end2:
_tile_overlayer_lowered:
.L_overlay_start_2:
0x60: {  	(tag) =	ssettag $0x2  }
0x61: {  	s0 =	rddreg [dreg:$0x0];
	s2 =	stileid.u32  }
0x62: {  	s1 =	rddreg [dreg:$0x1];
	p0 =	sne.s32 s2, $0x0  }
0x63: {  	s3 =	rddreg [dreg:$0x2];
	[bflag:$0x3] =	sbarrier.arrive $0xFFFF;
	s2 =	simm.s32 @!p0 $0x1C01  }
0x64: {  	[timem:s3], [sflag:s2] =	dma.local @!p0 [hbm:s0], s1  }
0x65: {  	s0 =	simm.s32 @!p0 $0x1  }
0x66: {  	_ =	swait.ge @!p0 [sflag:s0], s1  }
0x67: {  	s1 =	ssub.s32 @!p0 $0x0, s1;
	[sflag:s0] =	ssyncset.done @!p0 $0x0  }
0x68: {  	[sflag:s0] =	ssyncadd.s32 @!p0 s1  }
0x69: {  	[bflag:$0x3] =	sbarrier.arrive $0xFFFF  }
0x6a: {  	_ =	shalt  }

// kernel: gather_offload_async_start
scs
__scs_entry_jumppad:
0x0: {  	(pc) =	sbr.rel $0x88, $3  }
0x1: {  	(tag) =	ssettag $0x0;
	lr =	simm.s32 $0x1  }
0x2: {  	[smem:$0x3F83] =	sst lr;
	_ =	strace $0xD0000000  }
0x3: {  	_ = 	snop  }
0x4: {  	_ = 	snop  }
0x5: {  	_ = 	snop  }
0x6: {  	_ = 	snop  }
0x7: {  	_ = 	snop  }
__scs_overlays_trampoline_lowered:
0x8: {  	[smem:$0x3F92] =	sst s0  }
0x9: {  	[smem:$0x3F93] =	sst s1  }
0xa: {  	[smem:$0x3F94] =	sst s2  }
0xb: {  	[smem:$0x3F95] =	sst s3  }
0xc: {  	[smem:$0x3F96] =	sst s4  }
0xd: {  	[smem:$0x3F97] =	sst s5  }
0xe: {  	[smem:$0x3F98] =	sst s6  }
0xf: {  	[smem:$0x3F99] =	sst s7  }
0x10: {  	[smem:$0x3F9A] =	sst s8  }
0x11: {  	[smem:$0x3F9B] =	sst s9;
	s0 =	simm.s32 @!p0 $0x0  }
0x12: {  	s1 =	sld [smem:$0x3F81];
	s0 =	simm.s32 @p0 $0x1  }
0x13: {  	[smem:$0x3F9C] =	sst s0;
	s0 =	simm.s32 @!p1 $0x0  }
0x14: {  	s2 =	sld [smem:$0x3F80];
	s0 =	simm.s32 @p1 $0x1  }
0x15: {  	[smem:$0x3F9D] =	sst s0;
	s0 =	simm.s32 @!p2 $0x0  }
0x16: {  	s3 =	sld [smem:$0x3FDB];
	s0 =	simm.s32 @p2 $0x1  }
0x17: {  	s4 =	simm.s32 $0x1BF5;
	[smem:$0x3F9F] =	sst s0  }
0x18: {  	s0 =	sld [smem:$0x3F82];
	_ =	swait.ge [sflag:s4], $0x0  }
0x19: {  	s7 =	sld [smem:$0x3F83]  }
0x1a: {  	s8 =	sadd.s32 $0xFFFFE003, lr  }
0x1b: {  	s9 =	sadd.s32 $0xFFFFFEF7, lr;
	s5 =	simm.s32 $0xFFFFFFFF;
	p2 =	slt.u32 s8, $0xFFFFF086  }
0x1c: {  	p1 =	slt.u32 s9, $0xF7A;
	s5 =	simm.s32 @!p2 $0x0  }
0x1d: {  	s5 =	simm.s32 @p1 $0x1;
	p0 =	seq.s32 s7, s2  }
0x1e: {  	s7 =	smul.u32 @!p0 $0xF7A, s2;
	p2 =	seq.s32 @!p0 s5, $0x0  }
0x1f: {  	s9 =	smul.u32 $0xF7A, s1;
	s8 =	simm.s32 @!p0 $0x1BF5;
	p2 =	por !p2, p0  }
0x20: {  	[sflag:s8] =	ssyncset.s32 @!p0 $0xFFFFF086;
	s6 =	sadd.s32 @!p0 s3, s7;
	s7 =	simm.s32 @!p0 $0x108  }
0x21: {  	s3 =	sadd.s32 s3, s9;
	s6 =	sadd.s32 @!p0 $0x88, s6;
	s7 =	simm.s32 @p2 $0x1082  }
0x22: {  	[simem:s7], [sflag:s8] =	dma.local @!p0 [hbm:s6], $0xF7A  }
0x23: {  	s9 =	sor.u32 $0xD0000000, s2;
	s6 =	simm.s32 $0x108;
	_ =	swait.ge @!p0 [sflag:s8], $0x0  }
0x24: {  	s3 =	sadd.s32 $0x88, s3;
	s6 =	simm.s32 @!p1 $0x1082;
	[sflag:s4] =	ssyncset.s32 $0xFFFFF086  }
0x25: {  	[simem:s6], [sflag:s4] =	dma.local [hbm:s3], $0xF7A  }
0x26: {  	[smem:$0x3F83] =	sst s1;
	(tag) =	ssettag s2;
	_ =	strace s9  }
0x27: {  	s1 =	sld [smem:$0x3F93]  }
0x28: {  	s2 =	sld [smem:$0x3F94]  }
0x29: {  	s4 =	sld [smem:$0x3F96]  }
0x2a: {  	p0 =	seq.s32 s5, $0x0;
	s5 =	sld [smem:$0x3F97]  }
0x2b: {  	s6 =	sld [smem:$0x3F98]  }
0x2c: {  	s7 =	sld [smem:$0x3F99]  }
0x2d: {  	s3 =	simm.s32 $0x108;
	s8 =	sld [smem:$0x3F9A]  }
0x2e: {  	s3 =	simm.s32 @!p0 $0x1082;
	s9 =	sld [smem:$0x3F9B]  }
0x2f: {  	lr =	sadd.s32 s0, s3;
	s0 =	sld [smem:$0x3F92]  }
0x30: {  	s3 =	sld [smem:$0x3F95]  }
0x31: {  	[smem:$0x3F9E] =	sst s10  }
0x32: {  	s10 =	sld [smem:$0x3F9C];
	_ =	sdelay $0x3  }
0x33: {  	p0 =	seq.s32 s10, $0x1;
	s10 =	sld [smem:$0x3F9E];
	_ =	sdelay $0x3  }
0x34: {  	[smem:$0x3F9E] =	sst s10  }
0x35: {  	s10 =	sld [smem:$0x3F9D];
	_ =	sdelay $0x3  }
0x36: {  	p1 =	seq.s32 s10, $0x1;
	s10 =	sld [smem:$0x3F9E];
	_ =	sdelay $0x3  }
0x37: {  	[smem:$0x3F9E] =	sst s10  }
0x38: {  	s10 =	sld [smem:$0x3F9F]  }
0x39: {  	_ = 	snop;
	(pc) =	sbr.ind lr, $3  }
0x3a: {  	_ = 	snop  }
0x3b: {  	_ = 	snop  }
0x3c: {  	p2 =	seq.s32 s10, $0x1;
	s10 =	sld [smem:$0x3F9E]  }
0x3d: {  	_ =	shalt  }
0x3e: {  	_ =	shalt  }
0x3f: {  	_ =	shalt  }
0x40: {  	_ =	shalt  }
0x41: {  	_ =	shalt  }
0x42: {  	_ =	shalt  }
0x43: {  	_ =	shalt  }
0x44: {  	_ =	shalt  }
0x45: {  	_ =	shalt  }
0x46: {  	_ =	shalt  }
0x47: {  	_ =	shalt  }
0x48: {  	_ =	shalt  }
0x49: {  	_ =	shalt  }
0x4a: {  	_ =	shalt  }
0x4b: {  	_ =	shalt  }
0x4c: {  	_ =	shalt  }
0x4d: {  	_ =	shalt  }
0x4e: {  	_ =	shalt  }
0x4f: {  	_ =	shalt  }
0x50: {  	_ =	shalt  }
0x51: {  	_ =	shalt  }
0x52: {  	_ =	shalt  }
0x53: {  	_ =	shalt  }
0x54: {  	_ =	shalt  }
0x55: {  	_ =	shalt  }
0x56: {  	_ =	shalt  }
0x57: {  	_ =	shalt  }
0x58: {  	_ =	shalt  }
0x59: {  	_ =	shalt  }
0x5a: {  	_ =	shalt  }
0x5b: {  	_ =	shalt  }
0x5c: {  	_ =	shalt  }
0x5d: {  	_ =	shalt  }
0x5e: {  	_ =	shalt  }
0x5f: {  	_ =	shalt  }
0x60: {  	_ =	shalt  }
0x61: {  	_ =	shalt  }
0x62: {  	_ =	shalt  }
0x63: {  	_ =	shalt  }
0x64: {  	_ =	shalt  }
0x65: {  	_ =	shalt  }
0x66: {  	_ =	shalt  }
0x67: {  	_ =	shalt  }
0x68: {  	_ =	shalt  }
0x69: {  	_ =	shalt  }
0x6a: {  	_ =	shalt  }
0x6b: {  	_ =	shalt  }
0x6c: {  	_ =	shalt  }
0x6d: {  	_ =	shalt  }
0x6e: {  	_ =	shalt  }
0x6f: {  	_ =	shalt  }
0x70: {  	_ =	shalt  }
0x71: {  	_ =	shalt  }
0x72: {  	_ =	shalt  }
0x73: {  	_ =	shalt  }
0x74: {  	_ =	shalt  }
0x75: {  	_ =	shalt  }
0x76: {  	_ =	shalt  }
0x77: {  	_ =	shalt  }
0x78: {  	_ =	shalt  }
0x79: {  	_ =	shalt  }
0x7a: {  	_ =	shalt  }
0x7b: {  	_ =	shalt  }
0x7c: {  	_ =	shalt  }
0x7d: {  	_ =	shalt  }
0x7e: {  	_ =	shalt  }
0x7f: {  	_ =	shalt  }
0x80: {  	_ =	shalt  }
0x81: {  	_ =	shalt  }
0x82: {  	_ =	shalt  }
0x83: {  	_ =	shalt  }
0x84: {  	_ =	shalt  }
0x85: {  	_ =	shalt  }
0x86: {  	_ =	shalt  }
0x87: {  	_ =	shalt  }
.Lfunc_end0:
.L_simem_size_0:
called_computation_lowered:
.L_overlay_start_0:
0x88: {  	s2 =	sld [smem:$0x3FD9]  }
0x89: {  	s3 =	sld [smem:$0x3FFE];
	_ =	sdelay $0x1  }
0x8a: {  	s1 =	srdreg.scid  }
0x8b: {  	s0 =	sand.u32 $0x1, s1  }
0x8c: {  	s17 =	sshll.u32 s0, $0xA;
	s2 =	sadd.s32 s3, s2  }
0x8d: {  	s2 =	sadd.s32 s2, s17  }
0x8e: {  	[smem:$0x3FAA] =	sst s2  }
0x8f: {  	_ = 	snop  }
0x90: {  	s2 =	sld [smem:$0x3FD0];
	(tm) =	ssettm $0x1  }
0x91: {  	s18 =	sld [smem:$0x3FFB];
	_ =	sdelay $0x3  }
0x92: {  	_ =	strace s18  }
0x93: {  	s3 =	sld [smem:$0x3FFC];
	_ =	sdelay $0x3  }
0x94: {  	_ =	strace s3  }
0x95: {  	s3 =	sld [smem:$0x3FFD];
	_ =	sdelay $0x3  }
0x96: {  	_ =	strace s3  }
0x97: {  	_ =	strace $0x8FFFFFFF  }
0x98: {  	s19 =	sld [smem:$0x3FDB];
	_ =	sdelay $0x1  }
0x99: {  	s4 =	simm.s32 $_scs_section_size  }
0x9a: {  	s5 =	simm.s32 $_size__tile_overlayer_lowered;
	s6 =	simm.s32 $_tile_overlayer_lowered  }
0x9b: {  	s22 =	simm.s32 $0x1BFF;
	s21 =	sshll.u32 s6, $0x1;
	s3 =	sadd.s32 s4, s19  }
0x9c: {  	s7 =	simm.s32 $0x0;
	s20 =	sshll.u32 s5, $0x1;
	s5 =	sadd.s32 s21, s3  }
0x9d: {  	[timem:s7], [sflag:s22] =	dma.local [hbm:s5], s20  }
0x9e: {  	_ =	swait.ge [sflag:s22], s20  }
0x9f: {  	s4 =	ssub.s32 $0x0, s20;
	[sflag:s22] =	ssyncset.done $0x0  }
0xa0: {  	[sflag:s22] =	ssyncadd.s32 s4;
	_ =	sdelay $0x1  }
0xa1: {  	s23 =	simm.s32 $0x1B8B  }
0xa2: {  	_ =	swait.ge [sflag:s23], $0x1  }
0xa3: {  	[sflag:s23] =	ssyncset.done $0x0  }
0xa4: {  	s25 =	simm.s32 $0x1B8E;
	s24 =	sld [smem:$0x3FFE];
	[sflag:s23] =	ssyncadd.s32 $0xFFFFFFFF  }
0xa5: {  	s26 =	simm.s32 $execute0_lowered;
	[smem:$0x3FD2] =	sst s25  }
0xa6: {  	s5 =	sshll.u32 s26, $0x1;
	_ =	strace $0x80000082;
	[dreg:$0x1] =	wrdreg $0xFFFFFFFF  }
0xa7: {  	s28 =	simm.s32 $_size_execute0_lowered;
	s3 =	sadd.s32 s3, s5;
	[dreg:$0x0] =	wrdreg $0x0  }
0xa8: {  	s5 =	sshll.u32 s28, $0x1;
	[dreg:$0x2] =	wrdreg s3  }
0xa9: {  	[dreg:$0x3] =	wrdreg s5  }
0xaa: {  	[dreg:$0x4] =	wrdreg $0xC0  }
0xab: {  	_ =	task [dreg:s7], $0x5FFFF  }
0xac: {  	[dreg:$0x1] =	wrdreg $0xFFFFFFFF  }
0xad: {  	[dreg:$0x0] =	wrdreg $0x60  }
0xae: {  	[dreg:$0x2] =	wrdreg s2  }
0xaf: {  	[dreg:$0x3] =	wrdreg s24  }
0xb0: {  	[dreg:$0x4] =	wrdreg $0x9  }
0xb1: {  	_ =	task.clear_ibuf [dreg:s7], $0x5FFFF;
	_ =	strace $0x90000082  }
0xb2: {  	s29 =	simm.s32 $0x9;
	_ =	strace $0x80000084  }
0xb3: {  	_ =	swait.ge [sflag:s29], $0x1  }
0xb4: {  	[sflag:s29] =	ssyncadd.s32 $0xFFFFFFFF  }
0xb5: {  	_ =	strace $0x90000084  }
0xb6: {  	_ =	sfence  }
0xb7: {  	s30 =	sld [smem:$0x0];
	_ =	sdelay $0x2  }
0xb8: {  	s31 =	sshll.u32 s1, $0xD;
	s1 =	sshrl.u32 s1, $0x2  }
0xb9: {  	s3 =	sand.u32 $0x4000, s31;
	s1 =	sadd.s32 s1, s30  }
0xba: {  	s0 =	sor.u32 s3, s0;
	s1 =	sshll.u32 s1, $0x11  }
0xbb: {  	s0 =	sor.u32 s1, s0  }
0xbc: {  	s0 =	sadd.s32 $0x8F2B, s0  }
0xbd: {  	[sflag:s0] =	ssyncadd.remote.s32 $0x1  }
0xbe: {  	_ =	sfence.sel $0xFFFF  }
0xbf: {  	[dreg:$0x0] =	wrdreg $0xFFFFFFFF;
	(pc) =	sbr.abs _section_cstart, $3  }
0xc0: {  	[dreg:$0x1] =	wrdreg $0xFFFFFFFF  }
0xc1: {  	_ =	task.clear_ibuf [dreg:s7], $0x2FFFF;
	_ =	strace $0x9FFFFFFF  }
0xc2: {  	(tm) =	ssettm $0x7FFFFFFF  }
0xc3: {  	_ =	shalt  }
tec
execute0_lowered:
.L_overlay_start_1:
0x0: {  	(tag) =	ssettag $0x1  }
0x1: {  	s2 =	rddreg [dreg:$0x0]  }
0x2: {  	s8 =	rddreg [dreg:$0x1]  }
0x3: {  	s0 =	rddreg [dreg:$0x2];
	s1 =	stileid.u32  }
0x4: {  	s3 =	srdreg.scid;
	_ =	strace $0x80000083;
	s4 =	simm.s32 $0x1  }
0x5: {  	s7 =	simm.s32 $0x1;
	s9 =	simm.s32 $0x1;
	s10 =	simm.s32 $0x3  }
0x6: {  	s13 =	simm.s32 $0x0;
	s5 =	sand.u32 $0x1, s3;
	s6 =	sshll.u32 s1, $0x1  }
0x7: {  	s12 =	simm.s32 $0x0;
	s3 =	sadd.s32 $0x6400, s8;
	s5 =	sor.u32 s6, s5  }
.Ltmp0:
0x8: {  	[sflag:s4] =	ssyncpa.u1 $0x0;
	p0 =	slt.u32 s5, $0x9;
	(pc) =	sbr.rel .LBB2_1-.Ltmp0, $4  }
0x9: {  	s6 =	simm.s32 $0x2;
	s7 =	simm.s32 @!p0 $0x0;
	p0 =	sne.s32 s5, $0x8  }
0xa: {  	[sflag:s6] =	ssyncpa.u1 $0x0;
	s5 =	smul.u32 $0xFA0, s5;
	s9 =	simm.s32 @!p0 $0x0  }
0xb: {  	s8 =	sadd.s32 $0xB400, s8;
	[sflag:s10] =	ssyncpa.u1 $0x0;
	s7 =	sadd.s32 s9, s7  }
0xc: {  	vm0 =	vmmov $0xffff;
	s10 =	simm.s32 $0x0;
	s11 =	smov.u32 s5;
	s9 =	sadd.s32 $0x1, s7  }
.LBB2_4:
0xd: {  	v6 =	vand.u32 $0x7F, v3;
	v4 =	vsel vm1, $0xFFFF6000, v4  }
0xe: {  	v5 =	vmul.u32 $0xA000, v5;
	vm1 =	vmmov vm2;
	v56 =	vshll.u32 v3, $0x3  }
0xf: {  	v7 =	vand.u32 $0x3, v1;
	v2 =	vshll.u32 v2, $0x7;
	v57 =	vshrl.u32 v1, $0x2  }
0x10: {  	v58 =	vshrl.u32 v1, $0x5;
	v4 =	vor.u32 v4, v6;
	v3 =	vand.u32 $0xFFFFFC00, v56  }
0x11: {  	v2 =	vand.u32 $0x380, v2;
	v4 =	vadd.s32 v5, v4;
	v5 =	vand.u32 $0x7, v57  }
0x12: {  	v1 =	vand.u32 $0x1FFF, v58;
	v59 =	vmul.u32 $0xA000, v7;
	v5 =	vsel vm1, $0xFFFFFFFF, v5  }
0x13: {  	v1 =	vsel vm1, $0xFFFFFFFF, v1;
	v3 =	vadd.s32 v3, v4;
	v60 =	vshrl.u32 v5, $0x3  }
0x14: {  	v61 =	vand.u32 $0x7F, v1;
	v6 =	vsel vm1, $0xFFFF6000, v59;
	v4 =	vmul.u32 $0xA000, v60  }
0x15: {  	v1 =	vshll.u32 v1, $0x3;
	v2 =	vor.u32 v2, v3;
	v62 =	vor.u32 v6, v61  }
0x16: {  	v1 =	vand.u32 $0xFFFFFC00, v1;
	v5 =	vshll.u32 v5, $0x7;
	v3 =	vadd.s32 v4, v62  }
0x17: {  	v63 =	vand.u32 $0x380, v5;
	v1 =	vadd.s32 v1, v3  }
0x18: {  	(ifvalue) =	ssetifvalue $0x7FFFFFFF;
	s15 =	sadd.s32 $0x10, s15;
	v1 =	vor.u32 v63, v1  }
0x19: {  	[tilespmem:s15], [sflag:$0x1] =	stream.indirect_vreg.gather [hbm4b:s2+s10], $0x1, v0, vm0, $0x4038;
	[tilespmem:$0x3E80] =	vst v63  }
0x1a: {  	(ifvalue) =	ssetifvalue $0x7FFFFFFF;
	s15 =	sadd.s32 $0x10, s15  }
0x1b: {  	[tilespmem:s15], [sflag:$0x1] =	stream.indirect_vreg.gather [hbm4b:s2+s10], $0x1, v2, vm0, $0x4038;
	[tilespmem:$0x3E80] =	vst v63  }
0x1c: {  	(ifvalue) =	ssetifvalue $0x7FFFFFFF;
	s15 =	sadd.s32 $0x10, s15  }
0x1d: {  	[tilespmem:s15], [sflag:$0x1] =	stream.indirect_vreg.gather [hbm4b:s2+s10], $0x1, v1, vm0, $0x4038;
	[tilespmem:$0x3E80] =	vst v63  }
0x1e: {  	_ =	swait.ge [sflag:s4], $0xFA0  }
0x1f: {  	s30 =	sshrl.u32 s13, $0x3;
	[sflag:s4] =	ssyncset.done $0x0  }
0x20: {  	s31 =	sand.u32 $0x7, s13;
	s15 =	sadd.s32 s8, s30;
	[sflag:s4] =	ssyncadd.s32 $0xFFFFF060  }
0x21: {  	[hbm4b:s15+s31] =	stream.linear.scatter [tilespmem:s14], [sflag:$0x3], $0xFA0, $0x38;
	[tilespmem:$0x3E80] =	vst v63  }
.LBB2_5:
0x22: {  	s15 =	sadd.s32 $0x1F400, s11  }
0x23: {  	p1 =	sgt.s32 s15, $0x270FF  }
0x24: {  	s15 =	smov.u32 @p1 s5;
	p1 =	sne.s32 s12, s9  }
.Ltmp1:
0x25: {  	p0 =	slt.u32 s12, $0x2;
	(pc) =	sbr.rel @!p1 .LBB2_6-.Ltmp1, $4  }
0x26: {  	s14 =	simm.s32 @!p0 $0x3  }
0x27: {  	_ =	swait.ge @!p0 [sflag:s14], $0xFA0  }
0x28: {  	s16 =	sadd.s32 $0x1, s12;
	s13 =	smov.u32 s11;
	[sflag:s14] =	ssyncset.done @!p0 $0x0  }
0x29: {  	s12 =	smov.u32 s16;
	s11 =	smov.u32 s15;
	[sflag:s14] =	ssyncadd.s32 @!p0 $0xFFFFF060  }
.LBB2_1:
0x2a: {  	p0 =	sge.u32 s12, s7  }
0x2b: {  	s14 =	sxor.u32 @!p0 $0x1, s12  }
0x2c: {  	s14 =	smul.u32 @!p0 $0x3E80, s14  }
0x2d: {  	s31 =	sadd.s32 $0xFFFFFFFF, s12;
	s15 =	sshrl.u32 @!p0 s11, $0x3  }
0x2e: {  	s16 =	sand.u32 @!p0 $0x7, s11;
	s15 =	sadd.s32 @!p0 s3, s15;
	s14 =	sshra.s32 @!p0 s14, $0x2  }
0x2f: {  	[tilespmem:s14], [sflag:$0x2] =	stream.linear.gather @!p0 [hbm4b:s15+s16], $0xFA0, $0x38;
	[tilespmem:$0x3E80] =	vst v63  }
0x30: {  	p0 =	sge.u32 s31, s7  }
.Ltmp2:
0x31: {  	_ = 	snop;
	(pc) =	sbr.rel @p0 .LBB2_5-.Ltmp2, $1  }
0x32: {  	_ =	sdelay $0x3  }
0x33: {  	s14 =	sand.u32 $0x1, s12  }
0x34: {  	_ =	swait.ge [sflag:s6], $0xFA0;
	p0 =	seq.s32 s14, $0x1;
	s14 =	simm.s32 $0xFA0  }
0x35: {  	[sflag:s6] =	ssyncset.done $0x0;
	s14 =	simm.s32 @!p0 $0x0  }
0x36: {  	[sflag:s6] =	ssyncadd.s32 $0xFFFFF060;
	(ifvalue) =	ssetifvalue $0x7FFFFFFF;
	v0 =	vld.msk [tilespmem:s14+$0x0 ss:$0x1], $0xffff;
	_ =	sdelay $0x1  }
0x37: {  	s15 =	sadd.s32 $0x10, s14  }
0x38: {  	v1 =	vld.msk [tilespmem:s15+$0x0 ss:$0x1], $0xffff;
	s15 =	sadd.s32 $0x10, s15  }
0x39: {  	v6 =	vld.msk [tilespmem:s15+$0x0 ss:$0x1], $0xffff  }
0x3a: {  	vm1 =	veq.s32 v0, $0x80000000;
	v2 =	vand.u32 $0x3, v0  }
0x3b: {  	v3 =	vshrl.u32 v0, $0x2;
	v0 =	vshrl.u32 v0, $0x5;
	vm1 =	vmmov vm1  }
0x3c: {  	v3 =	vand.u32 $0x7, v3;
	v0 =	vand.u32 $0x1FFF, v0;
	v2 =	vmul.u32 $0xA000, v2  }
0x3d: {  	vm2 =	veq.s32 v1, $0x80000000;
	v7 =	vand.u32 $0x3, v1;
	v3 =	vsel vm1, $0xFFFFFFFF, v3  }
0x3e: {  	v0 =	vsel vm1, $0xFFFFFFFF, v0;
	v8 =	vand.u32 $0x3, v6;
	v4 =	vshrl.u32 v3, $0x3  }
0x3f: {  	v5 =	vand.u32 $0x7F, v0;
	v2 =	vsel vm1, $0xFFFF6000, v2;
	vm1 =	vmmov vm2  }
0x40: {  	v0 =	vshll.u32 v0, $0x3;
	v3 =	vshll.u32 v3, $0x7;
	v4 =	vmul.u32 $0xA000, v4  }
0x41: {  	v2 =	vor.u32 v2, v5;
	v0 =	vand.u32 $0xFFFFFC00, v0;
	v3 =	vand.u32 $0x380, v3  }
0x42: {  	v2 =	vadd.s32 v4, v2;
	v4 =	vshrl.u32 v1, $0x2;
	v1 =	vshrl.u32 v1, $0x5  }
0x43: {  	v0 =	vadd.s32 v0, v2;
	v2 =	vand.u32 $0x7, v4;
	v1 =	vand.u32 $0x1FFF, v1  }
0x44: {  	v0 =	vor.u32 v3, v0;
	v2 =	vsel vm1, $0xFFFFFFFF, v2;
	v3 =	vmul.u32 $0xA000, v7  }
0x45: {  	vm2 =	veq.s32 v6, $0x80000000;
	v4 =	vsel vm1, $0xFFFFFFFF, v1;
	v1 =	vshrl.u32 v2, $0x3  }
0x46: {  	s15 =	sadd.s32 $0x10, s15;
	v5 =	vand.u32 $0x7F, v4;
	v3 =	vsel vm1, $0xFFFF6000, v3;
	v7 =	vmul.u32 $0xA000, v1  }
0x47: {  	v4 =	vshll.u32 v4, $0x3;
	v2 =	vshll.u32 v2, $0x7;
	v1 =	vld.msk [tilespmem:s15+$0x0 ss:$0x1], $0xffff;
	v3 =	vor.u32 v3, v5  }
0x48: {  	vm1 =	vmmov vm2;
	v4 =	vand.u32 $0xFFFFFC00, v4;
	v3 =	vadd.s32 v7, v3  }
0x49: {  	s14 =	sadd.s32 $0x1F40, s14;
	(ifvalue) =	ssetifvalue $0x7FFFFFFF;
	v2 =	vand.u32 $0x380, v2;
	v5 =	vshrl.u32 v6, $0x2;
	v3 =	vadd.s32 v4, v3  }
0x4a: {  	[tilespmem:s14], [sflag:$0x1] =	stream.indirect_vreg.gather [hbm4b:s2+s10], $0x1, v0, vm0, $0x4038;
	v4 =	vand.u32 $0x7, v5;
	v5 =	vshrl.u32 v6, $0x5;
	v0 =	vor.u32 v2, v3;
	[tilespmem:$0x3E80] =	vst v63  }
0x4b: {  	v2 =	vsel vm1, $0xFFFFFFFF, v4;
	v3 =	vand.u32 $0x1FFF, v5;
	v4 =	vmul.u32 $0xA000, v8  }
0x4c: {  	s16 =	simm.s32 $0x30;
	s17 =	sadd.s32 $0x10, s15;
	s15 =	smov.u32 s14;
	vm2 =	veq.s32 v1, $0x80000000;
	v3 =	vsel vm1, $0xFFFFFFFF, v3;
	v5 =	vshrl.u32 v2, $0x3  }
.LBB2_3:
0x4d: {  	v7 =	vand.u32 $0x7F, v3  }
0x4e: {  	v6 =	vld.msk [tilespmem:s17+$0x0 ss:$0x1], $0xffff;
	v4 =	vsel vm1, $0xFFFF6000, v4;
	v5 =	vmul.u32 $0xA000, v5;
	vm1 =	vmmov vm2;
	s16 =	sadd.s32 $0x10, s16  }
0x4f: {  	v8 =	vand.u32 $0x3, v1;
	v3 =	vshll.u32 v3, $0x3;
	s15 =	sadd.s32 $0x10, s15;
	v4 =	vor.u32 v4, v7;
	(ifvalue) =	ssetifvalue $0x7FFFFFFF;
	p0 =	slt.u32 s16, $0xF90  }
0x50: {  	[tilespmem:s15], [sflag:$0x1] =	stream.indirect_vreg.gather [hbm4b:s2+s10], $0x1, v0, vm0, $0x4038;
	[tilespmem:$0x3E80] =	vst v63  }
.Ltmp3:
0x51: {  	v2 =	vshll.u32 v2, $0x7;
	v3 =	vand.u32 $0xFFFFFC00, v3;
	v4 =	vadd.s32 v5, v4;
	(pc) =	sbr.rel @p0 .LBB2_3-.Ltmp3, $4  }
0x52: {  	v2 =	vand.u32 $0x380, v2;
	v0 =	vshrl.u32 v1, $0x2;
	v3 =	vadd.s32 v3, v4  }
0x53: {  	v9 =	vshrl.u32 v1, $0x5;
	v4 =	vand.u32 $0x7, v0;
	v0 =	vor.u32 v2, v3  }
0x54: {  	v7 =	vand.u32 $0x1FFF, v9;
	v2 =	vsel vm1, $0xFFFFFFFF, v4;
	v4 =	vmul.u32 $0xA000, v8  }
0x55: {  	s17 =	sadd.s32 $0x10, s17;
	v3 =	vsel vm1, $0xFFFFFFFF, v7;
	vm2 =	veq.s32 v6, $0x80000000;
	v5 =	vshrl.u32 v2, $0x3;
	v1 =	vmovc v6  }
.Ltmp4:
0x56: {  	_ = 	snop;
	(pc) =	sbr.rel .LBB2_4-.Ltmp4, $1  }
0x57: {  	_ =	sdelay $0x3  }
.LBB2_6:
0x58: {  	_ =	sfence.sel $0x180000  }
0x59: {  	s2 =	simm.s32 $0x2;
	[bflag:$0x0] =	sbarrier.arrive $0xFFFF  }
0x5a: {  	s30 =	simm.s32 $0x3;
	[sflag:s2] =	ssyncpa.u1 $0x1  }
0x5b: {  	s31 =	simm.s32 $0x1;
	[sflag:s30] =	ssyncpa.u1 $0x1  }
0x5c: {  	[sflag:s31] =	ssyncpa.u1 $0x1  }
0x5d: {  	p0 =	sne.s32 s1, $0x0;
	_ =	strace $0x90000083  }
0x5e: {  	s0 =	sadd.s32 @!p0 $0x100000, s0;
	[bflag:$0x2] =	sbarrier.arrive $0xFFFF  }
0x5f: {  	[sflag:s0] =	ssyncadd.tile.s32 @!p0 $0x1;
	_ =	shalt  }
.Lfunc_end2:
_tile_overlayer_lowered:
.L_overlay_start_2:
0x60: {  	(tag) =	ssettag $0x2  }
0x61: {  	s0 =	rddreg [dreg:$0x0];
	s2 =	stileid.u32  }
0x62: {  	s1 =	rddreg [dreg:$0x1];
	p0 =	sne.s32 s2, $0x0  }
0x63: {  	s3 =	rddreg [dreg:$0x2];
	[bflag:$0x3] =	sbarrier.arrive $0xFFFF;
	s2 =	simm.s32 @!p0 $0x1C01  }
0x64: {  	[timem:s3], [sflag:s2] =	dma.local @!p0 [hbm:s0], s1  }
0x65: {  	s0 =	simm.s32 @!p0 $0x1  }
0x66: {  	_ =	swait.ge @!p0 [sflag:s0], s1  }
0x67: {  	s1 =	ssub.s32 @!p0 $0x0, s1;
	[sflag:s0] =	ssyncset.done @!p0 $0x0  }
0x68: {  	[sflag:s0] =	ssyncadd.s32 @!p0 s1  }
0x69: {  	[bflag:$0x3] =	sbarrier.arrive $0xFFFF  }
0x6a: {  	_ =	shalt  }

</sc_bundles>
